<compile_context>
chip_gen: v7x
topology: tpu7x:2x2x1
jax: 0.10.2.dev20260603
libtpu: 0.0.44.dev20260713+nightly
codegen_flags: <defaults>
</compile_context>

<pallas_src>
import functools
import math

import jax
import jax.numpy as jnp
from jax import lax
from jax.experimental import pallas as pl
from jax.experimental.pallas import tpu as pltpu
from jax.experimental.pallas import tpu_sc as plsc

DIM = 128
LANES = 16
SCALE = math.sqrt(float(DIM))
NUM_CORES = 2
NUM_SUBCORES = 16
NW = NUM_CORES * NUM_SUBCORES
CHUNK = 64
NBUF = 3


def _emb_body(seq_len, rows_per_w, ctx_hbm, we_hbm, pos_hbm, out_hbm,
              idx_v, rows_buf, pos_buf, pos_sh, isem, ssem,
              gsem0, gsem1, gsem2, psem0, psem1, psem2,
              osem0, osem1, osem2):
    n_chunks = rows_per_w // CHUNK
    w_per_row = seq_len // rows_per_w
    w_half = w_per_row // NUM_CORES
    gsems = (gsem0, gsem1, gsem2)
    psems = (psem0, psem1, psem2)
    osems = (osem0, osem1, osem2)
    c = lax.axis_index("c")
    s = lax.axis_index("s")
    wid = s * NUM_CORES + c
    bb = wid // w_per_row
    col = lax.rem(wid, w_per_row) * rows_per_w

    idx_cp = pltpu.async_copy(ctx_hbm.at[bb, pl.ds(col, rows_per_w)],
                              idx_v, isem)

    q = s // w_half
    r = lax.rem(s, w_half)
    gstart = q * (NUM_CORES * rows_per_w) + c * rows_per_w + r * CHUNK
    stage_cp = pltpu.async_copy(pos_hbm.at[pl.ds(gstart, CHUNK)],
                                pos_sh.at[pl.ds(s * CHUNK, CHUNK)], ssem)
    idx_cp.wait()

    pos_local = r * rows_per_w

    def fire_g(k):
        return pltpu.async_copy(we_hbm.at[idx_v.at[pl.ds(k * CHUNK, CHUNK)]],
                                rows_buf.at[k % NBUF], gsems[k % NBUF])

    def fire_p(k):
        return pltpu.async_copy(
            pos_sh.at[pl.ds(pos_local + k * CHUNK, CHUNK)],
            pos_buf.at[k % NBUF], psems[k % NBUF])

    def compute(k, lo, hi):
        rb = rows_buf.at[k % NBUF]
        pb = pos_buf.at[k % NBUF]

        def row_body(rr, carry):
            for jj in range(2):
                for j in range(DIM // LANES):
                    sl = pl.ds(j * LANES, LANES)
                    rb[2 * rr + jj, sl] = (rb[2 * rr + jj, sl] * SCALE
                                           + pb[2 * rr + jj, sl])
            return carry

        lax.fori_loop(lo // 2, hi // 2, row_body, 0)

    def fma(k):
        compute(k, 0, CHUNK)
        return pltpu.async_copy(rows_buf.at[k % NBUF],
                                out_hbm.at[bb, pl.ds(col + k * CHUNK, CHUNK)],
                                osems[k % NBUF])

    g_cp = {0: fire_g(0), 1: fire_g(1)}
    stage_cp.wait()
    plsc.subcore_barrier()
    p_cp = {0: fire_p(0), 1: fire_p(1)}
    out_cp = {}
    last = n_chunks - 1
    for k in range(n_chunks):
        g_cp.pop(k).wait()
        p_cp.pop(k).wait()
        if k + 2 < n_chunks:
            if k >= 1:
                out_cp.pop(k - 1).wait()
            g_cp[k + 2] = fire_g(k + 2)
            p_cp[k + 2] = fire_p(k + 2)
        if k < last:
            out_cp[k] = fma(k)
    half = CHUNK // 2
    compute(last, 0, half)
    tail0 = pltpu.async_copy(rows_buf.at[last % NBUF, pl.ds(0, half)],
                             out_hbm.at[bb, pl.ds(col + last * CHUNK, half)],
                             osems[last % NBUF])
    compute(last, half, CHUNK)
    tail1 = pltpu.async_copy(
        rows_buf.at[last % NBUF, pl.ds(half, half)],
        out_hbm.at[bb, pl.ds(col + last * CHUNK + half, half)], isem)
    for k in sorted(out_cp):
        out_cp.pop(k).wait()
    tail0.wait()
    tail1.wait()


def kernel(context, word_emb, pos_emb):
    b, l = context.shape
    rows_per_w = (b * l) // NW
    ctx = context.astype(jnp.int32)
    n_chunks = rows_per_w // CHUNK

    mesh = plsc.VectorSubcoreMesh(core_axis_name="c", subcore_axis_name="s")
    body = functools.partial(_emb_body, l, rows_per_w)
    return pl.kernel(
        body,
        mesh=mesh,
        out_type=jax.ShapeDtypeStruct((b, l, DIM), jnp.float32),
        scratch_types=[
            pltpu.VMEM((n_chunks * CHUNK,), jnp.int32),
            pltpu.VMEM((NBUF, CHUNK, DIM), jnp.float32),
            pltpu.VMEM((NBUF, CHUNK, DIM), jnp.float32),
            pltpu.VMEM_SHARED((NUM_SUBCORES * CHUNK, DIM), jnp.float32),
            pltpu.SemaphoreType.DMA,
            pltpu.SemaphoreType.DMA,
            pltpu.SemaphoreType.DMA,
            pltpu.SemaphoreType.DMA,
            pltpu.SemaphoreType.DMA,
            pltpu.SemaphoreType.DMA,
            pltpu.SemaphoreType.DMA,
            pltpu.SemaphoreType.DMA,
            pltpu.SemaphoreType.DMA,
            pltpu.SemaphoreType.DMA,
            pltpu.SemaphoreType.DMA,
        ],
    )(ctx, word_emb, pos_emb)

# --- scband reference (transcript-rebuilt; emitter-appended) ---
"""Pipeline reference for scband-embedding-11622181503209 (READ-ONLY COPY).

The authoritative reference and input builder live on the scoring server;
editing this copy changes nothing except your own understanding.
"""

import jax, jax.numpy as jnp
import numpy as np
import math

VOCAB = 1000000
MAX_CTX = 2048
DIM = 128
B, L = 4, 2048

def setup_inputs(seed: int = 0) -> dict:
    key = jax.random.key(seed)
    k1, k2, k3 = jax.random.split(key, 3)
    context = jax.random.randint(k1, (B, L), 0, VOCAB, dtype=jnp.int64 if jax.config.jax_enable_x64 else jnp.int32)
    word_emb = jax.random.normal(k2, (VOCAB, DIM), dtype=jnp.float32) * 0.02
    pos_emb = jax.random.normal(k3, (MAX_CTX, DIM), dtype=jnp.float32) * 0.02
    return {"context": context, "word_emb": word_emb, "pos_emb": pos_emb}

def reference(context, word_emb, pos_emb):
    # word embedding lookup scaled by sqrt(embedding_dim)
    Bc, Lc = context.shape
    we = jnp.take(word_emb, context, axis=0) * math.sqrt(DIM)
    # position embedding lookup for positions [0, L)
    positions = jnp.arange(Lc, dtype=context.dtype)
    pe = jnp.take(pos_emb, positions, axis=0)[None, :, :]
    out = we + pe
    # dropout=0.0 -> identity
    return out

if __name__ == "__main__":
    import jax
    _d = setup_inputs()
    print(jax.jit(kernel)(*tuple(_d.values())))

</pallas_src>

<mosaic_0001>
#map = affine_map<(d0, d1) -> (0, 0)>
#map1 = affine_map<(d0, d1) -> (0, 0, 0)>
module attributes {stable_mosaic.version = 14 : i64} {
  func.func @_emb_body(%arg0: i32, %arg1: i32, %arg2: memref<4x2048xi32, #tpu.memory_space<hbm>>, %arg3: memref<1000000x128xf32, #tpu.memory_space<hbm>>, %arg4: memref<2048x128xf32, #tpu.memory_space<hbm>>, %arg5: memref<4x2048x128xf32, #tpu.memory_space<hbm>>, %arg6: memref<256xi32, #tpu.memory_space<vmem>>, %arg7: memref<3x64x128xf32, #tpu.memory_space<vmem>>, %arg8: memref<3x64x128xf32, #tpu.memory_space<vmem>>, %arg9: memref<1024x128xf32, #tpu.memory_space<vmem_shared>>, %arg10: memref<!tpu.dma_semaphore, #tpu.memory_space<semaphore_mem>>, %arg11: memref<!tpu.dma_semaphore, #tpu.memory_space<semaphore_mem>>, %arg12: memref<!tpu.dma_semaphore, #tpu.memory_space<semaphore_mem>>, %arg13: memref<!tpu.dma_semaphore, #tpu.memory_space<semaphore_mem>>, %arg14: memref<!tpu.dma_semaphore, #tpu.memory_space<semaphore_mem>>, %arg15: memref<!tpu.dma_semaphore, #tpu.memory_space<semaphore_mem>>, %arg16: memref<!tpu.dma_semaphore, #tpu.memory_space<semaphore_mem>>, %arg17: memref<!tpu.dma_semaphore, #tpu.memory_space<semaphore_mem>>, %arg18: memref<!tpu.dma_semaphore, #tpu.memory_space<semaphore_mem>>, %arg19: memref<!tpu.dma_semaphore, #tpu.memory_space<semaphore_mem>>, %arg20: memref<!tpu.dma_semaphore, #tpu.memory_space<semaphore_mem>>) attributes {dimension_semantics = [#tpu.dimension_semantics<core_parallel>, #tpu.dimension_semantics<subcore_parallel>], iteration_bounds = array<i64: 2, 16>, scalar_prefetch = 0 : i64, scratch_operands = 15 : i64, tpu.core_type = #tpu.core_type<sc_vector_subcore>, window_params = [{transform_indices = #map}, {transform_indices = #map}, {transform_indices = #map}, {transform_indices = #map1}]} {
    %mul3A = arith.constant 2 : i32
    %mul3A_0 = arith.muli %arg1, %mul3A : i32
    %add3A = arith.addi %mul3A_0, %arg0 : i32
    %jit3A = arith.constant 8 : i32
    %div3A = arith.divsi %add3A, %jit3A : i32
    %sign3A = arith.constant 0 : i32
    %sign3A_1 = arith.cmpi sgt, %add3A, %sign3A : i32
    %sign3A_2 = arith.extui %sign3A_1 : i1 to i32
    %sign3A_3 = arith.constant 0 : i32
    %sign3A_4 = arith.cmpi slt, %add3A, %sign3A_3 : i32
    %sign3A_5 = arith.extui %sign3A_4 : i1 to i32
    %sign3A_6 = arith.subi %sign3A_2, %sign3A_5 : i32
    %sign3A_7 = arith.constant 0 : i32
    %sign3A_8 = arith.cmpi sgt, %jit3A, %sign3A_7 : i32
    %sign3A_9 = arith.extui %sign3A_8 : i1 to i32
    %sign3A_10 = arith.constant 0 : i32
    %sign3A_11 = arith.cmpi slt, %jit3A, %sign3A_10 : i32
    %sign3A_12 = arith.extui %sign3A_11 : i1 to i32
    %sign3A_13 = arith.subi %sign3A_9, %sign3A_12 : i32
    %ne3A = arith.cmpi ne, %sign3A_6, %sign3A_13 : i32
    %rem3A = arith.remsi %add3A, %jit3A : i32
    %ne3A_14 = arith.constant 0 : i32
    %ne3A_15 = arith.cmpi ne, %rem3A, %ne3A_14 : i32
    %and3A = arith.andi %ne3A, %ne3A_15 : i1
    %sub3A = arith.constant 1 : i32
    %sub3A_16 = arith.subi %div3A, %sub3A : i32
    %select_n3A = arith.select %and3A, %sub3A_16, %div3A : i32
    %rem3A_17 = arith.constant 8 : i32
    %rem3A_18 = arith.remsi %add3A, %rem3A_17 : i32
    %mul3A_19 = arith.constant 256 : i32
    %mul3A_20 = arith.muli %rem3A_18, %mul3A_19 : i32
    %dma_start3A = tpu.memref_slice %arg2[%select_n3A, %mul3A_20] : memref<4x2048xi32, #tpu.memory_space<hbm>> -> memref<1x256xi32, #tpu.memory_space<hbm>>
    %dma_start3A_21 = tpu.memref_squeeze %dma_start3A : memref<1x256xi32, #tpu.memory_space<hbm>> -> memref<256xi32, #tpu.memory_space<hbm>>
    %dma_start3A_22 = tpu.memref_slice %arg2[%select_n3A, %mul3A_20] : memref<4x2048xi32, #tpu.memory_space<hbm>> -> memref<1x256xi32, #tpu.memory_space<hbm>>
    %dma_start3A_23 = tpu.memref_squeeze %dma_start3A_22 : memref<1x256xi32, #tpu.memory_space<hbm>> -> memref<256xi32, #tpu.memory_space<hbm>>
    tpu.enqueue_dma source(%dma_start3A_23 : memref<256xi32, #tpu.memory_space<hbm>>) target(%arg6 : memref<256xi32, #tpu.memory_space<vmem>>) target_semaphore(%arg10 : memref<!tpu.dma_semaphore, #tpu.memory_space<semaphore_mem>>)
    %jit3A_24 = arith.constant 4 : i32
    %div3A_25 = arith.divsi %arg1, %jit3A_24 : i32
    %sign3A_26 = arith.constant 0 : i32
    %sign3A_27 = arith.cmpi sgt, %arg1, %sign3A_26 : i32
    %sign3A_28 = arith.extui %sign3A_27 : i1 to i32
    %sign3A_29 = arith.constant 0 : i32
    %sign3A_30 = arith.cmpi slt, %arg1, %sign3A_29 : i32
    %sign3A_31 = arith.extui %sign3A_30 : i1 to i32
    %sign3A_32 = arith.subi %sign3A_28, %sign3A_31 : i32
    %sign3A_33 = arith.constant 0 : i32
    %sign3A_34 = arith.cmpi sgt, %jit3A_24, %sign3A_33 : i32
    %sign3A_35 = arith.extui %sign3A_34 : i1 to i32
    %sign3A_36 = arith.constant 0 : i32
    %sign3A_37 = arith.cmpi slt, %jit3A_24, %sign3A_36 : i32
    %sign3A_38 = arith.extui %sign3A_37 : i1 to i32
    %sign3A_39 = arith.subi %sign3A_35, %sign3A_38 : i32
    %ne3A_40 = arith.cmpi ne, %sign3A_32, %sign3A_39 : i32
    %rem3A_41 = arith.remsi %arg1, %jit3A_24 : i32
    %ne3A_42 = arith.constant 0 : i32
    %ne3A_43 = arith.cmpi ne, %rem3A_41, %ne3A_42 : i32
    %and3A_44 = arith.andi %ne3A_40, %ne3A_43 : i1
    %sub3A_45 = arith.constant 1 : i32
    %sub3A_46 = arith.subi %div3A_25, %sub3A_45 : i32
    %select_n3A_47 = arith.select %and3A_44, %sub3A_46, %div3A_25 : i32
    %rem3A_48 = arith.constant 4 : i32
    %rem3A_49 = arith.remsi %arg1, %rem3A_48 : i32
    %mul3A_50 = arith.constant 512 : i32
    %mul3A_51 = arith.muli %select_n3A_47, %mul3A_50 : i32
    %mul3A_52 = arith.constant 256 : i32
    %mul3A_53 = arith.muli %arg0, %mul3A_52 : i32
    %add3A_54 = arith.addi %mul3A_51, %mul3A_53 : i32
    %mul3A_55 = arith.constant 64 : i32
    %mul3A_56 = arith.muli %rem3A_49, %mul3A_55 : i32
    %add3A_57 = arith.addi %add3A_54, %mul3A_56 : i32
    %mul3A_58 = arith.constant 64 : i32
    %mul3A_59 = arith.muli %arg1, %mul3A_58 : i32
    %dma_start3A_60 = arith.constant 0 : i32
    %dma_start3A_61 = tpu.memref_slice %arg9[%mul3A_59, %dma_start3A_60] : memref<1024x128xf32, #tpu.memory_space<vmem_shared>> -> memref<64x128xf32, #tpu.memory_space<vmem_shared>>
    %dma_start3A_62 = arith.constant 0 : i32
    %dma_start3A_63 = tpu.memref_slice %arg4[%add3A_57, %dma_start3A_62] : memref<2048x128xf32, #tpu.memory_space<hbm>> -> memref<64x128xf32, #tpu.memory_space<hbm>>
    tpu.enqueue_dma source(%dma_start3A_63 : memref<64x128xf32, #tpu.memory_space<hbm>>) target(%dma_start3A_61 : memref<64x128xf32, #tpu.memory_space<vmem_shared>>) target_semaphore(%arg11 : memref<!tpu.dma_semaphore, #tpu.memory_space<semaphore_mem>>)
    %dma_wait3A = tpu.memref_slice %arg2[%select_n3A, %mul3A_20] : memref<4x2048xi32, #tpu.memory_space<hbm>> -> memref<1x256xi32, #tpu.memory_space<hbm>>
    %dma_wait3A_64 = tpu.memref_squeeze %dma_wait3A : memref<1x256xi32, #tpu.memory_space<hbm>> -> memref<256xi32, #tpu.memory_space<hbm>>
    %dma_wait3A_65 = tpu.memref_slice %arg2[%select_n3A, %mul3A_20] : memref<4x2048xi32, #tpu.memory_space<hbm>> -> memref<1x256xi32, #tpu.memory_space<hbm>>
    %dma_wait3A_66 = tpu.memref_squeeze %dma_wait3A_65 : memref<1x256xi32, #tpu.memory_space<hbm>> -> memref<256xi32, #tpu.memory_space<hbm>>
    tpu.wait_dma2 semaphore(%arg10 : memref<!tpu.dma_semaphore, #tpu.memory_space<semaphore_mem>>) src(%dma_wait3A_66 : memref<256xi32, #tpu.memory_space<hbm>>) dst(%arg6 : memref<256xi32, #tpu.memory_space<vmem>>)
    %mul3A_67 = arith.constant 256 : i32
    %mul3A_68 = arith.muli %rem3A_49, %mul3A_67 : i32
    %dma_start3A_69 = arith.constant 0 : i32
    %dma_start3A_70 = arith.constant 0 : i32
    %dma_start3A_71 = arith.constant 0 : i32
    %dma_start3A_72 = tpu.memref_slice %arg7[%dma_start3A_69, %dma_start3A_70, %dma_start3A_71] : memref<3x64x128xf32, #tpu.memory_space<vmem>> -> memref<1x64x128xf32, #tpu.memory_space<vmem>>
    %dma_start3A_73 = tpu.memref_squeeze %dma_start3A_72 : memref<1x64x128xf32, #tpu.memory_space<vmem>> -> memref<64x128xf32, #tpu.memory_space<vmem>>
    %dma_start3A_74 = arith.constant 0 : i32
    %dma_start3A_75 = tpu.memref_slice %arg6[%dma_start3A_74] : memref<256xi32, #tpu.memory_space<vmem>> -> memref<64xi32, #tpu.memory_space<vmem>>
    %dma_start3A_76 = arith.constant 0 : i32
    %dma_start3A_77 = arith.constant 0 : i32
    %dma_start3A_78 = tpu.memref_slice %arg3[%dma_start3A_76, %dma_start3A_77] : memref<1000000x128xf32, #tpu.memory_space<hbm>> -> memref<1000000x128xf32, #tpu.memory_space<hbm>>
    tpu.enqueue_indirect_dma source(%dma_start3A_78 : memref<1000000x128xf32, #tpu.memory_space<hbm>>) target(%dma_start3A_73 : memref<64x128xf32, #tpu.memory_space<vmem>>) offsets(%dma_start3A_75 : memref<64xi32, #tpu.memory_space<vmem>>) semaphore(%arg12 : memref<!tpu.dma_semaphore, #tpu.memory_space<semaphore_mem>>)
    %dma_start3A_79 = arith.constant 1 : i32
    %dma_start3A_80 = arith.constant 0 : i32
    %dma_start3A_81 = arith.constant 0 : i32
    %dma_start3A_82 = tpu.memref_slice %arg7[%dma_start3A_79, %dma_start3A_80, %dma_start3A_81] : memref<3x64x128xf32, #tpu.memory_space<vmem>> -> memref<1x64x128xf32, #tpu.memory_space<vmem>>
    %dma_start3A_83 = tpu.memref_squeeze %dma_start3A_82 : memref<1x64x128xf32, #tpu.memory_space<vmem>> -> memref<64x128xf32, #tpu.memory_space<vmem>>
    %dma_start3A_84 = arith.constant 64 : i32
    %dma_start3A_85 = tpu.memref_slice %arg6[%dma_start3A_84] : memref<256xi32, #tpu.memory_space<vmem>> -> memref<64xi32, #tpu.memory_space<vmem>>
    %dma_start3A_86 = arith.constant 0 : i32
    %dma_start3A_87 = arith.constant 0 : i32
    %dma_start3A_88 = tpu.memref_slice %arg3[%dma_start3A_86, %dma_start3A_87] : memref<1000000x128xf32, #tpu.memory_space<hbm>> -> memref<1000000x128xf32, #tpu.memory_space<hbm>>
    tpu.enqueue_indirect_dma source(%dma_start3A_88 : memref<1000000x128xf32, #tpu.memory_space<hbm>>) target(%dma_start3A_83 : memref<64x128xf32, #tpu.memory_space<vmem>>) offsets(%dma_start3A_85 : memref<64xi32, #tpu.memory_space<vmem>>) semaphore(%arg13 : memref<!tpu.dma_semaphore, #tpu.memory_space<semaphore_mem>>)
    %dma_wait3A_89 = arith.constant 0 : i32
    %dma_wait3A_90 = tpu.memref_slice %arg9[%mul3A_59, %dma_wait3A_89] : memref<1024x128xf32, #tpu.memory_space<vmem_shared>> -> memref<64x128xf32, #tpu.memory_space<vmem_shared>>
    %dma_wait3A_91 = arith.constant 0 : i32
    %dma_wait3A_92 = tpu.memref_slice %arg4[%add3A_57, %dma_wait3A_91] : memref<2048x128xf32, #tpu.memory_space<hbm>> -> memref<64x128xf32, #tpu.memory_space<hbm>>
    tpu.wait_dma2 semaphore(%arg11 : memref<!tpu.dma_semaphore, #tpu.memory_space<semaphore_mem>>) src(%dma_wait3A_92 : memref<64x128xf32, #tpu.memory_space<hbm>>) dst(%dma_wait3A_90 : memref<64x128xf32, #tpu.memory_space<vmem_shared>>)
    %barrier3A = arith.constant 0 : index
    tpu.barrier barrier_id(%barrier3A)
    %add3A_93 = arith.constant 0 : i32
    %add3A_94 = arith.addi %mul3A_68, %add3A_93 : i32
    %dma_start3A_95 = arith.constant 0 : i32
    %dma_start3A_96 = arith.constant 0 : i32
    %dma_start3A_97 = arith.constant 0 : i32
    %dma_start3A_98 = tpu.memref_slice %arg8[%dma_start3A_95, %dma_start3A_96, %dma_start3A_97] : memref<3x64x128xf32, #tpu.memory_space<vmem>> -> memref<1x64x128xf32, #tpu.memory_space<vmem>>
    %dma_start3A_99 = tpu.memref_squeeze %dma_start3A_98 : memref<1x64x128xf32, #tpu.memory_space<vmem>> -> memref<64x128xf32, #tpu.memory_space<vmem>>
    %dma_start3A_100 = arith.constant 0 : i32
    %dma_start3A_101 = tpu.memref_slice %arg9[%add3A_94, %dma_start3A_100] : memref<1024x128xf32, #tpu.memory_space<vmem_shared>> -> memref<64x128xf32, #tpu.memory_space<vmem_shared>>
    %dma_start3A_102 = arith.constant 0 : i32
    %dma_start3A_103 = arith.constant 0 : i32
    %dma_start3A_104 = tpu.memref_slice %arg8[%dma_start3A_95, %dma_start3A_102, %dma_start3A_103] : memref<3x64x128xf32, #tpu.memory_space<vmem>> -> memref<1x64x128xf32, #tpu.memory_space<vmem>>
    %dma_start3A_105 = tpu.memref_squeeze %dma_start3A_104 : memref<1x64x128xf32, #tpu.memory_space<vmem>> -> memref<64x128xf32, #tpu.memory_space<vmem>>
    %dma_start3A_106 = arith.constant 0 : i32
    %dma_start3A_107 = tpu.memref_slice %arg9[%add3A_94, %dma_start3A_106] : memref<1024x128xf32, #tpu.memory_space<vmem_shared>> -> memref<64x128xf32, #tpu.memory_space<vmem_shared>>
    tpu.enqueue_dma source(%dma_start3A_107 : memref<64x128xf32, #tpu.memory_space<vmem_shared>>) target(%dma_start3A_105 : memref<64x128xf32, #tpu.memory_space<vmem>>) target_semaphore(%arg15 : memref<!tpu.dma_semaphore, #tpu.memory_space<semaphore_mem>>)
    %add3A_108 = arith.constant 64 : i32
    %add3A_109 = arith.addi %mul3A_68, %add3A_108 : i32
    %dma_start3A_110 = arith.constant 1 : i32
    %dma_start3A_111 = arith.constant 0 : i32
    %dma_start3A_112 = arith.constant 0 : i32
    %dma_start3A_113 = tpu.memref_slice %arg8[%dma_start3A_110, %dma_start3A_111, %dma_start3A_112] : memref<3x64x128xf32, #tpu.memory_space<vmem>> -> memref<1x64x128xf32, #tpu.memory_space<vmem>>
    %dma_start3A_114 = tpu.memref_squeeze %dma_start3A_113 : memref<1x64x128xf32, #tpu.memory_space<vmem>> -> memref<64x128xf32, #tpu.memory_space<vmem>>
    %dma_start3A_115 = arith.constant 0 : i32
    %dma_start3A_116 = tpu.memref_slice %arg9[%add3A_109, %dma_start3A_115] : memref<1024x128xf32, #tpu.memory_space<vmem_shared>> -> memref<64x128xf32, #tpu.memory_space<vmem_shared>>
    %dma_start3A_117 = arith.constant 0 : i32
    %dma_start3A_118 = arith.constant 0 : i32
    %dma_start3A_119 = tpu.memref_slice %arg8[%dma_start3A_110, %dma_start3A_117, %dma_start3A_118] : memref<3x64x128xf32, #tpu.memory_space<vmem>> -> memref<1x64x128xf32, #tpu.memory_space<vmem>>
    %dma_start3A_120 = tpu.memref_squeeze %dma_start3A_119 : memref<1x64x128xf32, #tpu.memory_space<vmem>> -> memref<64x128xf32, #tpu.memory_space<vmem>>
    %dma_start3A_121 = arith.constant 0 : i32
    %dma_start3A_122 = tpu.memref_slice %arg9[%add3A_109, %dma_start3A_121] : memref<1024x128xf32, #tpu.memory_space<vmem_shared>> -> memref<64x128xf32, #tpu.memory_space<vmem_shared>>
    tpu.enqueue_dma source(%dma_start3A_122 : memref<64x128xf32, #tpu.memory_space<vmem_shared>>) target(%dma_start3A_120 : memref<64x128xf32, #tpu.memory_space<vmem>>) target_semaphore(%arg16 : memref<!tpu.dma_semaphore, #tpu.memory_space<semaphore_mem>>)
    %dma_wait3A_123 = arith.constant 0 : i32
    %dma_wait3A_124 = arith.constant 0 : i32
    %dma_wait3A_125 = arith.constant 0 : i32
    %dma_wait3A_126 = tpu.memref_slice %arg7[%dma_wait3A_123, %dma_wait3A_124, %dma_wait3A_125] : memref<3x64x128xf32, #tpu.memory_space<vmem>> -> memref<1x64x128xf32, #tpu.memory_space<vmem>>
    %dma_wait3A_127 = tpu.memref_squeeze %dma_wait3A_126 : memref<1x64x128xf32, #tpu.memory_space<vmem>> -> memref<64x128xf32, #tpu.memory_space<vmem>>
    %dma_wait3A_128 = arith.constant 0 : i32
    %dma_wait3A_129 = tpu.memref_slice %arg6[%dma_wait3A_128] : memref<256xi32, #tpu.memory_space<vmem>> -> memref<64xi32, #tpu.memory_space<vmem>>
    %dma_wait3A_130 = arith.constant 0 : i32
    %dma_wait3A_131 = arith.constant 0 : i32
    %dma_wait3A_132 = tpu.memref_slice %arg3[%dma_wait3A_130, %dma_wait3A_131] : memref<1000000x128xf32, #tpu.memory_space<hbm>> -> memref<1000000x128xf32, #tpu.memory_space<hbm>>
    tpu.wait_indirect_dma semaphore(%arg12 : memref<!tpu.dma_semaphore, #tpu.memory_space<semaphore_mem>>) src(%dma_wait3A_132 : memref<1000000x128xf32, #tpu.memory_space<hbm>>) dst(%dma_wait3A_127 : memref<64x128xf32, #tpu.memory_space<vmem>>)
    %dma_wait3A_133 = arith.constant 0 : i32
    %dma_wait3A_134 = arith.constant 0 : i32
    %dma_wait3A_135 = arith.constant 0 : i32
    %dma_wait3A_136 = tpu.memref_slice %arg8[%dma_wait3A_133, %dma_wait3A_134, %dma_wait3A_135] : memref<3x64x128xf32, #tpu.memory_space<vmem>> -> memref<1x64x128xf32, #tpu.memory_space<vmem>>
    %dma_wait3A_137 = tpu.memref_squeeze %dma_wait3A_136 : memref<1x64x128xf32, #tpu.memory_space<vmem>> -> memref<64x128xf32, #tpu.memory_space<vmem>>
    %dma_wait3A_138 = arith.constant 0 : i32
    %dma_wait3A_139 = tpu.memref_slice %arg9[%add3A_94, %dma_wait3A_138] : memref<1024x128xf32, #tpu.memory_space<vmem_shared>> -> memref<64x128xf32, #tpu.memory_space<vmem_shared>>
    %dma_wait3A_140 = arith.constant 0 : i32
    %dma_wait3A_141 = arith.constant 0 : i32
    %dma_wait3A_142 = tpu.memref_slice %arg8[%dma_wait3A_133, %dma_wait3A_140, %dma_wait3A_141] : memref<3x64x128xf32, #tpu.memory_space<vmem>> -> memref<1x64x128xf32, #tpu.memory_space<vmem>>
    %dma_wait3A_143 = tpu.memref_squeeze %dma_wait3A_142 : memref<1x64x128xf32, #tpu.memory_space<vmem>> -> memref<64x128xf32, #tpu.memory_space<vmem>>
    %dma_wait3A_144 = arith.constant 0 : i32
    %dma_wait3A_145 = tpu.memref_slice %arg9[%add3A_94, %dma_wait3A_144] : memref<1024x128xf32, #tpu.memory_space<vmem_shared>> -> memref<64x128xf32, #tpu.memory_space<vmem_shared>>
    tpu.wait_dma2 semaphore(%arg15 : memref<!tpu.dma_semaphore, #tpu.memory_space<semaphore_mem>>) src(%dma_wait3A_145 : memref<64x128xf32, #tpu.memory_space<vmem_shared>>) dst(%dma_wait3A_143 : memref<64x128xf32, #tpu.memory_space<vmem>>)
    %dma_start3A_146 = arith.constant 2 : i32
    %dma_start3A_147 = arith.constant 0 : i32
    %dma_start3A_148 = arith.constant 0 : i32
    %dma_start3A_149 = tpu.memref_slice %arg7[%dma_start3A_146, %dma_start3A_147, %dma_start3A_148] : memref<3x64x128xf32, #tpu.memory_space<vmem>> -> memref<1x64x128xf32, #tpu.memory_space<vmem>>
    %dma_start3A_150 = tpu.memref_squeeze %dma_start3A_149 : memref<1x64x128xf32, #tpu.memory_space<vmem>> -> memref<64x128xf32, #tpu.memory_space<vmem>>
    %dma_start3A_151 = arith.constant 128 : i32
    %dma_start3A_152 = tpu.memref_slice %arg6[%dma_start3A_151] : memref<256xi32, #tpu.memory_space<vmem>> -> memref<64xi32, #tpu.memory_space<vmem>>
    %dma_start3A_153 = arith.constant 0 : i32
    %dma_start3A_154 = arith.constant 0 : i32
    %dma_start3A_155 = tpu.memref_slice %arg3[%dma_start3A_153, %dma_start3A_154] : memref<1000000x128xf32, #tpu.memory_space<hbm>> -> memref<1000000x128xf32, #tpu.memory_space<hbm>>
    tpu.enqueue_indirect_dma source(%dma_start3A_155 : memref<1000000x128xf32, #tpu.memory_space<hbm>>) target(%dma_start3A_150 : memref<64x128xf32, #tpu.memory_space<vmem>>) offsets(%dma_start3A_152 : memref<64xi32, #tpu.memory_space<vmem>>) semaphore(%arg14 : memref<!tpu.dma_semaphore, #tpu.memory_space<semaphore_mem>>)
    %add3A_156 = arith.constant 128 : i32
    %add3A_157 = arith.addi %mul3A_68, %add3A_156 : i32
    %dma_start3A_158 = arith.constant 2 : i32
    %dma_start3A_159 = arith.constant 0 : i32
    %dma_start3A_160 = arith.constant 0 : i32
    %dma_start3A_161 = tpu.memref_slice %arg8[%dma_start3A_158, %dma_start3A_159, %dma_start3A_160] : memref<3x64x128xf32, #tpu.memory_space<vmem>> -> memref<1x64x128xf32, #tpu.memory_space<vmem>>
    %dma_start3A_162 = tpu.memref_squeeze %dma_start3A_161 : memref<1x64x128xf32, #tpu.memory_space<vmem>> -> memref<64x128xf32, #tpu.memory_space<vmem>>
    %dma_start3A_163 = arith.constant 0 : i32
    %dma_start3A_164 = tpu.memref_slice %arg9[%add3A_157, %dma_start3A_163] : memref<1024x128xf32, #tpu.memory_space<vmem_shared>> -> memref<64x128xf32, #tpu.memory_space<vmem_shared>>
    %dma_start3A_165 = arith.constant 0 : i32
    %dma_start3A_166 = arith.constant 0 : i32
    %dma_start3A_167 = tpu.memref_slice %arg8[%dma_start3A_158, %dma_start3A_165, %dma_start3A_166] : memref<3x64x128xf32, #tpu.memory_space<vmem>> -> memref<1x64x128xf32, #tpu.memory_space<vmem>>
    %dma_start3A_168 = tpu.memref_squeeze %dma_start3A_167 : memref<1x64x128xf32, #tpu.memory_space<vmem>> -> memref<64x128xf32, #tpu.memory_space<vmem>>
    %dma_start3A_169 = arith.constant 0 : i32
    %dma_start3A_170 = tpu.memref_slice %arg9[%add3A_157, %dma_start3A_169] : memref<1024x128xf32, #tpu.memory_space<vmem_shared>> -> memref<64x128xf32, #tpu.memory_space<vmem_shared>>
    tpu.enqueue_dma source(%dma_start3A_170 : memref<64x128xf32, #tpu.memory_space<vmem_shared>>) target(%dma_start3A_168 : memref<64x128xf32, #tpu.memory_space<vmem>>) target_semaphore(%arg17 : memref<!tpu.dma_semaphore, #tpu.memory_space<semaphore_mem>>)
    %scan3A = arith.constant 0 : i32
    %scan3A_171 = arith.constant 0 : i32
    %scan3A_172 = arith.constant 0 : i32
    %scan3A_173 = arith.constant 0 : i32
    %scan3A_174 = arith.constant 32 : i32
    %scan3A_175 = arith.addi %scan3A_173, %scan3A_174 : i32
    %scan3A_176 = arith.constant 1 : i32
    scf.for %scan3A_466 = %scan3A_173 to %scan3A_175 step %scan3A_176  : i32 {
      %mul3A_467 = arith.constant 2 : i32
      %mul3A_468 = arith.muli %mul3A_467, %scan3A_466 : i32
      %add3A_469 = arith.constant 0 : i32
      %add3A_470 = arith.addi %mul3A_468, %add3A_469 : i32
      %get3A = arith.constant 0 : i32
      %get3A_471 = arith.constant 0 : i32
      %get3A_472 = tpu.memref_slice %arg7[%scan3A_171, %get3A, %get3A_471] : memref<3x64x128xf32, #tpu.memory_space<vmem>> -> memref<1x64x128xf32, #tpu.memory_space<vmem>>
      %get3A_473 = tpu.memref_squeeze %get3A_472 : memref<1x64x128xf32, #tpu.memory_space<vmem>> -> memref<64x128xf32, #tpu.memory_space<vmem>>
      %get3A_474 = arith.index_cast %add3A_470 : i32 to index
      %get3A_475 = arith.constant 0 : index
      %get3A_476 = tpu.vector_load %get3A_473[%get3A_474, %get3A_475] {strides = array<i32>} : memref<64x128xf32, #tpu.memory_space<vmem>>, vector<1x16xf32>,
      %get3A_477 = vector.shape_cast %get3A_476 : vector<1x16xf32> to vector<16xf32>
      %mul3A_478 = arith.constant 11.3137083 : f32
      %mul3A_479 = vector.broadcast %mul3A_478 : f32 to vector<16xf32>
      %mul3A_480 = arith.mulf %get3A_477, %mul3A_479 : vector<16xf32>
      %mul3A_481 = arith.constant 2 : i32
      %mul3A_482 = arith.muli %mul3A_481, %scan3A_466 : i32
      %add3A_483 = arith.constant 0 : i32
      %add3A_484 = arith.addi %mul3A_482, %add3A_483 : i32
      %get3A_485 = arith.constant 0 : i32
      %get3A_486 = arith.constant 0 : i32
      %get3A_487 = tpu.memref_slice %arg8[%scan3A_172, %get3A_485, %get3A_486] : memref<3x64x128xf32, #tpu.memory_space<vmem>> -> memref<1x64x128xf32, #tpu.memory_space<vmem>>
      %get3A_488 = tpu.memref_squeeze %get3A_487 : memref<1x64x128xf32, #tpu.memory_space<vmem>> -> memref<64x128xf32, #tpu.memory_space<vmem>>
      %get3A_489 = arith.index_cast %add3A_484 : i32 to index
      %get3A_490 = arith.constant 0 : index
      %get3A_491 = tpu.vector_load %get3A_488[%get3A_489, %get3A_490] {strides = array<i32>} : memref<64x128xf32, #tpu.memory_space<vmem>>, vector<1x16xf32>,
      %get3A_492 = vector.shape_cast %get3A_491 : vector<1x16xf32> to vector<16xf32>
      %add3A_493 = arith.addf %mul3A_480, %get3A_492 : vector<16xf32>
      %mul3A_494 = arith.constant 2 : i32
      %mul3A_495 = arith.muli %mul3A_494, %scan3A_466 : i32
      %add3A_496 = arith.constant 0 : i32
      %add3A_497 = arith.addi %mul3A_495, %add3A_496 : i32
      %swap3A = arith.constant 0 : i32
      %swap3A_498 = arith.constant 0 : i32
      %swap3A_499 = tpu.memref_slice %arg7[%scan3A_171, %swap3A, %swap3A_498] : memref<3x64x128xf32, #tpu.memory_space<vmem>> -> memref<1x64x128xf32, #tpu.memory_space<vmem>>
      %swap3A_500 = tpu.memref_squeeze %swap3A_499 : memref<1x64x128xf32, #tpu.memory_space<vmem>> -> memref<64x128xf32, #tpu.memory_space<vmem>>
      %swap3A_501 = arith.index_cast %add3A_497 : i32 to index
      %swap3A_502 = arith.constant 0 : index
      %swap3A_503 = tpu.vector_load %swap3A_500[%swap3A_501, %swap3A_502] {strides = array<i32>} : memref<64x128xf32, #tpu.memory_space<vmem>>, vector<1x16xf32>,
      %swap3A_504 = vector.shape_cast %swap3A_503 : vector<1x16xf32> to vector<16xf32>
      %swap3A_505 = vector.shape_cast %add3A_493 : vector<16xf32> to vector<1x16xf32>
      tpu.vector_store %swap3A_500[%swap3A_501, %swap3A_502], %swap3A_505 {strides = array<i32>} : memref<64x128xf32, #tpu.memory_space<vmem>>, vector<1x16xf32>,
      %mul3A_506 = arith.constant 2 : i32
      %mul3A_507 = arith.muli %mul3A_506, %scan3A_466 : i32
      %add3A_508 = arith.constant 0 : i32
      %add3A_509 = arith.addi %mul3A_507, %add3A_508 : i32
      %get3A_510 = arith.constant 0 : i32
      %get3A_511 = arith.constant 0 : i32
      %get3A_512 = tpu.memref_slice %arg7[%scan3A_171, %get3A_510, %get3A_511] : memref<3x64x128xf32, #tpu.memory_space<vmem>> -> memref<1x64x128xf32, #tpu.memory_space<vmem>>
      %get3A_513 = tpu.memref_squeeze %get3A_512 : memref<1x64x128xf32, #tpu.memory_space<vmem>> -> memref<64x128xf32, #tpu.memory_space<vmem>>
      %get3A_514 = arith.index_cast %add3A_509 : i32 to index
      %get3A_515 = arith.constant 16 : index
      %get3A_516 = tpu.vector_load %get3A_513[%get3A_514, %get3A_515] {strides = array<i32>} : memref<64x128xf32, #tpu.memory_space<vmem>>, vector<1x16xf32>,
      %get3A_517 = vector.shape_cast %get3A_516 : vector<1x16xf32> to vector<16xf32>
      %mul3A_518 = arith.constant 11.3137083 : f32
      %mul3A_519 = vector.broadcast %mul3A_518 : f32 to vector<16xf32>
      %mul3A_520 = arith.mulf %get3A_517, %mul3A_519 : vector<16xf32>
      %mul3A_521 = arith.constant 2 : i32
      %mul3A_522 = arith.muli %mul3A_521, %scan3A_466 : i32
      %add3A_523 = arith.constant 0 : i32
      %add3A_524 = arith.addi %mul3A_522, %add3A_523 : i32
      %get3A_525 = arith.constant 0 : i32
      %get3A_526 = arith.constant 0 : i32
      %get3A_527 = tpu.memref_slice %arg8[%scan3A_172, %get3A_525, %get3A_526] : memref<3x64x128xf32, #tpu.memory_space<vmem>> -> memref<1x64x128xf32, #tpu.memory_space<vmem>>
      %get3A_528 = tpu.memref_squeeze %get3A_527 : memref<1x64x128xf32, #tpu.memory_space<vmem>> -> memref<64x128xf32, #tpu.memory_space<vmem>>
      %get3A_529 = arith.index_cast %add3A_524 : i32 to index
      %get3A_530 = arith.constant 16 : index
      %get3A_531 = tpu.vector_load %get3A_528[%get3A_529, %get3A_530] {strides = array<i32>} : memref<64x128xf32, #tpu.memory_space<vmem>>, vector<1x16xf32>,
      %get3A_532 = vector.shape_cast %get3A_531 : vector<1x16xf32> to vector<16xf32>
      %add3A_533 = arith.addf %mul3A_520, %get3A_532 : vector<16xf32>
      %mul3A_534 = arith.constant 2 : i32
      %mul3A_535 = arith.muli %mul3A_534, %scan3A_466 : i32
      %add3A_536 = arith.constant 0 : i32
      %add3A_537 = arith.addi %mul3A_535, %add3A_536 : i32
      %swap3A_538 = arith.constant 0 : i32
      %swap3A_539 = arith.constant 0 : i32
      %swap3A_540 = tpu.memref_slice %arg7[%scan3A_171, %swap3A_538, %swap3A_539] : memref<3x64x128xf32, #tpu.memory_space<vmem>> -> memref<1x64x128xf32, #tpu.memory_space<vmem>>
      %swap3A_541 = tpu.memref_squeeze %swap3A_540 : memref<1x64x128xf32, #tpu.memory_space<vmem>> -> memref<64x128xf32, #tpu.memory_space<vmem>>
      %swap3A_542 = arith.index_cast %add3A_537 : i32 to index
      %swap3A_543 = arith.constant 16 : index
      %swap3A_544 = tpu.vector_load %swap3A_541[%swap3A_542, %swap3A_543] {strides = array<i32>} : memref<64x128xf32, #tpu.memory_space<vmem>>, vector<1x16xf32>,
      %swap3A_545 = vector.shape_cast %swap3A_544 : vector<1x16xf32> to vector<16xf32>
      %swap3A_546 = vector.shape_cast %add3A_533 : vector<16xf32> to vector<1x16xf32>
      tpu.vector_store %swap3A_541[%swap3A_542, %swap3A_543], %swap3A_546 {strides = array<i32>} : memref<64x128xf32, #tpu.memory_space<vmem>>, vector<1x16xf32>,
      %mul3A_547 = arith.constant 2 : i32
      %mul3A_548 = arith.muli %mul3A_547, %scan3A_466 : i32
      %add3A_549 = arith.constant 0 : i32
      %add3A_550 = arith.addi %mul3A_548, %add3A_549 : i32
      %get3A_551 = arith.constant 0 : i32
      %get3A_552 = arith.constant 0 : i32
      %get3A_553 = tpu.memref_slice %arg7[%scan3A_171, %get3A_551, %get3A_552] : memref<3x64x128xf32, #tpu.memory_space<vmem>> -> memref<1x64x128xf32, #tpu.memory_space<vmem>>
      %get3A_554 = tpu.memref_squeeze %get3A_553 : memref<1x64x128xf32, #tpu.memory_space<vmem>> -> memref<64x128xf32, #tpu.memory_space<vmem>>
      %get3A_555 = arith.index_cast %add3A_550 : i32 to index
      %get3A_556 = arith.constant 32 : index
      %get3A_557 = tpu.vector_load %get3A_554[%get3A_555, %get3A_556] {strides = array<i32>} : memref<64x128xf32, #tpu.memory_space<vmem>>, vector<1x16xf32>,
      %get3A_558 = vector.shape_cast %get3A_557 : vector<1x16xf32> to vector<16xf32>
      %mul3A_559 = arith.constant 11.3137083 : f32
      %mul3A_560 = vector.broadcast %mul3A_559 : f32 to vector<16xf32>
      %mul3A_561 = arith.mulf %get3A_558, %mul3A_560 : vector<16xf32>
      %mul3A_562 = arith.constant 2 : i32
      %mul3A_563 = arith.muli %mul3A_562, %scan3A_466 : i32
      %add3A_564 = arith.constant 0 : i32
      %add3A_565 = arith.addi %mul3A_563, %add3A_564 : i32
      %get3A_566 = arith.constant 0 : i32
      %get3A_567 = arith.constant 0 : i32
      %get3A_568 = tpu.memref_slice %arg8[%scan3A_172, %get3A_566, %get3A_567] : memref<3x64x128xf32, #tpu.memory_space<vmem>> -> memref<1x64x128xf32, #tpu.memory_space<vmem>>
      %get3A_569 = tpu.memref_squeeze %get3A_568 : memref<1x64x128xf32, #tpu.memory_space<vmem>> -> memref<64x128xf32, #tpu.memory_space<vmem>>
      %get3A_570 = arith.index_cast %add3A_565 : i32 to index
      %get3A_571 = arith.constant 32 : index
      %get3A_572 = tpu.vector_load %get3A_569[%get3A_570, %get3A_571] {strides = array<i32>} : memref<64x128xf32, #tpu.memory_space<vmem>>, vector<1x16xf32>,
      %get3A_573 = vector.shape_cast %get3A_572 : vector<1x16xf32> to vector<16xf32>
      %add3A_574 = arith.addf %mul3A_561, %get3A_573 : vector<16xf32>
      %mul3A_575 = arith.constant 2 : i32
      %mul3A_576 = arith.muli %mul3A_575, %scan3A_466 : i32
      %add3A_577 = arith.constant 0 : i32
      %add3A_578 = arith.addi %mul3A_576, %add3A_577 : i32
      %swap3A_579 = arith.constant 0 : i32
      %swap3A_580 = arith.constant 0 : i32
      %swap3A_581 = tpu.memref_slice %arg7[%scan3A_171, %swap3A_579, %swap3A_580] : memref<3x64x128xf32, #tpu.memory_space<vmem>> -> memref<1x64x128xf32, #tpu.memory_space<vmem>>
      %swap3A_582 = tpu.memref_squeeze %swap3A_581 : memref<1x64x128xf32, #tpu.memory_space<vmem>> -> memref<64x128xf32, #tpu.memory_space<vmem>>
      %swap3A_583 = arith.index_cast %add3A_578 : i32 to index
      %swap3A_584 = arith.constant 32 : index
      %swap3A_585 = tpu.vector_load %swap3A_582[%swap3A_583, %swap3A_584] {strides = array<i32>} : memref<64x128xf32, #tpu.memory_space<vmem>>, vector<1x16xf32>,
      %swap3A_586 = vector.shape_cast %swap3A_585 : vector<1x16xf32> to vector<16xf32>
      %swap3A_587 = vector.shape_cast %add3A_574 : vector<16xf32> to vector<1x16xf32>
      tpu.vector_store %swap3A_582[%swap3A_583, %swap3A_584], %swap3A_587 {strides = array<i32>} : memref<64x128xf32, #tpu.memory_space<vmem>>, vector<1x16xf32>,
      %mul3A_588 = arith.constant 2 : i32
      %mul3A_589 = arith.muli %mul3A_588, %scan3A_466 : i32
      %add3A_590 = arith.constant 0 : i32
      %add3A_591 = arith.addi %mul3A_589, %add3A_590 : i32
      %get3A_592 = arith.constant 0 : i32
      %get3A_593 = arith.constant 0 : i32
      %get3A_594 = tpu.memref_slice %arg7[%scan3A_171, %get3A_592, %get3A_593] : memref<3x64x128xf32, #tpu.memory_space<vmem>> -> memref<1x64x128xf32, #tpu.memory_space<vmem>>
      %get3A_595 = tpu.memref_squeeze %get3A_594 : memref<1x64x128xf32, #tpu.memory_space<vmem>> -> memref<64x128xf32, #tpu.memory_space<vmem>>
      %get3A_596 = arith.index_cast %add3A_591 : i32 to index
      %get3A_597 = arith.constant 48 : index
      %get3A_598 = tpu.vector_load %get3A_595[%get3A_596, %get3A_597] {strides = array<i32>} : memref<64x128xf32, #tpu.memory_space<vmem>>, vector<1x16xf32>,
      %get3A_599 = vector.shape_cast %get3A_598 : vector<1x16xf32> to vector<16xf32>
      %mul3A_600 = arith.constant 11.3137083 : f32
      %mul3A_601 = vector.broadcast %mul3A_600 : f32 to vector<16xf32>
      %mul3A_602 = arith.mulf %get3A_599, %mul3A_601 : vector<16xf32>
      %mul3A_603 = arith.constant 2 : i32
      %mul3A_604 = arith.muli %mul3A_603, %scan3A_466 : i32
      %add3A_605 = arith.constant 0 : i32
      %add3A_606 = arith.addi %mul3A_604, %add3A_605 : i32
      %get3A_607 = arith.constant 0 : i32
      %get3A_608 = arith.constant 0 : i32
      %get3A_609 = tpu.memref_slice %arg8[%scan3A_172, %get3A_607, %get3A_608] : memref<3x64x128xf32, #tpu.memory_space<vmem>> -> memref<1x64x128xf32, #tpu.memory_space<vmem>>
      %get3A_610 = tpu.memref_squeeze %get3A_609 : memref<1x64x128xf32, #tpu.memory_space<vmem>> -> memref<64x128xf32, #tpu.memory_space<vmem>>
      %get3A_611 = arith.index_cast %add3A_606 : i32 to index
      %get3A_612 = arith.constant 48 : index
      %get3A_613 = tpu.vector_load %get3A_610[%get3A_611, %get3A_612] {strides = array<i32>} : memref<64x128xf32, #tpu.memory_space<vmem>>, vector<1x16xf32>,
      %get3A_614 = vector.shape_cast %get3A_613 : vector<1x16xf32> to vector<16xf32>
      %add3A_615 = arith.addf %mul3A_602, %get3A_614 : vector<16xf32>
      %mul3A_616 = arith.constant 2 : i32
      %mul3A_617 = arith.muli %mul3A_616, %scan3A_466 : i32
      %add3A_618 = arith.constant 0 : i32
      %add3A_619 = arith.addi %mul3A_617, %add3A_618 : i32
      %swap3A_620 = arith.constant 0 : i32
      %swap3A_621 = arith.constant 0 : i32
      %swap3A_622 = tpu.memref_slice %arg7[%scan3A_171, %swap3A_620, %swap3A_621] : memref<3x64x128xf32, #tpu.memory_space<vmem>> -> memref<1x64x128xf32, #tpu.memory_space<vmem>>
      %swap3A_623 = tpu.memref_squeeze %swap3A_622 : memref<1x64x128xf32, #tpu.memory_space<vmem>> -> memref<64x128xf32, #tpu.memory_space<vmem>>
      %swap3A_624 = arith.index_cast %add3A_619 : i32 to index
      %swap3A_625 = arith.constant 48 : index
      %swap3A_626 = tpu.vector_load %swap3A_623[%swap3A_624, %swap3A_625] {strides = array<i32>} : memref<64x128xf32, #tpu.memory_space<vmem>>, vector<1x16xf32>,
      %swap3A_627 = vector.shape_cast %swap3A_626 : vector<1x16xf32> to vector<16xf32>
      %swap3A_628 = vector.shape_cast %add3A_615 : vector<16xf32> to vector<1x16xf32>
      tpu.vector_store %swap3A_623[%swap3A_624, %swap3A_625], %swap3A_628 {strides = array<i32>} : memref<64x128xf32, #tpu.memory_space<vmem>>, vector<1x16xf32>,
      %mul3A_629 = arith.constant 2 : i32
      %mul3A_630 = arith.muli %mul3A_629, %scan3A_466 : i32
      %add3A_631 = arith.constant 0 : i32
      %add3A_632 = arith.addi %mul3A_630, %add3A_631 : i32
      %get3A_633 = arith.constant 0 : i32
      %get3A_634 = arith.constant 0 : i32
      %get3A_635 = tpu.memref_slice %arg7[%scan3A_171, %get3A_633, %get3A_634] : memref<3x64x128xf32, #tpu.memory_space<vmem>> -> memref<1x64x128xf32, #tpu.memory_space<vmem>>
      %get3A_636 = tpu.memref_squeeze %get3A_635 : memref<1x64x128xf32, #tpu.memory_space<vmem>> -> memref<64x128xf32, #tpu.memory_space<vmem>>
      %get3A_637 = arith.index_cast %add3A_632 : i32 to index
      %get3A_638 = arith.constant 64 : index
      %get3A_639 = tpu.vector_load %get3A_636[%get3A_637, %get3A_638] {strides = array<i32>} : memref<64x128xf32, #tpu.memory_space<vmem>>, vector<1x16xf32>,
      %get3A_640 = vector.shape_cast %get3A_639 : vector<1x16xf32> to vector<16xf32>
      %mul3A_641 = arith.constant 11.3137083 : f32
      %mul3A_642 = vector.broadcast %mul3A_641 : f32 to vector<16xf32>
      %mul3A_643 = arith.mulf %get3A_640, %mul3A_642 : vector<16xf32>
      %mul3A_644 = arith.constant 2 : i32
      %mul3A_645 = arith.muli %mul3A_644, %scan3A_466 : i32
      %add3A_646 = arith.constant 0 : i32
      %add3A_647 = arith.addi %mul3A_645, %add3A_646 : i32
      %get3A_648 = arith.constant 0 : i32
      %get3A_649 = arith.constant 0 : i32
      %get3A_650 = tpu.memref_slice %arg8[%scan3A_172, %get3A_648, %get3A_649] : memref<3x64x128xf32, #tpu.memory_space<vmem>> -> memref<1x64x128xf32, #tpu.memory_space<vmem>>
      %get3A_651 = tpu.memref_squeeze %get3A_650 : memref<1x64x128xf32, #tpu.memory_space<vmem>> -> memref<64x128xf32, #tpu.memory_space<vmem>>
      %get3A_652 = arith.index_cast %add3A_647 : i32 to index
      %get3A_653 = arith.constant 64 : index
      %get3A_654 = tpu.vector_load %get3A_651[%get3A_652, %get3A_653] {strides = array<i32>} : memref<64x128xf32, #tpu.memory_space<vmem>>, vector<1x16xf32>,
      %get3A_655 = vector.shape_cast %get3A_654 : vector<1x16xf32> to vector<16xf32>
      %add3A_656 = arith.addf %mul3A_643, %get3A_655 : vector<16xf32>
      %mul3A_657 = arith.constant 2 : i32
      %mul3A_658 = arith.muli %mul3A_657, %scan3A_466 : i32
      %add3A_659 = arith.constant 0 : i32
      %add3A_660 = arith.addi %mul3A_658, %add3A_659 : i32
      %swap3A_661 = arith.constant 0 : i32
      %swap3A_662 = arith.constant 0 : i32
      %swap3A_663 = tpu.memref_slice %arg7[%scan3A_171, %swap3A_661, %swap3A_662] : memref<3x64x128xf32, #tpu.memory_space<vmem>> -> memref<1x64x128xf32, #tpu.memory_space<vmem>>
      %swap3A_664 = tpu.memref_squeeze %swap3A_663 : memref<1x64x128xf32, #tpu.memory_space<vmem>> -> memref<64x128xf32, #tpu.memory_space<vmem>>
      %swap3A_665 = arith.index_cast %add3A_660 : i32 to index
      %swap3A_666 = arith.constant 64 : index
      %swap3A_667 = tpu.vector_load %swap3A_664[%swap3A_665, %swap3A_666] {strides = array<i32>} : memref<64x128xf32, #tpu.memory_space<vmem>>, vector<1x16xf32>,
      %swap3A_668 = vector.shape_cast %swap3A_667 : vector<1x16xf32> to vector<16xf32>
      %swap3A_669 = vector.shape_cast %add3A_656 : vector<16xf32> to vector<1x16xf32>
      tpu.vector_store %swap3A_664[%swap3A_665, %swap3A_666], %swap3A_669 {strides = array<i32>} : memref<64x128xf32, #tpu.memory_space<vmem>>, vector<1x16xf32>,
      %mul3A_670 = arith.constant 2 : i32
      %mul3A_671 = arith.muli %mul3A_670, %scan3A_466 : i32
      %add3A_672 = arith.constant 0 : i32
      %add3A_673 = arith.addi %mul3A_671, %add3A_672 : i32
      %get3A_674 = arith.constant 0 : i32
      %get3A_675 = arith.constant 0 : i32
      %get3A_676 = tpu.memref_slice %arg7[%scan3A_171, %get3A_674, %get3A_675] : memref<3x64x128xf32, #tpu.memory_space<vmem>> -> memref<1x64x128xf32, #tpu.memory_space<vmem>>
      %get3A_677 = tpu.memref_squeeze %get3A_676 : memref<1x64x128xf32, #tpu.memory_space<vmem>> -> memref<64x128xf32, #tpu.memory_space<vmem>>
      %get3A_678 = arith.index_cast %add3A_673 : i32 to index
      %get3A_679 = arith.constant 80 : index
      %get3A_680 = tpu.vector_load %get3A_677[%get3A_678, %get3A_679] {strides = array<i32>} : memref<64x128xf32, #tpu.memory_space<vmem>>, vector<1x16xf32>,
      %get3A_681 = vector.shape_cast %get3A_680 : vector<1x16xf32> to vector<16xf32>
      %mul3A_682 = arith.constant 11.3137083 : f32
      %mul3A_683 = vector.broadcast %mul3A_682 : f32 to vector<16xf32>
      %mul3A_684 = arith.mulf %get3A_681, %mul3A_683 : vector<16xf32>
      %mul3A_685 = arith.constant 2 : i32
      %mul3A_686 = arith.muli %mul3A_685, %scan3A_466 : i32
      %add3A_687 = arith.constant 0 : i32
      %add3A_688 = arith.addi %mul3A_686, %add3A_687 : i32
      %get3A_689 = arith.constant 0 : i32
      %get3A_690 = arith.constant 0 : i32
      %get3A_691 = tpu.memref_slice %arg8[%scan3A_172, %get3A_689, %get3A_690] : memref<3x64x128xf32, #tpu.memory_space<vmem>> -> memref<1x64x128xf32, #tpu.memory_space<vmem>>
      %get3A_692 = tpu.memref_squeeze %get3A_691 : memref<1x64x128xf32, #tpu.memory_space<vmem>> -> memref<64x128xf32, #tpu.memory_space<vmem>>
      %get3A_693 = arith.index_cast %add3A_688 : i32 to index
      %get3A_694 = arith.constant 80 : index
      %get3A_695 = tpu.vector_load %get3A_692[%get3A_693, %get3A_694] {strides = array<i32>} : memref<64x128xf32, #tpu.memory_space<vmem>>, vector<1x16xf32>,
      %get3A_696 = vector.shape_cast %get3A_695 : vector<1x16xf32> to vector<16xf32>
      %add3A_697 = arith.addf %mul3A_684, %get3A_696 : vector<16xf32>
      %mul3A_698 = arith.constant 2 : i32
      %mul3A_699 = arith.muli %mul3A_698, %scan3A_466 : i32
      %add3A_700 = arith.constant 0 : i32
      %add3A_701 = arith.addi %mul3A_699, %add3A_700 : i32
      %swap3A_702 = arith.constant 0 : i32
      %swap3A_703 = arith.constant 0 : i32
      %swap3A_704 = tpu.memref_slice %arg7[%scan3A_171, %swap3A_702, %swap3A_703] : memref<3x64x128xf32, #tpu.memory_space<vmem>> -> memref<1x64x128xf32, #tpu.memory_space<vmem>>
      %swap3A_705 = tpu.memref_squeeze %swap3A_704 : memref<1x64x128xf32, #tpu.memory_space<vmem>> -> memref<64x128xf32, #tpu.memory_space<vmem>>
      %swap3A_706 = arith.index_cast %add3A_701 : i32 to index
      %swap3A_707 = arith.constant 80 : index
      %swap3A_708 = tpu.vector_load %swap3A_705[%swap3A_706, %swap3A_707] {strides = array<i32>} : memref<64x128xf32, #tpu.memory_space<vmem>>, vector<1x16xf32>,
      %swap3A_709 = vector.shape_cast %swap3A_708 : vector<1x16xf32> to vector<16xf32>
      %swap3A_710 = vector.shape_cast %add3A_697 : vector<16xf32> to vector<1x16xf32>
      tpu.vector_store %swap3A_705[%swap3A_706, %swap3A_707], %swap3A_710 {strides = array<i32>} : memref<64x128xf32, #tpu.memory_space<vmem>>, vector<1x16xf32>,
      %mul3A_711 = arith.constant 2 : i32
      %mul3A_712 = arith.muli %mul3A_711, %scan3A_466 : i32
      %add3A_713 = arith.constant 0 : i32
      %add3A_714 = arith.addi %mul3A_712, %add3A_713 : i32
      %get3A_715 = arith.constant 0 : i32
      %get3A_716 = arith.constant 0 : i32
      %get3A_717 = tpu.memref_slice %arg7[%scan3A_171, %get3A_715, %get3A_716] : memref<3x64x128xf32, #tpu.memory_space<vmem>> -> memref<1x64x128xf32, #tpu.memory_space<vmem>>
      %get3A_718 = tpu.memref_squeeze %get3A_717 : memref<1x64x128xf32, #tpu.memory_space<vmem>> -> memref<64x128xf32, #tpu.memory_space<vmem>>
      %get3A_719 = arith.index_cast %add3A_714 : i32 to index
      %get3A_720 = arith.constant 96 : index
      %get3A_721 = tpu.vector_load %get3A_718[%get3A_719, %get3A_720] {strides = array<i32>} : memref<64x128xf32, #tpu.memory_space<vmem>>, vector<1x16xf32>,
      %get3A_722 = vector.shape_cast %get3A_721 : vector<1x16xf32> to vector<16xf32>
      %mul3A_723 = arith.constant 11.3137083 : f32
      %mul3A_724 = vector.broadcast %mul3A_723 : f32 to vector<16xf32>
      %mul3A_725 = arith.mulf %get3A_722, %mul3A_724 : vector<16xf32>
      %mul3A_726 = arith.constant 2 : i32
      %mul3A_727 = arith.muli %mul3A_726, %scan3A_466 : i32
      %add3A_728 = arith.constant 0 : i32
      %add3A_729 = arith.addi %mul3A_727, %add3A_728 : i32
      %get3A_730 = arith.constant 0 : i32
      %get3A_731 = arith.constant 0 : i32
      %get3A_732 = tpu.memref_slice %arg8[%scan3A_172, %get3A_730, %get3A_731] : memref<3x64x128xf32, #tpu.memory_space<vmem>> -> memref<1x64x128xf32, #tpu.memory_space<vmem>>
      %get3A_733 = tpu.memref_squeeze %get3A_732 : memref<1x64x128xf32, #tpu.memory_space<vmem>> -> memref<64x128xf32, #tpu.memory_space<vmem>>
      %get3A_734 = arith.index_cast %add3A_729 : i32 to index
      %get3A_735 = arith.constant 96 : index
      %get3A_736 = tpu.vector_load %get3A_733[%get3A_734, %get3A_735] {strides = array<i32>} : memref<64x128xf32, #tpu.memory_space<vmem>>, vector<1x16xf32>,
      %get3A_737 = vector.shape_cast %get3A_736 : vector<1x16xf32> to vector<16xf32>
      %add3A_738 = arith.addf %mul3A_725, %get3A_737 : vector<16xf32>
      %mul3A_739 = arith.constant 2 : i32
      %mul3A_740 = arith.muli %mul3A_739, %scan3A_466 : i32
      %add3A_741 = arith.constant 0 : i32
      %add3A_742 = arith.addi %mul3A_740, %add3A_741 : i32
      %swap3A_743 = arith.constant 0 : i32
      %swap3A_744 = arith.constant 0 : i32
      %swap3A_745 = tpu.memref_slice %arg7[%scan3A_171, %swap3A_743, %swap3A_744] : memref<3x64x128xf32, #tpu.memory_space<vmem>> -> memref<1x64x128xf32, #tpu.memory_space<vmem>>
      %swap3A_746 = tpu.memref_squeeze %swap3A_745 : memref<1x64x128xf32, #tpu.memory_space<vmem>> -> memref<64x128xf32, #tpu.memory_space<vmem>>
      %swap3A_747 = arith.index_cast %add3A_742 : i32 to index
      %swap3A_748 = arith.constant 96 : index
      %swap3A_749 = tpu.vector_load %swap3A_746[%swap3A_747, %swap3A_748] {strides = array<i32>} : memref<64x128xf32, #tpu.memory_space<vmem>>, vector<1x16xf32>,
      %swap3A_750 = vector.shape_cast %swap3A_749 : vector<1x16xf32> to vector<16xf32>
      %swap3A_751 = vector.shape_cast %add3A_738 : vector<16xf32> to vector<1x16xf32>
      tpu.vector_store %swap3A_746[%swap3A_747, %swap3A_748], %swap3A_751 {strides = array<i32>} : memref<64x128xf32, #tpu.memory_space<vmem>>, vector<1x16xf32>,
      %mul3A_752 = arith.constant 2 : i32
      %mul3A_753 = arith.muli %mul3A_752, %scan3A_466 : i32
      %add3A_754 = arith.constant 0 : i32
      %add3A_755 = arith.addi %mul3A_753, %add3A_754 : i32
      %get3A_756 = arith.constant 0 : i32
      %get3A_757 = arith.constant 0 : i32
      %get3A_758 = tpu.memref_slice %arg7[%scan3A_171, %get3A_756, %get3A_757] : memref<3x64x128xf32, #tpu.memory_space<vmem>> -> memref<1x64x128xf32, #tpu.memory_space<vmem>>
      %get3A_759 = tpu.memref_squeeze %get3A_758 : memref<1x64x128xf32, #tpu.memory_space<vmem>> -> memref<64x128xf32, #tpu.memory_space<vmem>>
      %get3A_760 = arith.index_cast %add3A_755 : i32 to index
      %get3A_761 = arith.constant 112 : index
      %get3A_762 = tpu.vector_load %get3A_759[%get3A_760, %get3A_761] {strides = array<i32>} : memref<64x128xf32, #tpu.memory_space<vmem>>, vector<1x16xf32>,
      %get3A_763 = vector.shape_cast %get3A_762 : vector<1x16xf32> to vector<16xf32>
      %mul3A_764 = arith.constant 11.3137083 : f32
      %mul3A_765 = vector.broadcast %mul3A_764 : f32 to vector<16xf32>
      %mul3A_766 = arith.mulf %get3A_763, %mul3A_765 : vector<16xf32>
      %mul3A_767 = arith.constant 2 : i32
      %mul3A_768 = arith.muli %mul3A_767, %scan3A_466 : i32
      %add3A_769 = arith.constant 0 : i32
      %add3A_770 = arith.addi %mul3A_768, %add3A_769 : i32
      %get3A_771 = arith.constant 0 : i32
      %get3A_772 = arith.constant 0 : i32
      %get3A_773 = tpu.memref_slice %arg8[%scan3A_172, %get3A_771, %get3A_772] : memref<3x64x128xf32, #tpu.memory_space<vmem>> -> memref<1x64x128xf32, #tpu.memory_space<vmem>>
      %get3A_774 = tpu.memref_squeeze %get3A_773 : memref<1x64x128xf32, #tpu.memory_space<vmem>> -> memref<64x128xf32, #tpu.memory_space<vmem>>
      %get3A_775 = arith.index_cast %add3A_770 : i32 to index
      %get3A_776 = arith.constant 112 : index
      %get3A_777 = tpu.vector_load %get3A_774[%get3A_775, %get3A_776] {strides = array<i32>} : memref<64x128xf32, #tpu.memory_space<vmem>>, vector<1x16xf32>,
      %get3A_778 = vector.shape_cast %get3A_777 : vector<1x16xf32> to vector<16xf32>
      %add3A_779 = arith.addf %mul3A_766, %get3A_778 : vector<16xf32>
      %mul3A_780 = arith.constant 2 : i32
      %mul3A_781 = arith.muli %mul3A_780, %scan3A_466 : i32
      %add3A_782 = arith.constant 0 : i32
      %add3A_783 = arith.addi %mul3A_781, %add3A_782 : i32
      %swap3A_784 = arith.constant 0 : i32
      %swap3A_785 = arith.constant 0 : i32
      %swap3A_786 = tpu.memref_slice %arg7[%scan3A_171, %swap3A_784, %swap3A_785] : memref<3x64x128xf32, #tpu.memory_space<vmem>> -> memref<1x64x128xf32, #tpu.memory_space<vmem>>
      %swap3A_787 = tpu.memref_squeeze %swap3A_786 : memref<1x64x128xf32, #tpu.memory_space<vmem>> -> memref<64x128xf32, #tpu.memory_space<vmem>>
      %swap3A_788 = arith.index_cast %add3A_783 : i32 to index
      %swap3A_789 = arith.constant 112 : index
      %swap3A_790 = tpu.vector_load %swap3A_787[%swap3A_788, %swap3A_789] {strides = array<i32>} : memref<64x128xf32, #tpu.memory_space<vmem>>, vector<1x16xf32>,
      %swap3A_791 = vector.shape_cast %swap3A_790 : vector<1x16xf32> to vector<16xf32>
      %swap3A_792 = vector.shape_cast %add3A_779 : vector<16xf32> to vector<1x16xf32>
      tpu.vector_store %swap3A_787[%swap3A_788, %swap3A_789], %swap3A_792 {strides = array<i32>} : memref<64x128xf32, #tpu.memory_space<vmem>>, vector<1x16xf32>,
      %mul3A_793 = arith.constant 2 : i32
      %mul3A_794 = arith.muli %mul3A_793, %scan3A_466 : i32
      %add3A_795 = arith.constant 1 : i32
      %add3A_796 = arith.addi %mul3A_794, %add3A_795 : i32
      %get3A_797 = arith.constant 0 : i32
      %get3A_798 = arith.constant 0 : i32
      %get3A_799 = tpu.memref_slice %arg7[%scan3A_171, %get3A_797, %get3A_798] : memref<3x64x128xf32, #tpu.memory_space<vmem>> -> memref<1x64x128xf32, #tpu.memory_space<vmem>>
      %get3A_800 = tpu.memref_squeeze %get3A_799 : memref<1x64x128xf32, #tpu.memory_space<vmem>> -> memref<64x128xf32, #tpu.memory_space<vmem>>
      %get3A_801 = arith.index_cast %add3A_796 : i32 to index
      %get3A_802 = arith.constant 0 : index
      %get3A_803 = tpu.vector_load %get3A_800[%get3A_801, %get3A_802] {strides = array<i32>} : memref<64x128xf32, #tpu.memory_space<vmem>>, vector<1x16xf32>,
      %get3A_804 = vector.shape_cast %get3A_803 : vector<1x16xf32> to vector<16xf32>
      %mul3A_805 = arith.constant 11.3137083 : f32
      %mul3A_806 = vector.broadcast %mul3A_805 : f32 to vector<16xf32>
      %mul3A_807 = arith.mulf %get3A_804, %mul3A_806 : vector<16xf32>
      %mul3A_808 = arith.constant 2 : i32
      %mul3A_809 = arith.muli %mul3A_808, %scan3A_466 : i32
      %add3A_810 = arith.constant 1 : i32
      %add3A_811 = arith.addi %mul3A_809, %add3A_810 : i32
      %get3A_812 = arith.constant 0 : i32
      %get3A_813 = arith.constant 0 : i32
      %get3A_814 = tpu.memref_slice %arg8[%scan3A_172, %get3A_812, %get3A_813] : memref<3x64x128xf32, #tpu.memory_space<vmem>> -> memref<1x64x128xf32, #tpu.memory_space<vmem>>
      %get3A_815 = tpu.memref_squeeze %get3A_814 : memref<1x64x128xf32, #tpu.memory_space<vmem>> -> memref<64x128xf32, #tpu.memory_space<vmem>>
      %get3A_816 = arith.index_cast %add3A_811 : i32 to index
      %get3A_817 = arith.constant 0 : index
      %get3A_818 = tpu.vector_load %get3A_815[%get3A_816, %get3A_817] {strides = array<i32>} : memref<64x128xf32, #tpu.memory_space<vmem>>, vector<1x16xf32>,
      %get3A_819 = vector.shape_cast %get3A_818 : vector<1x16xf32> to vector<16xf32>
      %add3A_820 = arith.addf %mul3A_807, %get3A_819 : vector<16xf32>
      %mul3A_821 = arith.constant 2 : i32
      %mul3A_822 = arith.muli %mul3A_821, %scan3A_466 : i32
      %add3A_823 = arith.constant 1 : i32
      %add3A_824 = arith.addi %mul3A_822, %add3A_823 : i32
      %swap3A_825 = arith.constant 0 : i32
      %swap3A_826 = arith.constant 0 : i32
      %swap3A_827 = tpu.memref_slice %arg7[%scan3A_171, %swap3A_825, %swap3A_826] : memref<3x64x128xf32, #tpu.memory_space<vmem>> -> memref<1x64x128xf32, #tpu.memory_space<vmem>>
      %swap3A_828 = tpu.memref_squeeze %swap3A_827 : memref<1x64x128xf32, #tpu.memory_space<vmem>> -> memref<64x128xf32, #tpu.memory_space<vmem>>
      %swap3A_829 = arith.index_cast %add3A_824 : i32 to index
      %swap3A_830 = arith.constant 0 : index
      %swap3A_831 = tpu.vector_load %swap3A_828[%swap3A_829, %swap3A_830] {strides = array<i32>} : memref<64x128xf32, #tpu.memory_space<vmem>>, vector<1x16xf32>,
      %swap3A_832 = vector.shape_cast %swap3A_831 : vector<1x16xf32> to vector<16xf32>
      %swap3A_833 = vector.shape_cast %add3A_820 : vector<16xf32> to vector<1x16xf32>
      tpu.vector_store %swap3A_828[%swap3A_829, %swap3A_830], %swap3A_833 {strides = array<i32>} : memref<64x128xf32, #tpu.memory_space<vmem>>, vector<1x16xf32>,
      %mul3A_834 = arith.constant 2 : i32
      %mul3A_835 = arith.muli %mul3A_834, %scan3A_466 : i32
      %add3A_836 = arith.constant 1 : i32
      %add3A_837 = arith.addi %mul3A_835, %add3A_836 : i32
      %get3A_838 = arith.constant 0 : i32
      %get3A_839 = arith.constant 0 : i32
      %get3A_840 = tpu.memref_slice %arg7[%scan3A_171, %get3A_838, %get3A_839] : memref<3x64x128xf32, #tpu.memory_space<vmem>> -> memref<1x64x128xf32, #tpu.memory_space<vmem>>
      %get3A_841 = tpu.memref_squeeze %get3A_840 : memref<1x64x128xf32, #tpu.memory_space<vmem>> -> memref<64x128xf32, #tpu.memory_space<vmem>>
      %get3A_842 = arith.index_cast %add3A_837 : i32 to index
      %get3A_843 = arith.constant 16 : index
      %get3A_844 = tpu.vector_load %get3A_841[%get3A_842, %get3A_843] {strides = array<i32>} : memref<64x128xf32, #tpu.memory_space<vmem>>, vector<1x16xf32>,
      %get3A_845 = vector.shape_cast %get3A_844 : vector<1x16xf32> to vector<16xf32>
      %mul3A_846 = arith.constant 11.3137083 : f32
      %mul3A_847 = vector.broadcast %mul3A_846 : f32 to vector<16xf32>
      %mul3A_848 = arith.mulf %get3A_845, %mul3A_847 : vector<16xf32>
      %mul3A_849 = arith.constant 2 : i32
      %mul3A_850 = arith.muli %mul3A_849, %scan3A_466 : i32
      %add3A_851 = arith.constant 1 : i32
      %add3A_852 = arith.addi %mul3A_850, %add3A_851 : i32
      %get3A_853 = arith.constant 0 : i32
      %get3A_854 = arith.constant 0 : i32
      %get3A_855 = tpu.memref_slice %arg8[%scan3A_172, %get3A_853, %get3A_854] : memref<3x64x128xf32, #tpu.memory_space<vmem>> -> memref<1x64x128xf32, #tpu.memory_space<vmem>>
      %get3A_856 = tpu.memref_squeeze %get3A_855 : memref<1x64x128xf32, #tpu.memory_space<vmem>> -> memref<64x128xf32, #tpu.memory_space<vmem>>
      %get3A_857 = arith.index_cast %add3A_852 : i32 to index
      %get3A_858 = arith.constant 16 : index
      %get3A_859 = tpu.vector_load %get3A_856[%get3A_857, %get3A_858] {strides = array<i32>} : memref<64x128xf32, #tpu.memory_space<vmem>>, vector<1x16xf32>,
      %get3A_860 = vector.shape_cast %get3A_859 : vector<1x16xf32> to vector<16xf32>
      %add3A_861 = arith.addf %mul3A_848, %get3A_860 : vector<16xf32>
      %mul3A_862 = arith.constant 2 : i32
      %mul3A_863 = arith.muli %mul3A_862, %scan3A_466 : i32
      %add3A_864 = arith.constant 1 : i32
      %add3A_865 = arith.addi %mul3A_863, %add3A_864 : i32
      %swap3A_866 = arith.constant 0 : i32
      %swap3A_867 = arith.constant 0 : i32
      %swap3A_868 = tpu.memref_slice %arg7[%scan3A_171, %swap3A_866, %swap3A_867] : memref<3x64x128xf32, #tpu.memory_space<vmem>> -> memref<1x64x128xf32, #tpu.memory_space<vmem>>
      %swap3A_869 = tpu.memref_squeeze %swap3A_868 : memref<1x64x128xf32, #tpu.memory_space<vmem>> -> memref<64x128xf32, #tpu.memory_space<vmem>>
      %swap3A_870 = arith.index_cast %add3A_865 : i32 to index
      %swap3A_871 = arith.constant 16 : index
      %swap3A_872 = tpu.vector_load %swap3A_869[%swap3A_870, %swap3A_871] {strides = array<i32>} : memref<64x128xf32, #tpu.memory_space<vmem>>, vector<1x16xf32>,
      %swap3A_873 = vector.shape_cast %swap3A_872 : vector<1x16xf32> to vector<16xf32>
      %swap3A_874 = vector.shape_cast %add3A_861 : vector<16xf32> to vector<1x16xf32>
      tpu.vector_store %swap3A_869[%swap3A_870, %swap3A_871], %swap3A_874 {strides = array<i32>} : memref<64x128xf32, #tpu.memory_space<vmem>>, vector<1x16xf32>,
      %mul3A_875 = arith.constant 2 : i32
      %mul3A_876 = arith.muli %mul3A_875, %scan3A_466 : i32
      %add3A_877 = arith.constant 1 : i32
      %add3A_878 = arith.addi %mul3A_876, %add3A_877 : i32
      %get3A_879 = arith.constant 0 : i32
      %get3A_880 = arith.constant 0 : i32
      %get3A_881 = tpu.memref_slice %arg7[%scan3A_171, %get3A_879, %get3A_880] : memref<3x64x128xf32, #tpu.memory_space<vmem>> -> memref<1x64x128xf32, #tpu.memory_space<vmem>>
      %get3A_882 = tpu.memref_squeeze %get3A_881 : memref<1x64x128xf32, #tpu.memory_space<vmem>> -> memref<64x128xf32, #tpu.memory_space<vmem>>
      %get3A_883 = arith.index_cast %add3A_878 : i32 to index
      %get3A_884 = arith.constant 32 : index
      %get3A_885 = tpu.vector_load %get3A_882[%get3A_883, %get3A_884] {strides = array<i32>} : memref<64x128xf32, #tpu.memory_space<vmem>>, vector<1x16xf32>,
      %get3A_886 = vector.shape_cast %get3A_885 : vector<1x16xf32> to vector<16xf32>
      %mul3A_887 = arith.constant 11.3137083 : f32
      %mul3A_888 = vector.broadcast %mul3A_887 : f32 to vector<16xf32>
      %mul3A_889 = arith.mulf %get3A_886, %mul3A_888 : vector<16xf32>
      %mul3A_890 = arith.constant 2 : i32
      %mul3A_891 = arith.muli %mul3A_890, %scan3A_466 : i32
      %add3A_892 = arith.constant 1 : i32
      %add3A_893 = arith.addi %mul3A_891, %add3A_892 : i32
      %get3A_894 = arith.constant 0 : i32
      %get3A_895 = arith.constant 0 : i32
      %get3A_896 = tpu.memref_slice %arg8[%scan3A_172, %get3A_894, %get3A_895] : memref<3x64x128xf32, #tpu.memory_space<vmem>> -> memref<1x64x128xf32, #tpu.memory_space<vmem>>
      %get3A_897 = tpu.memref_squeeze %get3A_896 : memref<1x64x128xf32, #tpu.memory_space<vmem>> -> memref<64x128xf32, #tpu.memory_space<vmem>>
      %get3A_898 = arith.index_cast %add3A_893 : i32 to index
      %get3A_899 = arith.constant 32 : index
      %get3A_900 = tpu.vector_load %get3A_897[%get3A_898, %get3A_899] {strides = array<i32>} : memref<64x128xf32, #tpu.memory_space<vmem>>, vector<1x16xf32>,
      %get3A_901 = vector.shape_cast %get3A_900 : vector<1x16xf32> to vector<16xf32>
      %add3A_902 = arith.addf %mul3A_889, %get3A_901 : vector<16xf32>
      %mul3A_903 = arith.constant 2 : i32
      %mul3A_904 = arith.muli %mul3A_903, %scan3A_466 : i32
      %add3A_905 = arith.constant 1 : i32
      %add3A_906 = arith.addi %mul3A_904, %add3A_905 : i32
      %swap3A_907 = arith.constant 0 : i32
      %swap3A_908 = arith.constant 0 : i32
      %swap3A_909 = tpu.memref_slice %arg7[%scan3A_171, %swap3A_907, %swap3A_908] : memref<3x64x128xf32, #tpu.memory_space<vmem>> -> memref<1x64x128xf32, #tpu.memory_space<vmem>>
      %swap3A_910 = tpu.memref_squeeze %swap3A_909 : memref<1x64x128xf32, #tpu.memory_space<vmem>> -> memref<64x128xf32, #tpu.memory_space<vmem>>
      %swap3A_911 = arith.index_cast %add3A_906 : i32 to index
      %swap3A_912 = arith.constant 32 : index
      %swap3A_913 = tpu.vector_load %swap3A_910[%swap3A_911, %swap3A_912] {strides = array<i32>} : memref<64x128xf32, #tpu.memory_space<vmem>>, vector<1x16xf32>,
      %swap3A_914 = vector.shape_cast %swap3A_913 : vector<1x16xf32> to vector<16xf32>
      %swap3A_915 = vector.shape_cast %add3A_902 : vector<16xf32> to vector<1x16xf32>
      tpu.vector_store %swap3A_910[%swap3A_911, %swap3A_912], %swap3A_915 {strides = array<i32>} : memref<64x128xf32, #tpu.memory_space<vmem>>, vector<1x16xf32>,
      %mul3A_916 = arith.constant 2 : i32
      %mul3A_917 = arith.muli %mul3A_916, %scan3A_466 : i32
      %add3A_918 = arith.constant 1 : i32
      %add3A_919 = arith.addi %mul3A_917, %add3A_918 : i32
      %get3A_920 = arith.constant 0 : i32
      %get3A_921 = arith.constant 0 : i32
      %get3A_922 = tpu.memref_slice %arg7[%scan3A_171, %get3A_920, %get3A_921] : memref<3x64x128xf32, #tpu.memory_space<vmem>> -> memref<1x64x128xf32, #tpu.memory_space<vmem>>
      %get3A_923 = tpu.memref_squeeze %get3A_922 : memref<1x64x128xf32, #tpu.memory_space<vmem>> -> memref<64x128xf32, #tpu.memory_space<vmem>>
      %get3A_924 = arith.index_cast %add3A_919 : i32 to index
      %get3A_925 = arith.constant 48 : index
      %get3A_926 = tpu.vector_load %get3A_923[%get3A_924, %get3A_925] {strides = array<i32>} : memref<64x128xf32, #tpu.memory_space<vmem>>, vector<1x16xf32>,
      %get3A_927 = vector.shape_cast %get3A_926 : vector<1x16xf32> to vector<16xf32>
      %mul3A_928 = arith.constant 11.3137083 : f32
      %mul3A_929 = vector.broadcast %mul3A_928 : f32 to vector<16xf32>
      %mul3A_930 = arith.mulf %get3A_927, %mul3A_929 : vector<16xf32>
      %mul3A_931 = arith.constant 2 : i32
      %mul3A_932 = arith.muli %mul3A_931, %scan3A_466 : i32
      %add3A_933 = arith.constant 1 : i32
      %add3A_934 = arith.addi %mul3A_932, %add3A_933 : i32
      %get3A_935 = arith.constant 0 : i32
      %get3A_936 = arith.constant 0 : i32
      %get3A_937 = tpu.memref_slice %arg8[%scan3A_172, %get3A_935, %get3A_936] : memref<3x64x128xf32, #tpu.memory_space<vmem>> -> memref<1x64x128xf32, #tpu.memory_space<vmem>>
      %get3A_938 = tpu.memref_squeeze %get3A_937 : memref<1x64x128xf32, #tpu.memory_space<vmem>> -> memref<64x128xf32, #tpu.memory_space<vmem>>
      %get3A_939 = arith.index_cast %add3A_934 : i32 to index
      %get3A_940 = arith.constant 48 : index
      %get3A_941 = tpu.vector_load %get3A_938[%get3A_939, %get3A_940] {strides = array<i32>} : memref<64x128xf32, #tpu.memory_space<vmem>>, vector<1x16xf32>,
      %get3A_942 = vector.shape_cast %get3A_941 : vector<1x16xf32> to vector<16xf32>
      %add3A_943 = arith.addf %mul3A_930, %get3A_942 : vector<16xf32>
      %mul3A_944 = arith.constant 2 : i32
      %mul3A_945 = arith.muli %mul3A_944, %scan3A_466 : i32
      %add3A_946 = arith.constant 1 : i32
      %add3A_947 = arith.addi %mul3A_945, %add3A_946 : i32
      %swap3A_948 = arith.constant 0 : i32
      %swap3A_949 = arith.constant 0 : i32
      %swap3A_950 = tpu.memref_slice %arg7[%scan3A_171, %swap3A_948, %swap3A_949] : memref<3x64x128xf32, #tpu.memory_space<vmem>> -> memref<1x64x128xf32, #tpu.memory_space<vmem>>
      %swap3A_951 = tpu.memref_squeeze %swap3A_950 : memref<1x64x128xf32, #tpu.memory_space<vmem>> -> memref<64x128xf32, #tpu.memory_space<vmem>>
      %swap3A_952 = arith.index_cast %add3A_947 : i32 to index
      %swap3A_953 = arith.constant 48 : index
      %swap3A_954 = tpu.vector_load %swap3A_951[%swap3A_952, %swap3A_953] {strides = array<i32>} : memref<64x128xf32, #tpu.memory_space<vmem>>, vector<1x16xf32>,
      %swap3A_955 = vector.shape_cast %swap3A_954 : vector<1x16xf32> to vector<16xf32>
      %swap3A_956 = vector.shape_cast %add3A_943 : vector<16xf32> to vector<1x16xf32>
      tpu.vector_store %swap3A_951[%swap3A_952, %swap3A_953], %swap3A_956 {strides = array<i32>} : memref<64x128xf32, #tpu.memory_space<vmem>>, vector<1x16xf32>,
      %mul3A_957 = arith.constant 2 : i32
      %mul3A_958 = arith.muli %mul3A_957, %scan3A_466 : i32
      %add3A_959 = arith.constant 1 : i32
      %add3A_960 = arith.addi %mul3A_958, %add3A_959 : i32
      %get3A_961 = arith.constant 0 : i32
      %get3A_962 = arith.constant 0 : i32
      %get3A_963 = tpu.memref_slice %arg7[%scan3A_171, %get3A_961, %get3A_962] : memref<3x64x128xf32, #tpu.memory_space<vmem>> -> memref<1x64x128xf32, #tpu.memory_space<vmem>>
      %get3A_964 = tpu.memref_squeeze %get3A_963 : memref<1x64x128xf32, #tpu.memory_space<vmem>> -> memref<64x128xf32, #tpu.memory_space<vmem>>
      %get3A_965 = arith.index_cast %add3A_960 : i32 to index
      %get3A_966 = arith.constant 64 : index
      %get3A_967 = tpu.vector_load %get3A_964[%get3A_965, %get3A_966] {strides = array<i32>} : memref<64x128xf32, #tpu.memory_space<vmem>>, vector<1x16xf32>,
      %get3A_968 = vector.shape_cast %get3A_967 : vector<1x16xf32> to vector<16xf32>
      %mul3A_969 = arith.constant 11.3137083 : f32
      %mul3A_970 = vector.broadcast %mul3A_969 : f32 to vector<16xf32>
      %mul3A_971 = arith.mulf %get3A_968, %mul3A_970 : vector<16xf32>
      %mul3A_972 = arith.constant 2 : i32
      %mul3A_973 = arith.muli %mul3A_972, %scan3A_466 : i32
      %add3A_974 = arith.constant 1 : i32
      %add3A_975 = arith.addi %mul3A_973, %add3A_974 : i32
      %get3A_976 = arith.constant 0 : i32
      %get3A_977 = arith.constant 0 : i32
      %get3A_978 = tpu.memref_slice %arg8[%scan3A_172, %get3A_976, %get3A_977] : memref<3x64x128xf32, #tpu.memory_space<vmem>> -> memref<1x64x128xf32, #tpu.memory_space<vmem>>
      %get3A_979 = tpu.memref_squeeze %get3A_978 : memref<1x64x128xf32, #tpu.memory_space<vmem>> -> memref<64x128xf32, #tpu.memory_space<vmem>>
      %get3A_980 = arith.index_cast %add3A_975 : i32 to index
      %get3A_981 = arith.constant 64 : index
      %get3A_982 = tpu.vector_load %get3A_979[%get3A_980, %get3A_981] {strides = array<i32>} : memref<64x128xf32, #tpu.memory_space<vmem>>, vector<1x16xf32>,
      %get3A_983 = vector.shape_cast %get3A_982 : vector<1x16xf32> to vector<16xf32>
      %add3A_984 = arith.addf %mul3A_971, %get3A_983 : vector<16xf32>
      %mul3A_985 = arith.constant 2 : i32
      %mul3A_986 = arith.muli %mul3A_985, %scan3A_466 : i32
      %add3A_987 = arith.constant 1 : i32
      %add3A_988 = arith.addi %mul3A_986, %add3A_987 : i32
      %swap3A_989 = arith.constant 0 : i32
      %swap3A_990 = arith.constant 0 : i32
      %swap3A_991 = tpu.memref_slice %arg7[%scan3A_171, %swap3A_989, %swap3A_990] : memref<3x64x128xf32, #tpu.memory_space<vmem>> -> memref<1x64x128xf32, #tpu.memory_space<vmem>>
      %swap3A_992 = tpu.memref_squeeze %swap3A_991 : memref<1x64x128xf32, #tpu.memory_space<vmem>> -> memref<64x128xf32, #tpu.memory_space<vmem>>
      %swap3A_993 = arith.index_cast %add3A_988 : i32 to index
      %swap3A_994 = arith.constant 64 : index
      %swap3A_995 = tpu.vector_load %swap3A_992[%swap3A_993, %swap3A_994] {strides = array<i32>} : memref<64x128xf32, #tpu.memory_space<vmem>>, vector<1x16xf32>,
      %swap3A_996 = vector.shape_cast %swap3A_995 : vector<1x16xf32> to vector<16xf32>
      %swap3A_997 = vector.shape_cast %add3A_984 : vector<16xf32> to vector<1x16xf32>
      tpu.vector_store %swap3A_992[%swap3A_993, %swap3A_994], %swap3A_997 {strides = array<i32>} : memref<64x128xf32, #tpu.memory_space<vmem>>, vector<1x16xf32>,
      %mul3A_998 = arith.constant 2 : i32
      %mul3A_999 = arith.muli %mul3A_998, %scan3A_466 : i32
      %add3A_1000 = arith.constant 1 : i32
      %add3A_1001 = arith.addi %mul3A_999, %add3A_1000 : i32
      %get3A_1002 = arith.constant 0 : i32
      %get3A_1003 = arith.constant 0 : i32
      %get3A_1004 = tpu.memref_slice %arg7[%scan3A_171, %get3A_1002, %get3A_1003] : memref<3x64x128xf32, #tpu.memory_space<vmem>> -> memref<1x64x128xf32, #tpu.memory_space<vmem>>
      %get3A_1005 = tpu.memref_squeeze %get3A_1004 : memref<1x64x128xf32, #tpu.memory_space<vmem>> -> memref<64x128xf32, #tpu.memory_space<vmem>>
      %get3A_1006 = arith.index_cast %add3A_1001 : i32 to index
      %get3A_1007 = arith.constant 80 : index
      %get3A_1008 = tpu.vector_load %get3A_1005[%get3A_1006, %get3A_1007] {strides = array<i32>} : memref<64x128xf32, #tpu.memory_space<vmem>>, vector<1x16xf32>,
      %get3A_1009 = vector.shape_cast %get3A_1008 : vector<1x16xf32> to vector<16xf32>
      %mul3A_1010 = arith.constant 11.3137083 : f32
      %mul3A_1011 = vector.broadcast %mul3A_1010 : f32 to vector<16xf32>
      %mul3A_1012 = arith.mulf %get3A_1009, %mul3A_1011 : vector<16xf32>
      %mul3A_1013 = arith.constant 2 : i32
      %mul3A_1014 = arith.muli %mul3A_1013, %scan3A_466 : i32
      %add3A_1015 = arith.constant 1 : i32
      %add3A_1016 = arith.addi %mul3A_1014, %add3A_1015 : i32
      %get3A_1017 = arith.constant 0 : i32
      %get3A_1018 = arith.constant 0 : i32
      %get3A_1019 = tpu.memref_slice %arg8[%scan3A_172, %get3A_1017, %get3A_1018] : memref<3x64x128xf32, #tpu.memory_space<vmem>> -> memref<1x64x128xf32, #tpu.memory_space<vmem>>
      %get3A_1020 = tpu.memref_squeeze %get3A_1019 : memref<1x64x128xf32, #tpu.memory_space<vmem>> -> memref<64x128xf32, #tpu.memory_space<vmem>>
      %get3A_1021 = arith.index_cast %add3A_1016 : i32 to index
      %get3A_1022 = arith.constant 80 : index
      %get3A_1023 = tpu.vector_load %get3A_1020[%get3A_1021, %get3A_1022] {strides = array<i32>} : memref<64x128xf32, #tpu.memory_space<vmem>>, vector<1x16xf32>,
      %get3A_1024 = vector.shape_cast %get3A_1023 : vector<1x16xf32> to vector<16xf32>
      %add3A_1025 = arith.addf %mul3A_1012, %get3A_1024 : vector<16xf32>
      %mul3A_1026 = arith.constant 2 : i32
      %mul3A_1027 = arith.muli %mul3A_1026, %scan3A_466 : i32
      %add3A_1028 = arith.constant 1 : i32
      %add3A_1029 = arith.addi %mul3A_1027, %add3A_1028 : i32
      %swap3A_1030 = arith.constant 0 : i32
      %swap3A_1031 = arith.constant 0 : i32
      %swap3A_1032 = tpu.memref_slice %arg7[%scan3A_171, %swap3A_1030, %swap3A_1031] : memref<3x64x128xf32, #tpu.memory_space<vmem>> -> memref<1x64x128xf32, #tpu.memory_space<vmem>>
      %swap3A_1033 = tpu.memref_squeeze %swap3A_1032 : memref<1x64x128xf32, #tpu.memory_space<vmem>> -> memref<64x128xf32, #tpu.memory_space<vmem>>
      %swap3A_1034 = arith.index_cast %add3A_1029 : i32 to index
      %swap3A_1035 = arith.constant 80 : index
      %swap3A_1036 = tpu.vector_load %swap3A_1033[%swap3A_1034, %swap3A_1035] {strides = array<i32>} : memref<64x128xf32, #tpu.memory_space<vmem>>, vector<1x16xf32>,
      %swap3A_1037 = vector.shape_cast %swap3A_1036 : vector<1x16xf32> to vector<16xf32>
      %swap3A_1038 = vector.shape_cast %add3A_1025 : vector<16xf32> to vector<1x16xf32>
      tpu.vector_store %swap3A_1033[%swap3A_1034, %swap3A_1035], %swap3A_1038 {strides = array<i32>} : memref<64x128xf32, #tpu.memory_space<vmem>>, vector<1x16xf32>,
      %mul3A_1039 = arith.constant 2 : i32
      %mul3A_1040 = arith.muli %mul3A_1039, %scan3A_466 : i32
      %add3A_1041 = arith.constant 1 : i32
      %add3A_1042 = arith.addi %mul3A_1040, %add3A_1041 : i32
      %get3A_1043 = arith.constant 0 : i32
      %get3A_1044 = arith.constant 0 : i32
      %get3A_1045 = tpu.memref_slice %arg7[%scan3A_171, %get3A_1043, %get3A_1044] : memref<3x64x128xf32, #tpu.memory_space<vmem>> -> memref<1x64x128xf32, #tpu.memory_space<vmem>>
      %get3A_1046 = tpu.memref_squeeze %get3A_1045 : memref<1x64x128xf32, #tpu.memory_space<vmem>> -> memref<64x128xf32, #tpu.memory_space<vmem>>
      %get3A_1047 = arith.index_cast %add3A_1042 : i32 to index
      %get3A_1048 = arith.constant 96 : index
      %get3A_1049 = tpu.vector_load %get3A_1046[%get3A_1047, %get3A_1048] {strides = array<i32>} : memref<64x128xf32, #tpu.memory_space<vmem>>, vector<1x16xf32>,
      %get3A_1050 = vector.shape_cast %get3A_1049 : vector<1x16xf32> to vector<16xf32>
      %mul3A_1051 = arith.constant 11.3137083 : f32
      %mul3A_1052 = vector.broadcast %mul3A_1051 : f32 to vector<16xf32>
      %mul3A_1053 = arith.mulf %get3A_1050, %mul3A_1052 : vector<16xf32>
      %mul3A_1054 = arith.constant 2 : i32
      %mul3A_1055 = arith.muli %mul3A_1054, %scan3A_466 : i32
      %add3A_1056 = arith.constant 1 : i32
      %add3A_1057 = arith.addi %mul3A_1055, %add3A_1056 : i32
      %get3A_1058 = arith.constant 0 : i32
      %get3A_1059 = arith.constant 0 : i32
      %get3A_1060 = tpu.memref_slice %arg8[%scan3A_172, %get3A_1058, %get3A_1059] : memref<3x64x128xf32, #tpu.memory_space<vmem>> -> memref<1x64x128xf32, #tpu.memory_space<vmem>>
      %get3A_1061 = tpu.memref_squeeze %get3A_1060 : memref<1x64x128xf32, #tpu.memory_space<vmem>> -> memref<64x128xf32, #tpu.memory_space<vmem>>
      %get3A_1062 = arith.index_cast %add3A_1057 : i32 to index
      %get3A_1063 = arith.constant 96 : index
      %get3A_1064 = tpu.vector_load %get3A_1061[%get3A_1062, %get3A_1063] {strides = array<i32>} : memref<64x128xf32, #tpu.memory_space<vmem>>, vector<1x16xf32>,
      %get3A_1065 = vector.shape_cast %get3A_1064 : vector<1x16xf32> to vector<16xf32>
      %add3A_1066 = arith.addf %mul3A_1053, %get3A_1065 : vector<16xf32>
      %mul3A_1067 = arith.constant 2 : i32
      %mul3A_1068 = arith.muli %mul3A_1067, %scan3A_466 : i32
      %add3A_1069 = arith.constant 1 : i32
      %add3A_1070 = arith.addi %mul3A_1068, %add3A_1069 : i32
      %swap3A_1071 = arith.constant 0 : i32
      %swap3A_1072 = arith.constant 0 : i32
      %swap3A_1073 = tpu.memref_slice %arg7[%scan3A_171, %swap3A_1071, %swap3A_1072] : memref<3x64x128xf32, #tpu.memory_space<vmem>> -> memref<1x64x128xf32, #tpu.memory_space<vmem>>
      %swap3A_1074 = tpu.memref_squeeze %swap3A_1073 : memref<1x64x128xf32, #tpu.memory_space<vmem>> -> memref<64x128xf32, #tpu.memory_space<vmem>>
      %swap3A_1075 = arith.index_cast %add3A_1070 : i32 to index
      %swap3A_1076 = arith.constant 96 : index
      %swap3A_1077 = tpu.vector_load %swap3A_1074[%swap3A_1075, %swap3A_1076] {strides = array<i32>} : memref<64x128xf32, #tpu.memory_space<vmem>>, vector<1x16xf32>,
      %swap3A_1078 = vector.shape_cast %swap3A_1077 : vector<1x16xf32> to vector<16xf32>
      %swap3A_1079 = vector.shape_cast %add3A_1066 : vector<16xf32> to vector<1x16xf32>
      tpu.vector_store %swap3A_1074[%swap3A_1075, %swap3A_1076], %swap3A_1079 {strides = array<i32>} : memref<64x128xf32, #tpu.memory_space<vmem>>, vector<1x16xf32>,
      %mul3A_1080 = arith.constant 2 : i32
      %mul3A_1081 = arith.muli %mul3A_1080, %scan3A_466 : i32
      %add3A_1082 = arith.constant 1 : i32
      %add3A_1083 = arith.addi %mul3A_1081, %add3A_1082 : i32
      %get3A_1084 = arith.constant 0 : i32
      %get3A_1085 = arith.constant 0 : i32
      %get3A_1086 = tpu.memref_slice %arg7[%scan3A_171, %get3A_1084, %get3A_1085] : memref<3x64x128xf32, #tpu.memory_space<vmem>> -> memref<1x64x128xf32, #tpu.memory_space<vmem>>
      %get3A_1087 = tpu.memref_squeeze %get3A_1086 : memref<1x64x128xf32, #tpu.memory_space<vmem>> -> memref<64x128xf32, #tpu.memory_space<vmem>>
      %get3A_1088 = arith.index_cast %add3A_1083 : i32 to index
      %get3A_1089 = arith.constant 112 : index
      %get3A_1090 = tpu.vector_load %get3A_1087[%get3A_1088, %get3A_1089] {strides = array<i32>} : memref<64x128xf32, #tpu.memory_space<vmem>>, vector<1x16xf32>,
      %get3A_1091 = vector.shape_cast %get3A_1090 : vector<1x16xf32> to vector<16xf32>
      %mul3A_1092 = arith.constant 11.3137083 : f32
      %mul3A_1093 = vector.broadcast %mul3A_1092 : f32 to vector<16xf32>
      %mul3A_1094 = arith.mulf %get3A_1091, %mul3A_1093 : vector<16xf32>
      %mul3A_1095 = arith.constant 2 : i32
      %mul3A_1096 = arith.muli %mul3A_1095, %scan3A_466 : i32
      %add3A_1097 = arith.constant 1 : i32
      %add3A_1098 = arith.addi %mul3A_1096, %add3A_1097 : i32
      %get3A_1099 = arith.constant 0 : i32
      %get3A_1100 = arith.constant 0 : i32
      %get3A_1101 = tpu.memref_slice %arg8[%scan3A_172, %get3A_1099, %get3A_1100] : memref<3x64x128xf32, #tpu.memory_space<vmem>> -> memref<1x64x128xf32, #tpu.memory_space<vmem>>
      %get3A_1102 = tpu.memref_squeeze %get3A_1101 : memref<1x64x128xf32, #tpu.memory_space<vmem>> -> memref<64x128xf32, #tpu.memory_space<vmem>>
      %get3A_1103 = arith.index_cast %add3A_1098 : i32 to index
      %get3A_1104 = arith.constant 112 : index
      %get3A_1105 = tpu.vector_load %get3A_1102[%get3A_1103, %get3A_1104] {strides = array<i32>} : memref<64x128xf32, #tpu.memory_space<vmem>>, vector<1x16xf32>,
      %get3A_1106 = vector.shape_cast %get3A_1105 : vector<1x16xf32> to vector<16xf32>
      %add3A_1107 = arith.addf %mul3A_1094, %get3A_1106 : vector<16xf32>
      %mul3A_1108 = arith.constant 2 : i32
      %mul3A_1109 = arith.muli %mul3A_1108, %scan3A_466 : i32
      %add3A_1110 = arith.constant 1 : i32
      %add3A_1111 = arith.addi %mul3A_1109, %add3A_1110 : i32
      %swap3A_1112 = arith.constant 0 : i32
      %swap3A_1113 = arith.constant 0 : i32
      %swap3A_1114 = tpu.memref_slice %arg7[%scan3A_171, %swap3A_1112, %swap3A_1113] : memref<3x64x128xf32, #tpu.memory_space<vmem>> -> memref<1x64x128xf32, #tpu.memory_space<vmem>>
      %swap3A_1115 = tpu.memref_squeeze %swap3A_1114 : memref<1x64x128xf32, #tpu.memory_space<vmem>> -> memref<64x128xf32, #tpu.memory_space<vmem>>
      %swap3A_1116 = arith.index_cast %add3A_1111 : i32 to index
      %swap3A_1117 = arith.constant 112 : index
      %swap3A_1118 = tpu.vector_load %swap3A_1115[%swap3A_1116, %swap3A_1117] {strides = array<i32>} : memref<64x128xf32, #tpu.memory_space<vmem>>, vector<1x16xf32>,
      %swap3A_1119 = vector.shape_cast %swap3A_1118 : vector<1x16xf32> to vector<16xf32>
      %swap3A_1120 = vector.shape_cast %add3A_1107 : vector<16xf32> to vector<1x16xf32>
      tpu.vector_store %swap3A_1115[%swap3A_1116, %swap3A_1117], %swap3A_1120 {strides = array<i32>} : memref<64x128xf32, #tpu.memory_space<vmem>>, vector<1x16xf32>,
    }
    %scan3A_177 = arith.constant 32 : i32
    %add3A_178 = arith.constant 0 : i32
    %add3A_179 = arith.addi %mul3A_20, %add3A_178 : i32
    %dma_start3A_180 = arith.constant 0 : i32
    %dma_start3A_181 = arith.constant 0 : i32
    %dma_start3A_182 = arith.constant 0 : i32
    %dma_start3A_183 = tpu.memref_slice %arg7[%dma_start3A_180, %dma_start3A_181, %dma_start3A_182] : memref<3x64x128xf32, #tpu.memory_space<vmem>> -> memref<1x64x128xf32, #tpu.memory_space<vmem>>
    %dma_start3A_184 = tpu.memref_squeeze %dma_start3A_183 : memref<1x64x128xf32, #tpu.memory_space<vmem>> -> memref<64x128xf32, #tpu.memory_space<vmem>>
    %dma_start3A_185 = arith.constant 0 : i32
    %dma_start3A_186 = tpu.memref_slice %arg5[%select_n3A, %add3A_179, %dma_start3A_185] : memref<4x2048x128xf32, #tpu.memory_space<hbm>> -> memref<1x64x128xf32, #tpu.memory_space<hbm>>
    %dma_start3A_187 = tpu.memref_squeeze %dma_start3A_186 : memref<1x64x128xf32, #tpu.memory_space<hbm>> -> memref<64x128xf32, #tpu.memory_space<hbm>>
    %dma_start3A_188 = arith.constant 0 : i32
    %dma_start3A_189 = tpu.memref_slice %arg5[%select_n3A, %add3A_179, %dma_start3A_188] : memref<4x2048x128xf32, #tpu.memory_space<hbm>> -> memref<1x64x128xf32, #tpu.memory_space<hbm>>
    %dma_start3A_190 = tpu.memref_squeeze %dma_start3A_189 : memref<1x64x128xf32, #tpu.memory_space<hbm>> -> memref<64x128xf32, #tpu.memory_space<hbm>>
    %dma_start3A_191 = arith.constant 0 : i32
    %dma_start3A_192 = arith.constant 0 : i32
    %dma_start3A_193 = tpu.memref_slice %arg7[%dma_start3A_180, %dma_start3A_191, %dma_start3A_192] : memref<3x64x128xf32, #tpu.memory_space<vmem>> -> memref<1x64x128xf32, #tpu.memory_space<vmem>>
    %dma_start3A_194 = tpu.memref_squeeze %dma_start3A_193 : memref<1x64x128xf32, #tpu.memory_space<vmem>> -> memref<64x128xf32, #tpu.memory_space<vmem>>
    tpu.enqueue_dma source(%dma_start3A_194 : memref<64x128xf32, #tpu.memory_space<vmem>>) target(%dma_start3A_190 : memref<64x128xf32, #tpu.memory_space<hbm>>) target_semaphore(%arg18 : memref<!tpu.dma_semaphore, #tpu.memory_space<semaphore_mem>>)
    %dma_wait3A_195 = arith.constant 1 : i32
    %dma_wait3A_196 = arith.constant 0 : i32
    %dma_wait3A_197 = arith.constant 0 : i32
    %dma_wait3A_198 = tpu.memref_slice %arg7[%dma_wait3A_195, %dma_wait3A_196, %dma_wait3A_197] : memref<3x64x128xf32, #tpu.memory_space<vmem>> -> memref<1x64x128xf32, #tpu.memory_space<vmem>>
    %dma_wait3A_199 = tpu.memref_squeeze %dma_wait3A_198 : memref<1x64x128xf32, #tpu.memory_space<vmem>> -> memref<64x128xf32, #tpu.memory_space<vmem>>
    %dma_wait3A_200 = arith.constant 64 : i32
    %dma_wait3A_201 = tpu.memref_slice %arg6[%dma_wait3A_200] : memref<256xi32, #tpu.memory_space<vmem>> -> memref<64xi32, #tpu.memory_space<vmem>>
    %dma_wait3A_202 = arith.constant 0 : i32
    %dma_wait3A_203 = arith.constant 0 : i32
    %dma_wait3A_204 = tpu.memref_slice %arg3[%dma_wait3A_202, %dma_wait3A_203] : memref<1000000x128xf32, #tpu.memory_space<hbm>> -> memref<1000000x128xf32, #tpu.memory_space<hbm>>
    tpu.wait_indirect_dma semaphore(%arg13 : memref<!tpu.dma_semaphore, #tpu.memory_space<semaphore_mem>>) src(%dma_wait3A_204 : memref<1000000x128xf32, #tpu.memory_space<hbm>>) dst(%dma_wait3A_199 : memref<64x128xf32, #tpu.memory_space<vmem>>)
    %dma_wait3A_205 = arith.constant 1 : i32
    %dma_wait3A_206 = arith.constant 0 : i32
    %dma_wait3A_207 = arith.constant 0 : i32
    %dma_wait3A_208 = tpu.memref_slice %arg8[%dma_wait3A_205, %dma_wait3A_206, %dma_wait3A_207] : memref<3x64x128xf32, #tpu.memory_space<vmem>> -> memref<1x64x128xf32, #tpu.memory_space<vmem>>
    %dma_wait3A_209 = tpu.memref_squeeze %dma_wait3A_208 : memref<1x64x128xf32, #tpu.memory_space<vmem>> -> memref<64x128xf32, #tpu.memory_space<vmem>>
    %dma_wait3A_210 = arith.constant 0 : i32
    %dma_wait3A_211 = tpu.memref_slice %arg9[%add3A_109, %dma_wait3A_210] : memref<1024x128xf32, #tpu.memory_space<vmem_shared>> -> memref<64x128xf32, #tpu.memory_space<vmem_shared>>
    %dma_wait3A_212 = arith.constant 0 : i32
    %dma_wait3A_213 = arith.constant 0 : i32
    %dma_wait3A_214 = tpu.memref_slice %arg8[%dma_wait3A_205, %dma_wait3A_212, %dma_wait3A_213] : memref<3x64x128xf32, #tpu.memory_space<vmem>> -> memref<1x64x128xf32, #tpu.memory_space<vmem>>
    %dma_wait3A_215 = tpu.memref_squeeze %dma_wait3A_214 : memref<1x64x128xf32, #tpu.memory_space<vmem>> -> memref<64x128xf32, #tpu.memory_space<vmem>>
    %dma_wait3A_216 = arith.constant 0 : i32
    %dma_wait3A_217 = tpu.memref_slice %arg9[%add3A_109, %dma_wait3A_216] : memref<1024x128xf32, #tpu.memory_space<vmem_shared>> -> memref<64x128xf32, #tpu.memory_space<vmem_shared>>
    tpu.wait_dma2 semaphore(%arg16 : memref<!tpu.dma_semaphore, #tpu.memory_space<semaphore_mem>>) src(%dma_wait3A_217 : memref<64x128xf32, #tpu.memory_space<vmem_shared>>) dst(%dma_wait3A_215 : memref<64x128xf32, #tpu.memory_space<vmem>>)
    %dma_wait3A_218 = arith.constant 0 : i32
    %dma_wait3A_219 = arith.constant 0 : i32
    %dma_wait3A_220 = arith.constant 0 : i32
    %dma_wait3A_221 = tpu.memref_slice %arg7[%dma_wait3A_218, %dma_wait3A_219, %dma_wait3A_220] : memref<3x64x128xf32, #tpu.memory_space<vmem>> -> memref<1x64x128xf32, #tpu.memory_space<vmem>>
    %dma_wait3A_222 = tpu.memref_squeeze %dma_wait3A_221 : memref<1x64x128xf32, #tpu.memory_space<vmem>> -> memref<64x128xf32, #tpu.memory_space<vmem>>
    %dma_wait3A_223 = arith.constant 0 : i32
    %dma_wait3A_224 = tpu.memref_slice %arg5[%select_n3A, %add3A_179, %dma_wait3A_223] : memref<4x2048x128xf32, #tpu.memory_space<hbm>> -> memref<1x64x128xf32, #tpu.memory_space<hbm>>
    %dma_wait3A_225 = tpu.memref_squeeze %dma_wait3A_224 : memref<1x64x128xf32, #tpu.memory_space<hbm>> -> memref<64x128xf32, #tpu.memory_space<hbm>>
    %dma_wait3A_226 = arith.constant 0 : i32
    %dma_wait3A_227 = tpu.memref_slice %arg5[%select_n3A, %add3A_179, %dma_wait3A_226] : memref<4x2048x128xf32, #tpu.memory_space<hbm>> -> memref<1x64x128xf32, #tpu.memory_space<hbm>>
    %dma_wait3A_228 = tpu.memref_squeeze %dma_wait3A_227 : memref<1x64x128xf32, #tpu.memory_space<hbm>> -> memref<64x128xf32, #tpu.memory_space<hbm>>
    %dma_wait3A_229 = arith.constant 0 : i32
    %dma_wait3A_230 = arith.constant 0 : i32
    %dma_wait3A_231 = tpu.memref_slice %arg7[%dma_wait3A_218, %dma_wait3A_229, %dma_wait3A_230] : memref<3x64x128xf32, #tpu.memory_space<vmem>> -> memref<1x64x128xf32, #tpu.memory_space<vmem>>
    %dma_wait3A_232 = tpu.memref_squeeze %dma_wait3A_231 : memref<1x64x128xf32, #tpu.memory_space<vmem>> -> memref<64x128xf32, #tpu.memory_space<vmem>>
    tpu.wait_dma2 semaphore(%arg18 : memref<!tpu.dma_semaphore, #tpu.memory_space<semaphore_mem>>) src(%dma_wait3A_232 : memref<64x128xf32, #tpu.memory_space<vmem>>) dst(%dma_wait3A_228 : memref<64x128xf32, #tpu.memory_space<hbm>>)
    %dma_start3A_233 = arith.constant 0 : i32
    %dma_start3A_234 = arith.constant 0 : i32
    %dma_start3A_235 = arith.constant 0 : i32
    %dma_start3A_236 = tpu.memref_slice %arg7[%dma_start3A_233, %dma_start3A_234, %dma_start3A_235] : memref<3x64x128xf32, #tpu.memory_space<vmem>> -> memref<1x64x128xf32, #tpu.memory_space<vmem>>
    %dma_start3A_237 = tpu.memref_squeeze %dma_start3A_236 : memref<1x64x128xf32, #tpu.memory_space<vmem>> -> memref<64x128xf32, #tpu.memory_space<vmem>>
    %dma_start3A_238 = arith.constant 192 : i32
    %dma_start3A_239 = tpu.memref_slice %arg6[%dma_start3A_238] : memref<256xi32, #tpu.memory_space<vmem>> -> memref<64xi32, #tpu.memory_space<vmem>>
    %dma_start3A_240 = arith.constant 0 : i32
    %dma_start3A_241 = arith.constant 0 : i32
    %dma_start3A_242 = tpu.memref_slice %arg3[%dma_start3A_240, %dma_start3A_241] : memref<1000000x128xf32, #tpu.memory_space<hbm>> -> memref<1000000x128xf32, #tpu.memory_space<hbm>>
    tpu.enqueue_indirect_dma source(%dma_start3A_242 : memref<1000000x128xf32, #tpu.memory_space<hbm>>) target(%dma_start3A_237 : memref<64x128xf32, #tpu.memory_space<vmem>>) offsets(%dma_start3A_239 : memref<64xi32, #tpu.memory_space<vmem>>) semaphore(%arg12 : memref<!tpu.dma_semaphore, #tpu.memory_space<semaphore_mem>>)
    %add3A_243 = arith.constant 192 : i32
    %add3A_244 = arith.addi %mul3A_68, %add3A_243 : i32
    %dma_start3A_245 = arith.constant 0 : i32
    %dma_start3A_246 = arith.constant 0 : i32
    %dma_start3A_247 = arith.constant 0 : i32
    %dma_start3A_248 = tpu.memref_slice %arg8[%dma_start3A_245, %dma_start3A_246, %dma_start3A_247] : memref<3x64x128xf32, #tpu.memory_space<vmem>> -> memref<1x64x128xf32, #tpu.memory_space<vmem>>
    %dma_start3A_249 = tpu.memref_squeeze %dma_start3A_248 : memref<1x64x128xf32, #tpu.memory_space<vmem>> -> memref<64x128xf32, #tpu.memory_space<vmem>>
    %dma_start3A_250 = arith.constant 0 : i32
    %dma_start3A_251 = tpu.memref_slice %arg9[%add3A_244, %dma_start3A_250] : memref<1024x128xf32, #tpu.memory_space<vmem_shared>> -> memref<64x128xf32, #tpu.memory_space<vmem_shared>>
    %dma_start3A_252 = arith.constant 0 : i32
    %dma_start3A_253 = arith.constant 0 : i32
    %dma_start3A_254 = tpu.memref_slice %arg8[%dma_start3A_245, %dma_start3A_252, %dma_start3A_253] : memref<3x64x128xf32, #tpu.memory_space<vmem>> -> memref<1x64x128xf32, #tpu.memory_space<vmem>>
    %dma_start3A_255 = tpu.memref_squeeze %dma_start3A_254 : memref<1x64x128xf32, #tpu.memory_space<vmem>> -> memref<64x128xf32, #tpu.memory_space<vmem>>
    %dma_start3A_256 = arith.constant 0 : i32
    %dma_start3A_257 = tpu.memref_slice %arg9[%add3A_244, %dma_start3A_256] : memref<1024x128xf32, #tpu.memory_space<vmem_shared>> -> memref<64x128xf32, #tpu.memory_space<vmem_shared>>
    tpu.enqueue_dma source(%dma_start3A_257 : memref<64x128xf32, #tpu.memory_space<vmem_shared>>) target(%dma_start3A_255 : memref<64x128xf32, #tpu.memory_space<vmem>>) target_semaphore(%arg15 : memref<!tpu.dma_semaphore, #tpu.memory_space<semaphore_mem>>)
    %scan3A_258 = arith.constant 0 : i32
    %scan3A_259 = arith.constant 1 : i32
    %scan3A_260 = arith.constant 1 : i32
    %scan3A_261 = arith.constant 0 : i32
    %scan3A_262 = arith.constant 32 : i32
    %scan3A_263 = arith.addi %scan3A_261, %scan3A_262 : i32
    %scan3A_264 = arith.constant 1 : i32
    scf.for %scan3A_466 = %scan3A_261 to %scan3A_263 step %scan3A_264  : i32 {
      %mul3A_467 = arith.constant 2 : i32
      %mul3A_468 = arith.muli %mul3A_467, %scan3A_466 : i32
      %add3A_469 = arith.constant 0 : i32
      %add3A_470 = arith.addi %mul3A_468, %add3A_469 : i32
      %get3A = arith.constant 0 : i32
      %get3A_471 = arith.constant 0 : i32
      %get3A_472 = tpu.memref_slice %arg7[%scan3A_259, %get3A, %get3A_471] : memref<3x64x128xf32, #tpu.memory_space<vmem>> -> memref<1x64x128xf32, #tpu.memory_space<vmem>>
      %get3A_473 = tpu.memref_squeeze %get3A_472 : memref<1x64x128xf32, #tpu.memory_space<vmem>> -> memref<64x128xf32, #tpu.memory_space<vmem>>
      %get3A_474 = arith.index_cast %add3A_470 : i32 to index
      %get3A_475 = arith.constant 0 : index
      %get3A_476 = tpu.vector_load %get3A_473[%get3A_474, %get3A_475] {strides = array<i32>} : memref<64x128xf32, #tpu.memory_space<vmem>>, vector<1x16xf32>,
      %get3A_477 = vector.shape_cast %get3A_476 : vector<1x16xf32> to vector<16xf32>
      %mul3A_478 = arith.constant 11.3137083 : f32
      %mul3A_479 = vector.broadcast %mul3A_478 : f32 to vector<16xf32>
      %mul3A_480 = arith.mulf %get3A_477, %mul3A_479 : vector<16xf32>
      %mul3A_481 = arith.constant 2 : i32
      %mul3A_482 = arith.muli %mul3A_481, %scan3A_466 : i32
      %add3A_483 = arith.constant 0 : i32
      %add3A_484 = arith.addi %mul3A_482, %add3A_483 : i32
      %get3A_485 = arith.constant 0 : i32
      %get3A_486 = arith.constant 0 : i32
      %get3A_487 = tpu.memref_slice %arg8[%scan3A_260, %get3A_485, %get3A_486] : memref<3x64x128xf32, #tpu.memory_space<vmem>> -> memref<1x64x128xf32, #tpu.memory_space<vmem>>
      %get3A_488 = tpu.memref_squeeze %get3A_487 : memref<1x64x128xf32, #tpu.memory_space<vmem>> -> memref<64x128xf32, #tpu.memory_space<vmem>>
      %get3A_489 = arith.index_cast %add3A_484 : i32 to index
      %get3A_490 = arith.constant 0 : index
      %get3A_491 = tpu.vector_load %get3A_488[%get3A_489, %get3A_490] {strides = array<i32>} : memref<64x128xf32, #tpu.memory_space<vmem>>, vector<1x16xf32>,
      %get3A_492 = vector.shape_cast %get3A_491 : vector<1x16xf32> to vector<16xf32>
      %add3A_493 = arith.addf %mul3A_480, %get3A_492 : vector<16xf32>
      %mul3A_494 = arith.constant 2 : i32
      %mul3A_495 = arith.muli %mul3A_494, %scan3A_466 : i32
      %add3A_496 = arith.constant 0 : i32
      %add3A_497 = arith.addi %mul3A_495, %add3A_496 : i32
      %swap3A = arith.constant 0 : i32
      %swap3A_498 = arith.constant 0 : i32
      %swap3A_499 = tpu.memref_slice %arg7[%scan3A_259, %swap3A, %swap3A_498] : memref<3x64x128xf32, #tpu.memory_space<vmem>> -> memref<1x64x128xf32, #tpu.memory_space<vmem>>
      %swap3A_500 = tpu.memref_squeeze %swap3A_499 : memref<1x64x128xf32, #tpu.memory_space<vmem>> -> memref<64x128xf32, #tpu.memory_space<vmem>>
      %swap3A_501 = arith.index_cast %add3A_497 : i32 to index
      %swap3A_502 = arith.constant 0 : index
      %swap3A_503 = tpu.vector_load %swap3A_500[%swap3A_501, %swap3A_502] {strides = array<i32>} : memref<64x128xf32, #tpu.memory_space<vmem>>, vector<1x16xf32>,
      %swap3A_504 = vector.shape_cast %swap3A_503 : vector<1x16xf32> to vector<16xf32>
      %swap3A_505 = vector.shape_cast %add3A_493 : vector<16xf32> to vector<1x16xf32>
      tpu.vector_store %swap3A_500[%swap3A_501, %swap3A_502], %swap3A_505 {strides = array<i32>} : memref<64x128xf32, #tpu.memory_space<vmem>>, vector<1x16xf32>,
      %mul3A_506 = arith.constant 2 : i32
      %mul3A_507 = arith.muli %mul3A_506, %scan3A_466 : i32
      %add3A_508 = arith.constant 0 : i32
      %add3A_509 = arith.addi %mul3A_507, %add3A_508 : i32
      %get3A_510 = arith.constant 0 : i32
      %get3A_511 = arith.constant 0 : i32
      %get3A_512 = tpu.memref_slice %arg7[%scan3A_259, %get3A_510, %get3A_511] : memref<3x64x128xf32, #tpu.memory_space<vmem>> -> memref<1x64x128xf32, #tpu.memory_space<vmem>>
      %get3A_513 = tpu.memref_squeeze %get3A_512 : memref<1x64x128xf32, #tpu.memory_space<vmem>> -> memref<64x128xf32, #tpu.memory_space<vmem>>
      %get3A_514 = arith.index_cast %add3A_509 : i32 to index
      %get3A_515 = arith.constant 16 : index
      %get3A_516 = tpu.vector_load %get3A_513[%get3A_514, %get3A_515] {strides = array<i32>} : memref<64x128xf32, #tpu.memory_space<vmem>>, vector<1x16xf32>,
      %get3A_517 = vector.shape_cast %get3A_516 : vector<1x16xf32> to vector<16xf32>
      %mul3A_518 = arith.constant 11.3137083 : f32
      %mul3A_519 = vector.broadcast %mul3A_518 : f32 to vector<16xf32>
      %mul3A_520 = arith.mulf %get3A_517, %mul3A_519 : vector<16xf32>
      %mul3A_521 = arith.constant 2 : i32
      %mul3A_522 = arith.muli %mul3A_521, %scan3A_466 : i32
      %add3A_523 = arith.constant 0 : i32
      %add3A_524 = arith.addi %mul3A_522, %add3A_523 : i32
      %get3A_525 = arith.constant 0 : i32
      %get3A_526 = arith.constant 0 : i32
      %get3A_527 = tpu.memref_slice %arg8[%scan3A_260, %get3A_525, %get3A_526] : memref<3x64x128xf32, #tpu.memory_space<vmem>> -> memref<1x64x128xf32, #tpu.memory_space<vmem>>
      %get3A_528 = tpu.memref_squeeze %get3A_527 : memref<1x64x128xf32, #tpu.memory_space<vmem>> -> memref<64x128xf32, #tpu.memory_space<vmem>>
      %get3A_529 = arith.index_cast %add3A_524 : i32 to index
      %get3A_530 = arith.constant 16 : index
      %get3A_531 = tpu.vector_load %get3A_528[%get3A_529, %get3A_530] {strides = array<i32>} : memref<64x128xf32, #tpu.memory_space<vmem>>, vector<1x16xf32>,
      %get3A_532 = vector.shape_cast %get3A_531 : vector<1x16xf32> to vector<16xf32>
      %add3A_533 = arith.addf %mul3A_520, %get3A_532 : vector<16xf32>
      %mul3A_534 = arith.constant 2 : i32
      %mul3A_535 = arith.muli %mul3A_534, %scan3A_466 : i32
      %add3A_536 = arith.constant 0 : i32
      %add3A_537 = arith.addi %mul3A_535, %add3A_536 : i32
      %swap3A_538 = arith.constant 0 : i32
      %swap3A_539 = arith.constant 0 : i32
      %swap3A_540 = tpu.memref_slice %arg7[%scan3A_259, %swap3A_538, %swap3A_539] : memref<3x64x128xf32, #tpu.memory_space<vmem>> -> memref<1x64x128xf32, #tpu.memory_space<vmem>>
      %swap3A_541 = tpu.memref_squeeze %swap3A_540 : memref<1x64x128xf32, #tpu.memory_space<vmem>> -> memref<64x128xf32, #tpu.memory_space<vmem>>
      %swap3A_542 = arith.index_cast %add3A_537 : i32 to index
      %swap3A_543 = arith.constant 16 : index
      %swap3A_544 = tpu.vector_load %swap3A_541[%swap3A_542, %swap3A_543] {strides = array<i32>} : memref<64x128xf32, #tpu.memory_space<vmem>>, vector<1x16xf32>,
      %swap3A_545 = vector.shape_cast %swap3A_544 : vector<1x16xf32> to vector<16xf32>
      %swap3A_546 = vector.shape_cast %add3A_533 : vector<16xf32> to vector<1x16xf32>
      tpu.vector_store %swap3A_541[%swap3A_542, %swap3A_543], %swap3A_546 {strides = array<i32>} : memref<64x128xf32, #tpu.memory_space<vmem>>, vector<1x16xf32>,
      %mul3A_547 = arith.constant 2 : i32
      %mul3A_548 = arith.muli %mul3A_547, %scan3A_466 : i32
      %add3A_549 = arith.constant 0 : i32
      %add3A_550 = arith.addi %mul3A_548, %add3A_549 : i32
      %get3A_551 = arith.constant 0 : i32
      %get3A_552 = arith.constant 0 : i32
      %get3A_553 = tpu.memref_slice %arg7[%scan3A_259, %get3A_551, %get3A_552] : memref<3x64x128xf32, #tpu.memory_space<vmem>> -> memref<1x64x128xf32, #tpu.memory_space<vmem>>
      %get3A_554 = tpu.memref_squeeze %get3A_553 : memref<1x64x128xf32, #tpu.memory_space<vmem>> -> memref<64x128xf32, #tpu.memory_space<vmem>>
      %get3A_555 = arith.index_cast %add3A_550 : i32 to index
      %get3A_556 = arith.constant 32 : index
      %get3A_557 = tpu.vector_load %get3A_554[%get3A_555, %get3A_556] {strides = array<i32>} : memref<64x128xf32, #tpu.memory_space<vmem>>, vector<1x16xf32>,
      %get3A_558 = vector.shape_cast %get3A_557 : vector<1x16xf32> to vector<16xf32>
      %mul3A_559 = arith.constant 11.3137083 : f32
      %mul3A_560 = vector.broadcast %mul3A_559 : f32 to vector<16xf32>
      %mul3A_561 = arith.mulf %get3A_558, %mul3A_560 : vector<16xf32>
      %mul3A_562 = arith.constant 2 : i32
      %mul3A_563 = arith.muli %mul3A_562, %scan3A_466 : i32
      %add3A_564 = arith.constant 0 : i32
      %add3A_565 = arith.addi %mul3A_563, %add3A_564 : i32
      %get3A_566 = arith.constant 0 : i32
      %get3A_567 = arith.constant 0 : i32
      %get3A_568 = tpu.memref_slice %arg8[%scan3A_260, %get3A_566, %get3A_567] : memref<3x64x128xf32, #tpu.memory_space<vmem>> -> memref<1x64x128xf32, #tpu.memory_space<vmem>>
      %get3A_569 = tpu.memref_squeeze %get3A_568 : memref<1x64x128xf32, #tpu.memory_space<vmem>> -> memref<64x128xf32, #tpu.memory_space<vmem>>
      %get3A_570 = arith.index_cast %add3A_565 : i32 to index
      %get3A_571 = arith.constant 32 : index
      %get3A_572 = tpu.vector_load %get3A_569[%get3A_570, %get3A_571] {strides = array<i32>} : memref<64x128xf32, #tpu.memory_space<vmem>>, vector<1x16xf32>,
      %get3A_573 = vector.shape_cast %get3A_572 : vector<1x16xf32> to vector<16xf32>
      %add3A_574 = arith.addf %mul3A_561, %get3A_573 : vector<16xf32>
      %mul3A_575 = arith.constant 2 : i32
      %mul3A_576 = arith.muli %mul3A_575, %scan3A_466 : i32
      %add3A_577 = arith.constant 0 : i32
      %add3A_578 = arith.addi %mul3A_576, %add3A_577 : i32
      %swap3A_579 = arith.constant 0 : i32
      %swap3A_580 = arith.constant 0 : i32
      %swap3A_581 = tpu.memref_slice %arg7[%scan3A_259, %swap3A_579, %swap3A_580] : memref<3x64x128xf32, #tpu.memory_space<vmem>> -> memref<1x64x128xf32, #tpu.memory_space<vmem>>
      %swap3A_582 = tpu.memref_squeeze %swap3A_581 : memref<1x64x128xf32, #tpu.memory_space<vmem>> -> memref<64x128xf32, #tpu.memory_space<vmem>>
      %swap3A_583 = arith.index_cast %add3A_578 : i32 to index
      %swap3A_584 = arith.constant 32 : index
      %swap3A_585 = tpu.vector_load %swap3A_582[%swap3A_583, %swap3A_584] {strides = array<i32>} : memref<64x128xf32, #tpu.memory_space<vmem>>, vector<1x16xf32>,
      %swap3A_586 = vector.shape_cast %swap3A_585 : vector<1x16xf32> to vector<16xf32>
      %swap3A_587 = vector.shape_cast %add3A_574 : vector<16xf32> to vector<1x16xf32>
      tpu.vector_store %swap3A_582[%swap3A_583, %swap3A_584], %swap3A_587 {strides = array<i32>} : memref<64x128xf32, #tpu.memory_space<vmem>>, vector<1x16xf32>,
      %mul3A_588 = arith.constant 2 : i32
      %mul3A_589 = arith.muli %mul3A_588, %scan3A_466 : i32
      %add3A_590 = arith.constant 0 : i32
      %add3A_591 = arith.addi %mul3A_589, %add3A_590 : i32
      %get3A_592 = arith.constant 0 : i32
      %get3A_593 = arith.constant 0 : i32
      %get3A_594 = tpu.memref_slice %arg7[%scan3A_259, %get3A_592, %get3A_593] : memref<3x64x128xf32, #tpu.memory_space<vmem>> -> memref<1x64x128xf32, #tpu.memory_space<vmem>>
      %get3A_595 = tpu.memref_squeeze %get3A_594 : memref<1x64x128xf32, #tpu.memory_space<vmem>> -> memref<64x128xf32, #tpu.memory_space<vmem>>
      %get3A_596 = arith.index_cast %add3A_591 : i32 to index
      %get3A_597 = arith.constant 48 : index
      %get3A_598 = tpu.vector_load %get3A_595[%get3A_596, %get3A_597] {strides = array<i32>} : memref<64x128xf32, #tpu.memory_space<vmem>>, vector<1x16xf32>,
      %get3A_599 = vector.shape_cast %get3A_598 : vector<1x16xf32> to vector<16xf32>
      %mul3A_600 = arith.constant 11.3137083 : f32
      %mul3A_601 = vector.broadcast %mul3A_600 : f32 to vector<16xf32>
      %mul3A_602 = arith.mulf %get3A_599, %mul3A_601 : vector<16xf32>
      %mul3A_603 = arith.constant 2 : i32
      %mul3A_604 = arith.muli %mul3A_603, %scan3A_466 : i32
      %add3A_605 = arith.constant 0 : i32
      %add3A_606 = arith.addi %mul3A_604, %add3A_605 : i32
      %get3A_607 = arith.constant 0 : i32
      %get3A_608 = arith.constant 0 : i32
      %get3A_609 = tpu.memref_slice %arg8[%scan3A_260, %get3A_607, %get3A_608] : memref<3x64x128xf32, #tpu.memory_space<vmem>> -> memref<1x64x128xf32, #tpu.memory_space<vmem>>
      %get3A_610 = tpu.memref_squeeze %get3A_609 : memref<1x64x128xf32, #tpu.memory_space<vmem>> -> memref<64x128xf32, #tpu.memory_space<vmem>>
      %get3A_611 = arith.index_cast %add3A_606 : i32 to index
      %get3A_612 = arith.constant 48 : index
      %get3A_613 = tpu.vector_load %get3A_610[%get3A_611, %get3A_612] {strides = array<i32>} : memref<64x128xf32, #tpu.memory_space<vmem>>, vector<1x16xf32>,
      %get3A_614 = vector.shape_cast %get3A_613 : vector<1x16xf32> to vector<16xf32>
      %add3A_615 = arith.addf %mul3A_602, %get3A_614 : vector<16xf32>
      %mul3A_616 = arith.constant 2 : i32
      %mul3A_617 = arith.muli %mul3A_616, %scan3A_466 : i32
      %add3A_618 = arith.constant 0 : i32
      %add3A_619 = arith.addi %mul3A_617, %add3A_618 : i32
      %swap3A_620 = arith.constant 0 : i32
      %swap3A_621 = arith.constant 0 : i32
      %swap3A_622 = tpu.memref_slice %arg7[%scan3A_259, %swap3A_620, %swap3A_621] : memref<3x64x128xf32, #tpu.memory_space<vmem>> -> memref<1x64x128xf32, #tpu.memory_space<vmem>>
      %swap3A_623 = tpu.memref_squeeze %swap3A_622 : memref<1x64x128xf32, #tpu.memory_space<vmem>> -> memref<64x128xf32, #tpu.memory_space<vmem>>
      %swap3A_624 = arith.index_cast %add3A_619 : i32 to index
      %swap3A_625 = arith.constant 48 : index
      %swap3A_626 = tpu.vector_load %swap3A_623[%swap3A_624, %swap3A_625] {strides = array<i32>} : memref<64x128xf32, #tpu.memory_space<vmem>>, vector<1x16xf32>,
      %swap3A_627 = vector.shape_cast %swap3A_626 : vector<1x16xf32> to vector<16xf32>
      %swap3A_628 = vector.shape_cast %add3A_615 : vector<16xf32> to vector<1x16xf32>
      tpu.vector_store %swap3A_623[%swap3A_624, %swap3A_625], %swap3A_628 {strides = array<i32>} : memref<64x128xf32, #tpu.memory_space<vmem>>, vector<1x16xf32>,
      %mul3A_629 = arith.constant 2 : i32
      %mul3A_630 = arith.muli %mul3A_629, %scan3A_466 : i32
      %add3A_631 = arith.constant 0 : i32
      %add3A_632 = arith.addi %mul3A_630, %add3A_631 : i32
      %get3A_633 = arith.constant 0 : i32
      %get3A_634 = arith.constant 0 : i32
      %get3A_635 = tpu.memref_slice %arg7[%scan3A_259, %get3A_633, %get3A_634] : memref<3x64x128xf32, #tpu.memory_space<vmem>> -> memref<1x64x128xf32, #tpu.memory_space<vmem>>
      %get3A_636 = tpu.memref_squeeze %get3A_635 : memref<1x64x128xf32, #tpu.memory_space<vmem>> -> memref<64x128xf32, #tpu.memory_space<vmem>>
      %get3A_637 = arith.index_cast %add3A_632 : i32 to index
      %get3A_638 = arith.constant 64 : index
      %get3A_639 = tpu.vector_load %get3A_636[%get3A_637, %get3A_638] {strides = array<i32>} : memref<64x128xf32, #tpu.memory_space<vmem>>, vector<1x16xf32>,
      %get3A_640 = vector.shape_cast %get3A_639 : vector<1x16xf32> to vector<16xf32>
      %mul3A_641 = arith.constant 11.3137083 : f32
      %mul3A_642 = vector.broadcast %mul3A_641 : f32 to vector<16xf32>
      %mul3A_643 = arith.mulf %get3A_640, %mul3A_642 : vector<16xf32>
      %mul3A_644 = arith.constant 2 : i32
      %mul3A_645 = arith.muli %mul3A_644, %scan3A_466 : i32
      %add3A_646 = arith.constant 0 : i32
      %add3A_647 = arith.addi %mul3A_645, %add3A_646 : i32
      %get3A_648 = arith.constant 0 : i32
      %get3A_649 = arith.constant 0 : i32
      %get3A_650 = tpu.memref_slice %arg8[%scan3A_260, %get3A_648, %get3A_649] : memref<3x64x128xf32, #tpu.memory_space<vmem>> -> memref<1x64x128xf32, #tpu.memory_space<vmem>>
      %get3A_651 = tpu.memref_squeeze %get3A_650 : memref<1x64x128xf32, #tpu.memory_space<vmem>> -> memref<64x128xf32, #tpu.memory_space<vmem>>
      %get3A_652 = arith.index_cast %add3A_647 : i32 to index
      %get3A_653 = arith.constant 64 : index
      %get3A_654 = tpu.vector_load %get3A_651[%get3A_652, %get3A_653] {strides = array<i32>} : memref<64x128xf32, #tpu.memory_space<vmem>>, vector<1x16xf32>,
      %get3A_655 = vector.shape_cast %get3A_654 : vector<1x16xf32> to vector<16xf32>
      %add3A_656 = arith.addf %mul3A_643, %get3A_655 : vector<16xf32>
      %mul3A_657 = arith.constant 2 : i32
      %mul3A_658 = arith.muli %mul3A_657, %scan3A_466 : i32
      %add3A_659 = arith.constant 0 : i32
      %add3A_660 = arith.addi %mul3A_658, %add3A_659 : i32
      %swap3A_661 = arith.constant 0 : i32
      %swap3A_662 = arith.constant 0 : i32
      %swap3A_663 = tpu.memref_slice %arg7[%scan3A_259, %swap3A_661, %swap3A_662] : memref<3x64x128xf32, #tpu.memory_space<vmem>> -> memref<1x64x128xf32, #tpu.memory_space<vmem>>
      %swap3A_664 = tpu.memref_squeeze %swap3A_663 : memref<1x64x128xf32, #tpu.memory_space<vmem>> -> memref<64x128xf32, #tpu.memory_space<vmem>>
      %swap3A_665 = arith.index_cast %add3A_660 : i32 to index
      %swap3A_666 = arith.constant 64 : index
      %swap3A_667 = tpu.vector_load %swap3A_664[%swap3A_665, %swap3A_666] {strides = array<i32>} : memref<64x128xf32, #tpu.memory_space<vmem>>, vector<1x16xf32>,
      %swap3A_668 = vector.shape_cast %swap3A_667 : vector<1x16xf32> to vector<16xf32>
      %swap3A_669 = vector.shape_cast %add3A_656 : vector<16xf32> to vector<1x16xf32>
      tpu.vector_store %swap3A_664[%swap3A_665, %swap3A_666], %swap3A_669 {strides = array<i32>} : memref<64x128xf32, #tpu.memory_space<vmem>>, vector<1x16xf32>,
      %mul3A_670 = arith.constant 2 : i32
      %mul3A_671 = arith.muli %mul3A_670, %scan3A_466 : i32
      %add3A_672 = arith.constant 0 : i32
      %add3A_673 = arith.addi %mul3A_671, %add3A_672 : i32
      %get3A_674 = arith.constant 0 : i32
      %get3A_675 = arith.constant 0 : i32
      %get3A_676 = tpu.memref_slice %arg7[%scan3A_259, %get3A_674, %get3A_675] : memref<3x64x128xf32, #tpu.memory_space<vmem>> -> memref<1x64x128xf32, #tpu.memory_space<vmem>>
      %get3A_677 = tpu.memref_squeeze %get3A_676 : memref<1x64x128xf32, #tpu.memory_space<vmem>> -> memref<64x128xf32, #tpu.memory_space<vmem>>
      %get3A_678 = arith.index_cast %add3A_673 : i32 to index
      %get3A_679 = arith.constant 80 : index
      %get3A_680 = tpu.vector_load %get3A_677[%get3A_678, %get3A_679] {strides = array<i32>} : memref<64x128xf32, #tpu.memory_space<vmem>>, vector<1x16xf32>,
      %get3A_681 = vector.shape_cast %get3A_680 : vector<1x16xf32> to vector<16xf32>
      %mul3A_682 = arith.constant 11.3137083 : f32
      %mul3A_683 = vector.broadcast %mul3A_682 : f32 to vector<16xf32>
      %mul3A_684 = arith.mulf %get3A_681, %mul3A_683 : vector<16xf32>
      %mul3A_685 = arith.constant 2 : i32
      %mul3A_686 = arith.muli %mul3A_685, %scan3A_466 : i32
      %add3A_687 = arith.constant 0 : i32
      %add3A_688 = arith.addi %mul3A_686, %add3A_687 : i32
      %get3A_689 = arith.constant 0 : i32
      %get3A_690 = arith.constant 0 : i32
      %get3A_691 = tpu.memref_slice %arg8[%scan3A_260, %get3A_689, %get3A_690] : memref<3x64x128xf32, #tpu.memory_space<vmem>> -> memref<1x64x128xf32, #tpu.memory_space<vmem>>
      %get3A_692 = tpu.memref_squeeze %get3A_691 : memref<1x64x128xf32, #tpu.memory_space<vmem>> -> memref<64x128xf32, #tpu.memory_space<vmem>>
      %get3A_693 = arith.index_cast %add3A_688 : i32 to index
      %get3A_694 = arith.constant 80 : index
      %get3A_695 = tpu.vector_load %get3A_692[%get3A_693, %get3A_694] {strides = array<i32>} : memref<64x128xf32, #tpu.memory_space<vmem>>, vector<1x16xf32>,
      %get3A_696 = vector.shape_cast %get3A_695 : vector<1x16xf32> to vector<16xf32>
      %add3A_697 = arith.addf %mul3A_684, %get3A_696 : vector<16xf32>
      %mul3A_698 = arith.constant 2 : i32
      %mul3A_699 = arith.muli %mul3A_698, %scan3A_466 : i32
      %add3A_700 = arith.constant 0 : i32
      %add3A_701 = arith.addi %mul3A_699, %add3A_700 : i32
      %swap3A_702 = arith.constant 0 : i32
      %swap3A_703 = arith.constant 0 : i32
      %swap3A_704 = tpu.memref_slice %arg7[%scan3A_259, %swap3A_702, %swap3A_703] : memref<3x64x128xf32, #tpu.memory_space<vmem>> -> memref<1x64x128xf32, #tpu.memory_space<vmem>>
      %swap3A_705 = tpu.memref_squeeze %swap3A_704 : memref<1x64x128xf32, #tpu.memory_space<vmem>> -> memref<64x128xf32, #tpu.memory_space<vmem>>
      %swap3A_706 = arith.index_cast %add3A_701 : i32 to index
      %swap3A_707 = arith.constant 80 : index
      %swap3A_708 = tpu.vector_load %swap3A_705[%swap3A_706, %swap3A_707] {strides = array<i32>} : memref<64x128xf32, #tpu.memory_space<vmem>>, vector<1x16xf32>,
      %swap3A_709 = vector.shape_cast %swap3A_708 : vector<1x16xf32> to vector<16xf32>
      %swap3A_710 = vector.shape_cast %add3A_697 : vector<16xf32> to vector<1x16xf32>
      tpu.vector_store %swap3A_705[%swap3A_706, %swap3A_707], %swap3A_710 {strides = array<i32>} : memref<64x128xf32, #tpu.memory_space<vmem>>, vector<1x16xf32>,
      %mul3A_711 = arith.constant 2 : i32
      %mul3A_712 = arith.muli %mul3A_711, %scan3A_466 : i32
      %add3A_713 = arith.constant 0 : i32
      %add3A_714 = arith.addi %mul3A_712, %add3A_713 : i32
      %get3A_715 = arith.constant 0 : i32
      %get3A_716 = arith.constant 0 : i32
      %get3A_717 = tpu.memref_slice %arg7[%scan3A_259, %get3A_715, %get3A_716] : memref<3x64x128xf32, #tpu.memory_space<vmem>> -> memref<1x64x128xf32, #tpu.memory_space<vmem>>
      %get3A_718 = tpu.memref_squeeze %get3A_717 : memref<1x64x128xf32, #tpu.memory_space<vmem>> -> memref<64x128xf32, #tpu.memory_space<vmem>>
      %get3A_719 = arith.index_cast %add3A_714 : i32 to index
      %get3A_720 = arith.constant 96 : index
      %get3A_721 = tpu.vector_load %get3A_718[%get3A_719, %get3A_720] {strides = array<i32>} : memref<64x128xf32, #tpu.memory_space<vmem>>, vector<1x16xf32>,
      %get3A_722 = vector.shape_cast %get3A_721 : vector<1x16xf32> to vector<16xf32>
      %mul3A_723 = arith.constant 11.3137083 : f32
      %mul3A_724 = vector.broadcast %mul3A_723 : f32 to vector<16xf32>
      %mul3A_725 = arith.mulf %get3A_722, %mul3A_724 : vector<16xf32>
      %mul3A_726 = arith.constant 2 : i32
      %mul3A_727 = arith.muli %mul3A_726, %scan3A_466 : i32
      %add3A_728 = arith.constant 0 : i32
      %add3A_729 = arith.addi %mul3A_727, %add3A_728 : i32
      %get3A_730 = arith.constant 0 : i32
      %get3A_731 = arith.constant 0 : i32
      %get3A_732 = tpu.memref_slice %arg8[%scan3A_260, %get3A_730, %get3A_731] : memref<3x64x128xf32, #tpu.memory_space<vmem>> -> memref<1x64x128xf32, #tpu.memory_space<vmem>>
      %get3A_733 = tpu.memref_squeeze %get3A_732 : memref<1x64x128xf32, #tpu.memory_space<vmem>> -> memref<64x128xf32, #tpu.memory_space<vmem>>
      %get3A_734 = arith.index_cast %add3A_729 : i32 to index
      %get3A_735 = arith.constant 96 : index
      %get3A_736 = tpu.vector_load %get3A_733[%get3A_734, %get3A_735] {strides = array<i32>} : memref<64x128xf32, #tpu.memory_space<vmem>>, vector<1x16xf32>,
      %get3A_737 = vector.shape_cast %get3A_736 : vector<1x16xf32> to vector<16xf32>
      %add3A_738 = arith.addf %mul3A_725, %get3A_737 : vector<16xf32>
      %mul3A_739 = arith.constant 2 : i32
      %mul3A_740 = arith.muli %mul3A_739, %scan3A_466 : i32
      %add3A_741 = arith.constant 0 : i32
      %add3A_742 = arith.addi %mul3A_740, %add3A_741 : i32
      %swap3A_743 = arith.constant 0 : i32
      %swap3A_744 = arith.constant 0 : i32
      %swap3A_745 = tpu.memref_slice %arg7[%scan3A_259, %swap3A_743, %swap3A_744] : memref<3x64x128xf32, #tpu.memory_space<vmem>> -> memref<1x64x128xf32, #tpu.memory_space<vmem>>
      %swap3A_746 = tpu.memref_squeeze %swap3A_745 : memref<1x64x128xf32, #tpu.memory_space<vmem>> -> memref<64x128xf32, #tpu.memory_space<vmem>>
      %swap3A_747 = arith.index_cast %add3A_742 : i32 to index
      %swap3A_748 = arith.constant 96 : index
      %swap3A_749 = tpu.vector_load %swap3A_746[%swap3A_747, %swap3A_748] {strides = array<i32>} : memref<64x128xf32, #tpu.memory_space<vmem>>, vector<1x16xf32>,
      %swap3A_750 = vector.shape_cast %swap3A_749 : vector<1x16xf32> to vector<16xf32>
      %swap3A_751 = vector.shape_cast %add3A_738 : vector<16xf32> to vector<1x16xf32>
      tpu.vector_store %swap3A_746[%swap3A_747, %swap3A_748], %swap3A_751 {strides = array<i32>} : memref<64x128xf32, #tpu.memory_space<vmem>>, vector<1x16xf32>,
      %mul3A_752 = arith.constant 2 : i32
      %mul3A_753 = arith.muli %mul3A_752, %scan3A_466 : i32
      %add3A_754 = arith.constant 0 : i32
      %add3A_755 = arith.addi %mul3A_753, %add3A_754 : i32
      %get3A_756 = arith.constant 0 : i32
      %get3A_757 = arith.constant 0 : i32
      %get3A_758 = tpu.memref_slice %arg7[%scan3A_259, %get3A_756, %get3A_757] : memref<3x64x128xf32, #tpu.memory_space<vmem>> -> memref<1x64x128xf32, #tpu.memory_space<vmem>>
      %get3A_759 = tpu.memref_squeeze %get3A_758 : memref<1x64x128xf32, #tpu.memory_space<vmem>> -> memref<64x128xf32, #tpu.memory_space<vmem>>
      %get3A_760 = arith.index_cast %add3A_755 : i32 to index
      %get3A_761 = arith.constant 112 : index
      %get3A_762 = tpu.vector_load %get3A_759[%get3A_760, %get3A_761] {strides = array<i32>} : memref<64x128xf32, #tpu.memory_space<vmem>>, vector<1x16xf32>,
      %get3A_763 = vector.shape_cast %get3A_762 : vector<1x16xf32> to vector<16xf32>
      %mul3A_764 = arith.constant 11.3137083 : f32
      %mul3A_765 = vector.broadcast %mul3A_764 : f32 to vector<16xf32>
      %mul3A_766 = arith.mulf %get3A_763, %mul3A_765 : vector<16xf32>
      %mul3A_767 = arith.constant 2 : i32
      %mul3A_768 = arith.muli %mul3A_767, %scan3A_466 : i32
      %add3A_769 = arith.constant 0 : i32
      %add3A_770 = arith.addi %mul3A_768, %add3A_769 : i32
      %get3A_771 = arith.constant 0 : i32
      %get3A_772 = arith.constant 0 : i32
      %get3A_773 = tpu.memref_slice %arg8[%scan3A_260, %get3A_771, %get3A_772] : memref<3x64x128xf32, #tpu.memory_space<vmem>> -> memref<1x64x128xf32, #tpu.memory_space<vmem>>
      %get3A_774 = tpu.memref_squeeze %get3A_773 : memref<1x64x128xf32, #tpu.memory_space<vmem>> -> memref<64x128xf32, #tpu.memory_space<vmem>>
      %get3A_775 = arith.index_cast %add3A_770 : i32 to index
      %get3A_776 = arith.constant 112 : index
      %get3A_777 = tpu.vector_load %get3A_774[%get3A_775, %get3A_776] {strides = array<i32>} : memref<64x128xf32, #tpu.memory_space<vmem>>, vector<1x16xf32>,
      %get3A_778 = vector.shape_cast %get3A_777 : vector<1x16xf32> to vector<16xf32>
      %add3A_779 = arith.addf %mul3A_766, %get3A_778 : vector<16xf32>
      %mul3A_780 = arith.constant 2 : i32
      %mul3A_781 = arith.muli %mul3A_780, %scan3A_466 : i32
      %add3A_782 = arith.constant 0 : i32
      %add3A_783 = arith.addi %mul3A_781, %add3A_782 : i32
      %swap3A_784 = arith.constant 0 : i32
      %swap3A_785 = arith.constant 0 : i32
      %swap3A_786 = tpu.memref_slice %arg7[%scan3A_259, %swap3A_784, %swap3A_785] : memref<3x64x128xf32, #tpu.memory_space<vmem>> -> memref<1x64x128xf32, #tpu.memory_space<vmem>>
      %swap3A_787 = tpu.memref_squeeze %swap3A_786 : memref<1x64x128xf32, #tpu.memory_space<vmem>> -> memref<64x128xf32, #tpu.memory_space<vmem>>
      %swap3A_788 = arith.index_cast %add3A_783 : i32 to index
      %swap3A_789 = arith.constant 112 : index
      %swap3A_790 = tpu.vector_load %swap3A_787[%swap3A_788, %swap3A_789] {strides = array<i32>} : memref<64x128xf32, #tpu.memory_space<vmem>>, vector<1x16xf32>,
      %swap3A_791 = vector.shape_cast %swap3A_790 : vector<1x16xf32> to vector<16xf32>
      %swap3A_792 = vector.shape_cast %add3A_779 : vector<16xf32> to vector<1x16xf32>
      tpu.vector_store %swap3A_787[%swap3A_788, %swap3A_789], %swap3A_792 {strides = array<i32>} : memref<64x128xf32, #tpu.memory_space<vmem>>, vector<1x16xf32>,
      %mul3A_793 = arith.constant 2 : i32
      %mul3A_794 = arith.muli %mul3A_793, %scan3A_466 : i32
      %add3A_795 = arith.constant 1 : i32
      %add3A_796 = arith.addi %mul3A_794, %add3A_795 : i32
      %get3A_797 = arith.constant 0 : i32
      %get3A_798 = arith.constant 0 : i32
      %get3A_799 = tpu.memref_slice %arg7[%scan3A_259, %get3A_797, %get3A_798] : memref<3x64x128xf32, #tpu.memory_space<vmem>> -> memref<1x64x128xf32, #tpu.memory_space<vmem>>
      %get3A_800 = tpu.memref_squeeze %get3A_799 : memref<1x64x128xf32, #tpu.memory_space<vmem>> -> memref<64x128xf32, #tpu.memory_space<vmem>>
      %get3A_801 = arith.index_cast %add3A_796 : i32 to index
      %get3A_802 = arith.constant 0 : index
      %get3A_803 = tpu.vector_load %get3A_800[%get3A_801, %get3A_802] {strides = array<i32>} : memref<64x128xf32, #tpu.memory_space<vmem>>, vector<1x16xf32>,
      %get3A_804 = vector.shape_cast %get3A_803 : vector<1x16xf32> to vector<16xf32>
      %mul3A_805 = arith.constant 11.3137083 : f32
      %mul3A_806 = vector.broadcast %mul3A_805 : f32 to vector<16xf32>
      %mul3A_807 = arith.mulf %get3A_804, %mul3A_806 : vector<16xf32>
      %mul3A_808 = arith.constant 2 : i32
      %mul3A_809 = arith.muli %mul3A_808, %scan3A_466 : i32
      %add3A_810 = arith.constant 1 : i32
      %add3A_811 = arith.addi %mul3A_809, %add3A_810 : i32
      %get3A_812 = arith.constant 0 : i32
      %get3A_813 = arith.constant 0 : i32
      %get3A_814 = tpu.memref_slice %arg8[%scan3A_260, %get3A_812, %get3A_813] : memref<3x64x128xf32, #tpu.memory_space<vmem>> -> memref<1x64x128xf32, #tpu.memory_space<vmem>>
      %get3A_815 = tpu.memref_squeeze %get3A_814 : memref<1x64x128xf32, #tpu.memory_space<vmem>> -> memref<64x128xf32, #tpu.memory_space<vmem>>
      %get3A_816 = arith.index_cast %add3A_811 : i32 to index
      %get3A_817 = arith.constant 0 : index
      %get3A_818 = tpu.vector_load %get3A_815[%get3A_816, %get3A_817] {strides = array<i32>} : memref<64x128xf32, #tpu.memory_space<vmem>>, vector<1x16xf32>,
      %get3A_819 = vector.shape_cast %get3A_818 : vector<1x16xf32> to vector<16xf32>
      %add3A_820 = arith.addf %mul3A_807, %get3A_819 : vector<16xf32>
      %mul3A_821 = arith.constant 2 : i32
      %mul3A_822 = arith.muli %mul3A_821, %scan3A_466 : i32
      %add3A_823 = arith.constant 1 : i32
      %add3A_824 = arith.addi %mul3A_822, %add3A_823 : i32
      %swap3A_825 = arith.constant 0 : i32
      %swap3A_826 = arith.constant 0 : i32
      %swap3A_827 = tpu.memref_slice %arg7[%scan3A_259, %swap3A_825, %swap3A_826] : memref<3x64x128xf32, #tpu.memory_space<vmem>> -> memref<1x64x128xf32, #tpu.memory_space<vmem>>
      %swap3A_828 = tpu.memref_squeeze %swap3A_827 : memref<1x64x128xf32, #tpu.memory_space<vmem>> -> memref<64x128xf32, #tpu.memory_space<vmem>>
      %swap3A_829 = arith.index_cast %add3A_824 : i32 to index
      %swap3A_830 = arith.constant 0 : index
      %swap3A_831 = tpu.vector_load %swap3A_828[%swap3A_829, %swap3A_830] {strides = array<i32>} : memref<64x128xf32, #tpu.memory_space<vmem>>, vector<1x16xf32>,
      %swap3A_832 = vector.shape_cast %swap3A_831 : vector<1x16xf32> to vector<16xf32>
      %swap3A_833 = vector.shape_cast %add3A_820 : vector<16xf32> to vector<1x16xf32>
      tpu.vector_store %swap3A_828[%swap3A_829, %swap3A_830], %swap3A_833 {strides = array<i32>} : memref<64x128xf32, #tpu.memory_space<vmem>>, vector<1x16xf32>,
      %mul3A_834 = arith.constant 2 : i32
      %mul3A_835 = arith.muli %mul3A_834, %scan3A_466 : i32
      %add3A_836 = arith.constant 1 : i32
      %add3A_837 = arith.addi %mul3A_835, %add3A_836 : i32
      %get3A_838 = arith.constant 0 : i32
      %get3A_839 = arith.constant 0 : i32
      %get3A_840 = tpu.memref_slice %arg7[%scan3A_259, %get3A_838, %get3A_839] : memref<3x64x128xf32, #tpu.memory_space<vmem>> -> memref<1x64x128xf32, #tpu.memory_space<vmem>>
      %get3A_841 = tpu.memref_squeeze %get3A_840 : memref<1x64x128xf32, #tpu.memory_space<vmem>> -> memref<64x128xf32, #tpu.memory_space<vmem>>
      %get3A_842 = arith.index_cast %add3A_837 : i32 to index
      %get3A_843 = arith.constant 16 : index
      %get3A_844 = tpu.vector_load %get3A_841[%get3A_842, %get3A_843] {strides = array<i32>} : memref<64x128xf32, #tpu.memory_space<vmem>>, vector<1x16xf32>,
      %get3A_845 = vector.shape_cast %get3A_844 : vector<1x16xf32> to vector<16xf32>
      %mul3A_846 = arith.constant 11.3137083 : f32
      %mul3A_847 = vector.broadcast %mul3A_846 : f32 to vector<16xf32>
      %mul3A_848 = arith.mulf %get3A_845, %mul3A_847 : vector<16xf32>
      %mul3A_849 = arith.constant 2 : i32
      %mul3A_850 = arith.muli %mul3A_849, %scan3A_466 : i32
      %add3A_851 = arith.constant 1 : i32
      %add3A_852 = arith.addi %mul3A_850, %add3A_851 : i32
      %get3A_853 = arith.constant 0 : i32
      %get3A_854 = arith.constant 0 : i32
      %get3A_855 = tpu.memref_slice %arg8[%scan3A_260, %get3A_853, %get3A_854] : memref<3x64x128xf32, #tpu.memory_space<vmem>> -> memref<1x64x128xf32, #tpu.memory_space<vmem>>
      %get3A_856 = tpu.memref_squeeze %get3A_855 : memref<1x64x128xf32, #tpu.memory_space<vmem>> -> memref<64x128xf32, #tpu.memory_space<vmem>>
      %get3A_857 = arith.index_cast %add3A_852 : i32 to index
      %get3A_858 = arith.constant 16 : index
      %get3A_859 = tpu.vector_load %get3A_856[%get3A_857, %get3A_858] {strides = array<i32>} : memref<64x128xf32, #tpu.memory_space<vmem>>, vector<1x16xf32>,
      %get3A_860 = vector.shape_cast %get3A_859 : vector<1x16xf32> to vector<16xf32>
      %add3A_861 = arith.addf %mul3A_848, %get3A_860 : vector<16xf32>
      %mul3A_862 = arith.constant 2 : i32
      %mul3A_863 = arith.muli %mul3A_862, %scan3A_466 : i32
      %add3A_864 = arith.constant 1 : i32
      %add3A_865 = arith.addi %mul3A_863, %add3A_864 : i32
      %swap3A_866 = arith.constant 0 : i32
      %swap3A_867 = arith.constant 0 : i32
      %swap3A_868 = tpu.memref_slice %arg7[%scan3A_259, %swap3A_866, %swap3A_867] : memref<3x64x128xf32, #tpu.memory_space<vmem>> -> memref<1x64x128xf32, #tpu.memory_space<vmem>>
      %swap3A_869 = tpu.memref_squeeze %swap3A_868 : memref<1x64x128xf32, #tpu.memory_space<vmem>> -> memref<64x128xf32, #tpu.memory_space<vmem>>
      %swap3A_870 = arith.index_cast %add3A_865 : i32 to index
      %swap3A_871 = arith.constant 16 : index
      %swap3A_872 = tpu.vector_load %swap3A_869[%swap3A_870, %swap3A_871] {strides = array<i32>} : memref<64x128xf32, #tpu.memory_space<vmem>>, vector<1x16xf32>,
      %swap3A_873 = vector.shape_cast %swap3A_872 : vector<1x16xf32> to vector<16xf32>
      %swap3A_874 = vector.shape_cast %add3A_861 : vector<16xf32> to vector<1x16xf32>
      tpu.vector_store %swap3A_869[%swap3A_870, %swap3A_871], %swap3A_874 {strides = array<i32>} : memref<64x128xf32, #tpu.memory_space<vmem>>, vector<1x16xf32>,
      %mul3A_875 = arith.constant 2 : i32
      %mul3A_876 = arith.muli %mul3A_875, %scan3A_466 : i32
      %add3A_877 = arith.constant 1 : i32
      %add3A_878 = arith.addi %mul3A_876, %add3A_877 : i32
      %get3A_879 = arith.constant 0 : i32
      %get3A_880 = arith.constant 0 : i32
      %get3A_881 = tpu.memref_slice %arg7[%scan3A_259, %get3A_879, %get3A_880] : memref<3x64x128xf32, #tpu.memory_space<vmem>> -> memref<1x64x128xf32, #tpu.memory_space<vmem>>
      %get3A_882 = tpu.memref_squeeze %get3A_881 : memref<1x64x128xf32, #tpu.memory_space<vmem>> -> memref<64x128xf32, #tpu.memory_space<vmem>>
      %get3A_883 = arith.index_cast %add3A_878 : i32 to index
      %get3A_884 = arith.constant 32 : index
      %get3A_885 = tpu.vector_load %get3A_882[%get3A_883, %get3A_884] {strides = array<i32>} : memref<64x128xf32, #tpu.memory_space<vmem>>, vector<1x16xf32>,
      %get3A_886 = vector.shape_cast %get3A_885 : vector<1x16xf32> to vector<16xf32>
      %mul3A_887 = arith.constant 11.3137083 : f32
      %mul3A_888 = vector.broadcast %mul3A_887 : f32 to vector<16xf32>
      %mul3A_889 = arith.mulf %get3A_886, %mul3A_888 : vector<16xf32>
      %mul3A_890 = arith.constant 2 : i32
      %mul3A_891 = arith.muli %mul3A_890, %scan3A_466 : i32
      %add3A_892 = arith.constant 1 : i32
      %add3A_893 = arith.addi %mul3A_891, %add3A_892 : i32
      %get3A_894 = arith.constant 0 : i32
      %get3A_895 = arith.constant 0 : i32
      %get3A_896 = tpu.memref_slice %arg8[%scan3A_260, %get3A_894, %get3A_895] : memref<3x64x128xf32, #tpu.memory_space<vmem>> -> memref<1x64x128xf32, #tpu.memory_space<vmem>>
      %get3A_897 = tpu.memref_squeeze %get3A_896 : memref<1x64x128xf32, #tpu.memory_space<vmem>> -> memref<64x128xf32, #tpu.memory_space<vmem>>
      %get3A_898 = arith.index_cast %add3A_893 : i32 to index
      %get3A_899 = arith.constant 32 : index
      %get3A_900 = tpu.vector_load %get3A_897[%get3A_898, %get3A_899] {strides = array<i32>} : memref<64x128xf32, #tpu.memory_space<vmem>>, vector<1x16xf32>,
      %get3A_901 = vector.shape_cast %get3A_900 : vector<1x16xf32> to vector<16xf32>
      %add3A_902 = arith.addf %mul3A_889, %get3A_901 : vector<16xf32>
      %mul3A_903 = arith.constant 2 : i32
      %mul3A_904 = arith.muli %mul3A_903, %scan3A_466 : i32
      %add3A_905 = arith.constant 1 : i32
      %add3A_906 = arith.addi %mul3A_904, %add3A_905 : i32
      %swap3A_907 = arith.constant 0 : i32
      %swap3A_908 = arith.constant 0 : i32
      %swap3A_909 = tpu.memref_slice %arg7[%scan3A_259, %swap3A_907, %swap3A_908] : memref<3x64x128xf32, #tpu.memory_space<vmem>> -> memref<1x64x128xf32, #tpu.memory_space<vmem>>
      %swap3A_910 = tpu.memref_squeeze %swap3A_909 : memref<1x64x128xf32, #tpu.memory_space<vmem>> -> memref<64x128xf32, #tpu.memory_space<vmem>>
      %swap3A_911 = arith.index_cast %add3A_906 : i32 to index
      %swap3A_912 = arith.constant 32 : index
      %swap3A_913 = tpu.vector_load %swap3A_910[%swap3A_911, %swap3A_912] {strides = array<i32>} : memref<64x128xf32, #tpu.memory_space<vmem>>, vector<1x16xf32>,
      %swap3A_914 = vector.shape_cast %swap3A_913 : vector<1x16xf32> to vector<16xf32>
      %swap3A_915 = vector.shape_cast %add3A_902 : vector<16xf32> to vector<1x16xf32>
      tpu.vector_store %swap3A_910[%swap3A_911, %swap3A_912], %swap3A_915 {strides = array<i32>} : memref<64x128xf32, #tpu.memory_space<vmem>>, vector<1x16xf32>,
      %mul3A_916 = arith.constant 2 : i32
      %mul3A_917 = arith.muli %mul3A_916, %scan3A_466 : i32
      %add3A_918 = arith.constant 1 : i32
      %add3A_919 = arith.addi %mul3A_917, %add3A_918 : i32
      %get3A_920 = arith.constant 0 : i32
      %get3A_921 = arith.constant 0 : i32
      %get3A_922 = tpu.memref_slice %arg7[%scan3A_259, %get3A_920, %get3A_921] : memref<3x64x128xf32, #tpu.memory_space<vmem>> -> memref<1x64x128xf32, #tpu.memory_space<vmem>>
      %get3A_923 = tpu.memref_squeeze %get3A_922 : memref<1x64x128xf32, #tpu.memory_space<vmem>> -> memref<64x128xf32, #tpu.memory_space<vmem>>
      %get3A_924 = arith.index_cast %add3A_919 : i32 to index
      %get3A_925 = arith.constant 48 : index
      %get3A_926 = tpu.vector_load %get3A_923[%get3A_924, %get3A_925] {strides = array<i32>} : memref<64x128xf32, #tpu.memory_space<vmem>>, vector<1x16xf32>,
      %get3A_927 = vector.shape_cast %get3A_926 : vector<1x16xf32> to vector<16xf32>
      %mul3A_928 = arith.constant 11.3137083 : f32
      %mul3A_929 = vector.broadcast %mul3A_928 : f32 to vector<16xf32>
      %mul3A_930 = arith.mulf %get3A_927, %mul3A_929 : vector<16xf32>
      %mul3A_931 = arith.constant 2 : i32
      %mul3A_932 = arith.muli %mul3A_931, %scan3A_466 : i32
      %add3A_933 = arith.constant 1 : i32
      %add3A_934 = arith.addi %mul3A_932, %add3A_933 : i32
      %get3A_935 = arith.constant 0 : i32
      %get3A_936 = arith.constant 0 : i32
      %get3A_937 = tpu.memref_slice %arg8[%scan3A_260, %get3A_935, %get3A_936] : memref<3x64x128xf32, #tpu.memory_space<vmem>> -> memref<1x64x128xf32, #tpu.memory_space<vmem>>
      %get3A_938 = tpu.memref_squeeze %get3A_937 : memref<1x64x128xf32, #tpu.memory_space<vmem>> -> memref<64x128xf32, #tpu.memory_space<vmem>>
      %get3A_939 = arith.index_cast %add3A_934 : i32 to index
      %get3A_940 = arith.constant 48 : index
      %get3A_941 = tpu.vector_load %get3A_938[%get3A_939, %get3A_940] {strides = array<i32>} : memref<64x128xf32, #tpu.memory_space<vmem>>, vector<1x16xf32>,
      %get3A_942 = vector.shape_cast %get3A_941 : vector<1x16xf32> to vector<16xf32>
      %add3A_943 = arith.addf %mul3A_930, %get3A_942 : vector<16xf32>
      %mul3A_944 = arith.constant 2 : i32
      %mul3A_945 = arith.muli %mul3A_944, %scan3A_466 : i32
      %add3A_946 = arith.constant 1 : i32
      %add3A_947 = arith.addi %mul3A_945, %add3A_946 : i32
      %swap3A_948 = arith.constant 0 : i32
      %swap3A_949 = arith.constant 0 : i32
      %swap3A_950 = tpu.memref_slice %arg7[%scan3A_259, %swap3A_948, %swap3A_949] : memref<3x64x128xf32, #tpu.memory_space<vmem>> -> memref<1x64x128xf32, #tpu.memory_space<vmem>>
      %swap3A_951 = tpu.memref_squeeze %swap3A_950 : memref<1x64x128xf32, #tpu.memory_space<vmem>> -> memref<64x128xf32, #tpu.memory_space<vmem>>
      %swap3A_952 = arith.index_cast %add3A_947 : i32 to index
      %swap3A_953 = arith.constant 48 : index
      %swap3A_954 = tpu.vector_load %swap3A_951[%swap3A_952, %swap3A_953] {strides = array<i32>} : memref<64x128xf32, #tpu.memory_space<vmem>>, vector<1x16xf32>,
      %swap3A_955 = vector.shape_cast %swap3A_954 : vector<1x16xf32> to vector<16xf32>
      %swap3A_956 = vector.shape_cast %add3A_943 : vector<16xf32> to vector<1x16xf32>
      tpu.vector_store %swap3A_951[%swap3A_952, %swap3A_953], %swap3A_956 {strides = array<i32>} : memref<64x128xf32, #tpu.memory_space<vmem>>, vector<1x16xf32>,
      %mul3A_957 = arith.constant 2 : i32
      %mul3A_958 = arith.muli %mul3A_957, %scan3A_466 : i32
      %add3A_959 = arith.constant 1 : i32
      %add3A_960 = arith.addi %mul3A_958, %add3A_959 : i32
      %get3A_961 = arith.constant 0 : i32
      %get3A_962 = arith.constant 0 : i32
      %get3A_963 = tpu.memref_slice %arg7[%scan3A_259, %get3A_961, %get3A_962] : memref<3x64x128xf32, #tpu.memory_space<vmem>> -> memref<1x64x128xf32, #tpu.memory_space<vmem>>
      %get3A_964 = tpu.memref_squeeze %get3A_963 : memref<1x64x128xf32, #tpu.memory_space<vmem>> -> memref<64x128xf32, #tpu.memory_space<vmem>>
      %get3A_965 = arith.index_cast %add3A_960 : i32 to index
      %get3A_966 = arith.constant 64 : index
      %get3A_967 = tpu.vector_load %get3A_964[%get3A_965, %get3A_966] {strides = array<i32>} : memref<64x128xf32, #tpu.memory_space<vmem>>, vector<1x16xf32>,
      %get3A_968 = vector.shape_cast %get3A_967 : vector<1x16xf32> to vector<16xf32>
      %mul3A_969 = arith.constant 11.3137083 : f32
      %mul3A_970 = vector.broadcast %mul3A_969 : f32 to vector<16xf32>
      %mul3A_971 = arith.mulf %get3A_968, %mul3A_970 : vector<16xf32>
      %mul3A_972 = arith.constant 2 : i32
      %mul3A_973 = arith.muli %mul3A_972, %scan3A_466 : i32
      %add3A_974 = arith.constant 1 : i32
      %add3A_975 = arith.addi %mul3A_973, %add3A_974 : i32
      %get3A_976 = arith.constant 0 : i32
      %get3A_977 = arith.constant 0 : i32
      %get3A_978 = tpu.memref_slice %arg8[%scan3A_260, %get3A_976, %get3A_977] : memref<3x64x128xf32, #tpu.memory_space<vmem>> -> memref<1x64x128xf32, #tpu.memory_space<vmem>>
      %get3A_979 = tpu.memref_squeeze %get3A_978 : memref<1x64x128xf32, #tpu.memory_space<vmem>> -> memref<64x128xf32, #tpu.memory_space<vmem>>
      %get3A_980 = arith.index_cast %add3A_975 : i32 to index
      %get3A_981 = arith.constant 64 : index
      %get3A_982 = tpu.vector_load %get3A_979[%get3A_980, %get3A_981] {strides = array<i32>} : memref<64x128xf32, #tpu.memory_space<vmem>>, vector<1x16xf32>,
      %get3A_983 = vector.shape_cast %get3A_982 : vector<1x16xf32> to vector<16xf32>
      %add3A_984 = arith.addf %mul3A_971, %get3A_983 : vector<16xf32>
      %mul3A_985 = arith.constant 2 : i32
      %mul3A_986 = arith.muli %mul3A_985, %scan3A_466 : i32
      %add3A_987 = arith.constant 1 : i32
      %add3A_988 = arith.addi %mul3A_986, %add3A_987 : i32
      %swap3A_989 = arith.constant 0 : i32
      %swap3A_990 = arith.constant 0 : i32
      %swap3A_991 = tpu.memref_slice %arg7[%scan3A_259, %swap3A_989, %swap3A_990] : memref<3x64x128xf32, #tpu.memory_space<vmem>> -> memref<1x64x128xf32, #tpu.memory_space<vmem>>
      %swap3A_992 = tpu.memref_squeeze %swap3A_991 : memref<1x64x128xf32, #tpu.memory_space<vmem>> -> memref<64x128xf32, #tpu.memory_space<vmem>>
      %swap3A_993 = arith.index_cast %add3A_988 : i32 to index
      %swap3A_994 = arith.constant 64 : index
      %swap3A_995 = tpu.vector_load %swap3A_992[%swap3A_993, %swap3A_994] {strides = array<i32>} : memref<64x128xf32, #tpu.memory_space<vmem>>, vector<1x16xf32>,
      %swap3A_996 = vector.shape_cast %swap3A_995 : vector<1x16xf32> to vector<16xf32>
      %swap3A_997 = vector.shape_cast %add3A_984 : vector<16xf32> to vector<1x16xf32>
      tpu.vector_store %swap3A_992[%swap3A_993, %swap3A_994], %swap3A_997 {strides = array<i32>} : memref<64x128xf32, #tpu.memory_space<vmem>>, vector<1x16xf32>,
      %mul3A_998 = arith.constant 2 : i32
      %mul3A_999 = arith.muli %mul3A_998, %scan3A_466 : i32
      %add3A_1000 = arith.constant 1 : i32
      %add3A_1001 = arith.addi %mul3A_999, %add3A_1000 : i32
      %get3A_1002 = arith.constant 0 : i32
      %get3A_1003 = arith.constant 0 : i32
      %get3A_1004 = tpu.memref_slice %arg7[%scan3A_259, %get3A_1002, %get3A_1003] : memref<3x64x128xf32, #tpu.memory_space<vmem>> -> memref<1x64x128xf32, #tpu.memory_space<vmem>>
      %get3A_1005 = tpu.memref_squeeze %get3A_1004 : memref<1x64x128xf32, #tpu.memory_space<vmem>> -> memref<64x128xf32, #tpu.memory_space<vmem>>
      %get3A_1006 = arith.index_cast %add3A_1001 : i32 to index
      %get3A_1007 = arith.constant 80 : index
      %get3A_1008 = tpu.vector_load %get3A_1005[%get3A_1006, %get3A_1007] {strides = array<i32>} : memref<64x128xf32, #tpu.memory_space<vmem>>, vector<1x16xf32>,
      %get3A_1009 = vector.shape_cast %get3A_1008 : vector<1x16xf32> to vector<16xf32>
      %mul3A_1010 = arith.constant 11.3137083 : f32
      %mul3A_1011 = vector.broadcast %mul3A_1010 : f32 to vector<16xf32>
      %mul3A_1012 = arith.mulf %get3A_1009, %mul3A_1011 : vector<16xf32>
      %mul3A_1013 = arith.constant 2 : i32
      %mul3A_1014 = arith.muli %mul3A_1013, %scan3A_466 : i32
      %add3A_1015 = arith.constant 1 : i32
      %add3A_1016 = arith.addi %mul3A_1014, %add3A_1015 : i32
      %get3A_1017 = arith.constant 0 : i32
      %get3A_1018 = arith.constant 0 : i32
      %get3A_1019 = tpu.memref_slice %arg8[%scan3A_260, %get3A_1017, %get3A_1018] : memref<3x64x128xf32, #tpu.memory_space<vmem>> -> memref<1x64x128xf32, #tpu.memory_space<vmem>>
      %get3A_1020 = tpu.memref_squeeze %get3A_1019 : memref<1x64x128xf32, #tpu.memory_space<vmem>> -> memref<64x128xf32, #tpu.memory_space<vmem>>
      %get3A_1021 = arith.index_cast %add3A_1016 : i32 to index
      %get3A_1022 = arith.constant 80 : index
      %get3A_1023 = tpu.vector_load %get3A_1020[%get3A_1021, %get3A_1022] {strides = array<i32>} : memref<64x128xf32, #tpu.memory_space<vmem>>, vector<1x16xf32>,
      %get3A_1024 = vector.shape_cast %get3A_1023 : vector<1x16xf32> to vector<16xf32>
      %add3A_1025 = arith.addf %mul3A_1012, %get3A_1024 : vector<16xf32>
      %mul3A_1026 = arith.constant 2 : i32
      %mul3A_1027 = arith.muli %mul3A_1026, %scan3A_466 : i32
      %add3A_1028 = arith.constant 1 : i32
      %add3A_1029 = arith.addi %mul3A_1027, %add3A_1028 : i32
      %swap3A_1030 = arith.constant 0 : i32
      %swap3A_1031 = arith.constant 0 : i32
      %swap3A_1032 = tpu.memref_slice %arg7[%scan3A_259, %swap3A_1030, %swap3A_1031] : memref<3x64x128xf32, #tpu.memory_space<vmem>> -> memref<1x64x128xf32, #tpu.memory_space<vmem>>
      %swap3A_1033 = tpu.memref_squeeze %swap3A_1032 : memref<1x64x128xf32, #tpu.memory_space<vmem>> -> memref<64x128xf32, #tpu.memory_space<vmem>>
      %swap3A_1034 = arith.index_cast %add3A_1029 : i32 to index
      %swap3A_1035 = arith.constant 80 : index
      %swap3A_1036 = tpu.vector_load %swap3A_1033[%swap3A_1034, %swap3A_1035] {strides = array<i32>} : memref<64x128xf32, #tpu.memory_space<vmem>>, vector<1x16xf32>,
      %swap3A_1037 = vector.shape_cast %swap3A_1036 : vector<1x16xf32> to vector<16xf32>
      %swap3A_1038 = vector.shape_cast %add3A_1025 : vector<16xf32> to vector<1x16xf32>
      tpu.vector_store %swap3A_1033[%swap3A_1034, %swap3A_1035], %swap3A_1038 {strides = array<i32>} : memref<64x128xf32, #tpu.memory_space<vmem>>, vector<1x16xf32>,
      %mul3A_1039 = arith.constant 2 : i32
      %mul3A_1040 = arith.muli %mul3A_1039, %scan3A_466 : i32
      %add3A_1041 = arith.constant 1 : i32
      %add3A_1042 = arith.addi %mul3A_1040, %add3A_1041 : i32
      %get3A_1043 = arith.constant 0 : i32
      %get3A_1044 = arith.constant 0 : i32
      %get3A_1045 = tpu.memref_slice %arg7[%scan3A_259, %get3A_1043, %get3A_1044] : memref<3x64x128xf32, #tpu.memory_space<vmem>> -> memref<1x64x128xf32, #tpu.memory_space<vmem>>
      %get3A_1046 = tpu.memref_squeeze %get3A_1045 : memref<1x64x128xf32, #tpu.memory_space<vmem>> -> memref<64x128xf32, #tpu.memory_space<vmem>>
      %get3A_1047 = arith.index_cast %add3A_1042 : i32 to index
      %get3A_1048 = arith.constant 96 : index
      %get3A_1049 = tpu.vector_load %get3A_1046[%get3A_1047, %get3A_1048] {strides = array<i32>} : memref<64x128xf32, #tpu.memory_space<vmem>>, vector<1x16xf32>,
      %get3A_1050 = vector.shape_cast %get3A_1049 : vector<1x16xf32> to vector<16xf32>
      %mul3A_1051 = arith.constant 11.3137083 : f32
      %mul3A_1052 = vector.broadcast %mul3A_1051 : f32 to vector<16xf32>
      %mul3A_1053 = arith.mulf %get3A_1050, %mul3A_1052 : vector<16xf32>
      %mul3A_1054 = arith.constant 2 : i32
      %mul3A_1055 = arith.muli %mul3A_1054, %scan3A_466 : i32
      %add3A_1056 = arith.constant 1 : i32
      %add3A_1057 = arith.addi %mul3A_1055, %add3A_1056 : i32
      %get3A_1058 = arith.constant 0 : i32
      %get3A_1059 = arith.constant 0 : i32
      %get3A_1060 = tpu.memref_slice %arg8[%scan3A_260, %get3A_1058, %get3A_1059] : memref<3x64x128xf32, #tpu.memory_space<vmem>> -> memref<1x64x128xf32, #tpu.memory_space<vmem>>
      %get3A_1061 = tpu.memref_squeeze %get3A_1060 : memref<1x64x128xf32, #tpu.memory_space<vmem>> -> memref<64x128xf32, #tpu.memory_space<vmem>>
      %get3A_1062 = arith.index_cast %add3A_1057 : i32 to index
      %get3A_1063 = arith.constant 96 : index
      %get3A_1064 = tpu.vector_load %get3A_1061[%get3A_1062, %get3A_1063] {strides = array<i32>} : memref<64x128xf32, #tpu.memory_space<vmem>>, vector<1x16xf32>,
      %get3A_1065 = vector.shape_cast %get3A_1064 : vector<1x16xf32> to vector<16xf32>
      %add3A_1066 = arith.addf %mul3A_1053, %get3A_1065 : vector<16xf32>
      %mul3A_1067 = arith.constant 2 : i32
      %mul3A_1068 = arith.muli %mul3A_1067, %scan3A_466 : i32
      %add3A_1069 = arith.constant 1 : i32
      %add3A_1070 = arith.addi %mul3A_1068, %add3A_1069 : i32
      %swap3A_1071 = arith.constant 0 : i32
      %swap3A_1072 = arith.constant 0 : i32
      %swap3A_1073 = tpu.memref_slice %arg7[%scan3A_259, %swap3A_1071, %swap3A_1072] : memref<3x64x128xf32, #tpu.memory_space<vmem>> -> memref<1x64x128xf32, #tpu.memory_space<vmem>>
      %swap3A_1074 = tpu.memref_squeeze %swap3A_1073 : memref<1x64x128xf32, #tpu.memory_space<vmem>> -> memref<64x128xf32, #tpu.memory_space<vmem>>
      %swap3A_1075 = arith.index_cast %add3A_1070 : i32 to index
      %swap3A_1076 = arith.constant 96 : index
      %swap3A_1077 = tpu.vector_load %swap3A_1074[%swap3A_1075, %swap3A_1076] {strides = array<i32>} : memref<64x128xf32, #tpu.memory_space<vmem>>, vector<1x16xf32>,
      %swap3A_1078 = vector.shape_cast %swap3A_1077 : vector<1x16xf32> to vector<16xf32>
      %swap3A_1079 = vector.shape_cast %add3A_1066 : vector<16xf32> to vector<1x16xf32>
      tpu.vector_store %swap3A_1074[%swap3A_1075, %swap3A_1076], %swap3A_1079 {strides = array<i32>} : memref<64x128xf32, #tpu.memory_space<vmem>>, vector<1x16xf32>,
      %mul3A_1080 = arith.constant 2 : i32
      %mul3A_1081 = arith.muli %mul3A_1080, %scan3A_466 : i32
      %add3A_1082 = arith.constant 1 : i32
      %add3A_1083 = arith.addi %mul3A_1081, %add3A_1082 : i32
      %get3A_1084 = arith.constant 0 : i32
      %get3A_1085 = arith.constant 0 : i32
      %get3A_1086 = tpu.memref_slice %arg7[%scan3A_259, %get3A_1084, %get3A_1085] : memref<3x64x128xf32, #tpu.memory_space<vmem>> -> memref<1x64x128xf32, #tpu.memory_space<vmem>>
      %get3A_1087 = tpu.memref_squeeze %get3A_1086 : memref<1x64x128xf32, #tpu.memory_space<vmem>> -> memref<64x128xf32, #tpu.memory_space<vmem>>
      %get3A_1088 = arith.index_cast %add3A_1083 : i32 to index
      %get3A_1089 = arith.constant 112 : index
      %get3A_1090 = tpu.vector_load %get3A_1087[%get3A_1088, %get3A_1089] {strides = array<i32>} : memref<64x128xf32, #tpu.memory_space<vmem>>, vector<1x16xf32>,
      %get3A_1091 = vector.shape_cast %get3A_1090 : vector<1x16xf32> to vector<16xf32>
      %mul3A_1092 = arith.constant 11.3137083 : f32
      %mul3A_1093 = vector.broadcast %mul3A_1092 : f32 to vector<16xf32>
      %mul3A_1094 = arith.mulf %get3A_1091, %mul3A_1093 : vector<16xf32>
      %mul3A_1095 = arith.constant 2 : i32
      %mul3A_1096 = arith.muli %mul3A_1095, %scan3A_466 : i32
      %add3A_1097 = arith.constant 1 : i32
      %add3A_1098 = arith.addi %mul3A_1096, %add3A_1097 : i32
      %get3A_1099 = arith.constant 0 : i32
      %get3A_1100 = arith.constant 0 : i32
      %get3A_1101 = tpu.memref_slice %arg8[%scan3A_260, %get3A_1099, %get3A_1100] : memref<3x64x128xf32, #tpu.memory_space<vmem>> -> memref<1x64x128xf32, #tpu.memory_space<vmem>>
      %get3A_1102 = tpu.memref_squeeze %get3A_1101 : memref<1x64x128xf32, #tpu.memory_space<vmem>> -> memref<64x128xf32, #tpu.memory_space<vmem>>
      %get3A_1103 = arith.index_cast %add3A_1098 : i32 to index
      %get3A_1104 = arith.constant 112 : index
      %get3A_1105 = tpu.vector_load %get3A_1102[%get3A_1103, %get3A_1104] {strides = array<i32>} : memref<64x128xf32, #tpu.memory_space<vmem>>, vector<1x16xf32>,
      %get3A_1106 = vector.shape_cast %get3A_1105 : vector<1x16xf32> to vector<16xf32>
      %add3A_1107 = arith.addf %mul3A_1094, %get3A_1106 : vector<16xf32>
      %mul3A_1108 = arith.constant 2 : i32
      %mul3A_1109 = arith.muli %mul3A_1108, %scan3A_466 : i32
      %add3A_1110 = arith.constant 1 : i32
      %add3A_1111 = arith.addi %mul3A_1109, %add3A_1110 : i32
      %swap3A_1112 = arith.constant 0 : i32
      %swap3A_1113 = arith.constant 0 : i32
      %swap3A_1114 = tpu.memref_slice %arg7[%scan3A_259, %swap3A_1112, %swap3A_1113] : memref<3x64x128xf32, #tpu.memory_space<vmem>> -> memref<1x64x128xf32, #tpu.memory_space<vmem>>
      %swap3A_1115 = tpu.memref_squeeze %swap3A_1114 : memref<1x64x128xf32, #tpu.memory_space<vmem>> -> memref<64x128xf32, #tpu.memory_space<vmem>>
      %swap3A_1116 = arith.index_cast %add3A_1111 : i32 to index
      %swap3A_1117 = arith.constant 112 : index
      %swap3A_1118 = tpu.vector_load %swap3A_1115[%swap3A_1116, %swap3A_1117] {strides = array<i32>} : memref<64x128xf32, #tpu.memory_space<vmem>>, vector<1x16xf32>,
      %swap3A_1119 = vector.shape_cast %swap3A_1118 : vector<1x16xf32> to vector<16xf32>
      %swap3A_1120 = vector.shape_cast %add3A_1107 : vector<16xf32> to vector<1x16xf32>
      tpu.vector_store %swap3A_1115[%swap3A_1116, %swap3A_1117], %swap3A_1120 {strides = array<i32>} : memref<64x128xf32, #tpu.memory_space<vmem>>, vector<1x16xf32>,
    }
    %scan3A_265 = arith.constant 32 : i32
    %add3A_266 = arith.constant 64 : i32
    %add3A_267 = arith.addi %mul3A_20, %add3A_266 : i32
    %dma_start3A_268 = arith.constant 1 : i32
    %dma_start3A_269 = arith.constant 0 : i32
    %dma_start3A_270 = arith.constant 0 : i32
    %dma_start3A_271 = tpu.memref_slice %arg7[%dma_start3A_268, %dma_start3A_269, %dma_start3A_270] : memref<3x64x128xf32, #tpu.memory_space<vmem>> -> memref<1x64x128xf32, #tpu.memory_space<vmem>>
    %dma_start3A_272 = tpu.memref_squeeze %dma_start3A_271 : memref<1x64x128xf32, #tpu.memory_space<vmem>> -> memref<64x128xf32, #tpu.memory_space<vmem>>
    %dma_start3A_273 = arith.constant 0 : i32
    %dma_start3A_274 = tpu.memref_slice %arg5[%select_n3A, %add3A_267, %dma_start3A_273] : memref<4x2048x128xf32, #tpu.memory_space<hbm>> -> memref<1x64x128xf32, #tpu.memory_space<hbm>>
    %dma_start3A_275 = tpu.memref_squeeze %dma_start3A_274 : memref<1x64x128xf32, #tpu.memory_space<hbm>> -> memref<64x128xf32, #tpu.memory_space<hbm>>
    %dma_start3A_276 = arith.constant 0 : i32
    %dma_start3A_277 = tpu.memref_slice %arg5[%select_n3A, %add3A_267, %dma_start3A_276] : memref<4x2048x128xf32, #tpu.memory_space<hbm>> -> memref<1x64x128xf32, #tpu.memory_space<hbm>>
    %dma_start3A_278 = tpu.memref_squeeze %dma_start3A_277 : memref<1x64x128xf32, #tpu.memory_space<hbm>> -> memref<64x128xf32, #tpu.memory_space<hbm>>
    %dma_start3A_279 = arith.constant 0 : i32
    %dma_start3A_280 = arith.constant 0 : i32
    %dma_start3A_281 = tpu.memref_slice %arg7[%dma_start3A_268, %dma_start3A_279, %dma_start3A_280] : memref<3x64x128xf32, #tpu.memory_space<vmem>> -> memref<1x64x128xf32, #tpu.memory_space<vmem>>
    %dma_start3A_282 = tpu.memref_squeeze %dma_start3A_281 : memref<1x64x128xf32, #tpu.memory_space<vmem>> -> memref<64x128xf32, #tpu.memory_space<vmem>>
    tpu.enqueue_dma source(%dma_start3A_282 : memref<64x128xf32, #tpu.memory_space<vmem>>) target(%dma_start3A_278 : memref<64x128xf32, #tpu.memory_space<hbm>>) target_semaphore(%arg19 : memref<!tpu.dma_semaphore, #tpu.memory_space<semaphore_mem>>)
    %dma_wait3A_283 = arith.constant 2 : i32
    %dma_wait3A_284 = arith.constant 0 : i32
    %dma_wait3A_285 = arith.constant 0 : i32
    %dma_wait3A_286 = tpu.memref_slice %arg7[%dma_wait3A_283, %dma_wait3A_284, %dma_wait3A_285] : memref<3x64x128xf32, #tpu.memory_space<vmem>> -> memref<1x64x128xf32, #tpu.memory_space<vmem>>
    %dma_wait3A_287 = tpu.memref_squeeze %dma_wait3A_286 : memref<1x64x128xf32, #tpu.memory_space<vmem>> -> memref<64x128xf32, #tpu.memory_space<vmem>>
    %dma_wait3A_288 = arith.constant 128 : i32
    %dma_wait3A_289 = tpu.memref_slice %arg6[%dma_wait3A_288] : memref<256xi32, #tpu.memory_space<vmem>> -> memref<64xi32, #tpu.memory_space<vmem>>
    %dma_wait3A_290 = arith.constant 0 : i32
    %dma_wait3A_291 = arith.constant 0 : i32
    %dma_wait3A_292 = tpu.memref_slice %arg3[%dma_wait3A_290, %dma_wait3A_291] : memref<1000000x128xf32, #tpu.memory_space<hbm>> -> memref<1000000x128xf32, #tpu.memory_space<hbm>>
    tpu.wait_indirect_dma semaphore(%arg14 : memref<!tpu.dma_semaphore, #tpu.memory_space<semaphore_mem>>) src(%dma_wait3A_292 : memref<1000000x128xf32, #tpu.memory_space<hbm>>) dst(%dma_wait3A_287 : memref<64x128xf32, #tpu.memory_space<vmem>>)
    %dma_wait3A_293 = arith.constant 2 : i32
    %dma_wait3A_294 = arith.constant 0 : i32
    %dma_wait3A_295 = arith.constant 0 : i32
    %dma_wait3A_296 = tpu.memref_slice %arg8[%dma_wait3A_293, %dma_wait3A_294, %dma_wait3A_295] : memref<3x64x128xf32, #tpu.memory_space<vmem>> -> memref<1x64x128xf32, #tpu.memory_space<vmem>>
    %dma_wait3A_297 = tpu.memref_squeeze %dma_wait3A_296 : memref<1x64x128xf32, #tpu.memory_space<vmem>> -> memref<64x128xf32, #tpu.memory_space<vmem>>
    %dma_wait3A_298 = arith.constant 0 : i32
    %dma_wait3A_299 = tpu.memref_slice %arg9[%add3A_157, %dma_wait3A_298] : memref<1024x128xf32, #tpu.memory_space<vmem_shared>> -> memref<64x128xf32, #tpu.memory_space<vmem_shared>>
    %dma_wait3A_300 = arith.constant 0 : i32
    %dma_wait3A_301 = arith.constant 0 : i32
    %dma_wait3A_302 = tpu.memref_slice %arg8[%dma_wait3A_293, %dma_wait3A_300, %dma_wait3A_301] : memref<3x64x128xf32, #tpu.memory_space<vmem>> -> memref<1x64x128xf32, #tpu.memory_space<vmem>>
    %dma_wait3A_303 = tpu.memref_squeeze %dma_wait3A_302 : memref<1x64x128xf32, #tpu.memory_space<vmem>> -> memref<64x128xf32, #tpu.memory_space<vmem>>
    %dma_wait3A_304 = arith.constant 0 : i32
    %dma_wait3A_305 = tpu.memref_slice %arg9[%add3A_157, %dma_wait3A_304] : memref<1024x128xf32, #tpu.memory_space<vmem_shared>> -> memref<64x128xf32, #tpu.memory_space<vmem_shared>>
    tpu.wait_dma2 semaphore(%arg17 : memref<!tpu.dma_semaphore, #tpu.memory_space<semaphore_mem>>) src(%dma_wait3A_305 : memref<64x128xf32, #tpu.memory_space<vmem_shared>>) dst(%dma_wait3A_303 : memref<64x128xf32, #tpu.memory_space<vmem>>)
    %scan3A_306 = arith.constant 0 : i32
    %scan3A_307 = arith.constant 2 : i32
    %scan3A_308 = arith.constant 2 : i32
    %scan3A_309 = arith.constant 0 : i32
    %scan3A_310 = arith.constant 32 : i32
    %scan3A_311 = arith.addi %scan3A_309, %scan3A_310 : i32
    %scan3A_312 = arith.constant 1 : i32
    scf.for %scan3A_466 = %scan3A_309 to %scan3A_311 step %scan3A_312  : i32 {
      %mul3A_467 = arith.constant 2 : i32
      %mul3A_468 = arith.muli %mul3A_467, %scan3A_466 : i32
      %add3A_469 = arith.constant 0 : i32
      %add3A_470 = arith.addi %mul3A_468, %add3A_469 : i32
      %get3A = arith.constant 0 : i32
      %get3A_471 = arith.constant 0 : i32
      %get3A_472 = tpu.memref_slice %arg7[%scan3A_307, %get3A, %get3A_471] : memref<3x64x128xf32, #tpu.memory_space<vmem>> -> memref<1x64x128xf32, #tpu.memory_space<vmem>>
      %get3A_473 = tpu.memref_squeeze %get3A_472 : memref<1x64x128xf32, #tpu.memory_space<vmem>> -> memref<64x128xf32, #tpu.memory_space<vmem>>
      %get3A_474 = arith.index_cast %add3A_470 : i32 to index
      %get3A_475 = arith.constant 0 : index
      %get3A_476 = tpu.vector_load %get3A_473[%get3A_474, %get3A_475] {strides = array<i32>} : memref<64x128xf32, #tpu.memory_space<vmem>>, vector<1x16xf32>,
      %get3A_477 = vector.shape_cast %get3A_476 : vector<1x16xf32> to vector<16xf32>
      %mul3A_478 = arith.constant 11.3137083 : f32
      %mul3A_479 = vector.broadcast %mul3A_478 : f32 to vector<16xf32>
      %mul3A_480 = arith.mulf %get3A_477, %mul3A_479 : vector<16xf32>
      %mul3A_481 = arith.constant 2 : i32
      %mul3A_482 = arith.muli %mul3A_481, %scan3A_466 : i32
      %add3A_483 = arith.constant 0 : i32
      %add3A_484 = arith.addi %mul3A_482, %add3A_483 : i32
      %get3A_485 = arith.constant 0 : i32
      %get3A_486 = arith.constant 0 : i32
      %get3A_487 = tpu.memref_slice %arg8[%scan3A_308, %get3A_485, %get3A_486] : memref<3x64x128xf32, #tpu.memory_space<vmem>> -> memref<1x64x128xf32, #tpu.memory_space<vmem>>
      %get3A_488 = tpu.memref_squeeze %get3A_487 : memref<1x64x128xf32, #tpu.memory_space<vmem>> -> memref<64x128xf32, #tpu.memory_space<vmem>>
      %get3A_489 = arith.index_cast %add3A_484 : i32 to index
      %get3A_490 = arith.constant 0 : index
      %get3A_491 = tpu.vector_load %get3A_488[%get3A_489, %get3A_490] {strides = array<i32>} : memref<64x128xf32, #tpu.memory_space<vmem>>, vector<1x16xf32>,
      %get3A_492 = vector.shape_cast %get3A_491 : vector<1x16xf32> to vector<16xf32>
      %add3A_493 = arith.addf %mul3A_480, %get3A_492 : vector<16xf32>
      %mul3A_494 = arith.constant 2 : i32
      %mul3A_495 = arith.muli %mul3A_494, %scan3A_466 : i32
      %add3A_496 = arith.constant 0 : i32
      %add3A_497 = arith.addi %mul3A_495, %add3A_496 : i32
      %swap3A = arith.constant 0 : i32
      %swap3A_498 = arith.constant 0 : i32
      %swap3A_499 = tpu.memref_slice %arg7[%scan3A_307, %swap3A, %swap3A_498] : memref<3x64x128xf32, #tpu.memory_space<vmem>> -> memref<1x64x128xf32, #tpu.memory_space<vmem>>
      %swap3A_500 = tpu.memref_squeeze %swap3A_499 : memref<1x64x128xf32, #tpu.memory_space<vmem>> -> memref<64x128xf32, #tpu.memory_space<vmem>>
      %swap3A_501 = arith.index_cast %add3A_497 : i32 to index
      %swap3A_502 = arith.constant 0 : index
      %swap3A_503 = tpu.vector_load %swap3A_500[%swap3A_501, %swap3A_502] {strides = array<i32>} : memref<64x128xf32, #tpu.memory_space<vmem>>, vector<1x16xf32>,
      %swap3A_504 = vector.shape_cast %swap3A_503 : vector<1x16xf32> to vector<16xf32>
      %swap3A_505 = vector.shape_cast %add3A_493 : vector<16xf32> to vector<1x16xf32>
      tpu.vector_store %swap3A_500[%swap3A_501, %swap3A_502], %swap3A_505 {strides = array<i32>} : memref<64x128xf32, #tpu.memory_space<vmem>>, vector<1x16xf32>,
      %mul3A_506 = arith.constant 2 : i32
      %mul3A_507 = arith.muli %mul3A_506, %scan3A_466 : i32
      %add3A_508 = arith.constant 0 : i32
      %add3A_509 = arith.addi %mul3A_507, %add3A_508 : i32
      %get3A_510 = arith.constant 0 : i32
      %get3A_511 = arith.constant 0 : i32
      %get3A_512 = tpu.memref_slice %arg7[%scan3A_307, %get3A_510, %get3A_511] : memref<3x64x128xf32, #tpu.memory_space<vmem>> -> memref<1x64x128xf32, #tpu.memory_space<vmem>>
      %get3A_513 = tpu.memref_squeeze %get3A_512 : memref<1x64x128xf32, #tpu.memory_space<vmem>> -> memref<64x128xf32, #tpu.memory_space<vmem>>
      %get3A_514 = arith.index_cast %add3A_509 : i32 to index
      %get3A_515 = arith.constant 16 : index
      %get3A_516 = tpu.vector_load %get3A_513[%get3A_514, %get3A_515] {strides = array<i32>} : memref<64x128xf32, #tpu.memory_space<vmem>>, vector<1x16xf32>,
      %get3A_517 = vector.shape_cast %get3A_516 : vector<1x16xf32> to vector<16xf32>
      %mul3A_518 = arith.constant 11.3137083 : f32
      %mul3A_519 = vector.broadcast %mul3A_518 : f32 to vector<16xf32>
      %mul3A_520 = arith.mulf %get3A_517, %mul3A_519 : vector<16xf32>
      %mul3A_521 = arith.constant 2 : i32
      %mul3A_522 = arith.muli %mul3A_521, %scan3A_466 : i32
      %add3A_523 = arith.constant 0 : i32
      %add3A_524 = arith.addi %mul3A_522, %add3A_523 : i32
      %get3A_525 = arith.constant 0 : i32
      %get3A_526 = arith.constant 0 : i32
      %get3A_527 = tpu.memref_slice %arg8[%scan3A_308, %get3A_525, %get3A_526] : memref<3x64x128xf32, #tpu.memory_space<vmem>> -> memref<1x64x128xf32, #tpu.memory_space<vmem>>
      %get3A_528 = tpu.memref_squeeze %get3A_527 : memref<1x64x128xf32, #tpu.memory_space<vmem>> -> memref<64x128xf32, #tpu.memory_space<vmem>>
      %get3A_529 = arith.index_cast %add3A_524 : i32 to index
      %get3A_530 = arith.constant 16 : index
      %get3A_531 = tpu.vector_load %get3A_528[%get3A_529, %get3A_530] {strides = array<i32>} : memref<64x128xf32, #tpu.memory_space<vmem>>, vector<1x16xf32>,
      %get3A_532 = vector.shape_cast %get3A_531 : vector<1x16xf32> to vector<16xf32>
      %add3A_533 = arith.addf %mul3A_520, %get3A_532 : vector<16xf32>
      %mul3A_534 = arith.constant 2 : i32
      %mul3A_535 = arith.muli %mul3A_534, %scan3A_466 : i32
      %add3A_536 = arith.constant 0 : i32
      %add3A_537 = arith.addi %mul3A_535, %add3A_536 : i32
      %swap3A_538 = arith.constant 0 : i32
      %swap3A_539 = arith.constant 0 : i32
      %swap3A_540 = tpu.memref_slice %arg7[%scan3A_307, %swap3A_538, %swap3A_539] : memref<3x64x128xf32, #tpu.memory_space<vmem>> -> memref<1x64x128xf32, #tpu.memory_space<vmem>>
      %swap3A_541 = tpu.memref_squeeze %swap3A_540 : memref<1x64x128xf32, #tpu.memory_space<vmem>> -> memref<64x128xf32, #tpu.memory_space<vmem>>
      %swap3A_542 = arith.index_cast %add3A_537 : i32 to index
      %swap3A_543 = arith.constant 16 : index
      %swap3A_544 = tpu.vector_load %swap3A_541[%swap3A_542, %swap3A_543] {strides = array<i32>} : memref<64x128xf32, #tpu.memory_space<vmem>>, vector<1x16xf32>,
      %swap3A_545 = vector.shape_cast %swap3A_544 : vector<1x16xf32> to vector<16xf32>
      %swap3A_546 = vector.shape_cast %add3A_533 : vector<16xf32> to vector<1x16xf32>
      tpu.vector_store %swap3A_541[%swap3A_542, %swap3A_543], %swap3A_546 {strides = array<i32>} : memref<64x128xf32, #tpu.memory_space<vmem>>, vector<1x16xf32>,
      %mul3A_547 = arith.constant 2 : i32
      %mul3A_548 = arith.muli %mul3A_547, %scan3A_466 : i32
      %add3A_549 = arith.constant 0 : i32
      %add3A_550 = arith.addi %mul3A_548, %add3A_549 : i32
      %get3A_551 = arith.constant 0 : i32
      %get3A_552 = arith.constant 0 : i32
      %get3A_553 = tpu.memref_slice %arg7[%scan3A_307, %get3A_551, %get3A_552] : memref<3x64x128xf32, #tpu.memory_space<vmem>> -> memref<1x64x128xf32, #tpu.memory_space<vmem>>
      %get3A_554 = tpu.memref_squeeze %get3A_553 : memref<1x64x128xf32, #tpu.memory_space<vmem>> -> memref<64x128xf32, #tpu.memory_space<vmem>>
      %get3A_555 = arith.index_cast %add3A_550 : i32 to index
      %get3A_556 = arith.constant 32 : index
      %get3A_557 = tpu.vector_load %get3A_554[%get3A_555, %get3A_556] {strides = array<i32>} : memref<64x128xf32, #tpu.memory_space<vmem>>, vector<1x16xf32>,
      %get3A_558 = vector.shape_cast %get3A_557 : vector<1x16xf32> to vector<16xf32>
      %mul3A_559 = arith.constant 11.3137083 : f32
      %mul3A_560 = vector.broadcast %mul3A_559 : f32 to vector<16xf32>
      %mul3A_561 = arith.mulf %get3A_558, %mul3A_560 : vector<16xf32>
      %mul3A_562 = arith.constant 2 : i32
      %mul3A_563 = arith.muli %mul3A_562, %scan3A_466 : i32
      %add3A_564 = arith.constant 0 : i32
      %add3A_565 = arith.addi %mul3A_563, %add3A_564 : i32
      %get3A_566 = arith.constant 0 : i32
      %get3A_567 = arith.constant 0 : i32
      %get3A_568 = tpu.memref_slice %arg8[%scan3A_308, %get3A_566, %get3A_567] : memref<3x64x128xf32, #tpu.memory_space<vmem>> -> memref<1x64x128xf32, #tpu.memory_space<vmem>>
      %get3A_569 = tpu.memref_squeeze %get3A_568 : memref<1x64x128xf32, #tpu.memory_space<vmem>> -> memref<64x128xf32, #tpu.memory_space<vmem>>
      %get3A_570 = arith.index_cast %add3A_565 : i32 to index
      %get3A_571 = arith.constant 32 : index
      %get3A_572 = tpu.vector_load %get3A_569[%get3A_570, %get3A_571] {strides = array<i32>} : memref<64x128xf32, #tpu.memory_space<vmem>>, vector<1x16xf32>,
      %get3A_573 = vector.shape_cast %get3A_572 : vector<1x16xf32> to vector<16xf32>
      %add3A_574 = arith.addf %mul3A_561, %get3A_573 : vector<16xf32>
      %mul3A_575 = arith.constant 2 : i32
      %mul3A_576 = arith.muli %mul3A_575, %scan3A_466 : i32
      %add3A_577 = arith.constant 0 : i32
      %add3A_578 = arith.addi %mul3A_576, %add3A_577 : i32
      %swap3A_579 = arith.constant 0 : i32
      %swap3A_580 = arith.constant 0 : i32
      %swap3A_581 = tpu.memref_slice %arg7[%scan3A_307, %swap3A_579, %swap3A_580] : memref<3x64x128xf32, #tpu.memory_space<vmem>> -> memref<1x64x128xf32, #tpu.memory_space<vmem>>
      %swap3A_582 = tpu.memref_squeeze %swap3A_581 : memref<1x64x128xf32, #tpu.memory_space<vmem>> -> memref<64x128xf32, #tpu.memory_space<vmem>>
      %swap3A_583 = arith.index_cast %add3A_578 : i32 to index
      %swap3A_584 = arith.constant 32 : index
      %swap3A_585 = tpu.vector_load %swap3A_582[%swap3A_583, %swap3A_584] {strides = array<i32>} : memref<64x128xf32, #tpu.memory_space<vmem>>, vector<1x16xf32>,
      %swap3A_586 = vector.shape_cast %swap3A_585 : vector<1x16xf32> to vector<16xf32>
      %swap3A_587 = vector.shape_cast %add3A_574 : vector<16xf32> to vector<1x16xf32>
      tpu.vector_store %swap3A_582[%swap3A_583, %swap3A_584], %swap3A_587 {strides = array<i32>} : memref<64x128xf32, #tpu.memory_space<vmem>>, vector<1x16xf32>,
      %mul3A_588 = arith.constant 2 : i32
      %mul3A_589 = arith.muli %mul3A_588, %scan3A_466 : i32
      %add3A_590 = arith.constant 0 : i32
      %add3A_591 = arith.addi %mul3A_589, %add3A_590 : i32
      %get3A_592 = arith.constant 0 : i32
      %get3A_593 = arith.constant 0 : i32
      %get3A_594 = tpu.memref_slice %arg7[%scan3A_307, %get3A_592, %get3A_593] : memref<3x64x128xf32, #tpu.memory_space<vmem>> -> memref<1x64x128xf32, #tpu.memory_space<vmem>>
      %get3A_595 = tpu.memref_squeeze %get3A_594 : memref<1x64x128xf32, #tpu.memory_space<vmem>> -> memref<64x128xf32, #tpu.memory_space<vmem>>
      %get3A_596 = arith.index_cast %add3A_591 : i32 to index
      %get3A_597 = arith.constant 48 : index
      %get3A_598 = tpu.vector_load %get3A_595[%get3A_596, %get3A_597] {strides = array<i32>} : memref<64x128xf32, #tpu.memory_space<vmem>>, vector<1x16xf32>,
      %get3A_599 = vector.shape_cast %get3A_598 : vector<1x16xf32> to vector<16xf32>
      %mul3A_600 = arith.constant 11.3137083 : f32
      %mul3A_601 = vector.broadcast %mul3A_600 : f32 to vector<16xf32>
      %mul3A_602 = arith.mulf %get3A_599, %mul3A_601 : vector<16xf32>
      %mul3A_603 = arith.constant 2 : i32
      %mul3A_604 = arith.muli %mul3A_603, %scan3A_466 : i32
      %add3A_605 = arith.constant 0 : i32
      %add3A_606 = arith.addi %mul3A_604, %add3A_605 : i32
      %get3A_607 = arith.constant 0 : i32
      %get3A_608 = arith.constant 0 : i32
      %get3A_609 = tpu.memref_slice %arg8[%scan3A_308, %get3A_607, %get3A_608] : memref<3x64x128xf32, #tpu.memory_space<vmem>> -> memref<1x64x128xf32, #tpu.memory_space<vmem>>
      %get3A_610 = tpu.memref_squeeze %get3A_609 : memref<1x64x128xf32, #tpu.memory_space<vmem>> -> memref<64x128xf32, #tpu.memory_space<vmem>>
      %get3A_611 = arith.index_cast %add3A_606 : i32 to index
      %get3A_612 = arith.constant 48 : index
      %get3A_613 = tpu.vector_load %get3A_610[%get3A_611, %get3A_612] {strides = array<i32>} : memref<64x128xf32, #tpu.memory_space<vmem>>, vector<1x16xf32>,
      %get3A_614 = vector.shape_cast %get3A_613 : vector<1x16xf32> to vector<16xf32>
      %add3A_615 = arith.addf %mul3A_602, %get3A_614 : vector<16xf32>
      %mul3A_616 = arith.constant 2 : i32
      %mul3A_617 = arith.muli %mul3A_616, %scan3A_466 : i32
      %add3A_618 = arith.constant 0 : i32
      %add3A_619 = arith.addi %mul3A_617, %add3A_618 : i32
      %swap3A_620 = arith.constant 0 : i32
      %swap3A_621 = arith.constant 0 : i32
      %swap3A_622 = tpu.memref_slice %arg7[%scan3A_307, %swap3A_620, %swap3A_621] : memref<3x64x128xf32, #tpu.memory_space<vmem>> -> memref<1x64x128xf32, #tpu.memory_space<vmem>>
      %swap3A_623 = tpu.memref_squeeze %swap3A_622 : memref<1x64x128xf32, #tpu.memory_space<vmem>> -> memref<64x128xf32, #tpu.memory_space<vmem>>
      %swap3A_624 = arith.index_cast %add3A_619 : i32 to index
      %swap3A_625 = arith.constant 48 : index
      %swap3A_626 = tpu.vector_load %swap3A_623[%swap3A_624, %swap3A_625] {strides = array<i32>} : memref<64x128xf32, #tpu.memory_space<vmem>>, vector<1x16xf32>,
      %swap3A_627 = vector.shape_cast %swap3A_626 : vector<1x16xf32> to vector<16xf32>
      %swap3A_628 = vector.shape_cast %add3A_615 : vector<16xf32> to vector<1x16xf32>
      tpu.vector_store %swap3A_623[%swap3A_624, %swap3A_625], %swap3A_628 {strides = array<i32>} : memref<64x128xf32, #tpu.memory_space<vmem>>, vector<1x16xf32>,
      %mul3A_629 = arith.constant 2 : i32
      %mul3A_630 = arith.muli %mul3A_629, %scan3A_466 : i32
      %add3A_631 = arith.constant 0 : i32
      %add3A_632 = arith.addi %mul3A_630, %add3A_631 : i32
      %get3A_633 = arith.constant 0 : i32
      %get3A_634 = arith.constant 0 : i32
      %get3A_635 = tpu.memref_slice %arg7[%scan3A_307, %get3A_633, %get3A_634] : memref<3x64x128xf32, #tpu.memory_space<vmem>> -> memref<1x64x128xf32, #tpu.memory_space<vmem>>
      %get3A_636 = tpu.memref_squeeze %get3A_635 : memref<1x64x128xf32, #tpu.memory_space<vmem>> -> memref<64x128xf32, #tpu.memory_space<vmem>>
      %get3A_637 = arith.index_cast %add3A_632 : i32 to index
      %get3A_638 = arith.constant 64 : index
      %get3A_639 = tpu.vector_load %get3A_636[%get3A_637, %get3A_638] {strides = array<i32>} : memref<64x128xf32, #tpu.memory_space<vmem>>, vector<1x16xf32>,
      %get3A_640 = vector.shape_cast %get3A_639 : vector<1x16xf32> to vector<16xf32>
      %mul3A_641 = arith.constant 11.3137083 : f32
      %mul3A_642 = vector.broadcast %mul3A_641 : f32 to vector<16xf32>
      %mul3A_643 = arith.mulf %get3A_640, %mul3A_642 : vector<16xf32>
      %mul3A_644 = arith.constant 2 : i32
      %mul3A_645 = arith.muli %mul3A_644, %scan3A_466 : i32
      %add3A_646 = arith.constant 0 : i32
      %add3A_647 = arith.addi %mul3A_645, %add3A_646 : i32
      %get3A_648 = arith.constant 0 : i32
      %get3A_649 = arith.constant 0 : i32
      %get3A_650 = tpu.memref_slice %arg8[%scan3A_308, %get3A_648, %get3A_649] : memref<3x64x128xf32, #tpu.memory_space<vmem>> -> memref<1x64x128xf32, #tpu.memory_space<vmem>>
      %get3A_651 = tpu.memref_squeeze %get3A_650 : memref<1x64x128xf32, #tpu.memory_space<vmem>> -> memref<64x128xf32, #tpu.memory_space<vmem>>
      %get3A_652 = arith.index_cast %add3A_647 : i32 to index
      %get3A_653 = arith.constant 64 : index
      %get3A_654 = tpu.vector_load %get3A_651[%get3A_652, %get3A_653] {strides = array<i32>} : memref<64x128xf32, #tpu.memory_space<vmem>>, vector<1x16xf32>,
      %get3A_655 = vector.shape_cast %get3A_654 : vector<1x16xf32> to vector<16xf32>
      %add3A_656 = arith.addf %mul3A_643, %get3A_655 : vector<16xf32>
      %mul3A_657 = arith.constant 2 : i32
      %mul3A_658 = arith.muli %mul3A_657, %scan3A_466 : i32
      %add3A_659 = arith.constant 0 : i32
      %add3A_660 = arith.addi %mul3A_658, %add3A_659 : i32
      %swap3A_661 = arith.constant 0 : i32
      %swap3A_662 = arith.constant 0 : i32
      %swap3A_663 = tpu.memref_slice %arg7[%scan3A_307, %swap3A_661, %swap3A_662] : memref<3x64x128xf32, #tpu.memory_space<vmem>> -> memref<1x64x128xf32, #tpu.memory_space<vmem>>
      %swap3A_664 = tpu.memref_squeeze %swap3A_663 : memref<1x64x128xf32, #tpu.memory_space<vmem>> -> memref<64x128xf32, #tpu.memory_space<vmem>>
      %swap3A_665 = arith.index_cast %add3A_660 : i32 to index
      %swap3A_666 = arith.constant 64 : index
      %swap3A_667 = tpu.vector_load %swap3A_664[%swap3A_665, %swap3A_666] {strides = array<i32>} : memref<64x128xf32, #tpu.memory_space<vmem>>, vector<1x16xf32>,
      %swap3A_668 = vector.shape_cast %swap3A_667 : vector<1x16xf32> to vector<16xf32>
      %swap3A_669 = vector.shape_cast %add3A_656 : vector<16xf32> to vector<1x16xf32>
      tpu.vector_store %swap3A_664[%swap3A_665, %swap3A_666], %swap3A_669 {strides = array<i32>} : memref<64x128xf32, #tpu.memory_space<vmem>>, vector<1x16xf32>,
      %mul3A_670 = arith.constant 2 : i32
      %mul3A_671 = arith.muli %mul3A_670, %scan3A_466 : i32
      %add3A_672 = arith.constant 0 : i32
      %add3A_673 = arith.addi %mul3A_671, %add3A_672 : i32
      %get3A_674 = arith.constant 0 : i32
      %get3A_675 = arith.constant 0 : i32
      %get3A_676 = tpu.memref_slice %arg7[%scan3A_307, %get3A_674, %get3A_675] : memref<3x64x128xf32, #tpu.memory_space<vmem>> -> memref<1x64x128xf32, #tpu.memory_space<vmem>>
      %get3A_677 = tpu.memref_squeeze %get3A_676 : memref<1x64x128xf32, #tpu.memory_space<vmem>> -> memref<64x128xf32, #tpu.memory_space<vmem>>
      %get3A_678 = arith.index_cast %add3A_673 : i32 to index
      %get3A_679 = arith.constant 80 : index
      %get3A_680 = tpu.vector_load %get3A_677[%get3A_678, %get3A_679] {strides = array<i32>} : memref<64x128xf32, #tpu.memory_space<vmem>>, vector<1x16xf32>,
      %get3A_681 = vector.shape_cast %get3A_680 : vector<1x16xf32> to vector<16xf32>
      %mul3A_682 = arith.constant 11.3137083 : f32
      %mul3A_683 = vector.broadcast %mul3A_682 : f32 to vector<16xf32>
      %mul3A_684 = arith.mulf %get3A_681, %mul3A_683 : vector<16xf32>
      %mul3A_685 = arith.constant 2 : i32
      %mul3A_686 = arith.muli %mul3A_685, %scan3A_466 : i32
      %add3A_687 = arith.constant 0 : i32
      %add3A_688 = arith.addi %mul3A_686, %add3A_687 : i32
      %get3A_689 = arith.constant 0 : i32
      %get3A_690 = arith.constant 0 : i32
      %get3A_691 = tpu.memref_slice %arg8[%scan3A_308, %get3A_689, %get3A_690] : memref<3x64x128xf32, #tpu.memory_space<vmem>> -> memref<1x64x128xf32, #tpu.memory_space<vmem>>
      %get3A_692 = tpu.memref_squeeze %get3A_691 : memref<1x64x128xf32, #tpu.memory_space<vmem>> -> memref<64x128xf32, #tpu.memory_space<vmem>>
      %get3A_693 = arith.index_cast %add3A_688 : i32 to index
      %get3A_694 = arith.constant 80 : index
      %get3A_695 = tpu.vector_load %get3A_692[%get3A_693, %get3A_694] {strides = array<i32>} : memref<64x128xf32, #tpu.memory_space<vmem>>, vector<1x16xf32>,
      %get3A_696 = vector.shape_cast %get3A_695 : vector<1x16xf32> to vector<16xf32>
      %add3A_697 = arith.addf %mul3A_684, %get3A_696 : vector<16xf32>
      %mul3A_698 = arith.constant 2 : i32
      %mul3A_699 = arith.muli %mul3A_698, %scan3A_466 : i32
      %add3A_700 = arith.constant 0 : i32
      %add3A_701 = arith.addi %mul3A_699, %add3A_700 : i32
      %swap3A_702 = arith.constant 0 : i32
      %swap3A_703 = arith.constant 0 : i32
      %swap3A_704 = tpu.memref_slice %arg7[%scan3A_307, %swap3A_702, %swap3A_703] : memref<3x64x128xf32, #tpu.memory_space<vmem>> -> memref<1x64x128xf32, #tpu.memory_space<vmem>>
      %swap3A_705 = tpu.memref_squeeze %swap3A_704 : memref<1x64x128xf32, #tpu.memory_space<vmem>> -> memref<64x128xf32, #tpu.memory_space<vmem>>
      %swap3A_706 = arith.index_cast %add3A_701 : i32 to index
      %swap3A_707 = arith.constant 80 : index
      %swap3A_708 = tpu.vector_load %swap3A_705[%swap3A_706, %swap3A_707] {strides = array<i32>} : memref<64x128xf32, #tpu.memory_space<vmem>>, vector<1x16xf32>,
      %swap3A_709 = vector.shape_cast %swap3A_708 : vector<1x16xf32> to vector<16xf32>
      %swap3A_710 = vector.shape_cast %add3A_697 : vector<16xf32> to vector<1x16xf32>
      tpu.vector_store %swap3A_705[%swap3A_706, %swap3A_707], %swap3A_710 {strides = array<i32>} : memref<64x128xf32, #tpu.memory_space<vmem>>, vector<1x16xf32>,
      %mul3A_711 = arith.constant 2 : i32
      %mul3A_712 = arith.muli %mul3A_711, %scan3A_466 : i32
      %add3A_713 = arith.constant 0 : i32
      %add3A_714 = arith.addi %mul3A_712, %add3A_713 : i32
      %get3A_715 = arith.constant 0 : i32
      %get3A_716 = arith.constant 0 : i32
      %get3A_717 = tpu.memref_slice %arg7[%scan3A_307, %get3A_715, %get3A_716] : memref<3x64x128xf32, #tpu.memory_space<vmem>> -> memref<1x64x128xf32, #tpu.memory_space<vmem>>
      %get3A_718 = tpu.memref_squeeze %get3A_717 : memref<1x64x128xf32, #tpu.memory_space<vmem>> -> memref<64x128xf32, #tpu.memory_space<vmem>>
      %get3A_719 = arith.index_cast %add3A_714 : i32 to index
      %get3A_720 = arith.constant 96 : index
      %get3A_721 = tpu.vector_load %get3A_718[%get3A_719, %get3A_720] {strides = array<i32>} : memref<64x128xf32, #tpu.memory_space<vmem>>, vector<1x16xf32>,
      %get3A_722 = vector.shape_cast %get3A_721 : vector<1x16xf32> to vector<16xf32>
      %mul3A_723 = arith.constant 11.3137083 : f32
      %mul3A_724 = vector.broadcast %mul3A_723 : f32 to vector<16xf32>
      %mul3A_725 = arith.mulf %get3A_722, %mul3A_724 : vector<16xf32>
      %mul3A_726 = arith.constant 2 : i32
      %mul3A_727 = arith.muli %mul3A_726, %scan3A_466 : i32
      %add3A_728 = arith.constant 0 : i32
      %add3A_729 = arith.addi %mul3A_727, %add3A_728 : i32
      %get3A_730 = arith.constant 0 : i32
      %get3A_731 = arith.constant 0 : i32
      %get3A_732 = tpu.memref_slice %arg8[%scan3A_308, %get3A_730, %get3A_731] : memref<3x64x128xf32, #tpu.memory_space<vmem>> -> memref<1x64x128xf32, #tpu.memory_space<vmem>>
      %get3A_733 = tpu.memref_squeeze %get3A_732 : memref<1x64x128xf32, #tpu.memory_space<vmem>> -> memref<64x128xf32, #tpu.memory_space<vmem>>
      %get3A_734 = arith.index_cast %add3A_729 : i32 to index
      %get3A_735 = arith.constant 96 : index
      %get3A_736 = tpu.vector_load %get3A_733[%get3A_734, %get3A_735] {strides = array<i32>} : memref<64x128xf32, #tpu.memory_space<vmem>>, vector<1x16xf32>,
      %get3A_737 = vector.shape_cast %get3A_736 : vector<1x16xf32> to vector<16xf32>
      %add3A_738 = arith.addf %mul3A_725, %get3A_737 : vector<16xf32>
      %mul3A_739 = arith.constant 2 : i32
      %mul3A_740 = arith.muli %mul3A_739, %scan3A_466 : i32
      %add3A_741 = arith.constant 0 : i32
      %add3A_742 = arith.addi %mul3A_740, %add3A_741 : i32
      %swap3A_743 = arith.constant 0 : i32
      %swap3A_744 = arith.constant 0 : i32
      %swap3A_745 = tpu.memref_slice %arg7[%scan3A_307, %swap3A_743, %swap3A_744] : memref<3x64x128xf32, #tpu.memory_space<vmem>> -> memref<1x64x128xf32, #tpu.memory_space<vmem>>
      %swap3A_746 = tpu.memref_squeeze %swap3A_745 : memref<1x64x128xf32, #tpu.memory_space<vmem>> -> memref<64x128xf32, #tpu.memory_space<vmem>>
      %swap3A_747 = arith.index_cast %add3A_742 : i32 to index
      %swap3A_748 = arith.constant 96 : index
      %swap3A_749 = tpu.vector_load %swap3A_746[%swap3A_747, %swap3A_748] {strides = array<i32>} : memref<64x128xf32, #tpu.memory_space<vmem>>, vector<1x16xf32>,
      %swap3A_750 = vector.shape_cast %swap3A_749 : vector<1x16xf32> to vector<16xf32>
      %swap3A_751 = vector.shape_cast %add3A_738 : vector<16xf32> to vector<1x16xf32>
      tpu.vector_store %swap3A_746[%swap3A_747, %swap3A_748], %swap3A_751 {strides = array<i32>} : memref<64x128xf32, #tpu.memory_space<vmem>>, vector<1x16xf32>,
      %mul3A_752 = arith.constant 2 : i32
      %mul3A_753 = arith.muli %mul3A_752, %scan3A_466 : i32
      %add3A_754 = arith.constant 0 : i32
      %add3A_755 = arith.addi %mul3A_753, %add3A_754 : i32
      %get3A_756 = arith.constant 0 : i32
      %get3A_757 = arith.constant 0 : i32
      %get3A_758 = tpu.memref_slice %arg7[%scan3A_307, %get3A_756, %get3A_757] : memref<3x64x128xf32, #tpu.memory_space<vmem>> -> memref<1x64x128xf32, #tpu.memory_space<vmem>>
      %get3A_759 = tpu.memref_squeeze %get3A_758 : memref<1x64x128xf32, #tpu.memory_space<vmem>> -> memref<64x128xf32, #tpu.memory_space<vmem>>
      %get3A_760 = arith.index_cast %add3A_755 : i32 to index
      %get3A_761 = arith.constant 112 : index
      %get3A_762 = tpu.vector_load %get3A_759[%get3A_760, %get3A_761] {strides = array<i32>} : memref<64x128xf32, #tpu.memory_space<vmem>>, vector<1x16xf32>,
      %get3A_763 = vector.shape_cast %get3A_762 : vector<1x16xf32> to vector<16xf32>
      %mul3A_764 = arith.constant 11.3137083 : f32
      %mul3A_765 = vector.broadcast %mul3A_764 : f32 to vector<16xf32>
      %mul3A_766 = arith.mulf %get3A_763, %mul3A_765 : vector<16xf32>
      %mul3A_767 = arith.constant 2 : i32
      %mul3A_768 = arith.muli %mul3A_767, %scan3A_466 : i32
      %add3A_769 = arith.constant 0 : i32
      %add3A_770 = arith.addi %mul3A_768, %add3A_769 : i32
      %get3A_771 = arith.constant 0 : i32
      %get3A_772 = arith.constant 0 : i32
      %get3A_773 = tpu.memref_slice %arg8[%scan3A_308, %get3A_771, %get3A_772] : memref<3x64x128xf32, #tpu.memory_space<vmem>> -> memref<1x64x128xf32, #tpu.memory_space<vmem>>
      %get3A_774 = tpu.memref_squeeze %get3A_773 : memref<1x64x128xf32, #tpu.memory_space<vmem>> -> memref<64x128xf32, #tpu.memory_space<vmem>>
      %get3A_775 = arith.index_cast %add3A_770 : i32 to index
      %get3A_776 = arith.constant 112 : index
      %get3A_777 = tpu.vector_load %get3A_774[%get3A_775, %get3A_776] {strides = array<i32>} : memref<64x128xf32, #tpu.memory_space<vmem>>, vector<1x16xf32>,
      %get3A_778 = vector.shape_cast %get3A_777 : vector<1x16xf32> to vector<16xf32>
      %add3A_779 = arith.addf %mul3A_766, %get3A_778 : vector<16xf32>
      %mul3A_780 = arith.constant 2 : i32
      %mul3A_781 = arith.muli %mul3A_780, %scan3A_466 : i32
      %add3A_782 = arith.constant 0 : i32
      %add3A_783 = arith.addi %mul3A_781, %add3A_782 : i32
      %swap3A_784 = arith.constant 0 : i32
      %swap3A_785 = arith.constant 0 : i32
      %swap3A_786 = tpu.memref_slice %arg7[%scan3A_307, %swap3A_784, %swap3A_785] : memref<3x64x128xf32, #tpu.memory_space<vmem>> -> memref<1x64x128xf32, #tpu.memory_space<vmem>>
      %swap3A_787 = tpu.memref_squeeze %swap3A_786 : memref<1x64x128xf32, #tpu.memory_space<vmem>> -> memref<64x128xf32, #tpu.memory_space<vmem>>
      %swap3A_788 = arith.index_cast %add3A_783 : i32 to index
      %swap3A_789 = arith.constant 112 : index
      %swap3A_790 = tpu.vector_load %swap3A_787[%swap3A_788, %swap3A_789] {strides = array<i32>} : memref<64x128xf32, #tpu.memory_space<vmem>>, vector<1x16xf32>,
      %swap3A_791 = vector.shape_cast %swap3A_790 : vector<1x16xf32> to vector<16xf32>
      %swap3A_792 = vector.shape_cast %add3A_779 : vector<16xf32> to vector<1x16xf32>
      tpu.vector_store %swap3A_787[%swap3A_788, %swap3A_789], %swap3A_792 {strides = array<i32>} : memref<64x128xf32, #tpu.memory_space<vmem>>, vector<1x16xf32>,
      %mul3A_793 = arith.constant 2 : i32
      %mul3A_794 = arith.muli %mul3A_793, %scan3A_466 : i32
      %add3A_795 = arith.constant 1 : i32
      %add3A_796 = arith.addi %mul3A_794, %add3A_795 : i32
      %get3A_797 = arith.constant 0 : i32
      %get3A_798 = arith.constant 0 : i32
      %get3A_799 = tpu.memref_slice %arg7[%scan3A_307, %get3A_797, %get3A_798] : memref<3x64x128xf32, #tpu.memory_space<vmem>> -> memref<1x64x128xf32, #tpu.memory_space<vmem>>
      %get3A_800 = tpu.memref_squeeze %get3A_799 : memref<1x64x128xf32, #tpu.memory_space<vmem>> -> memref<64x128xf32, #tpu.memory_space<vmem>>
      %get3A_801 = arith.index_cast %add3A_796 : i32 to index
      %get3A_802 = arith.constant 0 : index
      %get3A_803 = tpu.vector_load %get3A_800[%get3A_801, %get3A_802] {strides = array<i32>} : memref<64x128xf32, #tpu.memory_space<vmem>>, vector<1x16xf32>,
      %get3A_804 = vector.shape_cast %get3A_803 : vector<1x16xf32> to vector<16xf32>
      %mul3A_805 = arith.constant 11.3137083 : f32
      %mul3A_806 = vector.broadcast %mul3A_805 : f32 to vector<16xf32>
      %mul3A_807 = arith.mulf %get3A_804, %mul3A_806 : vector<16xf32>
      %mul3A_808 = arith.constant 2 : i32
      %mul3A_809 = arith.muli %mul3A_808, %scan3A_466 : i32
      %add3A_810 = arith.constant 1 : i32
      %add3A_811 = arith.addi %mul3A_809, %add3A_810 : i32
      %get3A_812 = arith.constant 0 : i32
      %get3A_813 = arith.constant 0 : i32
      %get3A_814 = tpu.memref_slice %arg8[%scan3A_308, %get3A_812, %get3A_813] : memref<3x64x128xf32, #tpu.memory_space<vmem>> -> memref<1x64x128xf32, #tpu.memory_space<vmem>>
      %get3A_815 = tpu.memref_squeeze %get3A_814 : memref<1x64x128xf32, #tpu.memory_space<vmem>> -> memref<64x128xf32, #tpu.memory_space<vmem>>
      %get3A_816 = arith.index_cast %add3A_811 : i32 to index
      %get3A_817 = arith.constant 0 : index
      %get3A_818 = tpu.vector_load %get3A_815[%get3A_816, %get3A_817] {strides = array<i32>} : memref<64x128xf32, #tpu.memory_space<vmem>>, vector<1x16xf32>,
      %get3A_819 = vector.shape_cast %get3A_818 : vector<1x16xf32> to vector<16xf32>
      %add3A_820 = arith.addf %mul3A_807, %get3A_819 : vector<16xf32>
      %mul3A_821 = arith.constant 2 : i32
      %mul3A_822 = arith.muli %mul3A_821, %scan3A_466 : i32
      %add3A_823 = arith.constant 1 : i32
      %add3A_824 = arith.addi %mul3A_822, %add3A_823 : i32
      %swap3A_825 = arith.constant 0 : i32
      %swap3A_826 = arith.constant 0 : i32
      %swap3A_827 = tpu.memref_slice %arg7[%scan3A_307, %swap3A_825, %swap3A_826] : memref<3x64x128xf32, #tpu.memory_space<vmem>> -> memref<1x64x128xf32, #tpu.memory_space<vmem>>
      %swap3A_828 = tpu.memref_squeeze %swap3A_827 : memref<1x64x128xf32, #tpu.memory_space<vmem>> -> memref<64x128xf32, #tpu.memory_space<vmem>>
      %swap3A_829 = arith.index_cast %add3A_824 : i32 to index
      %swap3A_830 = arith.constant 0 : index
      %swap3A_831 = tpu.vector_load %swap3A_828[%swap3A_829, %swap3A_830] {strides = array<i32>} : memref<64x128xf32, #tpu.memory_space<vmem>>, vector<1x16xf32>,
      %swap3A_832 = vector.shape_cast %swap3A_831 : vector<1x16xf32> to vector<16xf32>
      %swap3A_833 = vector.shape_cast %add3A_820 : vector<16xf32> to vector<1x16xf32>
      tpu.vector_store %swap3A_828[%swap3A_829, %swap3A_830], %swap3A_833 {strides = array<i32>} : memref<64x128xf32, #tpu.memory_space<vmem>>, vector<1x16xf32>,
      %mul3A_834 = arith.constant 2 : i32
      %mul3A_835 = arith.muli %mul3A_834, %scan3A_466 : i32
      %add3A_836 = arith.constant 1 : i32
      %add3A_837 = arith.addi %mul3A_835, %add3A_836 : i32
      %get3A_838 = arith.constant 0 : i32
      %get3A_839 = arith.constant 0 : i32
      %get3A_840 = tpu.memref_slice %arg7[%scan3A_307, %get3A_838, %get3A_839] : memref<3x64x128xf32, #tpu.memory_space<vmem>> -> memref<1x64x128xf32, #tpu.memory_space<vmem>>
      %get3A_841 = tpu.memref_squeeze %get3A_840 : memref<1x64x128xf32, #tpu.memory_space<vmem>> -> memref<64x128xf32, #tpu.memory_space<vmem>>
      %get3A_842 = arith.index_cast %add3A_837 : i32 to index
      %get3A_843 = arith.constant 16 : index
      %get3A_844 = tpu.vector_load %get3A_841[%get3A_842, %get3A_843] {strides = array<i32>} : memref<64x128xf32, #tpu.memory_space<vmem>>, vector<1x16xf32>,
      %get3A_845 = vector.shape_cast %get3A_844 : vector<1x16xf32> to vector<16xf32>
      %mul3A_846 = arith.constant 11.3137083 : f32
      %mul3A_847 = vector.broadcast %mul3A_846 : f32 to vector<16xf32>
      %mul3A_848 = arith.mulf %get3A_845, %mul3A_847 : vector<16xf32>
      %mul3A_849 = arith.constant 2 : i32
      %mul3A_850 = arith.muli %mul3A_849, %scan3A_466 : i32
      %add3A_851 = arith.constant 1 : i32
      %add3A_852 = arith.addi %mul3A_850, %add3A_851 : i32
      %get3A_853 = arith.constant 0 : i32
      %get3A_854 = arith.constant 0 : i32
      %get3A_855 = tpu.memref_slice %arg8[%scan3A_308, %get3A_853, %get3A_854] : memref<3x64x128xf32, #tpu.memory_space<vmem>> -> memref<1x64x128xf32, #tpu.memory_space<vmem>>
      %get3A_856 = tpu.memref_squeeze %get3A_855 : memref<1x64x128xf32, #tpu.memory_space<vmem>> -> memref<64x128xf32, #tpu.memory_space<vmem>>
      %get3A_857 = arith.index_cast %add3A_852 : i32 to index
      %get3A_858 = arith.constant 16 : index
      %get3A_859 = tpu.vector_load %get3A_856[%get3A_857, %get3A_858] {strides = array<i32>} : memref<64x128xf32, #tpu.memory_space<vmem>>, vector<1x16xf32>,
      %get3A_860 = vector.shape_cast %get3A_859 : vector<1x16xf32> to vector<16xf32>
      %add3A_861 = arith.addf %mul3A_848, %get3A_860 : vector<16xf32>
      %mul3A_862 = arith.constant 2 : i32
      %mul3A_863 = arith.muli %mul3A_862, %scan3A_466 : i32
      %add3A_864 = arith.constant 1 : i32
      %add3A_865 = arith.addi %mul3A_863, %add3A_864 : i32
      %swap3A_866 = arith.constant 0 : i32
      %swap3A_867 = arith.constant 0 : i32
      %swap3A_868 = tpu.memref_slice %arg7[%scan3A_307, %swap3A_866, %swap3A_867] : memref<3x64x128xf32, #tpu.memory_space<vmem>> -> memref<1x64x128xf32, #tpu.memory_space<vmem>>
      %swap3A_869 = tpu.memref_squeeze %swap3A_868 : memref<1x64x128xf32, #tpu.memory_space<vmem>> -> memref<64x128xf32, #tpu.memory_space<vmem>>
      %swap3A_870 = arith.index_cast %add3A_865 : i32 to index
      %swap3A_871 = arith.constant 16 : index
      %swap3A_872 = tpu.vector_load %swap3A_869[%swap3A_870, %swap3A_871] {strides = array<i32>} : memref<64x128xf32, #tpu.memory_space<vmem>>, vector<1x16xf32>,
      %swap3A_873 = vector.shape_cast %swap3A_872 : vector<1x16xf32> to vector<16xf32>
      %swap3A_874 = vector.shape_cast %add3A_861 : vector<16xf32> to vector<1x16xf32>
      tpu.vector_store %swap3A_869[%swap3A_870, %swap3A_871], %swap3A_874 {strides = array<i32>} : memref<64x128xf32, #tpu.memory_space<vmem>>, vector<1x16xf32>,
      %mul3A_875 = arith.constant 2 : i32
      %mul3A_876 = arith.muli %mul3A_875, %scan3A_466 : i32
      %add3A_877 = arith.constant 1 : i32
      %add3A_878 = arith.addi %mul3A_876, %add3A_877 : i32
      %get3A_879 = arith.constant 0 : i32
      %get3A_880 = arith.constant 0 : i32
      %get3A_881 = tpu.memref_slice %arg7[%scan3A_307, %get3A_879, %get3A_880] : memref<3x64x128xf32, #tpu.memory_space<vmem>> -> memref<1x64x128xf32, #tpu.memory_space<vmem>>
      %get3A_882 = tpu.memref_squeeze %get3A_881 : memref<1x64x128xf32, #tpu.memory_space<vmem>> -> memref<64x128xf32, #tpu.memory_space<vmem>>
      %get3A_883 = arith.index_cast %add3A_878 : i32 to index
      %get3A_884 = arith.constant 32 : index
      %get3A_885 = tpu.vector_load %get3A_882[%get3A_883, %get3A_884] {strides = array<i32>} : memref<64x128xf32, #tpu.memory_space<vmem>>, vector<1x16xf32>,
      %get3A_886 = vector.shape_cast %get3A_885 : vector<1x16xf32> to vector<16xf32>
      %mul3A_887 = arith.constant 11.3137083 : f32
      %mul3A_888 = vector.broadcast %mul3A_887 : f32 to vector<16xf32>
      %mul3A_889 = arith.mulf %get3A_886, %mul3A_888 : vector<16xf32>
      %mul3A_890 = arith.constant 2 : i32
      %mul3A_891 = arith.muli %mul3A_890, %scan3A_466 : i32
      %add3A_892 = arith.constant 1 : i32
      %add3A_893 = arith.addi %mul3A_891, %add3A_892 : i32
      %get3A_894 = arith.constant 0 : i32
      %get3A_895 = arith.constant 0 : i32
      %get3A_896 = tpu.memref_slice %arg8[%scan3A_308, %get3A_894, %get3A_895] : memref<3x64x128xf32, #tpu.memory_space<vmem>> -> memref<1x64x128xf32, #tpu.memory_space<vmem>>
      %get3A_897 = tpu.memref_squeeze %get3A_896 : memref<1x64x128xf32, #tpu.memory_space<vmem>> -> memref<64x128xf32, #tpu.memory_space<vmem>>
      %get3A_898 = arith.index_cast %add3A_893 : i32 to index
      %get3A_899 = arith.constant 32 : index
      %get3A_900 = tpu.vector_load %get3A_897[%get3A_898, %get3A_899] {strides = array<i32>} : memref<64x128xf32, #tpu.memory_space<vmem>>, vector<1x16xf32>,
      %get3A_901 = vector.shape_cast %get3A_900 : vector<1x16xf32> to vector<16xf32>
      %add3A_902 = arith.addf %mul3A_889, %get3A_901 : vector<16xf32>
      %mul3A_903 = arith.constant 2 : i32
      %mul3A_904 = arith.muli %mul3A_903, %scan3A_466 : i32
      %add3A_905 = arith.constant 1 : i32
      %add3A_906 = arith.addi %mul3A_904, %add3A_905 : i32
      %swap3A_907 = arith.constant 0 : i32
      %swap3A_908 = arith.constant 0 : i32
      %swap3A_909 = tpu.memref_slice %arg7[%scan3A_307, %swap3A_907, %swap3A_908] : memref<3x64x128xf32, #tpu.memory_space<vmem>> -> memref<1x64x128xf32, #tpu.memory_space<vmem>>
      %swap3A_910 = tpu.memref_squeeze %swap3A_909 : memref<1x64x128xf32, #tpu.memory_space<vmem>> -> memref<64x128xf32, #tpu.memory_space<vmem>>
      %swap3A_911 = arith.index_cast %add3A_906 : i32 to index
      %swap3A_912 = arith.constant 32 : index
      %swap3A_913 = tpu.vector_load %swap3A_910[%swap3A_911, %swap3A_912] {strides = array<i32>} : memref<64x128xf32, #tpu.memory_space<vmem>>, vector<1x16xf32>,
      %swap3A_914 = vector.shape_cast %swap3A_913 : vector<1x16xf32> to vector<16xf32>
      %swap3A_915 = vector.shape_cast %add3A_902 : vector<16xf32> to vector<1x16xf32>
      tpu.vector_store %swap3A_910[%swap3A_911, %swap3A_912], %swap3A_915 {strides = array<i32>} : memref<64x128xf32, #tpu.memory_space<vmem>>, vector<1x16xf32>,
      %mul3A_916 = arith.constant 2 : i32
      %mul3A_917 = arith.muli %mul3A_916, %scan3A_466 : i32
      %add3A_918 = arith.constant 1 : i32
      %add3A_919 = arith.addi %mul3A_917, %add3A_918 : i32
      %get3A_920 = arith.constant 0 : i32
      %get3A_921 = arith.constant 0 : i32
      %get3A_922 = tpu.memref_slice %arg7[%scan3A_307, %get3A_920, %get3A_921] : memref<3x64x128xf32, #tpu.memory_space<vmem>> -> memref<1x64x128xf32, #tpu.memory_space<vmem>>
      %get3A_923 = tpu.memref_squeeze %get3A_922 : memref<1x64x128xf32, #tpu.memory_space<vmem>> -> memref<64x128xf32, #tpu.memory_space<vmem>>
      %get3A_924 = arith.index_cast %add3A_919 : i32 to index
      %get3A_925 = arith.constant 48 : index
      %get3A_926 = tpu.vector_load %get3A_923[%get3A_924, %get3A_925] {strides = array<i32>} : memref<64x128xf32, #tpu.memory_space<vmem>>, vector<1x16xf32>,
      %get3A_927 = vector.shape_cast %get3A_926 : vector<1x16xf32> to vector<16xf32>
      %mul3A_928 = arith.constant 11.3137083 : f32
      %mul3A_929 = vector.broadcast %mul3A_928 : f32 to vector<16xf32>
      %mul3A_930 = arith.mulf %get3A_927, %mul3A_929 : vector<16xf32>
      %mul3A_931 = arith.constant 2 : i32
      %mul3A_932 = arith.muli %mul3A_931, %scan3A_466 : i32
      %add3A_933 = arith.constant 1 : i32
      %add3A_934 = arith.addi %mul3A_932, %add3A_933 : i32
      %get3A_935 = arith.constant 0 : i32
      %get3A_936 = arith.constant 0 : i32
      %get3A_937 = tpu.memref_slice %arg8[%scan3A_308, %get3A_935, %get3A_936] : memref<3x64x128xf32, #tpu.memory_space<vmem>> -> memref<1x64x128xf32, #tpu.memory_space<vmem>>
      %get3A_938 = tpu.memref_squeeze %get3A_937 : memref<1x64x128xf32, #tpu.memory_space<vmem>> -> memref<64x128xf32, #tpu.memory_space<vmem>>
      %get3A_939 = arith.index_cast %add3A_934 : i32 to index
      %get3A_940 = arith.constant 48 : index
      %get3A_941 = tpu.vector_load %get3A_938[%get3A_939, %get3A_940] {strides = array<i32>} : memref<64x128xf32, #tpu.memory_space<vmem>>, vector<1x16xf32>,
      %get3A_942 = vector.shape_cast %get3A_941 : vector<1x16xf32> to vector<16xf32>
      %add3A_943 = arith.addf %mul3A_930, %get3A_942 : vector<16xf32>
      %mul3A_944 = arith.constant 2 : i32
      %mul3A_945 = arith.muli %mul3A_944, %scan3A_466 : i32
      %add3A_946 = arith.constant 1 : i32
      %add3A_947 = arith.addi %mul3A_945, %add3A_946 : i32
      %swap3A_948 = arith.constant 0 : i32
      %swap3A_949 = arith.constant 0 : i32
      %swap3A_950 = tpu.memref_slice %arg7[%scan3A_307, %swap3A_948, %swap3A_949] : memref<3x64x128xf32, #tpu.memory_space<vmem>> -> memref<1x64x128xf32, #tpu.memory_space<vmem>>
      %swap3A_951 = tpu.memref_squeeze %swap3A_950 : memref<1x64x128xf32, #tpu.memory_space<vmem>> -> memref<64x128xf32, #tpu.memory_space<vmem>>
      %swap3A_952 = arith.index_cast %add3A_947 : i32 to index
      %swap3A_953 = arith.constant 48 : index
      %swap3A_954 = tpu.vector_load %swap3A_951[%swap3A_952, %swap3A_953] {strides = array<i32>} : memref<64x128xf32, #tpu.memory_space<vmem>>, vector<1x16xf32>,
      %swap3A_955 = vector.shape_cast %swap3A_954 : vector<1x16xf32> to vector<16xf32>
      %swap3A_956 = vector.shape_cast %add3A_943 : vector<16xf32> to vector<1x16xf32>
      tpu.vector_store %swap3A_951[%swap3A_952, %swap3A_953], %swap3A_956 {strides = array<i32>} : memref<64x128xf32, #tpu.memory_space<vmem>>, vector<1x16xf32>,
      %mul3A_957 = arith.constant 2 : i32
      %mul3A_958 = arith.muli %mul3A_957, %scan3A_466 : i32
      %add3A_959 = arith.constant 1 : i32
      %add3A_960 = arith.addi %mul3A_958, %add3A_959 : i32
      %get3A_961 = arith.constant 0 : i32
      %get3A_962 = arith.constant 0 : i32
      %get3A_963 = tpu.memref_slice %arg7[%scan3A_307, %get3A_961, %get3A_962] : memref<3x64x128xf32, #tpu.memory_space<vmem>> -> memref<1x64x128xf32, #tpu.memory_space<vmem>>
      %get3A_964 = tpu.memref_squeeze %get3A_963 : memref<1x64x128xf32, #tpu.memory_space<vmem>> -> memref<64x128xf32, #tpu.memory_space<vmem>>
      %get3A_965 = arith.index_cast %add3A_960 : i32 to index
      %get3A_966 = arith.constant 64 : index
      %get3A_967 = tpu.vector_load %get3A_964[%get3A_965, %get3A_966] {strides = array<i32>} : memref<64x128xf32, #tpu.memory_space<vmem>>, vector<1x16xf32>,
      %get3A_968 = vector.shape_cast %get3A_967 : vector<1x16xf32> to vector<16xf32>
      %mul3A_969 = arith.constant 11.3137083 : f32
      %mul3A_970 = vector.broadcast %mul3A_969 : f32 to vector<16xf32>
      %mul3A_971 = arith.mulf %get3A_968, %mul3A_970 : vector<16xf32>
      %mul3A_972 = arith.constant 2 : i32
      %mul3A_973 = arith.muli %mul3A_972, %scan3A_466 : i32
      %add3A_974 = arith.constant 1 : i32
      %add3A_975 = arith.addi %mul3A_973, %add3A_974 : i32
      %get3A_976 = arith.constant 0 : i32
      %get3A_977 = arith.constant 0 : i32
      %get3A_978 = tpu.memref_slice %arg8[%scan3A_308, %get3A_976, %get3A_977] : memref<3x64x128xf32, #tpu.memory_space<vmem>> -> memref<1x64x128xf32, #tpu.memory_space<vmem>>
      %get3A_979 = tpu.memref_squeeze %get3A_978 : memref<1x64x128xf32, #tpu.memory_space<vmem>> -> memref<64x128xf32, #tpu.memory_space<vmem>>
      %get3A_980 = arith.index_cast %add3A_975 : i32 to index
      %get3A_981 = arith.constant 64 : index
      %get3A_982 = tpu.vector_load %get3A_979[%get3A_980, %get3A_981] {strides = array<i32>} : memref<64x128xf32, #tpu.memory_space<vmem>>, vector<1x16xf32>,
      %get3A_983 = vector.shape_cast %get3A_982 : vector<1x16xf32> to vector<16xf32>
      %add3A_984 = arith.addf %mul3A_971, %get3A_983 : vector<16xf32>
      %mul3A_985 = arith.constant 2 : i32
      %mul3A_986 = arith.muli %mul3A_985, %scan3A_466 : i32
      %add3A_987 = arith.constant 1 : i32
      %add3A_988 = arith.addi %mul3A_986, %add3A_987 : i32
      %swap3A_989 = arith.constant 0 : i32
      %swap3A_990 = arith.constant 0 : i32
      %swap3A_991 = tpu.memref_slice %arg7[%scan3A_307, %swap3A_989, %swap3A_990] : memref<3x64x128xf32, #tpu.memory_space<vmem>> -> memref<1x64x128xf32, #tpu.memory_space<vmem>>
      %swap3A_992 = tpu.memref_squeeze %swap3A_991 : memref<1x64x128xf32, #tpu.memory_space<vmem>> -> memref<64x128xf32, #tpu.memory_space<vmem>>
      %swap3A_993 = arith.index_cast %add3A_988 : i32 to index
      %swap3A_994 = arith.constant 64 : index
      %swap3A_995 = tpu.vector_load %swap3A_992[%swap3A_993, %swap3A_994] {strides = array<i32>} : memref<64x128xf32, #tpu.memory_space<vmem>>, vector<1x16xf32>,
      %swap3A_996 = vector.shape_cast %swap3A_995 : vector<1x16xf32> to vector<16xf32>
      %swap3A_997 = vector.shape_cast %add3A_984 : vector<16xf32> to vector<1x16xf32>
      tpu.vector_store %swap3A_992[%swap3A_993, %swap3A_994], %swap3A_997 {strides = array<i32>} : memref<64x128xf32, #tpu.memory_space<vmem>>, vector<1x16xf32>,
      %mul3A_998 = arith.constant 2 : i32
      %mul3A_999 = arith.muli %mul3A_998, %scan3A_466 : i32
      %add3A_1000 = arith.constant 1 : i32
      %add3A_1001 = arith.addi %mul3A_999, %add3A_1000 : i32
      %get3A_1002 = arith.constant 0 : i32
      %get3A_1003 = arith.constant 0 : i32
      %get3A_1004 = tpu.memref_slice %arg7[%scan3A_307, %get3A_1002, %get3A_1003] : memref<3x64x128xf32, #tpu.memory_space<vmem>> -> memref<1x64x128xf32, #tpu.memory_space<vmem>>
      %get3A_1005 = tpu.memref_squeeze %get3A_1004 : memref<1x64x128xf32, #tpu.memory_space<vmem>> -> memref<64x128xf32, #tpu.memory_space<vmem>>
      %get3A_1006 = arith.index_cast %add3A_1001 : i32 to index
      %get3A_1007 = arith.constant 80 : index
      %get3A_1008 = tpu.vector_load %get3A_1005[%get3A_1006, %get3A_1007] {strides = array<i32>} : memref<64x128xf32, #tpu.memory_space<vmem>>, vector<1x16xf32>,
      %get3A_1009 = vector.shape_cast %get3A_1008 : vector<1x16xf32> to vector<16xf32>
      %mul3A_1010 = arith.constant 11.3137083 : f32
      %mul3A_1011 = vector.broadcast %mul3A_1010 : f32 to vector<16xf32>
      %mul3A_1012 = arith.mulf %get3A_1009, %mul3A_1011 : vector<16xf32>
      %mul3A_1013 = arith.constant 2 : i32
      %mul3A_1014 = arith.muli %mul3A_1013, %scan3A_466 : i32
      %add3A_1015 = arith.constant 1 : i32
      %add3A_1016 = arith.addi %mul3A_1014, %add3A_1015 : i32
      %get3A_1017 = arith.constant 0 : i32
      %get3A_1018 = arith.constant 0 : i32
      %get3A_1019 = tpu.memref_slice %arg8[%scan3A_308, %get3A_1017, %get3A_1018] : memref<3x64x128xf32, #tpu.memory_space<vmem>> -> memref<1x64x128xf32, #tpu.memory_space<vmem>>
      %get3A_1020 = tpu.memref_squeeze %get3A_1019 : memref<1x64x128xf32, #tpu.memory_space<vmem>> -> memref<64x128xf32, #tpu.memory_space<vmem>>
      %get3A_1021 = arith.index_cast %add3A_1016 : i32 to index
      %get3A_1022 = arith.constant 80 : index
      %get3A_1023 = tpu.vector_load %get3A_1020[%get3A_1021, %get3A_1022] {strides = array<i32>} : memref<64x128xf32, #tpu.memory_space<vmem>>, vector<1x16xf32>,
      %get3A_1024 = vector.shape_cast %get3A_1023 : vector<1x16xf32> to vector<16xf32>
      %add3A_1025 = arith.addf %mul3A_1012, %get3A_1024 : vector<16xf32>
      %mul3A_1026 = arith.constant 2 : i32
      %mul3A_1027 = arith.muli %mul3A_1026, %scan3A_466 : i32
      %add3A_1028 = arith.constant 1 : i32
      %add3A_1029 = arith.addi %mul3A_1027, %add3A_1028 : i32
      %swap3A_1030 = arith.constant 0 : i32
      %swap3A_1031 = arith.constant 0 : i32
      %swap3A_1032 = tpu.memref_slice %arg7[%scan3A_307, %swap3A_1030, %swap3A_1031] : memref<3x64x128xf32, #tpu.memory_space<vmem>> -> memref<1x64x128xf32, #tpu.memory_space<vmem>>
      %swap3A_1033 = tpu.memref_squeeze %swap3A_1032 : memref<1x64x128xf32, #tpu.memory_space<vmem>> -> memref<64x128xf32, #tpu.memory_space<vmem>>
      %swap3A_1034 = arith.index_cast %add3A_1029 : i32 to index
      %swap3A_1035 = arith.constant 80 : index
      %swap3A_1036 = tpu.vector_load %swap3A_1033[%swap3A_1034, %swap3A_1035] {strides = array<i32>} : memref<64x128xf32, #tpu.memory_space<vmem>>, vector<1x16xf32>,
      %swap3A_1037 = vector.shape_cast %swap3A_1036 : vector<1x16xf32> to vector<16xf32>
      %swap3A_1038 = vector.shape_cast %add3A_1025 : vector<16xf32> to vector<1x16xf32>
      tpu.vector_store %swap3A_1033[%swap3A_1034, %swap3A_1035], %swap3A_1038 {strides = array<i32>} : memref<64x128xf32, #tpu.memory_space<vmem>>, vector<1x16xf32>,
      %mul3A_1039 = arith.constant 2 : i32
      %mul3A_1040 = arith.muli %mul3A_1039, %scan3A_466 : i32
      %add3A_1041 = arith.constant 1 : i32
      %add3A_1042 = arith.addi %mul3A_1040, %add3A_1041 : i32
      %get3A_1043 = arith.constant 0 : i32
      %get3A_1044 = arith.constant 0 : i32
      %get3A_1045 = tpu.memref_slice %arg7[%scan3A_307, %get3A_1043, %get3A_1044] : memref<3x64x128xf32, #tpu.memory_space<vmem>> -> memref<1x64x128xf32, #tpu.memory_space<vmem>>
      %get3A_1046 = tpu.memref_squeeze %get3A_1045 : memref<1x64x128xf32, #tpu.memory_space<vmem>> -> memref<64x128xf32, #tpu.memory_space<vmem>>
      %get3A_1047 = arith.index_cast %add3A_1042 : i32 to index
      %get3A_1048 = arith.constant 96 : index
      %get3A_1049 = tpu.vector_load %get3A_1046[%get3A_1047, %get3A_1048] {strides = array<i32>} : memref<64x128xf32, #tpu.memory_space<vmem>>, vector<1x16xf32>,
      %get3A_1050 = vector.shape_cast %get3A_1049 : vector<1x16xf32> to vector<16xf32>
      %mul3A_1051 = arith.constant 11.3137083 : f32
      %mul3A_1052 = vector.broadcast %mul3A_1051 : f32 to vector<16xf32>
      %mul3A_1053 = arith.mulf %get3A_1050, %mul3A_1052 : vector<16xf32>
      %mul3A_1054 = arith.constant 2 : i32
      %mul3A_1055 = arith.muli %mul3A_1054, %scan3A_466 : i32
      %add3A_1056 = arith.constant 1 : i32
      %add3A_1057 = arith.addi %mul3A_1055, %add3A_1056 : i32
      %get3A_1058 = arith.constant 0 : i32
      %get3A_1059 = arith.constant 0 : i32
      %get3A_1060 = tpu.memref_slice %arg8[%scan3A_308, %get3A_1058, %get3A_1059] : memref<3x64x128xf32, #tpu.memory_space<vmem>> -> memref<1x64x128xf32, #tpu.memory_space<vmem>>
      %get3A_1061 = tpu.memref_squeeze %get3A_1060 : memref<1x64x128xf32, #tpu.memory_space<vmem>> -> memref<64x128xf32, #tpu.memory_space<vmem>>
      %get3A_1062 = arith.index_cast %add3A_1057 : i32 to index
      %get3A_1063 = arith.constant 96 : index
      %get3A_1064 = tpu.vector_load %get3A_1061[%get3A_1062, %get3A_1063] {strides = array<i32>} : memref<64x128xf32, #tpu.memory_space<vmem>>, vector<1x16xf32>,
      %get3A_1065 = vector.shape_cast %get3A_1064 : vector<1x16xf32> to vector<16xf32>
      %add3A_1066 = arith.addf %mul3A_1053, %get3A_1065 : vector<16xf32>
      %mul3A_1067 = arith.constant 2 : i32
      %mul3A_1068 = arith.muli %mul3A_1067, %scan3A_466 : i32
      %add3A_1069 = arith.constant 1 : i32
      %add3A_1070 = arith.addi %mul3A_1068, %add3A_1069 : i32
      %swap3A_1071 = arith.constant 0 : i32
      %swap3A_1072 = arith.constant 0 : i32
      %swap3A_1073 = tpu.memref_slice %arg7[%scan3A_307, %swap3A_1071, %swap3A_1072] : memref<3x64x128xf32, #tpu.memory_space<vmem>> -> memref<1x64x128xf32, #tpu.memory_space<vmem>>
      %swap3A_1074 = tpu.memref_squeeze %swap3A_1073 : memref<1x64x128xf32, #tpu.memory_space<vmem>> -> memref<64x128xf32, #tpu.memory_space<vmem>>
      %swap3A_1075 = arith.index_cast %add3A_1070 : i32 to index
      %swap3A_1076 = arith.constant 96 : index
      %swap3A_1077 = tpu.vector_load %swap3A_1074[%swap3A_1075, %swap3A_1076] {strides = array<i32>} : memref<64x128xf32, #tpu.memory_space<vmem>>, vector<1x16xf32>,
      %swap3A_1078 = vector.shape_cast %swap3A_1077 : vector<1x16xf32> to vector<16xf32>
      %swap3A_1079 = vector.shape_cast %add3A_1066 : vector<16xf32> to vector<1x16xf32>
      tpu.vector_store %swap3A_1074[%swap3A_1075, %swap3A_1076], %swap3A_1079 {strides = array<i32>} : memref<64x128xf32, #tpu.memory_space<vmem>>, vector<1x16xf32>,
      %mul3A_1080 = arith.constant 2 : i32
      %mul3A_1081 = arith.muli %mul3A_1080, %scan3A_466 : i32
      %add3A_1082 = arith.constant 1 : i32
      %add3A_1083 = arith.addi %mul3A_1081, %add3A_1082 : i32
      %get3A_1084 = arith.constant 0 : i32
      %get3A_1085 = arith.constant 0 : i32
      %get3A_1086 = tpu.memref_slice %arg7[%scan3A_307, %get3A_1084, %get3A_1085] : memref<3x64x128xf32, #tpu.memory_space<vmem>> -> memref<1x64x128xf32, #tpu.memory_space<vmem>>
      %get3A_1087 = tpu.memref_squeeze %get3A_1086 : memref<1x64x128xf32, #tpu.memory_space<vmem>> -> memref<64x128xf32, #tpu.memory_space<vmem>>
      %get3A_1088 = arith.index_cast %add3A_1083 : i32 to index
      %get3A_1089 = arith.constant 112 : index
      %get3A_1090 = tpu.vector_load %get3A_1087[%get3A_1088, %get3A_1089] {strides = array<i32>} : memref<64x128xf32, #tpu.memory_space<vmem>>, vector<1x16xf32>,
      %get3A_1091 = vector.shape_cast %get3A_1090 : vector<1x16xf32> to vector<16xf32>
      %mul3A_1092 = arith.constant 11.3137083 : f32
      %mul3A_1093 = vector.broadcast %mul3A_1092 : f32 to vector<16xf32>
      %mul3A_1094 = arith.mulf %get3A_1091, %mul3A_1093 : vector<16xf32>
      %mul3A_1095 = arith.constant 2 : i32
      %mul3A_1096 = arith.muli %mul3A_1095, %scan3A_466 : i32
      %add3A_1097 = arith.constant 1 : i32
      %add3A_1098 = arith.addi %mul3A_1096, %add3A_1097 : i32
      %get3A_1099 = arith.constant 0 : i32
      %get3A_1100 = arith.constant 0 : i32
      %get3A_1101 = tpu.memref_slice %arg8[%scan3A_308, %get3A_1099, %get3A_1100] : memref<3x64x128xf32, #tpu.memory_space<vmem>> -> memref<1x64x128xf32, #tpu.memory_space<vmem>>
      %get3A_1102 = tpu.memref_squeeze %get3A_1101 : memref<1x64x128xf32, #tpu.memory_space<vmem>> -> memref<64x128xf32, #tpu.memory_space<vmem>>
      %get3A_1103 = arith.index_cast %add3A_1098 : i32 to index
      %get3A_1104 = arith.constant 112 : index
      %get3A_1105 = tpu.vector_load %get3A_1102[%get3A_1103, %get3A_1104] {strides = array<i32>} : memref<64x128xf32, #tpu.memory_space<vmem>>, vector<1x16xf32>,
      %get3A_1106 = vector.shape_cast %get3A_1105 : vector<1x16xf32> to vector<16xf32>
      %add3A_1107 = arith.addf %mul3A_1094, %get3A_1106 : vector<16xf32>
      %mul3A_1108 = arith.constant 2 : i32
      %mul3A_1109 = arith.muli %mul3A_1108, %scan3A_466 : i32
      %add3A_1110 = arith.constant 1 : i32
      %add3A_1111 = arith.addi %mul3A_1109, %add3A_1110 : i32
      %swap3A_1112 = arith.constant 0 : i32
      %swap3A_1113 = arith.constant 0 : i32
      %swap3A_1114 = tpu.memref_slice %arg7[%scan3A_307, %swap3A_1112, %swap3A_1113] : memref<3x64x128xf32, #tpu.memory_space<vmem>> -> memref<1x64x128xf32, #tpu.memory_space<vmem>>
      %swap3A_1115 = tpu.memref_squeeze %swap3A_1114 : memref<1x64x128xf32, #tpu.memory_space<vmem>> -> memref<64x128xf32, #tpu.memory_space<vmem>>
      %swap3A_1116 = arith.index_cast %add3A_1111 : i32 to index
      %swap3A_1117 = arith.constant 112 : index
      %swap3A_1118 = tpu.vector_load %swap3A_1115[%swap3A_1116, %swap3A_1117] {strides = array<i32>} : memref<64x128xf32, #tpu.memory_space<vmem>>, vector<1x16xf32>,
      %swap3A_1119 = vector.shape_cast %swap3A_1118 : vector<1x16xf32> to vector<16xf32>
      %swap3A_1120 = vector.shape_cast %add3A_1107 : vector<16xf32> to vector<1x16xf32>
      tpu.vector_store %swap3A_1115[%swap3A_1116, %swap3A_1117], %swap3A_1120 {strides = array<i32>} : memref<64x128xf32, #tpu.memory_space<vmem>>, vector<1x16xf32>,
    }
    %scan3A_313 = arith.constant 32 : i32
    %add3A_314 = arith.constant 128 : i32
    %add3A_315 = arith.addi %mul3A_20, %add3A_314 : i32
    %dma_start3A_316 = arith.constant 2 : i32
    %dma_start3A_317 = arith.constant 0 : i32
    %dma_start3A_318 = arith.constant 0 : i32
    %dma_start3A_319 = tpu.memref_slice %arg7[%dma_start3A_316, %dma_start3A_317, %dma_start3A_318] : memref<3x64x128xf32, #tpu.memory_space<vmem>> -> memref<1x64x128xf32, #tpu.memory_space<vmem>>
    %dma_start3A_320 = tpu.memref_squeeze %dma_start3A_319 : memref<1x64x128xf32, #tpu.memory_space<vmem>> -> memref<64x128xf32, #tpu.memory_space<vmem>>
    %dma_start3A_321 = arith.constant 0 : i32
    %dma_start3A_322 = tpu.memref_slice %arg5[%select_n3A, %add3A_315, %dma_start3A_321] : memref<4x2048x128xf32, #tpu.memory_space<hbm>> -> memref<1x64x128xf32, #tpu.memory_space<hbm>>
    %dma_start3A_323 = tpu.memref_squeeze %dma_start3A_322 : memref<1x64x128xf32, #tpu.memory_space<hbm>> -> memref<64x128xf32, #tpu.memory_space<hbm>>
    %dma_start3A_324 = arith.constant 0 : i32
    %dma_start3A_325 = tpu.memref_slice %arg5[%select_n3A, %add3A_315, %dma_start3A_324] : memref<4x2048x128xf32, #tpu.memory_space<hbm>> -> memref<1x64x128xf32, #tpu.memory_space<hbm>>
    %dma_start3A_326 = tpu.memref_squeeze %dma_start3A_325 : memref<1x64x128xf32, #tpu.memory_space<hbm>> -> memref<64x128xf32, #tpu.memory_space<hbm>>
    %dma_start3A_327 = arith.constant 0 : i32
    %dma_start3A_328 = arith.constant 0 : i32
    %dma_start3A_329 = tpu.memref_slice %arg7[%dma_start3A_316, %dma_start3A_327, %dma_start3A_328] : memref<3x64x128xf32, #tpu.memory_space<vmem>> -> memref<1x64x128xf32, #tpu.memory_space<vmem>>
    %dma_start3A_330 = tpu.memref_squeeze %dma_start3A_329 : memref<1x64x128xf32, #tpu.memory_space<vmem>> -> memref<64x128xf32, #tpu.memory_space<vmem>>
    tpu.enqueue_dma source(%dma_start3A_330 : memref<64x128xf32, #tpu.memory_space<vmem>>) target(%dma_start3A_326 : memref<64x128xf32, #tpu.memory_space<hbm>>) target_semaphore(%arg20 : memref<!tpu.dma_semaphore, #tpu.memory_space<semaphore_mem>>)
    %dma_wait3A_331 = arith.constant 0 : i32
    %dma_wait3A_332 = arith.constant 0 : i32
    %dma_wait3A_333 = arith.constant 0 : i32
    %dma_wait3A_334 = tpu.memref_slice %arg7[%dma_wait3A_331, %dma_wait3A_332, %dma_wait3A_333] : memref<3x64x128xf32, #tpu.memory_space<vmem>> -> memref<1x64x128xf32, #tpu.memory_space<vmem>>
    %dma_wait3A_335 = tpu.memref_squeeze %dma_wait3A_334 : memref<1x64x128xf32, #tpu.memory_space<vmem>> -> memref<64x128xf32, #tpu.memory_space<vmem>>
    %dma_wait3A_336 = arith.constant 192 : i32
    %dma_wait3A_337 = tpu.memref_slice %arg6[%dma_wait3A_336] : memref<256xi32, #tpu.memory_space<vmem>> -> memref<64xi32, #tpu.memory_space<vmem>>
    %dma_wait3A_338 = arith.constant 0 : i32
    %dma_wait3A_339 = arith.constant 0 : i32
    %dma_wait3A_340 = tpu.memref_slice %arg3[%dma_wait3A_338, %dma_wait3A_339] : memref<1000000x128xf32, #tpu.memory_space<hbm>> -> memref<1000000x128xf32, #tpu.memory_space<hbm>>
    tpu.wait_indirect_dma semaphore(%arg12 : memref<!tpu.dma_semaphore, #tpu.memory_space<semaphore_mem>>) src(%dma_wait3A_340 : memref<1000000x128xf32, #tpu.memory_space<hbm>>) dst(%dma_wait3A_335 : memref<64x128xf32, #tpu.memory_space<vmem>>)
    %dma_wait3A_341 = arith.constant 0 : i32
    %dma_wait3A_342 = arith.constant 0 : i32
    %dma_wait3A_343 = arith.constant 0 : i32
    %dma_wait3A_344 = tpu.memref_slice %arg8[%dma_wait3A_341, %dma_wait3A_342, %dma_wait3A_343] : memref<3x64x128xf32, #tpu.memory_space<vmem>> -> memref<1x64x128xf32, #tpu.memory_space<vmem>>
    %dma_wait3A_345 = tpu.memref_squeeze %dma_wait3A_344 : memref<1x64x128xf32, #tpu.memory_space<vmem>> -> memref<64x128xf32, #tpu.memory_space<vmem>>
    %dma_wait3A_346 = arith.constant 0 : i32
    %dma_wait3A_347 = tpu.memref_slice %arg9[%add3A_244, %dma_wait3A_346] : memref<1024x128xf32, #tpu.memory_space<vmem_shared>> -> memref<64x128xf32, #tpu.memory_space<vmem_shared>>
    %dma_wait3A_348 = arith.constant 0 : i32
    %dma_wait3A_349 = arith.constant 0 : i32
    %dma_wait3A_350 = tpu.memref_slice %arg8[%dma_wait3A_341, %dma_wait3A_348, %dma_wait3A_349] : memref<3x64x128xf32, #tpu.memory_space<vmem>> -> memref<1x64x128xf32, #tpu.memory_space<vmem>>
    %dma_wait3A_351 = tpu.memref_squeeze %dma_wait3A_350 : memref<1x64x128xf32, #tpu.memory_space<vmem>> -> memref<64x128xf32, #tpu.memory_space<vmem>>
    %dma_wait3A_352 = arith.constant 0 : i32
    %dma_wait3A_353 = tpu.memref_slice %arg9[%add3A_244, %dma_wait3A_352] : memref<1024x128xf32, #tpu.memory_space<vmem_shared>> -> memref<64x128xf32, #tpu.memory_space<vmem_shared>>
    tpu.wait_dma2 semaphore(%arg15 : memref<!tpu.dma_semaphore, #tpu.memory_space<semaphore_mem>>) src(%dma_wait3A_353 : memref<64x128xf32, #tpu.memory_space<vmem_shared>>) dst(%dma_wait3A_351 : memref<64x128xf32, #tpu.memory_space<vmem>>)
    %scan3A_354 = arith.constant 0 : i32
    %scan3A_355 = arith.constant 0 : i32
    %scan3A_356 = arith.constant 0 : i32
    %scan3A_357 = arith.constant 0 : i32
    %scan3A_358 = arith.constant 16 : i32
    %scan3A_359 = arith.addi %scan3A_357, %scan3A_358 : i32
    %scan3A_360 = arith.constant 1 : i32
    scf.for %scan3A_466 = %scan3A_357 to %scan3A_359 step %scan3A_360  : i32 {
      %mul3A_467 = arith.constant 2 : i32
      %mul3A_468 = arith.muli %mul3A_467, %scan3A_466 : i32
      %add3A_469 = arith.constant 0 : i32
      %add3A_470 = arith.addi %mul3A_468, %add3A_469 : i32
      %get3A = arith.constant 0 : i32
      %get3A_471 = arith.constant 0 : i32
      %get3A_472 = tpu.memref_slice %arg7[%scan3A_355, %get3A, %get3A_471] : memref<3x64x128xf32, #tpu.memory_space<vmem>> -> memref<1x64x128xf32, #tpu.memory_space<vmem>>
      %get3A_473 = tpu.memref_squeeze %get3A_472 : memref<1x64x128xf32, #tpu.memory_space<vmem>> -> memref<64x128xf32, #tpu.memory_space<vmem>>
      %get3A_474 = arith.index_cast %add3A_470 : i32 to index
      %get3A_475 = arith.constant 0 : index
      %get3A_476 = tpu.vector_load %get3A_473[%get3A_474, %get3A_475] {strides = array<i32>} : memref<64x128xf32, #tpu.memory_space<vmem>>, vector<1x16xf32>,
      %get3A_477 = vector.shape_cast %get3A_476 : vector<1x16xf32> to vector<16xf32>
      %mul3A_478 = arith.constant 11.3137083 : f32
      %mul3A_479 = vector.broadcast %mul3A_478 : f32 to vector<16xf32>
      %mul3A_480 = arith.mulf %get3A_477, %mul3A_479 : vector<16xf32>
      %mul3A_481 = arith.constant 2 : i32
      %mul3A_482 = arith.muli %mul3A_481, %scan3A_466 : i32
      %add3A_483 = arith.constant 0 : i32
      %add3A_484 = arith.addi %mul3A_482, %add3A_483 : i32
      %get3A_485 = arith.constant 0 : i32
      %get3A_486 = arith.constant 0 : i32
      %get3A_487 = tpu.memref_slice %arg8[%scan3A_356, %get3A_485, %get3A_486] : memref<3x64x128xf32, #tpu.memory_space<vmem>> -> memref<1x64x128xf32, #tpu.memory_space<vmem>>
      %get3A_488 = tpu.memref_squeeze %get3A_487 : memref<1x64x128xf32, #tpu.memory_space<vmem>> -> memref<64x128xf32, #tpu.memory_space<vmem>>
      %get3A_489 = arith.index_cast %add3A_484 : i32 to index
      %get3A_490 = arith.constant 0 : index
      %get3A_491 = tpu.vector_load %get3A_488[%get3A_489, %get3A_490] {strides = array<i32>} : memref<64x128xf32, #tpu.memory_space<vmem>>, vector<1x16xf32>,
      %get3A_492 = vector.shape_cast %get3A_491 : vector<1x16xf32> to vector<16xf32>
      %add3A_493 = arith.addf %mul3A_480, %get3A_492 : vector<16xf32>
      %mul3A_494 = arith.constant 2 : i32
      %mul3A_495 = arith.muli %mul3A_494, %scan3A_466 : i32
      %add3A_496 = arith.constant 0 : i32
      %add3A_497 = arith.addi %mul3A_495, %add3A_496 : i32
      %swap3A = arith.constant 0 : i32
      %swap3A_498 = arith.constant 0 : i32
      %swap3A_499 = tpu.memref_slice %arg7[%scan3A_355, %swap3A, %swap3A_498] : memref<3x64x128xf32, #tpu.memory_space<vmem>> -> memref<1x64x128xf32, #tpu.memory_space<vmem>>
      %swap3A_500 = tpu.memref_squeeze %swap3A_499 : memref<1x64x128xf32, #tpu.memory_space<vmem>> -> memref<64x128xf32, #tpu.memory_space<vmem>>
      %swap3A_501 = arith.index_cast %add3A_497 : i32 to index
      %swap3A_502 = arith.constant 0 : index
      %swap3A_503 = tpu.vector_load %swap3A_500[%swap3A_501, %swap3A_502] {strides = array<i32>} : memref<64x128xf32, #tpu.memory_space<vmem>>, vector<1x16xf32>,
      %swap3A_504 = vector.shape_cast %swap3A_503 : vector<1x16xf32> to vector<16xf32>
      %swap3A_505 = vector.shape_cast %add3A_493 : vector<16xf32> to vector<1x16xf32>
      tpu.vector_store %swap3A_500[%swap3A_501, %swap3A_502], %swap3A_505 {strides = array<i32>} : memref<64x128xf32, #tpu.memory_space<vmem>>, vector<1x16xf32>,
      %mul3A_506 = arith.constant 2 : i32
      %mul3A_507 = arith.muli %mul3A_506, %scan3A_466 : i32
      %add3A_508 = arith.constant 0 : i32
      %add3A_509 = arith.addi %mul3A_507, %add3A_508 : i32
      %get3A_510 = arith.constant 0 : i32
      %get3A_511 = arith.constant 0 : i32
      %get3A_512 = tpu.memref_slice %arg7[%scan3A_355, %get3A_510, %get3A_511] : memref<3x64x128xf32, #tpu.memory_space<vmem>> -> memref<1x64x128xf32, #tpu.memory_space<vmem>>
      %get3A_513 = tpu.memref_squeeze %get3A_512 : memref<1x64x128xf32, #tpu.memory_space<vmem>> -> memref<64x128xf32, #tpu.memory_space<vmem>>
      %get3A_514 = arith.index_cast %add3A_509 : i32 to index
      %get3A_515 = arith.constant 16 : index
      %get3A_516 = tpu.vector_load %get3A_513[%get3A_514, %get3A_515] {strides = array<i32>} : memref<64x128xf32, #tpu.memory_space<vmem>>, vector<1x16xf32>,
      %get3A_517 = vector.shape_cast %get3A_516 : vector<1x16xf32> to vector<16xf32>
      %mul3A_518 = arith.constant 11.3137083 : f32
      %mul3A_519 = vector.broadcast %mul3A_518 : f32 to vector<16xf32>
      %mul3A_520 = arith.mulf %get3A_517, %mul3A_519 : vector<16xf32>
      %mul3A_521 = arith.constant 2 : i32
      %mul3A_522 = arith.muli %mul3A_521, %scan3A_466 : i32
      %add3A_523 = arith.constant 0 : i32
      %add3A_524 = arith.addi %mul3A_522, %add3A_523 : i32
      %get3A_525 = arith.constant 0 : i32
      %get3A_526 = arith.constant 0 : i32
      %get3A_527 = tpu.memref_slice %arg8[%scan3A_356, %get3A_525, %get3A_526] : memref<3x64x128xf32, #tpu.memory_space<vmem>> -> memref<1x64x128xf32, #tpu.memory_space<vmem>>
      %get3A_528 = tpu.memref_squeeze %get3A_527 : memref<1x64x128xf32, #tpu.memory_space<vmem>> -> memref<64x128xf32, #tpu.memory_space<vmem>>
      %get3A_529 = arith.index_cast %add3A_524 : i32 to index
      %get3A_530 = arith.constant 16 : index
      %get3A_531 = tpu.vector_load %get3A_528[%get3A_529, %get3A_530] {strides = array<i32>} : memref<64x128xf32, #tpu.memory_space<vmem>>, vector<1x16xf32>,
      %get3A_532 = vector.shape_cast %get3A_531 : vector<1x16xf32> to vector<16xf32>
      %add3A_533 = arith.addf %mul3A_520, %get3A_532 : vector<16xf32>
      %mul3A_534 = arith.constant 2 : i32
      %mul3A_535 = arith.muli %mul3A_534, %scan3A_466 : i32
      %add3A_536 = arith.constant 0 : i32
      %add3A_537 = arith.addi %mul3A_535, %add3A_536 : i32
      %swap3A_538 = arith.constant 0 : i32
      %swap3A_539 = arith.constant 0 : i32
      %swap3A_540 = tpu.memref_slice %arg7[%scan3A_355, %swap3A_538, %swap3A_539] : memref<3x64x128xf32, #tpu.memory_space<vmem>> -> memref<1x64x128xf32, #tpu.memory_space<vmem>>
      %swap3A_541 = tpu.memref_squeeze %swap3A_540 : memref<1x64x128xf32, #tpu.memory_space<vmem>> -> memref<64x128xf32, #tpu.memory_space<vmem>>
      %swap3A_542 = arith.index_cast %add3A_537 : i32 to index
      %swap3A_543 = arith.constant 16 : index
      %swap3A_544 = tpu.vector_load %swap3A_541[%swap3A_542, %swap3A_543] {strides = array<i32>} : memref<64x128xf32, #tpu.memory_space<vmem>>, vector<1x16xf32>,
      %swap3A_545 = vector.shape_cast %swap3A_544 : vector<1x16xf32> to vector<16xf32>
      %swap3A_546 = vector.shape_cast %add3A_533 : vector<16xf32> to vector<1x16xf32>
      tpu.vector_store %swap3A_541[%swap3A_542, %swap3A_543], %swap3A_546 {strides = array<i32>} : memref<64x128xf32, #tpu.memory_space<vmem>>, vector<1x16xf32>,
      %mul3A_547 = arith.constant 2 : i32
      %mul3A_548 = arith.muli %mul3A_547, %scan3A_466 : i32
      %add3A_549 = arith.constant 0 : i32
      %add3A_550 = arith.addi %mul3A_548, %add3A_549 : i32
      %get3A_551 = arith.constant 0 : i32
      %get3A_552 = arith.constant 0 : i32
      %get3A_553 = tpu.memref_slice %arg7[%scan3A_355, %get3A_551, %get3A_552] : memref<3x64x128xf32, #tpu.memory_space<vmem>> -> memref<1x64x128xf32, #tpu.memory_space<vmem>>
      %get3A_554 = tpu.memref_squeeze %get3A_553 : memref<1x64x128xf32, #tpu.memory_space<vmem>> -> memref<64x128xf32, #tpu.memory_space<vmem>>
      %get3A_555 = arith.index_cast %add3A_550 : i32 to index
      %get3A_556 = arith.constant 32 : index
      %get3A_557 = tpu.vector_load %get3A_554[%get3A_555, %get3A_556] {strides = array<i32>} : memref<64x128xf32, #tpu.memory_space<vmem>>, vector<1x16xf32>,
      %get3A_558 = vector.shape_cast %get3A_557 : vector<1x16xf32> to vector<16xf32>
      %mul3A_559 = arith.constant 11.3137083 : f32
      %mul3A_560 = vector.broadcast %mul3A_559 : f32 to vector<16xf32>
      %mul3A_561 = arith.mulf %get3A_558, %mul3A_560 : vector<16xf32>
      %mul3A_562 = arith.constant 2 : i32
      %mul3A_563 = arith.muli %mul3A_562, %scan3A_466 : i32
      %add3A_564 = arith.constant 0 : i32
      %add3A_565 = arith.addi %mul3A_563, %add3A_564 : i32
      %get3A_566 = arith.constant 0 : i32
      %get3A_567 = arith.constant 0 : i32
      %get3A_568 = tpu.memref_slice %arg8[%scan3A_356, %get3A_566, %get3A_567] : memref<3x64x128xf32, #tpu.memory_space<vmem>> -> memref<1x64x128xf32, #tpu.memory_space<vmem>>
      %get3A_569 = tpu.memref_squeeze %get3A_568 : memref<1x64x128xf32, #tpu.memory_space<vmem>> -> memref<64x128xf32, #tpu.memory_space<vmem>>
      %get3A_570 = arith.index_cast %add3A_565 : i32 to index
      %get3A_571 = arith.constant 32 : index
      %get3A_572 = tpu.vector_load %get3A_569[%get3A_570, %get3A_571] {strides = array<i32>} : memref<64x128xf32, #tpu.memory_space<vmem>>, vector<1x16xf32>,
      %get3A_573 = vector.shape_cast %get3A_572 : vector<1x16xf32> to vector<16xf32>
      %add3A_574 = arith.addf %mul3A_561, %get3A_573 : vector<16xf32>
      %mul3A_575 = arith.constant 2 : i32
      %mul3A_576 = arith.muli %mul3A_575, %scan3A_466 : i32
      %add3A_577 = arith.constant 0 : i32
      %add3A_578 = arith.addi %mul3A_576, %add3A_577 : i32
      %swap3A_579 = arith.constant 0 : i32
      %swap3A_580 = arith.constant 0 : i32
      %swap3A_581 = tpu.memref_slice %arg7[%scan3A_355, %swap3A_579, %swap3A_580] : memref<3x64x128xf32, #tpu.memory_space<vmem>> -> memref<1x64x128xf32, #tpu.memory_space<vmem>>
      %swap3A_582 = tpu.memref_squeeze %swap3A_581 : memref<1x64x128xf32, #tpu.memory_space<vmem>> -> memref<64x128xf32, #tpu.memory_space<vmem>>
      %swap3A_583 = arith.index_cast %add3A_578 : i32 to index
      %swap3A_584 = arith.constant 32 : index
      %swap3A_585 = tpu.vector_load %swap3A_582[%swap3A_583, %swap3A_584] {strides = array<i32>} : memref<64x128xf32, #tpu.memory_space<vmem>>, vector<1x16xf32>,
      %swap3A_586 = vector.shape_cast %swap3A_585 : vector<1x16xf32> to vector<16xf32>
      %swap3A_587 = vector.shape_cast %add3A_574 : vector<16xf32> to vector<1x16xf32>
      tpu.vector_store %swap3A_582[%swap3A_583, %swap3A_584], %swap3A_587 {strides = array<i32>} : memref<64x128xf32, #tpu.memory_space<vmem>>, vector<1x16xf32>,
      %mul3A_588 = arith.constant 2 : i32
      %mul3A_589 = arith.muli %mul3A_588, %scan3A_466 : i32
      %add3A_590 = arith.constant 0 : i32
      %add3A_591 = arith.addi %mul3A_589, %add3A_590 : i32
      %get3A_592 = arith.constant 0 : i32
      %get3A_593 = arith.constant 0 : i32
      %get3A_594 = tpu.memref_slice %arg7[%scan3A_355, %get3A_592, %get3A_593] : memref<3x64x128xf32, #tpu.memory_space<vmem>> -> memref<1x64x128xf32, #tpu.memory_space<vmem>>
      %get3A_595 = tpu.memref_squeeze %get3A_594 : memref<1x64x128xf32, #tpu.memory_space<vmem>> -> memref<64x128xf32, #tpu.memory_space<vmem>>
      %get3A_596 = arith.index_cast %add3A_591 : i32 to index
      %get3A_597 = arith.constant 48 : index
      %get3A_598 = tpu.vector_load %get3A_595[%get3A_596, %get3A_597] {strides = array<i32>} : memref<64x128xf32, #tpu.memory_space<vmem>>, vector<1x16xf32>,
      %get3A_599 = vector.shape_cast %get3A_598 : vector<1x16xf32> to vector<16xf32>
      %mul3A_600 = arith.constant 11.3137083 : f32
      %mul3A_601 = vector.broadcast %mul3A_600 : f32 to vector<16xf32>
      %mul3A_602 = arith.mulf %get3A_599, %mul3A_601 : vector<16xf32>
      %mul3A_603 = arith.constant 2 : i32
      %mul3A_604 = arith.muli %mul3A_603, %scan3A_466 : i32
      %add3A_605 = arith.constant 0 : i32
      %add3A_606 = arith.addi %mul3A_604, %add3A_605 : i32
      %get3A_607 = arith.constant 0 : i32
      %get3A_608 = arith.constant 0 : i32
      %get3A_609 = tpu.memref_slice %arg8[%scan3A_356, %get3A_607, %get3A_608] : memref<3x64x128xf32, #tpu.memory_space<vmem>> -> memref<1x64x128xf32, #tpu.memory_space<vmem>>
      %get3A_610 = tpu.memref_squeeze %get3A_609 : memref<1x64x128xf32, #tpu.memory_space<vmem>> -> memref<64x128xf32, #tpu.memory_space<vmem>>
      %get3A_611 = arith.index_cast %add3A_606 : i32 to index
      %get3A_612 = arith.constant 48 : index
      %get3A_613 = tpu.vector_load %get3A_610[%get3A_611, %get3A_612] {strides = array<i32>} : memref<64x128xf32, #tpu.memory_space<vmem>>, vector<1x16xf32>,
      %get3A_614 = vector.shape_cast %get3A_613 : vector<1x16xf32> to vector<16xf32>
      %add3A_615 = arith.addf %mul3A_602, %get3A_614 : vector<16xf32>
      %mul3A_616 = arith.constant 2 : i32
      %mul3A_617 = arith.muli %mul3A_616, %scan3A_466 : i32
      %add3A_618 = arith.constant 0 : i32
      %add3A_619 = arith.addi %mul3A_617, %add3A_618 : i32
      %swap3A_620 = arith.constant 0 : i32
      %swap3A_621 = arith.constant 0 : i32
      %swap3A_622 = tpu.memref_slice %arg7[%scan3A_355, %swap3A_620, %swap3A_621] : memref<3x64x128xf32, #tpu.memory_space<vmem>> -> memref<1x64x128xf32, #tpu.memory_space<vmem>>
      %swap3A_623 = tpu.memref_squeeze %swap3A_622 : memref<1x64x128xf32, #tpu.memory_space<vmem>> -> memref<64x128xf32, #tpu.memory_space<vmem>>
      %swap3A_624 = arith.index_cast %add3A_619 : i32 to index
      %swap3A_625 = arith.constant 48 : index
      %swap3A_626 = tpu.vector_load %swap3A_623[%swap3A_624, %swap3A_625] {strides = array<i32>} : memref<64x128xf32, #tpu.memory_space<vmem>>, vector<1x16xf32>,
      %swap3A_627 = vector.shape_cast %swap3A_626 : vector<1x16xf32> to vector<16xf32>
      %swap3A_628 = vector.shape_cast %add3A_615 : vector<16xf32> to vector<1x16xf32>
      tpu.vector_store %swap3A_623[%swap3A_624, %swap3A_625], %swap3A_628 {strides = array<i32>} : memref<64x128xf32, #tpu.memory_space<vmem>>, vector<1x16xf32>,
      %mul3A_629 = arith.constant 2 : i32
      %mul3A_630 = arith.muli %mul3A_629, %scan3A_466 : i32
      %add3A_631 = arith.constant 0 : i32
      %add3A_632 = arith.addi %mul3A_630, %add3A_631 : i32
      %get3A_633 = arith.constant 0 : i32
      %get3A_634 = arith.constant 0 : i32
      %get3A_635 = tpu.memref_slice %arg7[%scan3A_355, %get3A_633, %get3A_634] : memref<3x64x128xf32, #tpu.memory_space<vmem>> -> memref<1x64x128xf32, #tpu.memory_space<vmem>>
      %get3A_636 = tpu.memref_squeeze %get3A_635 : memref<1x64x128xf32, #tpu.memory_space<vmem>> -> memref<64x128xf32, #tpu.memory_space<vmem>>
      %get3A_637 = arith.index_cast %add3A_632 : i32 to index
      %get3A_638 = arith.constant 64 : index
      %get3A_639 = tpu.vector_load %get3A_636[%get3A_637, %get3A_638] {strides = array<i32>} : memref<64x128xf32, #tpu.memory_space<vmem>>, vector<1x16xf32>,
      %get3A_640 = vector.shape_cast %get3A_639 : vector<1x16xf32> to vector<16xf32>
      %mul3A_641 = arith.constant 11.3137083 : f32
      %mul3A_642 = vector.broadcast %mul3A_641 : f32 to vector<16xf32>
      %mul3A_643 = arith.mulf %get3A_640, %mul3A_642 : vector<16xf32>
      %mul3A_644 = arith.constant 2 : i32
      %mul3A_645 = arith.muli %mul3A_644, %scan3A_466 : i32
      %add3A_646 = arith.constant 0 : i32
      %add3A_647 = arith.addi %mul3A_645, %add3A_646 : i32
      %get3A_648 = arith.constant 0 : i32
      %get3A_649 = arith.constant 0 : i32
      %get3A_650 = tpu.memref_slice %arg8[%scan3A_356, %get3A_648, %get3A_649] : memref<3x64x128xf32, #tpu.memory_space<vmem>> -> memref<1x64x128xf32, #tpu.memory_space<vmem>>
      %get3A_651 = tpu.memref_squeeze %get3A_650 : memref<1x64x128xf32, #tpu.memory_space<vmem>> -> memref<64x128xf32, #tpu.memory_space<vmem>>
      %get3A_652 = arith.index_cast %add3A_647 : i32 to index
      %get3A_653 = arith.constant 64 : index
      %get3A_654 = tpu.vector_load %get3A_651[%get3A_652, %get3A_653] {strides = array<i32>} : memref<64x128xf32, #tpu.memory_space<vmem>>, vector<1x16xf32>,
      %get3A_655 = vector.shape_cast %get3A_654 : vector<1x16xf32> to vector<16xf32>
      %add3A_656 = arith.addf %mul3A_643, %get3A_655 : vector<16xf32>
      %mul3A_657 = arith.constant 2 : i32
      %mul3A_658 = arith.muli %mul3A_657, %scan3A_466 : i32
      %add3A_659 = arith.constant 0 : i32
      %add3A_660 = arith.addi %mul3A_658, %add3A_659 : i32
      %swap3A_661 = arith.constant 0 : i32
      %swap3A_662 = arith.constant 0 : i32
      %swap3A_663 = tpu.memref_slice %arg7[%scan3A_355, %swap3A_661, %swap3A_662] : memref<3x64x128xf32, #tpu.memory_space<vmem>> -> memref<1x64x128xf32, #tpu.memory_space<vmem>>
      %swap3A_664 = tpu.memref_squeeze %swap3A_663 : memref<1x64x128xf32, #tpu.memory_space<vmem>> -> memref<64x128xf32, #tpu.memory_space<vmem>>
      %swap3A_665 = arith.index_cast %add3A_660 : i32 to index
      %swap3A_666 = arith.constant 64 : index
      %swap3A_667 = tpu.vector_load %swap3A_664[%swap3A_665, %swap3A_666] {strides = array<i32>} : memref<64x128xf32, #tpu.memory_space<vmem>>, vector<1x16xf32>,
      %swap3A_668 = vector.shape_cast %swap3A_667 : vector<1x16xf32> to vector<16xf32>
      %swap3A_669 = vector.shape_cast %add3A_656 : vector<16xf32> to vector<1x16xf32>
      tpu.vector_store %swap3A_664[%swap3A_665, %swap3A_666], %swap3A_669 {strides = array<i32>} : memref<64x128xf32, #tpu.memory_space<vmem>>, vector<1x16xf32>,
      %mul3A_670 = arith.constant 2 : i32
      %mul3A_671 = arith.muli %mul3A_670, %scan3A_466 : i32
      %add3A_672 = arith.constant 0 : i32
      %add3A_673 = arith.addi %mul3A_671, %add3A_672 : i32
      %get3A_674 = arith.constant 0 : i32
      %get3A_675 = arith.constant 0 : i32
      %get3A_676 = tpu.memref_slice %arg7[%scan3A_355, %get3A_674, %get3A_675] : memref<3x64x128xf32, #tpu.memory_space<vmem>> -> memref<1x64x128xf32, #tpu.memory_space<vmem>>
      %get3A_677 = tpu.memref_squeeze %get3A_676 : memref<1x64x128xf32, #tpu.memory_space<vmem>> -> memref<64x128xf32, #tpu.memory_space<vmem>>
      %get3A_678 = arith.index_cast %add3A_673 : i32 to index
      %get3A_679 = arith.constant 80 : index
      %get3A_680 = tpu.vector_load %get3A_677[%get3A_678, %get3A_679] {strides = array<i32>} : memref<64x128xf32, #tpu.memory_space<vmem>>, vector<1x16xf32>,
      %get3A_681 = vector.shape_cast %get3A_680 : vector<1x16xf32> to vector<16xf32>
      %mul3A_682 = arith.constant 11.3137083 : f32
      %mul3A_683 = vector.broadcast %mul3A_682 : f32 to vector<16xf32>
      %mul3A_684 = arith.mulf %get3A_681, %mul3A_683 : vector<16xf32>
      %mul3A_685 = arith.constant 2 : i32
      %mul3A_686 = arith.muli %mul3A_685, %scan3A_466 : i32
      %add3A_687 = arith.constant 0 : i32
      %add3A_688 = arith.addi %mul3A_686, %add3A_687 : i32
      %get3A_689 = arith.constant 0 : i32
      %get3A_690 = arith.constant 0 : i32
      %get3A_691 = tpu.memref_slice %arg8[%scan3A_356, %get3A_689, %get3A_690] : memref<3x64x128xf32, #tpu.memory_space<vmem>> -> memref<1x64x128xf32, #tpu.memory_space<vmem>>
      %get3A_692 = tpu.memref_squeeze %get3A_691 : memref<1x64x128xf32, #tpu.memory_space<vmem>> -> memref<64x128xf32, #tpu.memory_space<vmem>>
      %get3A_693 = arith.index_cast %add3A_688 : i32 to index
      %get3A_694 = arith.constant 80 : index
      %get3A_695 = tpu.vector_load %get3A_692[%get3A_693, %get3A_694] {strides = array<i32>} : memref<64x128xf32, #tpu.memory_space<vmem>>, vector<1x16xf32>,
      %get3A_696 = vector.shape_cast %get3A_695 : vector<1x16xf32> to vector<16xf32>
      %add3A_697 = arith.addf %mul3A_684, %get3A_696 : vector<16xf32>
      %mul3A_698 = arith.constant 2 : i32
      %mul3A_699 = arith.muli %mul3A_698, %scan3A_466 : i32
      %add3A_700 = arith.constant 0 : i32
      %add3A_701 = arith.addi %mul3A_699, %add3A_700 : i32
      %swap3A_702 = arith.constant 0 : i32
      %swap3A_703 = arith.constant 0 : i32
      %swap3A_704 = tpu.memref_slice %arg7[%scan3A_355, %swap3A_702, %swap3A_703] : memref<3x64x128xf32, #tpu.memory_space<vmem>> -> memref<1x64x128xf32, #tpu.memory_space<vmem>>
      %swap3A_705 = tpu.memref_squeeze %swap3A_704 : memref<1x64x128xf32, #tpu.memory_space<vmem>> -> memref<64x128xf32, #tpu.memory_space<vmem>>
      %swap3A_706 = arith.index_cast %add3A_701 : i32 to index
      %swap3A_707 = arith.constant 80 : index
      %swap3A_708 = tpu.vector_load %swap3A_705[%swap3A_706, %swap3A_707] {strides = array<i32>} : memref<64x128xf32, #tpu.memory_space<vmem>>, vector<1x16xf32>,
      %swap3A_709 = vector.shape_cast %swap3A_708 : vector<1x16xf32> to vector<16xf32>
      %swap3A_710 = vector.shape_cast %add3A_697 : vector<16xf32> to vector<1x16xf32>
      tpu.vector_store %swap3A_705[%swap3A_706, %swap3A_707], %swap3A_710 {strides = array<i32>} : memref<64x128xf32, #tpu.memory_space<vmem>>, vector<1x16xf32>,
      %mul3A_711 = arith.constant 2 : i32
      %mul3A_712 = arith.muli %mul3A_711, %scan3A_466 : i32
      %add3A_713 = arith.constant 0 : i32
      %add3A_714 = arith.addi %mul3A_712, %add3A_713 : i32
      %get3A_715 = arith.constant 0 : i32
      %get3A_716 = arith.constant 0 : i32
      %get3A_717 = tpu.memref_slice %arg7[%scan3A_355, %get3A_715, %get3A_716] : memref<3x64x128xf32, #tpu.memory_space<vmem>> -> memref<1x64x128xf32, #tpu.memory_space<vmem>>
      %get3A_718 = tpu.memref_squeeze %get3A_717 : memref<1x64x128xf32, #tpu.memory_space<vmem>> -> memref<64x128xf32, #tpu.memory_space<vmem>>
      %get3A_719 = arith.index_cast %add3A_714 : i32 to index
      %get3A_720 = arith.constant 96 : index
      %get3A_721 = tpu.vector_load %get3A_718[%get3A_719, %get3A_720] {strides = array<i32>} : memref<64x128xf32, #tpu.memory_space<vmem>>, vector<1x16xf32>,
      %get3A_722 = vector.shape_cast %get3A_721 : vector<1x16xf32> to vector<16xf32>
      %mul3A_723 = arith.constant 11.3137083 : f32
      %mul3A_724 = vector.broadcast %mul3A_723 : f32 to vector<16xf32>
      %mul3A_725 = arith.mulf %get3A_722, %mul3A_724 : vector<16xf32>
      %mul3A_726 = arith.constant 2 : i32
      %mul3A_727 = arith.muli %mul3A_726, %scan3A_466 : i32
      %add3A_728 = arith.constant 0 : i32
      %add3A_729 = arith.addi %mul3A_727, %add3A_728 : i32
      %get3A_730 = arith.constant 0 : i32
      %get3A_731 = arith.constant 0 : i32
      %get3A_732 = tpu.memref_slice %arg8[%scan3A_356, %get3A_730, %get3A_731] : memref<3x64x128xf32, #tpu.memory_space<vmem>> -> memref<1x64x128xf32, #tpu.memory_space<vmem>>
      %get3A_733 = tpu.memref_squeeze %get3A_732 : memref<1x64x128xf32, #tpu.memory_space<vmem>> -> memref<64x128xf32, #tpu.memory_space<vmem>>
      %get3A_734 = arith.index_cast %add3A_729 : i32 to index
      %get3A_735 = arith.constant 96 : index
      %get3A_736 = tpu.vector_load %get3A_733[%get3A_734, %get3A_735] {strides = array<i32>} : memref<64x128xf32, #tpu.memory_space<vmem>>, vector<1x16xf32>,
      %get3A_737 = vector.shape_cast %get3A_736 : vector<1x16xf32> to vector<16xf32>
      %add3A_738 = arith.addf %mul3A_725, %get3A_737 : vector<16xf32>
      %mul3A_739 = arith.constant 2 : i32
      %mul3A_740 = arith.muli %mul3A_739, %scan3A_466 : i32
      %add3A_741 = arith.constant 0 : i32
      %add3A_742 = arith.addi %mul3A_740, %add3A_741 : i32
      %swap3A_743 = arith.constant 0 : i32
      %swap3A_744 = arith.constant 0 : i32
      %swap3A_745 = tpu.memref_slice %arg7[%scan3A_355, %swap3A_743, %swap3A_744] : memref<3x64x128xf32, #tpu.memory_space<vmem>> -> memref<1x64x128xf32, #tpu.memory_space<vmem>>
      %swap3A_746 = tpu.memref_squeeze %swap3A_745 : memref<1x64x128xf32, #tpu.memory_space<vmem>> -> memref<64x128xf32, #tpu.memory_space<vmem>>
      %swap3A_747 = arith.index_cast %add3A_742 : i32 to index
      %swap3A_748 = arith.constant 96 : index
      %swap3A_749 = tpu.vector_load %swap3A_746[%swap3A_747, %swap3A_748] {strides = array<i32>} : memref<64x128xf32, #tpu.memory_space<vmem>>, vector<1x16xf32>,
      %swap3A_750 = vector.shape_cast %swap3A_749 : vector<1x16xf32> to vector<16xf32>
      %swap3A_751 = vector.shape_cast %add3A_738 : vector<16xf32> to vector<1x16xf32>
      tpu.vector_store %swap3A_746[%swap3A_747, %swap3A_748], %swap3A_751 {strides = array<i32>} : memref<64x128xf32, #tpu.memory_space<vmem>>, vector<1x16xf32>,
      %mul3A_752 = arith.constant 2 : i32
      %mul3A_753 = arith.muli %mul3A_752, %scan3A_466 : i32
      %add3A_754 = arith.constant 0 : i32
      %add3A_755 = arith.addi %mul3A_753, %add3A_754 : i32
      %get3A_756 = arith.constant 0 : i32
      %get3A_757 = arith.constant 0 : i32
      %get3A_758 = tpu.memref_slice %arg7[%scan3A_355, %get3A_756, %get3A_757] : memref<3x64x128xf32, #tpu.memory_space<vmem>> -> memref<1x64x128xf32, #tpu.memory_space<vmem>>
      %get3A_759 = tpu.memref_squeeze %get3A_758 : memref<1x64x128xf32, #tpu.memory_space<vmem>> -> memref<64x128xf32, #tpu.memory_space<vmem>>
      %get3A_760 = arith.index_cast %add3A_755 : i32 to index
      %get3A_761 = arith.constant 112 : index
      %get3A_762 = tpu.vector_load %get3A_759[%get3A_760, %get3A_761] {strides = array<i32>} : memref<64x128xf32, #tpu.memory_space<vmem>>, vector<1x16xf32>,
      %get3A_763 = vector.shape_cast %get3A_762 : vector<1x16xf32> to vector<16xf32>
      %mul3A_764 = arith.constant 11.3137083 : f32
      %mul3A_765 = vector.broadcast %mul3A_764 : f32 to vector<16xf32>
      %mul3A_766 = arith.mulf %get3A_763, %mul3A_765 : vector<16xf32>
      %mul3A_767 = arith.constant 2 : i32
      %mul3A_768 = arith.muli %mul3A_767, %scan3A_466 : i32
      %add3A_769 = arith.constant 0 : i32
      %add3A_770 = arith.addi %mul3A_768, %add3A_769 : i32
      %get3A_771 = arith.constant 0 : i32
      %get3A_772 = arith.constant 0 : i32
      %get3A_773 = tpu.memref_slice %arg8[%scan3A_356, %get3A_771, %get3A_772] : memref<3x64x128xf32, #tpu.memory_space<vmem>> -> memref<1x64x128xf32, #tpu.memory_space<vmem>>
      %get3A_774 = tpu.memref_squeeze %get3A_773 : memref<1x64x128xf32, #tpu.memory_space<vmem>> -> memref<64x128xf32, #tpu.memory_space<vmem>>
      %get3A_775 = arith.index_cast %add3A_770 : i32 to index
      %get3A_776 = arith.constant 112 : index
      %get3A_777 = tpu.vector_load %get3A_774[%get3A_775, %get3A_776] {strides = array<i32>} : memref<64x128xf32, #tpu.memory_space<vmem>>, vector<1x16xf32>,
      %get3A_778 = vector.shape_cast %get3A_777 : vector<1x16xf32> to vector<16xf32>
      %add3A_779 = arith.addf %mul3A_766, %get3A_778 : vector<16xf32>
      %mul3A_780 = arith.constant 2 : i32
      %mul3A_781 = arith.muli %mul3A_780, %scan3A_466 : i32
      %add3A_782 = arith.constant 0 : i32
      %add3A_783 = arith.addi %mul3A_781, %add3A_782 : i32
      %swap3A_784 = arith.constant 0 : i32
      %swap3A_785 = arith.constant 0 : i32
      %swap3A_786 = tpu.memref_slice %arg7[%scan3A_355, %swap3A_784, %swap3A_785] : memref<3x64x128xf32, #tpu.memory_space<vmem>> -> memref<1x64x128xf32, #tpu.memory_space<vmem>>
      %swap3A_787 = tpu.memref_squeeze %swap3A_786 : memref<1x64x128xf32, #tpu.memory_space<vmem>> -> memref<64x128xf32, #tpu.memory_space<vmem>>
      %swap3A_788 = arith.index_cast %add3A_783 : i32 to index
      %swap3A_789 = arith.constant 112 : index
      %swap3A_790 = tpu.vector_load %swap3A_787[%swap3A_788, %swap3A_789] {strides = array<i32>} : memref<64x128xf32, #tpu.memory_space<vmem>>, vector<1x16xf32>,
      %swap3A_791 = vector.shape_cast %swap3A_790 : vector<1x16xf32> to vector<16xf32>
      %swap3A_792 = vector.shape_cast %add3A_779 : vector<16xf32> to vector<1x16xf32>
      tpu.vector_store %swap3A_787[%swap3A_788, %swap3A_789], %swap3A_792 {strides = array<i32>} : memref<64x128xf32, #tpu.memory_space<vmem>>, vector<1x16xf32>,
      %mul3A_793 = arith.constant 2 : i32
      %mul3A_794 = arith.muli %mul3A_793, %scan3A_466 : i32
      %add3A_795 = arith.constant 1 : i32
      %add3A_796 = arith.addi %mul3A_794, %add3A_795 : i32
      %get3A_797 = arith.constant 0 : i32
      %get3A_798 = arith.constant 0 : i32
      %get3A_799 = tpu.memref_slice %arg7[%scan3A_355, %get3A_797, %get3A_798] : memref<3x64x128xf32, #tpu.memory_space<vmem>> -> memref<1x64x128xf32, #tpu.memory_space<vmem>>
      %get3A_800 = tpu.memref_squeeze %get3A_799 : memref<1x64x128xf32, #tpu.memory_space<vmem>> -> memref<64x128xf32, #tpu.memory_space<vmem>>
      %get3A_801 = arith.index_cast %add3A_796 : i32 to index
      %get3A_802 = arith.constant 0 : index
      %get3A_803 = tpu.vector_load %get3A_800[%get3A_801, %get3A_802] {strides = array<i32>} : memref<64x128xf32, #tpu.memory_space<vmem>>, vector<1x16xf32>,
      %get3A_804 = vector.shape_cast %get3A_803 : vector<1x16xf32> to vector<16xf32>
      %mul3A_805 = arith.constant 11.3137083 : f32
      %mul3A_806 = vector.broadcast %mul3A_805 : f32 to vector<16xf32>
      %mul3A_807 = arith.mulf %get3A_804, %mul3A_806 : vector<16xf32>
      %mul3A_808 = arith.constant 2 : i32
      %mul3A_809 = arith.muli %mul3A_808, %scan3A_466 : i32
      %add3A_810 = arith.constant 1 : i32
      %add3A_811 = arith.addi %mul3A_809, %add3A_810 : i32
      %get3A_812 = arith.constant 0 : i32
      %get3A_813 = arith.constant 0 : i32
      %get3A_814 = tpu.memref_slice %arg8[%scan3A_356, %get3A_812, %get3A_813] : memref<3x64x128xf32, #tpu.memory_space<vmem>> -> memref<1x64x128xf32, #tpu.memory_space<vmem>>
      %get3A_815 = tpu.memref_squeeze %get3A_814 : memref<1x64x128xf32, #tpu.memory_space<vmem>> -> memref<64x128xf32, #tpu.memory_space<vmem>>
      %get3A_816 = arith.index_cast %add3A_811 : i32 to index
      %get3A_817 = arith.constant 0 : index
      %get3A_818 = tpu.vector_load %get3A_815[%get3A_816, %get3A_817] {strides = array<i32>} : memref<64x128xf32, #tpu.memory_space<vmem>>, vector<1x16xf32>,
      %get3A_819 = vector.shape_cast %get3A_818 : vector<1x16xf32> to vector<16xf32>
      %add3A_820 = arith.addf %mul3A_807, %get3A_819 : vector<16xf32>
      %mul3A_821 = arith.constant 2 : i32
      %mul3A_822 = arith.muli %mul3A_821, %scan3A_466 : i32
      %add3A_823 = arith.constant 1 : i32
      %add3A_824 = arith.addi %mul3A_822, %add3A_823 : i32
      %swap3A_825 = arith.constant 0 : i32
      %swap3A_826 = arith.constant 0 : i32
      %swap3A_827 = tpu.memref_slice %arg7[%scan3A_355, %swap3A_825, %swap3A_826] : memref<3x64x128xf32, #tpu.memory_space<vmem>> -> memref<1x64x128xf32, #tpu.memory_space<vmem>>
      %swap3A_828 = tpu.memref_squeeze %swap3A_827 : memref<1x64x128xf32, #tpu.memory_space<vmem>> -> memref<64x128xf32, #tpu.memory_space<vmem>>
      %swap3A_829 = arith.index_cast %add3A_824 : i32 to index
      %swap3A_830 = arith.constant 0 : index
      %swap3A_831 = tpu.vector_load %swap3A_828[%swap3A_829, %swap3A_830] {strides = array<i32>} : memref<64x128xf32, #tpu.memory_space<vmem>>, vector<1x16xf32>,
      %swap3A_832 = vector.shape_cast %swap3A_831 : vector<1x16xf32> to vector<16xf32>
      %swap3A_833 = vector.shape_cast %add3A_820 : vector<16xf32> to vector<1x16xf32>
      tpu.vector_store %swap3A_828[%swap3A_829, %swap3A_830], %swap3A_833 {strides = array<i32>} : memref<64x128xf32, #tpu.memory_space<vmem>>, vector<1x16xf32>,
      %mul3A_834 = arith.constant 2 : i32
      %mul3A_835 = arith.muli %mul3A_834, %scan3A_466 : i32
      %add3A_836 = arith.constant 1 : i32
      %add3A_837 = arith.addi %mul3A_835, %add3A_836 : i32
      %get3A_838 = arith.constant 0 : i32
      %get3A_839 = arith.constant 0 : i32
      %get3A_840 = tpu.memref_slice %arg7[%scan3A_355, %get3A_838, %get3A_839] : memref<3x64x128xf32, #tpu.memory_space<vmem>> -> memref<1x64x128xf32, #tpu.memory_space<vmem>>
      %get3A_841 = tpu.memref_squeeze %get3A_840 : memref<1x64x128xf32, #tpu.memory_space<vmem>> -> memref<64x128xf32, #tpu.memory_space<vmem>>
      %get3A_842 = arith.index_cast %add3A_837 : i32 to index
      %get3A_843 = arith.constant 16 : index
      %get3A_844 = tpu.vector_load %get3A_841[%get3A_842, %get3A_843] {strides = array<i32>} : memref<64x128xf32, #tpu.memory_space<vmem>>, vector<1x16xf32>,
      %get3A_845 = vector.shape_cast %get3A_844 : vector<1x16xf32> to vector<16xf32>
      %mul3A_846 = arith.constant 11.3137083 : f32
      %mul3A_847 = vector.broadcast %mul3A_846 : f32 to vector<16xf32>
      %mul3A_848 = arith.mulf %get3A_845, %mul3A_847 : vector<16xf32>
      %mul3A_849 = arith.constant 2 : i32
      %mul3A_850 = arith.muli %mul3A_849, %scan3A_466 : i32
      %add3A_851 = arith.constant 1 : i32
      %add3A_852 = arith.addi %mul3A_850, %add3A_851 : i32
      %get3A_853 = arith.constant 0 : i32
      %get3A_854 = arith.constant 0 : i32
      %get3A_855 = tpu.memref_slice %arg8[%scan3A_356, %get3A_853, %get3A_854] : memref<3x64x128xf32, #tpu.memory_space<vmem>> -> memref<1x64x128xf32, #tpu.memory_space<vmem>>
      %get3A_856 = tpu.memref_squeeze %get3A_855 : memref<1x64x128xf32, #tpu.memory_space<vmem>> -> memref<64x128xf32, #tpu.memory_space<vmem>>
      %get3A_857 = arith.index_cast %add3A_852 : i32 to index
      %get3A_858 = arith.constant 16 : index
      %get3A_859 = tpu.vector_load %get3A_856[%get3A_857, %get3A_858] {strides = array<i32>} : memref<64x128xf32, #tpu.memory_space<vmem>>, vector<1x16xf32>,
      %get3A_860 = vector.shape_cast %get3A_859 : vector<1x16xf32> to vector<16xf32>
      %add3A_861 = arith.addf %mul3A_848, %get3A_860 : vector<16xf32>
      %mul3A_862 = arith.constant 2 : i32
      %mul3A_863 = arith.muli %mul3A_862, %scan3A_466 : i32
      %add3A_864 = arith.constant 1 : i32
      %add3A_865 = arith.addi %mul3A_863, %add3A_864 : i32
      %swap3A_866 = arith.constant 0 : i32
      %swap3A_867 = arith.constant 0 : i32
      %swap3A_868 = tpu.memref_slice %arg7[%scan3A_355, %swap3A_866, %swap3A_867] : memref<3x64x128xf32, #tpu.memory_space<vmem>> -> memref<1x64x128xf32, #tpu.memory_space<vmem>>
      %swap3A_869 = tpu.memref_squeeze %swap3A_868 : memref<1x64x128xf32, #tpu.memory_space<vmem>> -> memref<64x128xf32, #tpu.memory_space<vmem>>
      %swap3A_870 = arith.index_cast %add3A_865 : i32 to index
      %swap3A_871 = arith.constant 16 : index
      %swap3A_872 = tpu.vector_load %swap3A_869[%swap3A_870, %swap3A_871] {strides = array<i32>} : memref<64x128xf32, #tpu.memory_space<vmem>>, vector<1x16xf32>,
      %swap3A_873 = vector.shape_cast %swap3A_872 : vector<1x16xf32> to vector<16xf32>
      %swap3A_874 = vector.shape_cast %add3A_861 : vector<16xf32> to vector<1x16xf32>
      tpu.vector_store %swap3A_869[%swap3A_870, %swap3A_871], %swap3A_874 {strides = array<i32>} : memref<64x128xf32, #tpu.memory_space<vmem>>, vector<1x16xf32>,
      %mul3A_875 = arith.constant 2 : i32
      %mul3A_876 = arith.muli %mul3A_875, %scan3A_466 : i32
      %add3A_877 = arith.constant 1 : i32
      %add3A_878 = arith.addi %mul3A_876, %add3A_877 : i32
      %get3A_879 = arith.constant 0 : i32
      %get3A_880 = arith.constant 0 : i32
      %get3A_881 = tpu.memref_slice %arg7[%scan3A_355, %get3A_879, %get3A_880] : memref<3x64x128xf32, #tpu.memory_space<vmem>> -> memref<1x64x128xf32, #tpu.memory_space<vmem>>
      %get3A_882 = tpu.memref_squeeze %get3A_881 : memref<1x64x128xf32, #tpu.memory_space<vmem>> -> memref<64x128xf32, #tpu.memory_space<vmem>>
      %get3A_883 = arith.index_cast %add3A_878 : i32 to index
      %get3A_884 = arith.constant 32 : index
      %get3A_885 = tpu.vector_load %get3A_882[%get3A_883, %get3A_884] {strides = array<i32>} : memref<64x128xf32, #tpu.memory_space<vmem>>, vector<1x16xf32>,
      %get3A_886 = vector.shape_cast %get3A_885 : vector<1x16xf32> to vector<16xf32>
      %mul3A_887 = arith.constant 11.3137083 : f32
      %mul3A_888 = vector.broadcast %mul3A_887 : f32 to vector<16xf32>
      %mul3A_889 = arith.mulf %get3A_886, %mul3A_888 : vector<16xf32>
      %mul3A_890 = arith.constant 2 : i32
      %mul3A_891 = arith.muli %mul3A_890, %scan3A_466 : i32
      %add3A_892 = arith.constant 1 : i32
      %add3A_893 = arith.addi %mul3A_891, %add3A_892 : i32
      %get3A_894 = arith.constant 0 : i32
      %get3A_895 = arith.constant 0 : i32
      %get3A_896 = tpu.memref_slice %arg8[%scan3A_356, %get3A_894, %get3A_895] : memref<3x64x128xf32, #tpu.memory_space<vmem>> -> memref<1x64x128xf32, #tpu.memory_space<vmem>>
      %get3A_897 = tpu.memref_squeeze %get3A_896 : memref<1x64x128xf32, #tpu.memory_space<vmem>> -> memref<64x128xf32, #tpu.memory_space<vmem>>
      %get3A_898 = arith.index_cast %add3A_893 : i32 to index
      %get3A_899 = arith.constant 32 : index
      %get3A_900 = tpu.vector_load %get3A_897[%get3A_898, %get3A_899] {strides = array<i32>} : memref<64x128xf32, #tpu.memory_space<vmem>>, vector<1x16xf32>,
      %get3A_901 = vector.shape_cast %get3A_900 : vector<1x16xf32> to vector<16xf32>
      %add3A_902 = arith.addf %mul3A_889, %get3A_901 : vector<16xf32>
      %mul3A_903 = arith.constant 2 : i32
      %mul3A_904 = arith.muli %mul3A_903, %scan3A_466 : i32
      %add3A_905 = arith.constant 1 : i32
      %add3A_906 = arith.addi %mul3A_904, %add3A_905 : i32
      %swap3A_907 = arith.constant 0 : i32
      %swap3A_908 = arith.constant 0 : i32
      %swap3A_909 = tpu.memref_slice %arg7[%scan3A_355, %swap3A_907, %swap3A_908] : memref<3x64x128xf32, #tpu.memory_space<vmem>> -> memref<1x64x128xf32, #tpu.memory_space<vmem>>
      %swap3A_910 = tpu.memref_squeeze %swap3A_909 : memref<1x64x128xf32, #tpu.memory_space<vmem>> -> memref<64x128xf32, #tpu.memory_space<vmem>>
      %swap3A_911 = arith.index_cast %add3A_906 : i32 to index
      %swap3A_912 = arith.constant 32 : index
      %swap3A_913 = tpu.vector_load %swap3A_910[%swap3A_911, %swap3A_912] {strides = array<i32>} : memref<64x128xf32, #tpu.memory_space<vmem>>, vector<1x16xf32>,
      %swap3A_914 = vector.shape_cast %swap3A_913 : vector<1x16xf32> to vector<16xf32>
      %swap3A_915 = vector.shape_cast %add3A_902 : vector<16xf32> to vector<1x16xf32>
      tpu.vector_store %swap3A_910[%swap3A_911, %swap3A_912], %swap3A_915 {strides = array<i32>} : memref<64x128xf32, #tpu.memory_space<vmem>>, vector<1x16xf32>,
      %mul3A_916 = arith.constant 2 : i32
      %mul3A_917 = arith.muli %mul3A_916, %scan3A_466 : i32
      %add3A_918 = arith.constant 1 : i32
      %add3A_919 = arith.addi %mul3A_917, %add3A_918 : i32
      %get3A_920 = arith.constant 0 : i32
      %get3A_921 = arith.constant 0 : i32
      %get3A_922 = tpu.memref_slice %arg7[%scan3A_355, %get3A_920, %get3A_921] : memref<3x64x128xf32, #tpu.memory_space<vmem>> -> memref<1x64x128xf32, #tpu.memory_space<vmem>>
      %get3A_923 = tpu.memref_squeeze %get3A_922 : memref<1x64x128xf32, #tpu.memory_space<vmem>> -> memref<64x128xf32, #tpu.memory_space<vmem>>
      %get3A_924 = arith.index_cast %add3A_919 : i32 to index
      %get3A_925 = arith.constant 48 : index
      %get3A_926 = tpu.vector_load %get3A_923[%get3A_924, %get3A_925] {strides = array<i32>} : memref<64x128xf32, #tpu.memory_space<vmem>>, vector<1x16xf32>,
      %get3A_927 = vector.shape_cast %get3A_926 : vector<1x16xf32> to vector<16xf32>
      %mul3A_928 = arith.constant 11.3137083 : f32
      %mul3A_929 = vector.broadcast %mul3A_928 : f32 to vector<16xf32>
      %mul3A_930 = arith.mulf %get3A_927, %mul3A_929 : vector<16xf32>
      %mul3A_931 = arith.constant 2 : i32
      %mul3A_932 = arith.muli %mul3A_931, %scan3A_466 : i32
      %add3A_933 = arith.constant 1 : i32
      %add3A_934 = arith.addi %mul3A_932, %add3A_933 : i32
      %get3A_935 = arith.constant 0 : i32
      %get3A_936 = arith.constant 0 : i32
      %get3A_937 = tpu.memref_slice %arg8[%scan3A_356, %get3A_935, %get3A_936] : memref<3x64x128xf32, #tpu.memory_space<vmem>> -> memref<1x64x128xf32, #tpu.memory_space<vmem>>
      %get3A_938 = tpu.memref_squeeze %get3A_937 : memref<1x64x128xf32, #tpu.memory_space<vmem>> -> memref<64x128xf32, #tpu.memory_space<vmem>>
      %get3A_939 = arith.index_cast %add3A_934 : i32 to index
      %get3A_940 = arith.constant 48 : index
      %get3A_941 = tpu.vector_load %get3A_938[%get3A_939, %get3A_940] {strides = array<i32>} : memref<64x128xf32, #tpu.memory_space<vmem>>, vector<1x16xf32>,
      %get3A_942 = vector.shape_cast %get3A_941 : vector<1x16xf32> to vector<16xf32>
      %add3A_943 = arith.addf %mul3A_930, %get3A_942 : vector<16xf32>
      %mul3A_944 = arith.constant 2 : i32
      %mul3A_945 = arith.muli %mul3A_944, %scan3A_466 : i32
      %add3A_946 = arith.constant 1 : i32
      %add3A_947 = arith.addi %mul3A_945, %add3A_946 : i32
      %swap3A_948 = arith.constant 0 : i32
      %swap3A_949 = arith.constant 0 : i32
      %swap3A_950 = tpu.memref_slice %arg7[%scan3A_355, %swap3A_948, %swap3A_949] : memref<3x64x128xf32, #tpu.memory_space<vmem>> -> memref<1x64x128xf32, #tpu.memory_space<vmem>>
      %swap3A_951 = tpu.memref_squeeze %swap3A_950 : memref<1x64x128xf32, #tpu.memory_space<vmem>> -> memref<64x128xf32, #tpu.memory_space<vmem>>
      %swap3A_952 = arith.index_cast %add3A_947 : i32 to index
      %swap3A_953 = arith.constant 48 : index
      %swap3A_954 = tpu.vector_load %swap3A_951[%swap3A_952, %swap3A_953] {strides = array<i32>} : memref<64x128xf32, #tpu.memory_space<vmem>>, vector<1x16xf32>,
      %swap3A_955 = vector.shape_cast %swap3A_954 : vector<1x16xf32> to vector<16xf32>
      %swap3A_956 = vector.shape_cast %add3A_943 : vector<16xf32> to vector<1x16xf32>
      tpu.vector_store %swap3A_951[%swap3A_952, %swap3A_953], %swap3A_956 {strides = array<i32>} : memref<64x128xf32, #tpu.memory_space<vmem>>, vector<1x16xf32>,
      %mul3A_957 = arith.constant 2 : i32
      %mul3A_958 = arith.muli %mul3A_957, %scan3A_466 : i32
      %add3A_959 = arith.constant 1 : i32
      %add3A_960 = arith.addi %mul3A_958, %add3A_959 : i32
      %get3A_961 = arith.constant 0 : i32
      %get3A_962 = arith.constant 0 : i32
      %get3A_963 = tpu.memref_slice %arg7[%scan3A_355, %get3A_961, %get3A_962] : memref<3x64x128xf32, #tpu.memory_space<vmem>> -> memref<1x64x128xf32, #tpu.memory_space<vmem>>
      %get3A_964 = tpu.memref_squeeze %get3A_963 : memref<1x64x128xf32, #tpu.memory_space<vmem>> -> memref<64x128xf32, #tpu.memory_space<vmem>>
      %get3A_965 = arith.index_cast %add3A_960 : i32 to index
      %get3A_966 = arith.constant 64 : index
      %get3A_967 = tpu.vector_load %get3A_964[%get3A_965, %get3A_966] {strides = array<i32>} : memref<64x128xf32, #tpu.memory_space<vmem>>, vector<1x16xf32>,
      %get3A_968 = vector.shape_cast %get3A_967 : vector<1x16xf32> to vector<16xf32>
      %mul3A_969 = arith.constant 11.3137083 : f32
      %mul3A_970 = vector.broadcast %mul3A_969 : f32 to vector<16xf32>
      %mul3A_971 = arith.mulf %get3A_968, %mul3A_970 : vector<16xf32>
      %mul3A_972 = arith.constant 2 : i32
      %mul3A_973 = arith.muli %mul3A_972, %scan3A_466 : i32
      %add3A_974 = arith.constant 1 : i32
      %add3A_975 = arith.addi %mul3A_973, %add3A_974 : i32
      %get3A_976 = arith.constant 0 : i32
      %get3A_977 = arith.constant 0 : i32
      %get3A_978 = tpu.memref_slice %arg8[%scan3A_356, %get3A_976, %get3A_977] : memref<3x64x128xf32, #tpu.memory_space<vmem>> -> memref<1x64x128xf32, #tpu.memory_space<vmem>>
      %get3A_979 = tpu.memref_squeeze %get3A_978 : memref<1x64x128xf32, #tpu.memory_space<vmem>> -> memref<64x128xf32, #tpu.memory_space<vmem>>
      %get3A_980 = arith.index_cast %add3A_975 : i32 to index
      %get3A_981 = arith.constant 64 : index
      %get3A_982 = tpu.vector_load %get3A_979[%get3A_980, %get3A_981] {strides = array<i32>} : memref<64x128xf32, #tpu.memory_space<vmem>>, vector<1x16xf32>,
      %get3A_983 = vector.shape_cast %get3A_982 : vector<1x16xf32> to vector<16xf32>
      %add3A_984 = arith.addf %mul3A_971, %get3A_983 : vector<16xf32>
      %mul3A_985 = arith.constant 2 : i32
      %mul3A_986 = arith.muli %mul3A_985, %scan3A_466 : i32
      %add3A_987 = arith.constant 1 : i32
      %add3A_988 = arith.addi %mul3A_986, %add3A_987 : i32
      %swap3A_989 = arith.constant 0 : i32
      %swap3A_990 = arith.constant 0 : i32
      %swap3A_991 = tpu.memref_slice %arg7[%scan3A_355, %swap3A_989, %swap3A_990] : memref<3x64x128xf32, #tpu.memory_space<vmem>> -> memref<1x64x128xf32, #tpu.memory_space<vmem>>
      %swap3A_992 = tpu.memref_squeeze %swap3A_991 : memref<1x64x128xf32, #tpu.memory_space<vmem>> -> memref<64x128xf32, #tpu.memory_space<vmem>>
      %swap3A_993 = arith.index_cast %add3A_988 : i32 to index
      %swap3A_994 = arith.constant 64 : index
      %swap3A_995 = tpu.vector_load %swap3A_992[%swap3A_993, %swap3A_994] {strides = array<i32>} : memref<64x128xf32, #tpu.memory_space<vmem>>, vector<1x16xf32>,
      %swap3A_996 = vector.shape_cast %swap3A_995 : vector<1x16xf32> to vector<16xf32>
      %swap3A_997 = vector.shape_cast %add3A_984 : vector<16xf32> to vector<1x16xf32>
      tpu.vector_store %swap3A_992[%swap3A_993, %swap3A_994], %swap3A_997 {strides = array<i32>} : memref<64x128xf32, #tpu.memory_space<vmem>>, vector<1x16xf32>,
      %mul3A_998 = arith.constant 2 : i32
      %mul3A_999 = arith.muli %mul3A_998, %scan3A_466 : i32
      %add3A_1000 = arith.constant 1 : i32
      %add3A_1001 = arith.addi %mul3A_999, %add3A_1000 : i32
      %get3A_1002 = arith.constant 0 : i32
      %get3A_1003 = arith.constant 0 : i32
      %get3A_1004 = tpu.memref_slice %arg7[%scan3A_355, %get3A_1002, %get3A_1003] : memref<3x64x128xf32, #tpu.memory_space<vmem>> -> memref<1x64x128xf32, #tpu.memory_space<vmem>>
      %get3A_1005 = tpu.memref_squeeze %get3A_1004 : memref<1x64x128xf32, #tpu.memory_space<vmem>> -> memref<64x128xf32, #tpu.memory_space<vmem>>
      %get3A_1006 = arith.index_cast %add3A_1001 : i32 to index
      %get3A_1007 = arith.constant 80 : index
      %get3A_1008 = tpu.vector_load %get3A_1005[%get3A_1006, %get3A_1007] {strides = array<i32>} : memref<64x128xf32, #tpu.memory_space<vmem>>, vector<1x16xf32>,
      %get3A_1009 = vector.shape_cast %get3A_1008 : vector<1x16xf32> to vector<16xf32>
      %mul3A_1010 = arith.constant 11.3137083 : f32
      %mul3A_1011 = vector.broadcast %mul3A_1010 : f32 to vector<16xf32>
      %mul3A_1012 = arith.mulf %get3A_1009, %mul3A_1011 : vector<16xf32>
      %mul3A_1013 = arith.constant 2 : i32
      %mul3A_1014 = arith.muli %mul3A_1013, %scan3A_466 : i32
      %add3A_1015 = arith.constant 1 : i32
      %add3A_1016 = arith.addi %mul3A_1014, %add3A_1015 : i32
      %get3A_1017 = arith.constant 0 : i32
      %get3A_1018 = arith.constant 0 : i32
      %get3A_1019 = tpu.memref_slice %arg8[%scan3A_356, %get3A_1017, %get3A_1018] : memref<3x64x128xf32, #tpu.memory_space<vmem>> -> memref<1x64x128xf32, #tpu.memory_space<vmem>>
      %get3A_1020 = tpu.memref_squeeze %get3A_1019 : memref<1x64x128xf32, #tpu.memory_space<vmem>> -> memref<64x128xf32, #tpu.memory_space<vmem>>
      %get3A_1021 = arith.index_cast %add3A_1016 : i32 to index
      %get3A_1022 = arith.constant 80 : index
      %get3A_1023 = tpu.vector_load %get3A_1020[%get3A_1021, %get3A_1022] {strides = array<i32>} : memref<64x128xf32, #tpu.memory_space<vmem>>, vector<1x16xf32>,
      %get3A_1024 = vector.shape_cast %get3A_1023 : vector<1x16xf32> to vector<16xf32>
      %add3A_1025 = arith.addf %mul3A_1012, %get3A_1024 : vector<16xf32>
      %mul3A_1026 = arith.constant 2 : i32
      %mul3A_1027 = arith.muli %mul3A_1026, %scan3A_466 : i32
      %add3A_1028 = arith.constant 1 : i32
      %add3A_1029 = arith.addi %mul3A_1027, %add3A_1028 : i32
      %swap3A_1030 = arith.constant 0 : i32
      %swap3A_1031 = arith.constant 0 : i32
      %swap3A_1032 = tpu.memref_slice %arg7[%scan3A_355, %swap3A_1030, %swap3A_1031] : memref<3x64x128xf32, #tpu.memory_space<vmem>> -> memref<1x64x128xf32, #tpu.memory_space<vmem>>
      %swap3A_1033 = tpu.memref_squeeze %swap3A_1032 : memref<1x64x128xf32, #tpu.memory_space<vmem>> -> memref<64x128xf32, #tpu.memory_space<vmem>>
      %swap3A_1034 = arith.index_cast %add3A_1029 : i32 to index
      %swap3A_1035 = arith.constant 80 : index
      %swap3A_1036 = tpu.vector_load %swap3A_1033[%swap3A_1034, %swap3A_1035] {strides = array<i32>} : memref<64x128xf32, #tpu.memory_space<vmem>>, vector<1x16xf32>,
      %swap3A_1037 = vector.shape_cast %swap3A_1036 : vector<1x16xf32> to vector<16xf32>
      %swap3A_1038 = vector.shape_cast %add3A_1025 : vector<16xf32> to vector<1x16xf32>
      tpu.vector_store %swap3A_1033[%swap3A_1034, %swap3A_1035], %swap3A_1038 {strides = array<i32>} : memref<64x128xf32, #tpu.memory_space<vmem>>, vector<1x16xf32>,
      %mul3A_1039 = arith.constant 2 : i32
      %mul3A_1040 = arith.muli %mul3A_1039, %scan3A_466 : i32
      %add3A_1041 = arith.constant 1 : i32
      %add3A_1042 = arith.addi %mul3A_1040, %add3A_1041 : i32
      %get3A_1043 = arith.constant 0 : i32
      %get3A_1044 = arith.constant 0 : i32
      %get3A_1045 = tpu.memref_slice %arg7[%scan3A_355, %get3A_1043, %get3A_1044] : memref<3x64x128xf32, #tpu.memory_space<vmem>> -> memref<1x64x128xf32, #tpu.memory_space<vmem>>
      %get3A_1046 = tpu.memref_squeeze %get3A_1045 : memref<1x64x128xf32, #tpu.memory_space<vmem>> -> memref<64x128xf32, #tpu.memory_space<vmem>>
      %get3A_1047 = arith.index_cast %add3A_1042 : i32 to index
      %get3A_1048 = arith.constant 96 : index
      %get3A_1049 = tpu.vector_load %get3A_1046[%get3A_1047, %get3A_1048] {strides = array<i32>} : memref<64x128xf32, #tpu.memory_space<vmem>>, vector<1x16xf32>,
      %get3A_1050 = vector.shape_cast %get3A_1049 : vector<1x16xf32> to vector<16xf32>
      %mul3A_1051 = arith.constant 11.3137083 : f32
      %mul3A_1052 = vector.broadcast %mul3A_1051 : f32 to vector<16xf32>
      %mul3A_1053 = arith.mulf %get3A_1050, %mul3A_1052 : vector<16xf32>
      %mul3A_1054 = arith.constant 2 : i32
      %mul3A_1055 = arith.muli %mul3A_1054, %scan3A_466 : i32
      %add3A_1056 = arith.constant 1 : i32
      %add3A_1057 = arith.addi %mul3A_1055, %add3A_1056 : i32
      %get3A_1058 = arith.constant 0 : i32
      %get3A_1059 = arith.constant 0 : i32
      %get3A_1060 = tpu.memref_slice %arg8[%scan3A_356, %get3A_1058, %get3A_1059] : memref<3x64x128xf32, #tpu.memory_space<vmem>> -> memref<1x64x128xf32, #tpu.memory_space<vmem>>
      %get3A_1061 = tpu.memref_squeeze %get3A_1060 : memref<1x64x128xf32, #tpu.memory_space<vmem>> -> memref<64x128xf32, #tpu.memory_space<vmem>>
      %get3A_1062 = arith.index_cast %add3A_1057 : i32 to index
      %get3A_1063 = arith.constant 96 : index
      %get3A_1064 = tpu.vector_load %get3A_1061[%get3A_1062, %get3A_1063] {strides = array<i32>} : memref<64x128xf32, #tpu.memory_space<vmem>>, vector<1x16xf32>,
      %get3A_1065 = vector.shape_cast %get3A_1064 : vector<1x16xf32> to vector<16xf32>
      %add3A_1066 = arith.addf %mul3A_1053, %get3A_1065 : vector<16xf32>
      %mul3A_1067 = arith.constant 2 : i32
      %mul3A_1068 = arith.muli %mul3A_1067, %scan3A_466 : i32
      %add3A_1069 = arith.constant 1 : i32
      %add3A_1070 = arith.addi %mul3A_1068, %add3A_1069 : i32
      %swap3A_1071 = arith.constant 0 : i32
      %swap3A_1072 = arith.constant 0 : i32
      %swap3A_1073 = tpu.memref_slice %arg7[%scan3A_355, %swap3A_1071, %swap3A_1072] : memref<3x64x128xf32, #tpu.memory_space<vmem>> -> memref<1x64x128xf32, #tpu.memory_space<vmem>>
      %swap3A_1074 = tpu.memref_squeeze %swap3A_1073 : memref<1x64x128xf32, #tpu.memory_space<vmem>> -> memref<64x128xf32, #tpu.memory_space<vmem>>
      %swap3A_1075 = arith.index_cast %add3A_1070 : i32 to index
      %swap3A_1076 = arith.constant 96 : index
      %swap3A_1077 = tpu.vector_load %swap3A_1074[%swap3A_1075, %swap3A_1076] {strides = array<i32>} : memref<64x128xf32, #tpu.memory_space<vmem>>, vector<1x16xf32>,
      %swap3A_1078 = vector.shape_cast %swap3A_1077 : vector<1x16xf32> to vector<16xf32>
      %swap3A_1079 = vector.shape_cast %add3A_1066 : vector<16xf32> to vector<1x16xf32>
      tpu.vector_store %swap3A_1074[%swap3A_1075, %swap3A_1076], %swap3A_1079 {strides = array<i32>} : memref<64x128xf32, #tpu.memory_space<vmem>>, vector<1x16xf32>,
      %mul3A_1080 = arith.constant 2 : i32
      %mul3A_1081 = arith.muli %mul3A_1080, %scan3A_466 : i32
      %add3A_1082 = arith.constant 1 : i32
      %add3A_1083 = arith.addi %mul3A_1081, %add3A_1082 : i32
      %get3A_1084 = arith.constant 0 : i32
      %get3A_1085 = arith.constant 0 : i32
      %get3A_1086 = tpu.memref_slice %arg7[%scan3A_355, %get3A_1084, %get3A_1085] : memref<3x64x128xf32, #tpu.memory_space<vmem>> -> memref<1x64x128xf32, #tpu.memory_space<vmem>>
      %get3A_1087 = tpu.memref_squeeze %get3A_1086 : memref<1x64x128xf32, #tpu.memory_space<vmem>> -> memref<64x128xf32, #tpu.memory_space<vmem>>
      %get3A_1088 = arith.index_cast %add3A_1083 : i32 to index
      %get3A_1089 = arith.constant 112 : index
      %get3A_1090 = tpu.vector_load %get3A_1087[%get3A_1088, %get3A_1089] {strides = array<i32>} : memref<64x128xf32, #tpu.memory_space<vmem>>, vector<1x16xf32>,
      %get3A_1091 = vector.shape_cast %get3A_1090 : vector<1x16xf32> to vector<16xf32>
      %mul3A_1092 = arith.constant 11.3137083 : f32
      %mul3A_1093 = vector.broadcast %mul3A_1092 : f32 to vector<16xf32>
      %mul3A_1094 = arith.mulf %get3A_1091, %mul3A_1093 : vector<16xf32>
      %mul3A_1095 = arith.constant 2 : i32
      %mul3A_1096 = arith.muli %mul3A_1095, %scan3A_466 : i32
      %add3A_1097 = arith.constant 1 : i32
      %add3A_1098 = arith.addi %mul3A_1096, %add3A_1097 : i32
      %get3A_1099 = arith.constant 0 : i32
      %get3A_1100 = arith.constant 0 : i32
      %get3A_1101 = tpu.memref_slice %arg8[%scan3A_356, %get3A_1099, %get3A_1100] : memref<3x64x128xf32, #tpu.memory_space<vmem>> -> memref<1x64x128xf32, #tpu.memory_space<vmem>>
      %get3A_1102 = tpu.memref_squeeze %get3A_1101 : memref<1x64x128xf32, #tpu.memory_space<vmem>> -> memref<64x128xf32, #tpu.memory_space<vmem>>
      %get3A_1103 = arith.index_cast %add3A_1098 : i32 to index
      %get3A_1104 = arith.constant 112 : index
      %get3A_1105 = tpu.vector_load %get3A_1102[%get3A_1103, %get3A_1104] {strides = array<i32>} : memref<64x128xf32, #tpu.memory_space<vmem>>, vector<1x16xf32>,
      %get3A_1106 = vector.shape_cast %get3A_1105 : vector<1x16xf32> to vector<16xf32>
      %add3A_1107 = arith.addf %mul3A_1094, %get3A_1106 : vector<16xf32>
      %mul3A_1108 = arith.constant 2 : i32
      %mul3A_1109 = arith.muli %mul3A_1108, %scan3A_466 : i32
      %add3A_1110 = arith.constant 1 : i32
      %add3A_1111 = arith.addi %mul3A_1109, %add3A_1110 : i32
      %swap3A_1112 = arith.constant 0 : i32
      %swap3A_1113 = arith.constant 0 : i32
      %swap3A_1114 = tpu.memref_slice %arg7[%scan3A_355, %swap3A_1112, %swap3A_1113] : memref<3x64x128xf32, #tpu.memory_space<vmem>> -> memref<1x64x128xf32, #tpu.memory_space<vmem>>
      %swap3A_1115 = tpu.memref_squeeze %swap3A_1114 : memref<1x64x128xf32, #tpu.memory_space<vmem>> -> memref<64x128xf32, #tpu.memory_space<vmem>>
      %swap3A_1116 = arith.index_cast %add3A_1111 : i32 to index
      %swap3A_1117 = arith.constant 112 : index
      %swap3A_1118 = tpu.vector_load %swap3A_1115[%swap3A_1116, %swap3A_1117] {strides = array<i32>} : memref<64x128xf32, #tpu.memory_space<vmem>>, vector<1x16xf32>,
      %swap3A_1119 = vector.shape_cast %swap3A_1118 : vector<1x16xf32> to vector<16xf32>
      %swap3A_1120 = vector.shape_cast %add3A_1107 : vector<16xf32> to vector<1x16xf32>
      tpu.vector_store %swap3A_1115[%swap3A_1116, %swap3A_1117], %swap3A_1120 {strides = array<i32>} : memref<64x128xf32, #tpu.memory_space<vmem>>, vector<1x16xf32>,
    }
    %scan3A_361 = arith.constant 16 : i32
    %add3A_362 = arith.constant 192 : i32
    %add3A_363 = arith.addi %mul3A_20, %add3A_362 : i32
    %dma_start3A_364 = arith.constant 0 : i32
    %dma_start3A_365 = arith.constant 0 : i32
    %dma_start3A_366 = arith.constant 0 : i32
    %dma_start3A_367 = tpu.memref_slice %arg7[%dma_start3A_364, %dma_start3A_365, %dma_start3A_366] : memref<3x64x128xf32, #tpu.memory_space<vmem>> -> memref<1x32x128xf32, #tpu.memory_space<vmem>>
    %dma_start3A_368 = tpu.memref_squeeze %dma_start3A_367 : memref<1x32x128xf32, #tpu.memory_space<vmem>> -> memref<32x128xf32, #tpu.memory_space<vmem>>
    %dma_start3A_369 = arith.constant 0 : i32
    %dma_start3A_370 = tpu.memref_slice %arg5[%select_n3A, %add3A_363, %dma_start3A_369] : memref<4x2048x128xf32, #tpu.memory_space<hbm>> -> memref<1x32x128xf32, #tpu.memory_space<hbm>>
    %dma_start3A_371 = tpu.memref_squeeze %dma_start3A_370 : memref<1x32x128xf32, #tpu.memory_space<hbm>> -> memref<32x128xf32, #tpu.memory_space<hbm>>
    %dma_start3A_372 = arith.constant 0 : i32
    %dma_start3A_373 = tpu.memref_slice %arg5[%select_n3A, %add3A_363, %dma_start3A_372] : memref<4x2048x128xf32, #tpu.memory_space<hbm>> -> memref<1x32x128xf32, #tpu.memory_space<hbm>>
    %dma_start3A_374 = tpu.memref_squeeze %dma_start3A_373 : memref<1x32x128xf32, #tpu.memory_space<hbm>> -> memref<32x128xf32, #tpu.memory_space<hbm>>
    %dma_start3A_375 = arith.constant 0 : i32
    %dma_start3A_376 = arith.constant 0 : i32
    %dma_start3A_377 = tpu.memref_slice %arg7[%dma_start3A_364, %dma_start3A_375, %dma_start3A_376] : memref<3x64x128xf32, #tpu.memory_space<vmem>> -> memref<1x32x128xf32, #tpu.memory_space<vmem>>
    %dma_start3A_378 = tpu.memref_squeeze %dma_start3A_377 : memref<1x32x128xf32, #tpu.memory_space<vmem>> -> memref<32x128xf32, #tpu.memory_space<vmem>>
    tpu.enqueue_dma source(%dma_start3A_378 : memref<32x128xf32, #tpu.memory_space<vmem>>) target(%dma_start3A_374 : memref<32x128xf32, #tpu.memory_space<hbm>>) target_semaphore(%arg18 : memref<!tpu.dma_semaphore, #tpu.memory_space<semaphore_mem>>)
    %scan3A_379 = arith.constant 0 : i32
    %scan3A_380 = arith.constant 0 : i32
    %scan3A_381 = arith.constant 0 : i32
    %scan3A_382 = arith.constant 16 : i32
    %scan3A_383 = arith.constant 16 : i32
    %scan3A_384 = arith.addi %scan3A_382, %scan3A_383 : i32
    %scan3A_385 = arith.constant 1 : i32
    scf.for %scan3A_466 = %scan3A_382 to %scan3A_384 step %scan3A_385  : i32 {
      %mul3A_467 = arith.constant 2 : i32
      %mul3A_468 = arith.muli %mul3A_467, %scan3A_466 : i32
      %add3A_469 = arith.constant 0 : i32
      %add3A_470 = arith.addi %mul3A_468, %add3A_469 : i32
      %get3A = arith.constant 0 : i32
      %get3A_471 = arith.constant 0 : i32
      %get3A_472 = tpu.memref_slice %arg7[%scan3A_380, %get3A, %get3A_471] : memref<3x64x128xf32, #tpu.memory_space<vmem>> -> memref<1x64x128xf32, #tpu.memory_space<vmem>>
      %get3A_473 = tpu.memref_squeeze %get3A_472 : memref<1x64x128xf32, #tpu.memory_space<vmem>> -> memref<64x128xf32, #tpu.memory_space<vmem>>
      %get3A_474 = arith.index_cast %add3A_470 : i32 to index
      %get3A_475 = arith.constant 0 : index
      %get3A_476 = tpu.vector_load %get3A_473[%get3A_474, %get3A_475] {strides = array<i32>} : memref<64x128xf32, #tpu.memory_space<vmem>>, vector<1x16xf32>,
      %get3A_477 = vector.shape_cast %get3A_476 : vector<1x16xf32> to vector<16xf32>
      %mul3A_478 = arith.constant 11.3137083 : f32
      %mul3A_479 = vector.broadcast %mul3A_478 : f32 to vector<16xf32>
      %mul3A_480 = arith.mulf %get3A_477, %mul3A_479 : vector<16xf32>
      %mul3A_481 = arith.constant 2 : i32
      %mul3A_482 = arith.muli %mul3A_481, %scan3A_466 : i32
      %add3A_483 = arith.constant 0 : i32
      %add3A_484 = arith.addi %mul3A_482, %add3A_483 : i32
      %get3A_485 = arith.constant 0 : i32
      %get3A_486 = arith.constant 0 : i32
      %get3A_487 = tpu.memref_slice %arg8[%scan3A_381, %get3A_485, %get3A_486] : memref<3x64x128xf32, #tpu.memory_space<vmem>> -> memref<1x64x128xf32, #tpu.memory_space<vmem>>
      %get3A_488 = tpu.memref_squeeze %get3A_487 : memref<1x64x128xf32, #tpu.memory_space<vmem>> -> memref<64x128xf32, #tpu.memory_space<vmem>>
      %get3A_489 = arith.index_cast %add3A_484 : i32 to index
      %get3A_490 = arith.constant 0 : index
      %get3A_491 = tpu.vector_load %get3A_488[%get3A_489, %get3A_490] {strides = array<i32>} : memref<64x128xf32, #tpu.memory_space<vmem>>, vector<1x16xf32>,
      %get3A_492 = vector.shape_cast %get3A_491 : vector<1x16xf32> to vector<16xf32>
      %add3A_493 = arith.addf %mul3A_480, %get3A_492 : vector<16xf32>
      %mul3A_494 = arith.constant 2 : i32
      %mul3A_495 = arith.muli %mul3A_494, %scan3A_466 : i32
      %add3A_496 = arith.constant 0 : i32
      %add3A_497 = arith.addi %mul3A_495, %add3A_496 : i32
      %swap3A = arith.constant 0 : i32
      %swap3A_498 = arith.constant 0 : i32
      %swap3A_499 = tpu.memref_slice %arg7[%scan3A_380, %swap3A, %swap3A_498] : memref<3x64x128xf32, #tpu.memory_space<vmem>> -> memref<1x64x128xf32, #tpu.memory_space<vmem>>
      %swap3A_500 = tpu.memref_squeeze %swap3A_499 : memref<1x64x128xf32, #tpu.memory_space<vmem>> -> memref<64x128xf32, #tpu.memory_space<vmem>>
      %swap3A_501 = arith.index_cast %add3A_497 : i32 to index
      %swap3A_502 = arith.constant 0 : index
      %swap3A_503 = tpu.vector_load %swap3A_500[%swap3A_501, %swap3A_502] {strides = array<i32>} : memref<64x128xf32, #tpu.memory_space<vmem>>, vector<1x16xf32>,
      %swap3A_504 = vector.shape_cast %swap3A_503 : vector<1x16xf32> to vector<16xf32>
      %swap3A_505 = vector.shape_cast %add3A_493 : vector<16xf32> to vector<1x16xf32>
      tpu.vector_store %swap3A_500[%swap3A_501, %swap3A_502], %swap3A_505 {strides = array<i32>} : memref<64x128xf32, #tpu.memory_space<vmem>>, vector<1x16xf32>,
      %mul3A_506 = arith.constant 2 : i32
      %mul3A_507 = arith.muli %mul3A_506, %scan3A_466 : i32
      %add3A_508 = arith.constant 0 : i32
      %add3A_509 = arith.addi %mul3A_507, %add3A_508 : i32
      %get3A_510 = arith.constant 0 : i32
      %get3A_511 = arith.constant 0 : i32
      %get3A_512 = tpu.memref_slice %arg7[%scan3A_380, %get3A_510, %get3A_511] : memref<3x64x128xf32, #tpu.memory_space<vmem>> -> memref<1x64x128xf32, #tpu.memory_space<vmem>>
      %get3A_513 = tpu.memref_squeeze %get3A_512 : memref<1x64x128xf32, #tpu.memory_space<vmem>> -> memref<64x128xf32, #tpu.memory_space<vmem>>
      %get3A_514 = arith.index_cast %add3A_509 : i32 to index
      %get3A_515 = arith.constant 16 : index
      %get3A_516 = tpu.vector_load %get3A_513[%get3A_514, %get3A_515] {strides = array<i32>} : memref<64x128xf32, #tpu.memory_space<vmem>>, vector<1x16xf32>,
      %get3A_517 = vector.shape_cast %get3A_516 : vector<1x16xf32> to vector<16xf32>
      %mul3A_518 = arith.constant 11.3137083 : f32
      %mul3A_519 = vector.broadcast %mul3A_518 : f32 to vector<16xf32>
      %mul3A_520 = arith.mulf %get3A_517, %mul3A_519 : vector<16xf32>
      %mul3A_521 = arith.constant 2 : i32
      %mul3A_522 = arith.muli %mul3A_521, %scan3A_466 : i32
      %add3A_523 = arith.constant 0 : i32
      %add3A_524 = arith.addi %mul3A_522, %add3A_523 : i32
      %get3A_525 = arith.constant 0 : i32
      %get3A_526 = arith.constant 0 : i32
      %get3A_527 = tpu.memref_slice %arg8[%scan3A_381, %get3A_525, %get3A_526] : memref<3x64x128xf32, #tpu.memory_space<vmem>> -> memref<1x64x128xf32, #tpu.memory_space<vmem>>
      %get3A_528 = tpu.memref_squeeze %get3A_527 : memref<1x64x128xf32, #tpu.memory_space<vmem>> -> memref<64x128xf32, #tpu.memory_space<vmem>>
      %get3A_529 = arith.index_cast %add3A_524 : i32 to index
      %get3A_530 = arith.constant 16 : index
      %get3A_531 = tpu.vector_load %get3A_528[%get3A_529, %get3A_530] {strides = array<i32>} : memref<64x128xf32, #tpu.memory_space<vmem>>, vector<1x16xf32>,
      %get3A_532 = vector.shape_cast %get3A_531 : vector<1x16xf32> to vector<16xf32>
      %add3A_533 = arith.addf %mul3A_520, %get3A_532 : vector<16xf32>
      %mul3A_534 = arith.constant 2 : i32
      %mul3A_535 = arith.muli %mul3A_534, %scan3A_466 : i32
      %add3A_536 = arith.constant 0 : i32
      %add3A_537 = arith.addi %mul3A_535, %add3A_536 : i32
      %swap3A_538 = arith.constant 0 : i32
      %swap3A_539 = arith.constant 0 : i32
      %swap3A_540 = tpu.memref_slice %arg7[%scan3A_380, %swap3A_538, %swap3A_539] : memref<3x64x128xf32, #tpu.memory_space<vmem>> -> memref<1x64x128xf32, #tpu.memory_space<vmem>>
      %swap3A_541 = tpu.memref_squeeze %swap3A_540 : memref<1x64x128xf32, #tpu.memory_space<vmem>> -> memref<64x128xf32, #tpu.memory_space<vmem>>
      %swap3A_542 = arith.index_cast %add3A_537 : i32 to index
      %swap3A_543 = arith.constant 16 : index
      %swap3A_544 = tpu.vector_load %swap3A_541[%swap3A_542, %swap3A_543] {strides = array<i32>} : memref<64x128xf32, #tpu.memory_space<vmem>>, vector<1x16xf32>,
      %swap3A_545 = vector.shape_cast %swap3A_544 : vector<1x16xf32> to vector<16xf32>
      %swap3A_546 = vector.shape_cast %add3A_533 : vector<16xf32> to vector<1x16xf32>
      tpu.vector_store %swap3A_541[%swap3A_542, %swap3A_543], %swap3A_546 {strides = array<i32>} : memref<64x128xf32, #tpu.memory_space<vmem>>, vector<1x16xf32>,
      %mul3A_547 = arith.constant 2 : i32
      %mul3A_548 = arith.muli %mul3A_547, %scan3A_466 : i32
      %add3A_549 = arith.constant 0 : i32
      %add3A_550 = arith.addi %mul3A_548, %add3A_549 : i32
      %get3A_551 = arith.constant 0 : i32
      %get3A_552 = arith.constant 0 : i32
      %get3A_553 = tpu.memref_slice %arg7[%scan3A_380, %get3A_551, %get3A_552] : memref<3x64x128xf32, #tpu.memory_space<vmem>> -> memref<1x64x128xf32, #tpu.memory_space<vmem>>
      %get3A_554 = tpu.memref_squeeze %get3A_553 : memref<1x64x128xf32, #tpu.memory_space<vmem>> -> memref<64x128xf32, #tpu.memory_space<vmem>>
      %get3A_555 = arith.index_cast %add3A_550 : i32 to index
      %get3A_556 = arith.constant 32 : index
      %get3A_557 = tpu.vector_load %get3A_554[%get3A_555, %get3A_556] {strides = array<i32>} : memref<64x128xf32, #tpu.memory_space<vmem>>, vector<1x16xf32>,
      %get3A_558 = vector.shape_cast %get3A_557 : vector<1x16xf32> to vector<16xf32>
      %mul3A_559 = arith.constant 11.3137083 : f32
      %mul3A_560 = vector.broadcast %mul3A_559 : f32 to vector<16xf32>
      %mul3A_561 = arith.mulf %get3A_558, %mul3A_560 : vector<16xf32>
      %mul3A_562 = arith.constant 2 : i32
      %mul3A_563 = arith.muli %mul3A_562, %scan3A_466 : i32
      %add3A_564 = arith.constant 0 : i32
      %add3A_565 = arith.addi %mul3A_563, %add3A_564 : i32
      %get3A_566 = arith.constant 0 : i32
      %get3A_567 = arith.constant 0 : i32
      %get3A_568 = tpu.memref_slice %arg8[%scan3A_381, %get3A_566, %get3A_567] : memref<3x64x128xf32, #tpu.memory_space<vmem>> -> memref<1x64x128xf32, #tpu.memory_space<vmem>>
      %get3A_569 = tpu.memref_squeeze %get3A_568 : memref<1x64x128xf32, #tpu.memory_space<vmem>> -> memref<64x128xf32, #tpu.memory_space<vmem>>
      %get3A_570 = arith.index_cast %add3A_565 : i32 to index
      %get3A_571 = arith.constant 32 : index
      %get3A_572 = tpu.vector_load %get3A_569[%get3A_570, %get3A_571] {strides = array<i32>} : memref<64x128xf32, #tpu.memory_space<vmem>>, vector<1x16xf32>,
      %get3A_573 = vector.shape_cast %get3A_572 : vector<1x16xf32> to vector<16xf32>
      %add3A_574 = arith.addf %mul3A_561, %get3A_573 : vector<16xf32>
      %mul3A_575 = arith.constant 2 : i32
      %mul3A_576 = arith.muli %mul3A_575, %scan3A_466 : i32
      %add3A_577 = arith.constant 0 : i32
      %add3A_578 = arith.addi %mul3A_576, %add3A_577 : i32
      %swap3A_579 = arith.constant 0 : i32
      %swap3A_580 = arith.constant 0 : i32
      %swap3A_581 = tpu.memref_slice %arg7[%scan3A_380, %swap3A_579, %swap3A_580] : memref<3x64x128xf32, #tpu.memory_space<vmem>> -> memref<1x64x128xf32, #tpu.memory_space<vmem>>
      %swap3A_582 = tpu.memref_squeeze %swap3A_581 : memref<1x64x128xf32, #tpu.memory_space<vmem>> -> memref<64x128xf32, #tpu.memory_space<vmem>>
      %swap3A_583 = arith.index_cast %add3A_578 : i32 to index
      %swap3A_584 = arith.constant 32 : index
      %swap3A_585 = tpu.vector_load %swap3A_582[%swap3A_583, %swap3A_584] {strides = array<i32>} : memref<64x128xf32, #tpu.memory_space<vmem>>, vector<1x16xf32>,
      %swap3A_586 = vector.shape_cast %swap3A_585 : vector<1x16xf32> to vector<16xf32>
      %swap3A_587 = vector.shape_cast %add3A_574 : vector<16xf32> to vector<1x16xf32>
      tpu.vector_store %swap3A_582[%swap3A_583, %swap3A_584], %swap3A_587 {strides = array<i32>} : memref<64x128xf32, #tpu.memory_space<vmem>>, vector<1x16xf32>,
      %mul3A_588 = arith.constant 2 : i32
      %mul3A_589 = arith.muli %mul3A_588, %scan3A_466 : i32
      %add3A_590 = arith.constant 0 : i32
      %add3A_591 = arith.addi %mul3A_589, %add3A_590 : i32
      %get3A_592 = arith.constant 0 : i32
      %get3A_593 = arith.constant 0 : i32
      %get3A_594 = tpu.memref_slice %arg7[%scan3A_380, %get3A_592, %get3A_593] : memref<3x64x128xf32, #tpu.memory_space<vmem>> -> memref<1x64x128xf32, #tpu.memory_space<vmem>>
      %get3A_595 = tpu.memref_squeeze %get3A_594 : memref<1x64x128xf32, #tpu.memory_space<vmem>> -> memref<64x128xf32, #tpu.memory_space<vmem>>
      %get3A_596 = arith.index_cast %add3A_591 : i32 to index
      %get3A_597 = arith.constant 48 : index
      %get3A_598 = tpu.vector_load %get3A_595[%get3A_596, %get3A_597] {strides = array<i32>} : memref<64x128xf32, #tpu.memory_space<vmem>>, vector<1x16xf32>,
      %get3A_599 = vector.shape_cast %get3A_598 : vector<1x16xf32> to vector<16xf32>
      %mul3A_600 = arith.constant 11.3137083 : f32
      %mul3A_601 = vector.broadcast %mul3A_600 : f32 to vector<16xf32>
      %mul3A_602 = arith.mulf %get3A_599, %mul3A_601 : vector<16xf32>
      %mul3A_603 = arith.constant 2 : i32
      %mul3A_604 = arith.muli %mul3A_603, %scan3A_466 : i32
      %add3A_605 = arith.constant 0 : i32
      %add3A_606 = arith.addi %mul3A_604, %add3A_605 : i32
      %get3A_607 = arith.constant 0 : i32
      %get3A_608 = arith.constant 0 : i32
      %get3A_609 = tpu.memref_slice %arg8[%scan3A_381, %get3A_607, %get3A_608] : memref<3x64x128xf32, #tpu.memory_space<vmem>> -> memref<1x64x128xf32, #tpu.memory_space<vmem>>
      %get3A_610 = tpu.memref_squeeze %get3A_609 : memref<1x64x128xf32, #tpu.memory_space<vmem>> -> memref<64x128xf32, #tpu.memory_space<vmem>>
      %get3A_611 = arith.index_cast %add3A_606 : i32 to index
      %get3A_612 = arith.constant 48 : index
      %get3A_613 = tpu.vector_load %get3A_610[%get3A_611, %get3A_612] {strides = array<i32>} : memref<64x128xf32, #tpu.memory_space<vmem>>, vector<1x16xf32>,
      %get3A_614 = vector.shape_cast %get3A_613 : vector<1x16xf32> to vector<16xf32>
      %add3A_615 = arith.addf %mul3A_602, %get3A_614 : vector<16xf32>
      %mul3A_616 = arith.constant 2 : i32
      %mul3A_617 = arith.muli %mul3A_616, %scan3A_466 : i32
      %add3A_618 = arith.constant 0 : i32
      %add3A_619 = arith.addi %mul3A_617, %add3A_618 : i32
      %swap3A_620 = arith.constant 0 : i32
      %swap3A_621 = arith.constant 0 : i32
      %swap3A_622 = tpu.memref_slice %arg7[%scan3A_380, %swap3A_620, %swap3A_621] : memref<3x64x128xf32, #tpu.memory_space<vmem>> -> memref<1x64x128xf32, #tpu.memory_space<vmem>>
      %swap3A_623 = tpu.memref_squeeze %swap3A_622 : memref<1x64x128xf32, #tpu.memory_space<vmem>> -> memref<64x128xf32, #tpu.memory_space<vmem>>
      %swap3A_624 = arith.index_cast %add3A_619 : i32 to index
      %swap3A_625 = arith.constant 48 : index
      %swap3A_626 = tpu.vector_load %swap3A_623[%swap3A_624, %swap3A_625] {strides = array<i32>} : memref<64x128xf32, #tpu.memory_space<vmem>>, vector<1x16xf32>,
      %swap3A_627 = vector.shape_cast %swap3A_626 : vector<1x16xf32> to vector<16xf32>
      %swap3A_628 = vector.shape_cast %add3A_615 : vector<16xf32> to vector<1x16xf32>
      tpu.vector_store %swap3A_623[%swap3A_624, %swap3A_625], %swap3A_628 {strides = array<i32>} : memref<64x128xf32, #tpu.memory_space<vmem>>, vector<1x16xf32>,
      %mul3A_629 = arith.constant 2 : i32
      %mul3A_630 = arith.muli %mul3A_629, %scan3A_466 : i32
      %add3A_631 = arith.constant 0 : i32
      %add3A_632 = arith.addi %mul3A_630, %add3A_631 : i32
      %get3A_633 = arith.constant 0 : i32
      %get3A_634 = arith.constant 0 : i32
      %get3A_635 = tpu.memref_slice %arg7[%scan3A_380, %get3A_633, %get3A_634] : memref<3x64x128xf32, #tpu.memory_space<vmem>> -> memref<1x64x128xf32, #tpu.memory_space<vmem>>
      %get3A_636 = tpu.memref_squeeze %get3A_635 : memref<1x64x128xf32, #tpu.memory_space<vmem>> -> memref<64x128xf32, #tpu.memory_space<vmem>>
      %get3A_637 = arith.index_cast %add3A_632 : i32 to index
      %get3A_638 = arith.constant 64 : index
      %get3A_639 = tpu.vector_load %get3A_636[%get3A_637, %get3A_638] {strides = array<i32>} : memref<64x128xf32, #tpu.memory_space<vmem>>, vector<1x16xf32>,
      %get3A_640 = vector.shape_cast %get3A_639 : vector<1x16xf32> to vector<16xf32>
      %mul3A_641 = arith.constant 11.3137083 : f32
      %mul3A_642 = vector.broadcast %mul3A_641 : f32 to vector<16xf32>
      %mul3A_643 = arith.mulf %get3A_640, %mul3A_642 : vector<16xf32>
      %mul3A_644 = arith.constant 2 : i32
      %mul3A_645 = arith.muli %mul3A_644, %scan3A_466 : i32
      %add3A_646 = arith.constant 0 : i32
      %add3A_647 = arith.addi %mul3A_645, %add3A_646 : i32
      %get3A_648 = arith.constant 0 : i32
      %get3A_649 = arith.constant 0 : i32
      %get3A_650 = tpu.memref_slice %arg8[%scan3A_381, %get3A_648, %get3A_649] : memref<3x64x128xf32, #tpu.memory_space<vmem>> -> memref<1x64x128xf32, #tpu.memory_space<vmem>>
      %get3A_651 = tpu.memref_squeeze %get3A_650 : memref<1x64x128xf32, #tpu.memory_space<vmem>> -> memref<64x128xf32, #tpu.memory_space<vmem>>
      %get3A_652 = arith.index_cast %add3A_647 : i32 to index
      %get3A_653 = arith.constant 64 : index
      %get3A_654 = tpu.vector_load %get3A_651[%get3A_652, %get3A_653] {strides = array<i32>} : memref<64x128xf32, #tpu.memory_space<vmem>>, vector<1x16xf32>,
      %get3A_655 = vector.shape_cast %get3A_654 : vector<1x16xf32> to vector<16xf32>
      %add3A_656 = arith.addf %mul3A_643, %get3A_655 : vector<16xf32>
      %mul3A_657 = arith.constant 2 : i32
      %mul3A_658 = arith.muli %mul3A_657, %scan3A_466 : i32
      %add3A_659 = arith.constant 0 : i32
      %add3A_660 = arith.addi %mul3A_658, %add3A_659 : i32
      %swap3A_661 = arith.constant 0 : i32
      %swap3A_662 = arith.constant 0 : i32
      %swap3A_663 = tpu.memref_slice %arg7[%scan3A_380, %swap3A_661, %swap3A_662] : memref<3x64x128xf32, #tpu.memory_space<vmem>> -> memref<1x64x128xf32, #tpu.memory_space<vmem>>
      %swap3A_664 = tpu.memref_squeeze %swap3A_663 : memref<1x64x128xf32, #tpu.memory_space<vmem>> -> memref<64x128xf32, #tpu.memory_space<vmem>>
      %swap3A_665 = arith.index_cast %add3A_660 : i32 to index
      %swap3A_666 = arith.constant 64 : index
      %swap3A_667 = tpu.vector_load %swap3A_664[%swap3A_665, %swap3A_666] {strides = array<i32>} : memref<64x128xf32, #tpu.memory_space<vmem>>, vector<1x16xf32>,
      %swap3A_668 = vector.shape_cast %swap3A_667 : vector<1x16xf32> to vector<16xf32>
      %swap3A_669 = vector.shape_cast %add3A_656 : vector<16xf32> to vector<1x16xf32>
      tpu.vector_store %swap3A_664[%swap3A_665, %swap3A_666], %swap3A_669 {strides = array<i32>} : memref<64x128xf32, #tpu.memory_space<vmem>>, vector<1x16xf32>,
      %mul3A_670 = arith.constant 2 : i32
      %mul3A_671 = arith.muli %mul3A_670, %scan3A_466 : i32
      %add3A_672 = arith.constant 0 : i32
      %add3A_673 = arith.addi %mul3A_671, %add3A_672 : i32
      %get3A_674 = arith.constant 0 : i32
      %get3A_675 = arith.constant 0 : i32
      %get3A_676 = tpu.memref_slice %arg7[%scan3A_380, %get3A_674, %get3A_675] : memref<3x64x128xf32, #tpu.memory_space<vmem>> -> memref<1x64x128xf32, #tpu.memory_space<vmem>>
      %get3A_677 = tpu.memref_squeeze %get3A_676 : memref<1x64x128xf32, #tpu.memory_space<vmem>> -> memref<64x128xf32, #tpu.memory_space<vmem>>
      %get3A_678 = arith.index_cast %add3A_673 : i32 to index
      %get3A_679 = arith.constant 80 : index
      %get3A_680 = tpu.vector_load %get3A_677[%get3A_678, %get3A_679] {strides = array<i32>} : memref<64x128xf32, #tpu.memory_space<vmem>>, vector<1x16xf32>,
      %get3A_681 = vector.shape_cast %get3A_680 : vector<1x16xf32> to vector<16xf32>
      %mul3A_682 = arith.constant 11.3137083 : f32
      %mul3A_683 = vector.broadcast %mul3A_682 : f32 to vector<16xf32>
      %mul3A_684 = arith.mulf %get3A_681, %mul3A_683 : vector<16xf32>
      %mul3A_685 = arith.constant 2 : i32
      %mul3A_686 = arith.muli %mul3A_685, %scan3A_466 : i32
      %add3A_687 = arith.constant 0 : i32
      %add3A_688 = arith.addi %mul3A_686, %add3A_687 : i32
      %get3A_689 = arith.constant 0 : i32
      %get3A_690 = arith.constant 0 : i32
      %get3A_691 = tpu.memref_slice %arg8[%scan3A_381, %get3A_689, %get3A_690] : memref<3x64x128xf32, #tpu.memory_space<vmem>> -> memref<1x64x128xf32, #tpu.memory_space<vmem>>
      %get3A_692 = tpu.memref_squeeze %get3A_691 : memref<1x64x128xf32, #tpu.memory_space<vmem>> -> memref<64x128xf32, #tpu.memory_space<vmem>>
      %get3A_693 = arith.index_cast %add3A_688 : i32 to index
      %get3A_694 = arith.constant 80 : index
      %get3A_695 = tpu.vector_load %get3A_692[%get3A_693, %get3A_694] {strides = array<i32>} : memref<64x128xf32, #tpu.memory_space<vmem>>, vector<1x16xf32>,
      %get3A_696 = vector.shape_cast %get3A_695 : vector<1x16xf32> to vector<16xf32>
      %add3A_697 = arith.addf %mul3A_684, %get3A_696 : vector<16xf32>
      %mul3A_698 = arith.constant 2 : i32
      %mul3A_699 = arith.muli %mul3A_698, %scan3A_466 : i32
      %add3A_700 = arith.constant 0 : i32
      %add3A_701 = arith.addi %mul3A_699, %add3A_700 : i32
      %swap3A_702 = arith.constant 0 : i32
      %swap3A_703 = arith.constant 0 : i32
      %swap3A_704 = tpu.memref_slice %arg7[%scan3A_380, %swap3A_702, %swap3A_703] : memref<3x64x128xf32, #tpu.memory_space<vmem>> -> memref<1x64x128xf32, #tpu.memory_space<vmem>>
      %swap3A_705 = tpu.memref_squeeze %swap3A_704 : memref<1x64x128xf32, #tpu.memory_space<vmem>> -> memref<64x128xf32, #tpu.memory_space<vmem>>
      %swap3A_706 = arith.index_cast %add3A_701 : i32 to index
      %swap3A_707 = arith.constant 80 : index
      %swap3A_708 = tpu.vector_load %swap3A_705[%swap3A_706, %swap3A_707] {strides = array<i32>} : memref<64x128xf32, #tpu.memory_space<vmem>>, vector<1x16xf32>,
      %swap3A_709 = vector.shape_cast %swap3A_708 : vector<1x16xf32> to vector<16xf32>
      %swap3A_710 = vector.shape_cast %add3A_697 : vector<16xf32> to vector<1x16xf32>
      tpu.vector_store %swap3A_705[%swap3A_706, %swap3A_707], %swap3A_710 {strides = array<i32>} : memref<64x128xf32, #tpu.memory_space<vmem>>, vector<1x16xf32>,
      %mul3A_711 = arith.constant 2 : i32
      %mul3A_712 = arith.muli %mul3A_711, %scan3A_466 : i32
      %add3A_713 = arith.constant 0 : i32
      %add3A_714 = arith.addi %mul3A_712, %add3A_713 : i32
      %get3A_715 = arith.constant 0 : i32
      %get3A_716 = arith.constant 0 : i32
      %get3A_717 = tpu.memref_slice %arg7[%scan3A_380, %get3A_715, %get3A_716] : memref<3x64x128xf32, #tpu.memory_space<vmem>> -> memref<1x64x128xf32, #tpu.memory_space<vmem>>
      %get3A_718 = tpu.memref_squeeze %get3A_717 : memref<1x64x128xf32, #tpu.memory_space<vmem>> -> memref<64x128xf32, #tpu.memory_space<vmem>>
      %get3A_719 = arith.index_cast %add3A_714 : i32 to index
      %get3A_720 = arith.constant 96 : index
      %get3A_721 = tpu.vector_load %get3A_718[%get3A_719, %get3A_720] {strides = array<i32>} : memref<64x128xf32, #tpu.memory_space<vmem>>, vector<1x16xf32>,
      %get3A_722 = vector.shape_cast %get3A_721 : vector<1x16xf32> to vector<16xf32>
      %mul3A_723 = arith.constant 11.3137083 : f32
      %mul3A_724 = vector.broadcast %mul3A_723 : f32 to vector<16xf32>
      %mul3A_725 = arith.mulf %get3A_722, %mul3A_724 : vector<16xf32>
      %mul3A_726 = arith.constant 2 : i32
      %mul3A_727 = arith.muli %mul3A_726, %scan3A_466 : i32
      %add3A_728 = arith.constant 0 : i32
      %add3A_729 = arith.addi %mul3A_727, %add3A_728 : i32
      %get3A_730 = arith.constant 0 : i32
      %get3A_731 = arith.constant 0 : i32
      %get3A_732 = tpu.memref_slice %arg8[%scan3A_381, %get3A_730, %get3A_731] : memref<3x64x128xf32, #tpu.memory_space<vmem>> -> memref<1x64x128xf32, #tpu.memory_space<vmem>>
      %get3A_733 = tpu.memref_squeeze %get3A_732 : memref<1x64x128xf32, #tpu.memory_space<vmem>> -> memref<64x128xf32, #tpu.memory_space<vmem>>
      %get3A_734 = arith.index_cast %add3A_729 : i32 to index
      %get3A_735 = arith.constant 96 : index
      %get3A_736 = tpu.vector_load %get3A_733[%get3A_734, %get3A_735] {strides = array<i32>} : memref<64x128xf32, #tpu.memory_space<vmem>>, vector<1x16xf32>,
      %get3A_737 = vector.shape_cast %get3A_736 : vector<1x16xf32> to vector<16xf32>
      %add3A_738 = arith.addf %mul3A_725, %get3A_737 : vector<16xf32>
      %mul3A_739 = arith.constant 2 : i32
      %mul3A_740 = arith.muli %mul3A_739, %scan3A_466 : i32
      %add3A_741 = arith.constant 0 : i32
      %add3A_742 = arith.addi %mul3A_740, %add3A_741 : i32
      %swap3A_743 = arith.constant 0 : i32
      %swap3A_744 = arith.constant 0 : i32
      %swap3A_745 = tpu.memref_slice %arg7[%scan3A_380, %swap3A_743, %swap3A_744] : memref<3x64x128xf32, #tpu.memory_space<vmem>> -> memref<1x64x128xf32, #tpu.memory_space<vmem>>
      %swap3A_746 = tpu.memref_squeeze %swap3A_745 : memref<1x64x128xf32, #tpu.memory_space<vmem>> -> memref<64x128xf32, #tpu.memory_space<vmem>>
      %swap3A_747 = arith.index_cast %add3A_742 : i32 to index
      %swap3A_748 = arith.constant 96 : index
      %swap3A_749 = tpu.vector_load %swap3A_746[%swap3A_747, %swap3A_748] {strides = array<i32>} : memref<64x128xf32, #tpu.memory_space<vmem>>, vector<1x16xf32>,
      %swap3A_750 = vector.shape_cast %swap3A_749 : vector<1x16xf32> to vector<16xf32>
      %swap3A_751 = vector.shape_cast %add3A_738 : vector<16xf32> to vector<1x16xf32>
      tpu.vector_store %swap3A_746[%swap3A_747, %swap3A_748], %swap3A_751 {strides = array<i32>} : memref<64x128xf32, #tpu.memory_space<vmem>>, vector<1x16xf32>,
      %mul3A_752 = arith.constant 2 : i32
      %mul3A_753 = arith.muli %mul3A_752, %scan3A_466 : i32
      %add3A_754 = arith.constant 0 : i32
      %add3A_755 = arith.addi %mul3A_753, %add3A_754 : i32
      %get3A_756 = arith.constant 0 : i32
      %get3A_757 = arith.constant 0 : i32
      %get3A_758 = tpu.memref_slice %arg7[%scan3A_380, %get3A_756, %get3A_757] : memref<3x64x128xf32, #tpu.memory_space<vmem>> -> memref<1x64x128xf32, #tpu.memory_space<vmem>>
      %get3A_759 = tpu.memref_squeeze %get3A_758 : memref<1x64x128xf32, #tpu.memory_space<vmem>> -> memref<64x128xf32, #tpu.memory_space<vmem>>
      %get3A_760 = arith.index_cast %add3A_755 : i32 to index
      %get3A_761 = arith.constant 112 : index
      %get3A_762 = tpu.vector_load %get3A_759[%get3A_760, %get3A_761] {strides = array<i32>} : memref<64x128xf32, #tpu.memory_space<vmem>>, vector<1x16xf32>,
      %get3A_763 = vector.shape_cast %get3A_762 : vector<1x16xf32> to vector<16xf32>
      %mul3A_764 = arith.constant 11.3137083 : f32
      %mul3A_765 = vector.broadcast %mul3A_764 : f32 to vector<16xf32>
      %mul3A_766 = arith.mulf %get3A_763, %mul3A_765 : vector<16xf32>
      %mul3A_767 = arith.constant 2 : i32
      %mul3A_768 = arith.muli %mul3A_767, %scan3A_466 : i32
      %add3A_769 = arith.constant 0 : i32
      %add3A_770 = arith.addi %mul3A_768, %add3A_769 : i32
      %get3A_771 = arith.constant 0 : i32
      %get3A_772 = arith.constant 0 : i32
      %get3A_773 = tpu.memref_slice %arg8[%scan3A_381, %get3A_771, %get3A_772] : memref<3x64x128xf32, #tpu.memory_space<vmem>> -> memref<1x64x128xf32, #tpu.memory_space<vmem>>
      %get3A_774 = tpu.memref_squeeze %get3A_773 : memref<1x64x128xf32, #tpu.memory_space<vmem>> -> memref<64x128xf32, #tpu.memory_space<vmem>>
      %get3A_775 = arith.index_cast %add3A_770 : i32 to index
      %get3A_776 = arith.constant 112 : index
      %get3A_777 = tpu.vector_load %get3A_774[%get3A_775, %get3A_776] {strides = array<i32>} : memref<64x128xf32, #tpu.memory_space<vmem>>, vector<1x16xf32>,
      %get3A_778 = vector.shape_cast %get3A_777 : vector<1x16xf32> to vector<16xf32>
      %add3A_779 = arith.addf %mul3A_766, %get3A_778 : vector<16xf32>
      %mul3A_780 = arith.constant 2 : i32
      %mul3A_781 = arith.muli %mul3A_780, %scan3A_466 : i32
      %add3A_782 = arith.constant 0 : i32
      %add3A_783 = arith.addi %mul3A_781, %add3A_782 : i32
      %swap3A_784 = arith.constant 0 : i32
      %swap3A_785 = arith.constant 0 : i32
      %swap3A_786 = tpu.memref_slice %arg7[%scan3A_380, %swap3A_784, %swap3A_785] : memref<3x64x128xf32, #tpu.memory_space<vmem>> -> memref<1x64x128xf32, #tpu.memory_space<vmem>>
      %swap3A_787 = tpu.memref_squeeze %swap3A_786 : memref<1x64x128xf32, #tpu.memory_space<vmem>> -> memref<64x128xf32, #tpu.memory_space<vmem>>
      %swap3A_788 = arith.index_cast %add3A_783 : i32 to index
      %swap3A_789 = arith.constant 112 : index
      %swap3A_790 = tpu.vector_load %swap3A_787[%swap3A_788, %swap3A_789] {strides = array<i32>} : memref<64x128xf32, #tpu.memory_space<vmem>>, vector<1x16xf32>,
      %swap3A_791 = vector.shape_cast %swap3A_790 : vector<1x16xf32> to vector<16xf32>
      %swap3A_792 = vector.shape_cast %add3A_779 : vector<16xf32> to vector<1x16xf32>
      tpu.vector_store %swap3A_787[%swap3A_788, %swap3A_789], %swap3A_792 {strides = array<i32>} : memref<64x128xf32, #tpu.memory_space<vmem>>, vector<1x16xf32>,
      %mul3A_793 = arith.constant 2 : i32
      %mul3A_794 = arith.muli %mul3A_793, %scan3A_466 : i32
      %add3A_795 = arith.constant 1 : i32
      %add3A_796 = arith.addi %mul3A_794, %add3A_795 : i32
      %get3A_797 = arith.constant 0 : i32
      %get3A_798 = arith.constant 0 : i32
      %get3A_799 = tpu.memref_slice %arg7[%scan3A_380, %get3A_797, %get3A_798] : memref<3x64x128xf32, #tpu.memory_space<vmem>> -> memref<1x64x128xf32, #tpu.memory_space<vmem>>
      %get3A_800 = tpu.memref_squeeze %get3A_799 : memref<1x64x128xf32, #tpu.memory_space<vmem>> -> memref<64x128xf32, #tpu.memory_space<vmem>>
      %get3A_801 = arith.index_cast %add3A_796 : i32 to index
      %get3A_802 = arith.constant 0 : index
      %get3A_803 = tpu.vector_load %get3A_800[%get3A_801, %get3A_802] {strides = array<i32>} : memref<64x128xf32, #tpu.memory_space<vmem>>, vector<1x16xf32>,
      %get3A_804 = vector.shape_cast %get3A_803 : vector<1x16xf32> to vector<16xf32>
      %mul3A_805 = arith.constant 11.3137083 : f32
      %mul3A_806 = vector.broadcast %mul3A_805 : f32 to vector<16xf32>
      %mul3A_807 = arith.mulf %get3A_804, %mul3A_806 : vector<16xf32>
      %mul3A_808 = arith.constant 2 : i32
      %mul3A_809 = arith.muli %mul3A_808, %scan3A_466 : i32
      %add3A_810 = arith.constant 1 : i32
      %add3A_811 = arith.addi %mul3A_809, %add3A_810 : i32
      %get3A_812 = arith.constant 0 : i32
      %get3A_813 = arith.constant 0 : i32
      %get3A_814 = tpu.memref_slice %arg8[%scan3A_381, %get3A_812, %get3A_813] : memref<3x64x128xf32, #tpu.memory_space<vmem>> -> memref<1x64x128xf32, #tpu.memory_space<vmem>>
      %get3A_815 = tpu.memref_squeeze %get3A_814 : memref<1x64x128xf32, #tpu.memory_space<vmem>> -> memref<64x128xf32, #tpu.memory_space<vmem>>
      %get3A_816 = arith.index_cast %add3A_811 : i32 to index
      %get3A_817 = arith.constant 0 : index
      %get3A_818 = tpu.vector_load %get3A_815[%get3A_816, %get3A_817] {strides = array<i32>} : memref<64x128xf32, #tpu.memory_space<vmem>>, vector<1x16xf32>,
      %get3A_819 = vector.shape_cast %get3A_818 : vector<1x16xf32> to vector<16xf32>
      %add3A_820 = arith.addf %mul3A_807, %get3A_819 : vector<16xf32>
      %mul3A_821 = arith.constant 2 : i32
      %mul3A_822 = arith.muli %mul3A_821, %scan3A_466 : i32
      %add3A_823 = arith.constant 1 : i32
      %add3A_824 = arith.addi %mul3A_822, %add3A_823 : i32
      %swap3A_825 = arith.constant 0 : i32
      %swap3A_826 = arith.constant 0 : i32
      %swap3A_827 = tpu.memref_slice %arg7[%scan3A_380, %swap3A_825, %swap3A_826] : memref<3x64x128xf32, #tpu.memory_space<vmem>> -> memref<1x64x128xf32, #tpu.memory_space<vmem>>
      %swap3A_828 = tpu.memref_squeeze %swap3A_827 : memref<1x64x128xf32, #tpu.memory_space<vmem>> -> memref<64x128xf32, #tpu.memory_space<vmem>>
      %swap3A_829 = arith.index_cast %add3A_824 : i32 to index
      %swap3A_830 = arith.constant 0 : index
      %swap3A_831 = tpu.vector_load %swap3A_828[%swap3A_829, %swap3A_830] {strides = array<i32>} : memref<64x128xf32, #tpu.memory_space<vmem>>, vector<1x16xf32>,
      %swap3A_832 = vector.shape_cast %swap3A_831 : vector<1x16xf32> to vector<16xf32>
      %swap3A_833 = vector.shape_cast %add3A_820 : vector<16xf32> to vector<1x16xf32>
      tpu.vector_store %swap3A_828[%swap3A_829, %swap3A_830], %swap3A_833 {strides = array<i32>} : memref<64x128xf32, #tpu.memory_space<vmem>>, vector<1x16xf32>,
      %mul3A_834 = arith.constant 2 : i32
      %mul3A_835 = arith.muli %mul3A_834, %scan3A_466 : i32
      %add3A_836 = arith.constant 1 : i32
      %add3A_837 = arith.addi %mul3A_835, %add3A_836 : i32
      %get3A_838 = arith.constant 0 : i32
      %get3A_839 = arith.constant 0 : i32
      %get3A_840 = tpu.memref_slice %arg7[%scan3A_380, %get3A_838, %get3A_839] : memref<3x64x128xf32, #tpu.memory_space<vmem>> -> memref<1x64x128xf32, #tpu.memory_space<vmem>>
      %get3A_841 = tpu.memref_squeeze %get3A_840 : memref<1x64x128xf32, #tpu.memory_space<vmem>> -> memref<64x128xf32, #tpu.memory_space<vmem>>
      %get3A_842 = arith.index_cast %add3A_837 : i32 to index
      %get3A_843 = arith.constant 16 : index
      %get3A_844 = tpu.vector_load %get3A_841[%get3A_842, %get3A_843] {strides = array<i32>} : memref<64x128xf32, #tpu.memory_space<vmem>>, vector<1x16xf32>,
      %get3A_845 = vector.shape_cast %get3A_844 : vector<1x16xf32> to vector<16xf32>
      %mul3A_846 = arith.constant 11.3137083 : f32
      %mul3A_847 = vector.broadcast %mul3A_846 : f32 to vector<16xf32>
      %mul3A_848 = arith.mulf %get3A_845, %mul3A_847 : vector<16xf32>
      %mul3A_849 = arith.constant 2 : i32
      %mul3A_850 = arith.muli %mul3A_849, %scan3A_466 : i32
      %add3A_851 = arith.constant 1 : i32
      %add3A_852 = arith.addi %mul3A_850, %add3A_851 : i32
      %get3A_853 = arith.constant 0 : i32
      %get3A_854 = arith.constant 0 : i32
      %get3A_855 = tpu.memref_slice %arg8[%scan3A_381, %get3A_853, %get3A_854] : memref<3x64x128xf32, #tpu.memory_space<vmem>> -> memref<1x64x128xf32, #tpu.memory_space<vmem>>
      %get3A_856 = tpu.memref_squeeze %get3A_855 : memref<1x64x128xf32, #tpu.memory_space<vmem>> -> memref<64x128xf32, #tpu.memory_space<vmem>>
      %get3A_857 = arith.index_cast %add3A_852 : i32 to index
      %get3A_858 = arith.constant 16 : index
      %get3A_859 = tpu.vector_load %get3A_856[%get3A_857, %get3A_858] {strides = array<i32>} : memref<64x128xf32, #tpu.memory_space<vmem>>, vector<1x16xf32>,
      %get3A_860 = vector.shape_cast %get3A_859 : vector<1x16xf32> to vector<16xf32>
      %add3A_861 = arith.addf %mul3A_848, %get3A_860 : vector<16xf32>
      %mul3A_862 = arith.constant 2 : i32
      %mul3A_863 = arith.muli %mul3A_862, %scan3A_466 : i32
      %add3A_864 = arith.constant 1 : i32
      %add3A_865 = arith.addi %mul3A_863, %add3A_864 : i32
      %swap3A_866 = arith.constant 0 : i32
      %swap3A_867 = arith.constant 0 : i32
      %swap3A_868 = tpu.memref_slice %arg7[%scan3A_380, %swap3A_866, %swap3A_867] : memref<3x64x128xf32, #tpu.memory_space<vmem>> -> memref<1x64x128xf32, #tpu.memory_space<vmem>>
      %swap3A_869 = tpu.memref_squeeze %swap3A_868 : memref<1x64x128xf32, #tpu.memory_space<vmem>> -> memref<64x128xf32, #tpu.memory_space<vmem>>
      %swap3A_870 = arith.index_cast %add3A_865 : i32 to index
      %swap3A_871 = arith.constant 16 : index
      %swap3A_872 = tpu.vector_load %swap3A_869[%swap3A_870, %swap3A_871] {strides = array<i32>} : memref<64x128xf32, #tpu.memory_space<vmem>>, vector<1x16xf32>,
      %swap3A_873 = vector.shape_cast %swap3A_872 : vector<1x16xf32> to vector<16xf32>
      %swap3A_874 = vector.shape_cast %add3A_861 : vector<16xf32> to vector<1x16xf32>
      tpu.vector_store %swap3A_869[%swap3A_870, %swap3A_871], %swap3A_874 {strides = array<i32>} : memref<64x128xf32, #tpu.memory_space<vmem>>, vector<1x16xf32>,
      %mul3A_875 = arith.constant 2 : i32
      %mul3A_876 = arith.muli %mul3A_875, %scan3A_466 : i32
      %add3A_877 = arith.constant 1 : i32
      %add3A_878 = arith.addi %mul3A_876, %add3A_877 : i32
      %get3A_879 = arith.constant 0 : i32
      %get3A_880 = arith.constant 0 : i32
      %get3A_881 = tpu.memref_slice %arg7[%scan3A_380, %get3A_879, %get3A_880] : memref<3x64x128xf32, #tpu.memory_space<vmem>> -> memref<1x64x128xf32, #tpu.memory_space<vmem>>
      %get3A_882 = tpu.memref_squeeze %get3A_881 : memref<1x64x128xf32, #tpu.memory_space<vmem>> -> memref<64x128xf32, #tpu.memory_space<vmem>>
      %get3A_883 = arith.index_cast %add3A_878 : i32 to index
      %get3A_884 = arith.constant 32 : index
      %get3A_885 = tpu.vector_load %get3A_882[%get3A_883, %get3A_884] {strides = array<i32>} : memref<64x128xf32, #tpu.memory_space<vmem>>, vector<1x16xf32>,
      %get3A_886 = vector.shape_cast %get3A_885 : vector<1x16xf32> to vector<16xf32>
      %mul3A_887 = arith.constant 11.3137083 : f32
      %mul3A_888 = vector.broadcast %mul3A_887 : f32 to vector<16xf32>
      %mul3A_889 = arith.mulf %get3A_886, %mul3A_888 : vector<16xf32>
      %mul3A_890 = arith.constant 2 : i32
      %mul3A_891 = arith.muli %mul3A_890, %scan3A_466 : i32
      %add3A_892 = arith.constant 1 : i32
      %add3A_893 = arith.addi %mul3A_891, %add3A_892 : i32
      %get3A_894 = arith.constant 0 : i32
      %get3A_895 = arith.constant 0 : i32
      %get3A_896 = tpu.memref_slice %arg8[%scan3A_381, %get3A_894, %get3A_895] : memref<3x64x128xf32, #tpu.memory_space<vmem>> -> memref<1x64x128xf32, #tpu.memory_space<vmem>>
      %get3A_897 = tpu.memref_squeeze %get3A_896 : memref<1x64x128xf32, #tpu.memory_space<vmem>> -> memref<64x128xf32, #tpu.memory_space<vmem>>
      %get3A_898 = arith.index_cast %add3A_893 : i32 to index
      %get3A_899 = arith.constant 32 : index
      %get3A_900 = tpu.vector_load %get3A_897[%get3A_898, %get3A_899] {strides = array<i32>} : memref<64x128xf32, #tpu.memory_space<vmem>>, vector<1x16xf32>,
      %get3A_901 = vector.shape_cast %get3A_900 : vector<1x16xf32> to vector<16xf32>
      %add3A_902 = arith.addf %mul3A_889, %get3A_901 : vector<16xf32>
      %mul3A_903 = arith.constant 2 : i32
      %mul3A_904 = arith.muli %mul3A_903, %scan3A_466 : i32
      %add3A_905 = arith.constant 1 : i32
      %add3A_906 = arith.addi %mul3A_904, %add3A_905 : i32
      %swap3A_907 = arith.constant 0 : i32
      %swap3A_908 = arith.constant 0 : i32
      %swap3A_909 = tpu.memref_slice %arg7[%scan3A_380, %swap3A_907, %swap3A_908] : memref<3x64x128xf32, #tpu.memory_space<vmem>> -> memref<1x64x128xf32, #tpu.memory_space<vmem>>
      %swap3A_910 = tpu.memref_squeeze %swap3A_909 : memref<1x64x128xf32, #tpu.memory_space<vmem>> -> memref<64x128xf32, #tpu.memory_space<vmem>>
      %swap3A_911 = arith.index_cast %add3A_906 : i32 to index
      %swap3A_912 = arith.constant 32 : index
      %swap3A_913 = tpu.vector_load %swap3A_910[%swap3A_911, %swap3A_912] {strides = array<i32>} : memref<64x128xf32, #tpu.memory_space<vmem>>, vector<1x16xf32>,
      %swap3A_914 = vector.shape_cast %swap3A_913 : vector<1x16xf32> to vector<16xf32>
      %swap3A_915 = vector.shape_cast %add3A_902 : vector<16xf32> to vector<1x16xf32>
      tpu.vector_store %swap3A_910[%swap3A_911, %swap3A_912], %swap3A_915 {strides = array<i32>} : memref<64x128xf32, #tpu.memory_space<vmem>>, vector<1x16xf32>,
      %mul3A_916 = arith.constant 2 : i32
      %mul3A_917 = arith.muli %mul3A_916, %scan3A_466 : i32
      %add3A_918 = arith.constant 1 : i32
      %add3A_919 = arith.addi %mul3A_917, %add3A_918 : i32
      %get3A_920 = arith.constant 0 : i32
      %get3A_921 = arith.constant 0 : i32
      %get3A_922 = tpu.memref_slice %arg7[%scan3A_380, %get3A_920, %get3A_921] : memref<3x64x128xf32, #tpu.memory_space<vmem>> -> memref<1x64x128xf32, #tpu.memory_space<vmem>>
      %get3A_923 = tpu.memref_squeeze %get3A_922 : memref<1x64x128xf32, #tpu.memory_space<vmem>> -> memref<64x128xf32, #tpu.memory_space<vmem>>
      %get3A_924 = arith.index_cast %add3A_919 : i32 to index
      %get3A_925 = arith.constant 48 : index
      %get3A_926 = tpu.vector_load %get3A_923[%get3A_924, %get3A_925] {strides = array<i32>} : memref<64x128xf32, #tpu.memory_space<vmem>>, vector<1x16xf32>,
      %get3A_927 = vector.shape_cast %get3A_926 : vector<1x16xf32> to vector<16xf32>
      %mul3A_928 = arith.constant 11.3137083 : f32
      %mul3A_929 = vector.broadcast %mul3A_928 : f32 to vector<16xf32>
      %mul3A_930 = arith.mulf %get3A_927, %mul3A_929 : vector<16xf32>
      %mul3A_931 = arith.constant 2 : i32
      %mul3A_932 = arith.muli %mul3A_931, %scan3A_466 : i32
      %add3A_933 = arith.constant 1 : i32
      %add3A_934 = arith.addi %mul3A_932, %add3A_933 : i32
      %get3A_935 = arith.constant 0 : i32
      %get3A_936 = arith.constant 0 : i32
      %get3A_937 = tpu.memref_slice %arg8[%scan3A_381, %get3A_935, %get3A_936] : memref<3x64x128xf32, #tpu.memory_space<vmem>> -> memref<1x64x128xf32, #tpu.memory_space<vmem>>
      %get3A_938 = tpu.memref_squeeze %get3A_937 : memref<1x64x128xf32, #tpu.memory_space<vmem>> -> memref<64x128xf32, #tpu.memory_space<vmem>>
      %get3A_939 = arith.index_cast %add3A_934 : i32 to index
      %get3A_940 = arith.constant 48 : index
      %get3A_941 = tpu.vector_load %get3A_938[%get3A_939, %get3A_940] {strides = array<i32>} : memref<64x128xf32, #tpu.memory_space<vmem>>, vector<1x16xf32>,
      %get3A_942 = vector.shape_cast %get3A_941 : vector<1x16xf32> to vector<16xf32>
      %add3A_943 = arith.addf %mul3A_930, %get3A_942 : vector<16xf32>
      %mul3A_944 = arith.constant 2 : i32
      %mul3A_945 = arith.muli %mul3A_944, %scan3A_466 : i32
      %add3A_946 = arith.constant 1 : i32
      %add3A_947 = arith.addi %mul3A_945, %add3A_946 : i32
      %swap3A_948 = arith.constant 0 : i32
      %swap3A_949 = arith.constant 0 : i32
      %swap3A_950 = tpu.memref_slice %arg7[%scan3A_380, %swap3A_948, %swap3A_949] : memref<3x64x128xf32, #tpu.memory_space<vmem>> -> memref<1x64x128xf32, #tpu.memory_space<vmem>>
      %swap3A_951 = tpu.memref_squeeze %swap3A_950 : memref<1x64x128xf32, #tpu.memory_space<vmem>> -> memref<64x128xf32, #tpu.memory_space<vmem>>
      %swap3A_952 = arith.index_cast %add3A_947 : i32 to index
      %swap3A_953 = arith.constant 48 : index
      %swap3A_954 = tpu.vector_load %swap3A_951[%swap3A_952, %swap3A_953] {strides = array<i32>} : memref<64x128xf32, #tpu.memory_space<vmem>>, vector<1x16xf32>,
      %swap3A_955 = vector.shape_cast %swap3A_954 : vector<1x16xf32> to vector<16xf32>
      %swap3A_956 = vector.shape_cast %add3A_943 : vector<16xf32> to vector<1x16xf32>
      tpu.vector_store %swap3A_951[%swap3A_952, %swap3A_953], %swap3A_956 {strides = array<i32>} : memref<64x128xf32, #tpu.memory_space<vmem>>, vector<1x16xf32>,
      %mul3A_957 = arith.constant 2 : i32
      %mul3A_958 = arith.muli %mul3A_957, %scan3A_466 : i32
      %add3A_959 = arith.constant 1 : i32
      %add3A_960 = arith.addi %mul3A_958, %add3A_959 : i32
      %get3A_961 = arith.constant 0 : i32
      %get3A_962 = arith.constant 0 : i32
      %get3A_963 = tpu.memref_slice %arg7[%scan3A_380, %get3A_961, %get3A_962] : memref<3x64x128xf32, #tpu.memory_space<vmem>> -> memref<1x64x128xf32, #tpu.memory_space<vmem>>
      %get3A_964 = tpu.memref_squeeze %get3A_963 : memref<1x64x128xf32, #tpu.memory_space<vmem>> -> memref<64x128xf32, #tpu.memory_space<vmem>>
      %get3A_965 = arith.index_cast %add3A_960 : i32 to index
      %get3A_966 = arith.constant 64 : index
      %get3A_967 = tpu.vector_load %get3A_964[%get3A_965, %get3A_966] {strides = array<i32>} : memref<64x128xf32, #tpu.memory_space<vmem>>, vector<1x16xf32>,
      %get3A_968 = vector.shape_cast %get3A_967 : vector<1x16xf32> to vector<16xf32>
      %mul3A_969 = arith.constant 11.3137083 : f32
      %mul3A_970 = vector.broadcast %mul3A_969 : f32 to vector<16xf32>
      %mul3A_971 = arith.mulf %get3A_968, %mul3A_970 : vector<16xf32>
      %mul3A_972 = arith.constant 2 : i32
      %mul3A_973 = arith.muli %mul3A_972, %scan3A_466 : i32
      %add3A_974 = arith.constant 1 : i32
      %add3A_975 = arith.addi %mul3A_973, %add3A_974 : i32
      %get3A_976 = arith.constant 0 : i32
      %get3A_977 = arith.constant 0 : i32
      %get3A_978 = tpu.memref_slice %arg8[%scan3A_381, %get3A_976, %get3A_977] : memref<3x64x128xf32, #tpu.memory_space<vmem>> -> memref<1x64x128xf32, #tpu.memory_space<vmem>>
      %get3A_979 = tpu.memref_squeeze %get3A_978 : memref<1x64x128xf32, #tpu.memory_space<vmem>> -> memref<64x128xf32, #tpu.memory_space<vmem>>
      %get3A_980 = arith.index_cast %add3A_975 : i32 to index
      %get3A_981 = arith.constant 64 : index
      %get3A_982 = tpu.vector_load %get3A_979[%get3A_980, %get3A_981] {strides = array<i32>} : memref<64x128xf32, #tpu.memory_space<vmem>>, vector<1x16xf32>,
      %get3A_983 = vector.shape_cast %get3A_982 : vector<1x16xf32> to vector<16xf32>
      %add3A_984 = arith.addf %mul3A_971, %get3A_983 : vector<16xf32>
      %mul3A_985 = arith.constant 2 : i32
      %mul3A_986 = arith.muli %mul3A_985, %scan3A_466 : i32
      %add3A_987 = arith.constant 1 : i32
      %add3A_988 = arith.addi %mul3A_986, %add3A_987 : i32
      %swap3A_989 = arith.constant 0 : i32
      %swap3A_990 = arith.constant 0 : i32
      %swap3A_991 = tpu.memref_slice %arg7[%scan3A_380, %swap3A_989, %swap3A_990] : memref<3x64x128xf32, #tpu.memory_space<vmem>> -> memref<1x64x128xf32, #tpu.memory_space<vmem>>
      %swap3A_992 = tpu.memref_squeeze %swap3A_991 : memref<1x64x128xf32, #tpu.memory_space<vmem>> -> memref<64x128xf32, #tpu.memory_space<vmem>>
      %swap3A_993 = arith.index_cast %add3A_988 : i32 to index
      %swap3A_994 = arith.constant 64 : index
      %swap3A_995 = tpu.vector_load %swap3A_992[%swap3A_993, %swap3A_994] {strides = array<i32>} : memref<64x128xf32, #tpu.memory_space<vmem>>, vector<1x16xf32>,
      %swap3A_996 = vector.shape_cast %swap3A_995 : vector<1x16xf32> to vector<16xf32>
      %swap3A_997 = vector.shape_cast %add3A_984 : vector<16xf32> to vector<1x16xf32>
      tpu.vector_store %swap3A_992[%swap3A_993, %swap3A_994], %swap3A_997 {strides = array<i32>} : memref<64x128xf32, #tpu.memory_space<vmem>>, vector<1x16xf32>,
      %mul3A_998 = arith.constant 2 : i32
      %mul3A_999 = arith.muli %mul3A_998, %scan3A_466 : i32
      %add3A_1000 = arith.constant 1 : i32
      %add3A_1001 = arith.addi %mul3A_999, %add3A_1000 : i32
      %get3A_1002 = arith.constant 0 : i32
      %get3A_1003 = arith.constant 0 : i32
      %get3A_1004 = tpu.memref_slice %arg7[%scan3A_380, %get3A_1002, %get3A_1003] : memref<3x64x128xf32, #tpu.memory_space<vmem>> -> memref<1x64x128xf32, #tpu.memory_space<vmem>>
      %get3A_1005 = tpu.memref_squeeze %get3A_1004 : memref<1x64x128xf32, #tpu.memory_space<vmem>> -> memref<64x128xf32, #tpu.memory_space<vmem>>
      %get3A_1006 = arith.index_cast %add3A_1001 : i32 to index
      %get3A_1007 = arith.constant 80 : index
      %get3A_1008 = tpu.vector_load %get3A_1005[%get3A_1006, %get3A_1007] {strides = array<i32>} : memref<64x128xf32, #tpu.memory_space<vmem>>, vector<1x16xf32>,
      %get3A_1009 = vector.shape_cast %get3A_1008 : vector<1x16xf32> to vector<16xf32>
      %mul3A_1010 = arith.constant 11.3137083 : f32
      %mul3A_1011 = vector.broadcast %mul3A_1010 : f32 to vector<16xf32>
      %mul3A_1012 = arith.mulf %get3A_1009, %mul3A_1011 : vector<16xf32>
      %mul3A_1013 = arith.constant 2 : i32
      %mul3A_1014 = arith.muli %mul3A_1013, %scan3A_466 : i32
      %add3A_1015 = arith.constant 1 : i32
      %add3A_1016 = arith.addi %mul3A_1014, %add3A_1015 : i32
      %get3A_1017 = arith.constant 0 : i32
      %get3A_1018 = arith.constant 0 : i32
      %get3A_1019 = tpu.memref_slice %arg8[%scan3A_381, %get3A_1017, %get3A_1018] : memref<3x64x128xf32, #tpu.memory_space<vmem>> -> memref<1x64x128xf32, #tpu.memory_space<vmem>>
      %get3A_1020 = tpu.memref_squeeze %get3A_1019 : memref<1x64x128xf32, #tpu.memory_space<vmem>> -> memref<64x128xf32, #tpu.memory_space<vmem>>
      %get3A_1021 = arith.index_cast %add3A_1016 : i32 to index
      %get3A_1022 = arith.constant 80 : index
      %get3A_1023 = tpu.vector_load %get3A_1020[%get3A_1021, %get3A_1022] {strides = array<i32>} : memref<64x128xf32, #tpu.memory_space<vmem>>, vector<1x16xf32>,
      %get3A_1024 = vector.shape_cast %get3A_1023 : vector<1x16xf32> to vector<16xf32>
      %add3A_1025 = arith.addf %mul3A_1012, %get3A_1024 : vector<16xf32>
      %mul3A_1026 = arith.constant 2 : i32
      %mul3A_1027 = arith.muli %mul3A_1026, %scan3A_466 : i32
      %add3A_1028 = arith.constant 1 : i32
      %add3A_1029 = arith.addi %mul3A_1027, %add3A_1028 : i32
      %swap3A_1030 = arith.constant 0 : i32
      %swap3A_1031 = arith.constant 0 : i32
      %swap3A_1032 = tpu.memref_slice %arg7[%scan3A_380, %swap3A_1030, %swap3A_1031] : memref<3x64x128xf32, #tpu.memory_space<vmem>> -> memref<1x64x128xf32, #tpu.memory_space<vmem>>
      %swap3A_1033 = tpu.memref_squeeze %swap3A_1032 : memref<1x64x128xf32, #tpu.memory_space<vmem>> -> memref<64x128xf32, #tpu.memory_space<vmem>>
      %swap3A_1034 = arith.index_cast %add3A_1029 : i32 to index
      %swap3A_1035 = arith.constant 80 : index
      %swap3A_1036 = tpu.vector_load %swap3A_1033[%swap3A_1034, %swap3A_1035] {strides = array<i32>} : memref<64x128xf32, #tpu.memory_space<vmem>>, vector<1x16xf32>,
      %swap3A_1037 = vector.shape_cast %swap3A_1036 : vector<1x16xf32> to vector<16xf32>
      %swap3A_1038 = vector.shape_cast %add3A_1025 : vector<16xf32> to vector<1x16xf32>
      tpu.vector_store %swap3A_1033[%swap3A_1034, %swap3A_1035], %swap3A_1038 {strides = array<i32>} : memref<64x128xf32, #tpu.memory_space<vmem>>, vector<1x16xf32>,
      %mul3A_1039 = arith.constant 2 : i32
      %mul3A_1040 = arith.muli %mul3A_1039, %scan3A_466 : i32
      %add3A_1041 = arith.constant 1 : i32
      %add3A_1042 = arith.addi %mul3A_1040, %add3A_1041 : i32
      %get3A_1043 = arith.constant 0 : i32
      %get3A_1044 = arith.constant 0 : i32
      %get3A_1045 = tpu.memref_slice %arg7[%scan3A_380, %get3A_1043, %get3A_1044] : memref<3x64x128xf32, #tpu.memory_space<vmem>> -> memref<1x64x128xf32, #tpu.memory_space<vmem>>
      %get3A_1046 = tpu.memref_squeeze %get3A_1045 : memref<1x64x128xf32, #tpu.memory_space<vmem>> -> memref<64x128xf32, #tpu.memory_space<vmem>>
      %get3A_1047 = arith.index_cast %add3A_1042 : i32 to index
      %get3A_1048 = arith.constant 96 : index
      %get3A_1049 = tpu.vector_load %get3A_1046[%get3A_1047, %get3A_1048] {strides = array<i32>} : memref<64x128xf32, #tpu.memory_space<vmem>>, vector<1x16xf32>,
      %get3A_1050 = vector.shape_cast %get3A_1049 : vector<1x16xf32> to vector<16xf32>
      %mul3A_1051 = arith.constant 11.3137083 : f32
      %mul3A_1052 = vector.broadcast %mul3A_1051 : f32 to vector<16xf32>
      %mul3A_1053 = arith.mulf %get3A_1050, %mul3A_1052 : vector<16xf32>
      %mul3A_1054 = arith.constant 2 : i32
      %mul3A_1055 = arith.muli %mul3A_1054, %scan3A_466 : i32
      %add3A_1056 = arith.constant 1 : i32
      %add3A_1057 = arith.addi %mul3A_1055, %add3A_1056 : i32
      %get3A_1058 = arith.constant 0 : i32
      %get3A_1059 = arith.constant 0 : i32
      %get3A_1060 = tpu.memref_slice %arg8[%scan3A_381, %get3A_1058, %get3A_1059] : memref<3x64x128xf32, #tpu.memory_space<vmem>> -> memref<1x64x128xf32, #tpu.memory_space<vmem>>
      %get3A_1061 = tpu.memref_squeeze %get3A_1060 : memref<1x64x128xf32, #tpu.memory_space<vmem>> -> memref<64x128xf32, #tpu.memory_space<vmem>>
      %get3A_1062 = arith.index_cast %add3A_1057 : i32 to index
      %get3A_1063 = arith.constant 96 : index
      %get3A_1064 = tpu.vector_load %get3A_1061[%get3A_1062, %get3A_1063] {strides = array<i32>} : memref<64x128xf32, #tpu.memory_space<vmem>>, vector<1x16xf32>,
      %get3A_1065 = vector.shape_cast %get3A_1064 : vector<1x16xf32> to vector<16xf32>
      %add3A_1066 = arith.addf %mul3A_1053, %get3A_1065 : vector<16xf32>
      %mul3A_1067 = arith.constant 2 : i32
      %mul3A_1068 = arith.muli %mul3A_1067, %scan3A_466 : i32
      %add3A_1069 = arith.constant 1 : i32
      %add3A_1070 = arith.addi %mul3A_1068, %add3A_1069 : i32
      %swap3A_1071 = arith.constant 0 : i32
      %swap3A_1072 = arith.constant 0 : i32
      %swap3A_1073 = tpu.memref_slice %arg7[%scan3A_380, %swap3A_1071, %swap3A_1072] : memref<3x64x128xf32, #tpu.memory_space<vmem>> -> memref<1x64x128xf32, #tpu.memory_space<vmem>>
      %swap3A_1074 = tpu.memref_squeeze %swap3A_1073 : memref<1x64x128xf32, #tpu.memory_space<vmem>> -> memref<64x128xf32, #tpu.memory_space<vmem>>
      %swap3A_1075 = arith.index_cast %add3A_1070 : i32 to index
      %swap3A_1076 = arith.constant 96 : index
      %swap3A_1077 = tpu.vector_load %swap3A_1074[%swap3A_1075, %swap3A_1076] {strides = array<i32>} : memref<64x128xf32, #tpu.memory_space<vmem>>, vector<1x16xf32>,
      %swap3A_1078 = vector.shape_cast %swap3A_1077 : vector<1x16xf32> to vector<16xf32>
      %swap3A_1079 = vector.shape_cast %add3A_1066 : vector<16xf32> to vector<1x16xf32>
      tpu.vector_store %swap3A_1074[%swap3A_1075, %swap3A_1076], %swap3A_1079 {strides = array<i32>} : memref<64x128xf32, #tpu.memory_space<vmem>>, vector<1x16xf32>,
      %mul3A_1080 = arith.constant 2 : i32
      %mul3A_1081 = arith.muli %mul3A_1080, %scan3A_466 : i32
      %add3A_1082 = arith.constant 1 : i32
      %add3A_1083 = arith.addi %mul3A_1081, %add3A_1082 : i32
      %get3A_1084 = arith.constant 0 : i32
      %get3A_1085 = arith.constant 0 : i32
      %get3A_1086 = tpu.memref_slice %arg7[%scan3A_380, %get3A_1084, %get3A_1085] : memref<3x64x128xf32, #tpu.memory_space<vmem>> -> memref<1x64x128xf32, #tpu.memory_space<vmem>>
      %get3A_1087 = tpu.memref_squeeze %get3A_1086 : memref<1x64x128xf32, #tpu.memory_space<vmem>> -> memref<64x128xf32, #tpu.memory_space<vmem>>
      %get3A_1088 = arith.index_cast %add3A_1083 : i32 to index
      %get3A_1089 = arith.constant 112 : index
      %get3A_1090 = tpu.vector_load %get3A_1087[%get3A_1088, %get3A_1089] {strides = array<i32>} : memref<64x128xf32, #tpu.memory_space<vmem>>, vector<1x16xf32>,
      %get3A_1091 = vector.shape_cast %get3A_1090 : vector<1x16xf32> to vector<16xf32>
      %mul3A_1092 = arith.constant 11.3137083 : f32
      %mul3A_1093 = vector.broadcast %mul3A_1092 : f32 to vector<16xf32>
      %mul3A_1094 = arith.mulf %get3A_1091, %mul3A_1093 : vector<16xf32>
      %mul3A_1095 = arith.constant 2 : i32
      %mul3A_1096 = arith.muli %mul3A_1095, %scan3A_466 : i32
      %add3A_1097 = arith.constant 1 : i32
      %add3A_1098 = arith.addi %mul3A_1096, %add3A_1097 : i32
      %get3A_1099 = arith.constant 0 : i32
      %get3A_1100 = arith.constant 0 : i32
      %get3A_1101 = tpu.memref_slice %arg8[%scan3A_381, %get3A_1099, %get3A_1100] : memref<3x64x128xf32, #tpu.memory_space<vmem>> -> memref<1x64x128xf32, #tpu.memory_space<vmem>>
      %get3A_1102 = tpu.memref_squeeze %get3A_1101 : memref<1x64x128xf32, #tpu.memory_space<vmem>> -> memref<64x128xf32, #tpu.memory_space<vmem>>
      %get3A_1103 = arith.index_cast %add3A_1098 : i32 to index
      %get3A_1104 = arith.constant 112 : index
      %get3A_1105 = tpu.vector_load %get3A_1102[%get3A_1103, %get3A_1104] {strides = array<i32>} : memref<64x128xf32, #tpu.memory_space<vmem>>, vector<1x16xf32>,
      %get3A_1106 = vector.shape_cast %get3A_1105 : vector<1x16xf32> to vector<16xf32>
      %add3A_1107 = arith.addf %mul3A_1094, %get3A_1106 : vector<16xf32>
      %mul3A_1108 = arith.constant 2 : i32
      %mul3A_1109 = arith.muli %mul3A_1108, %scan3A_466 : i32
      %add3A_1110 = arith.constant 1 : i32
      %add3A_1111 = arith.addi %mul3A_1109, %add3A_1110 : i32
      %swap3A_1112 = arith.constant 0 : i32
      %swap3A_1113 = arith.constant 0 : i32
      %swap3A_1114 = tpu.memref_slice %arg7[%scan3A_380, %swap3A_1112, %swap3A_1113] : memref<3x64x128xf32, #tpu.memory_space<vmem>> -> memref<1x64x128xf32, #tpu.memory_space<vmem>>
      %swap3A_1115 = tpu.memref_squeeze %swap3A_1114 : memref<1x64x128xf32, #tpu.memory_space<vmem>> -> memref<64x128xf32, #tpu.memory_space<vmem>>
      %swap3A_1116 = arith.index_cast %add3A_1111 : i32 to index
      %swap3A_1117 = arith.constant 112 : index
      %swap3A_1118 = tpu.vector_load %swap3A_1115[%swap3A_1116, %swap3A_1117] {strides = array<i32>} : memref<64x128xf32, #tpu.memory_space<vmem>>, vector<1x16xf32>,
      %swap3A_1119 = vector.shape_cast %swap3A_1118 : vector<1x16xf32> to vector<16xf32>
      %swap3A_1120 = vector.shape_cast %add3A_1107 : vector<16xf32> to vector<1x16xf32>
      tpu.vector_store %swap3A_1115[%swap3A_1116, %swap3A_1117], %swap3A_1120 {strides = array<i32>} : memref<64x128xf32, #tpu.memory_space<vmem>>, vector<1x16xf32>,
    }
    %scan3A_386 = arith.constant 16 : i32
    %add3A_387 = arith.constant 192 : i32
    %add3A_388 = arith.addi %mul3A_20, %add3A_387 : i32
    %add3A_389 = arith.constant 32 : i32
    %add3A_390 = arith.addi %add3A_388, %add3A_389 : i32
    %dma_start3A_391 = arith.constant 0 : i32
    %dma_start3A_392 = arith.constant 32 : i32
    %dma_start3A_393 = arith.constant 0 : i32
    %dma_start3A_394 = tpu.memref_slice %arg7[%dma_start3A_391, %dma_start3A_392, %dma_start3A_393] : memref<3x64x128xf32, #tpu.memory_space<vmem>> -> memref<1x32x128xf32, #tpu.memory_space<vmem>>
    %dma_start3A_395 = tpu.memref_squeeze %dma_start3A_394 : memref<1x32x128xf32, #tpu.memory_space<vmem>> -> memref<32x128xf32, #tpu.memory_space<vmem>>
    %dma_start3A_396 = arith.constant 0 : i32
    %dma_start3A_397 = tpu.memref_slice %arg5[%select_n3A, %add3A_390, %dma_start3A_396] : memref<4x2048x128xf32, #tpu.memory_space<hbm>> -> memref<1x32x128xf32, #tpu.memory_space<hbm>>
    %dma_start3A_398 = tpu.memref_squeeze %dma_start3A_397 : memref<1x32x128xf32, #tpu.memory_space<hbm>> -> memref<32x128xf32, #tpu.memory_space<hbm>>
    %dma_start3A_399 = arith.constant 0 : i32
    %dma_start3A_400 = tpu.memref_slice %arg5[%select_n3A, %add3A_390, %dma_start3A_399] : memref<4x2048x128xf32, #tpu.memory_space<hbm>> -> memref<1x32x128xf32, #tpu.memory_space<hbm>>
    %dma_start3A_401 = tpu.memref_squeeze %dma_start3A_400 : memref<1x32x128xf32, #tpu.memory_space<hbm>> -> memref<32x128xf32, #tpu.memory_space<hbm>>
    %dma_start3A_402 = arith.constant 32 : i32
    %dma_start3A_403 = arith.constant 0 : i32
    %dma_start3A_404 = tpu.memref_slice %arg7[%dma_start3A_391, %dma_start3A_402, %dma_start3A_403] : memref<3x64x128xf32, #tpu.memory_space<vmem>> -> memref<1x32x128xf32, #tpu.memory_space<vmem>>
    %dma_start3A_405 = tpu.memref_squeeze %dma_start3A_404 : memref<1x32x128xf32, #tpu.memory_space<vmem>> -> memref<32x128xf32, #tpu.memory_space<vmem>>
    tpu.enqueue_dma source(%dma_start3A_405 : memref<32x128xf32, #tpu.memory_space<vmem>>) target(%dma_start3A_401 : memref<32x128xf32, #tpu.memory_space<hbm>>) target_semaphore(%arg10 : memref<!tpu.dma_semaphore, #tpu.memory_space<semaphore_mem>>)
    %dma_wait3A_406 = arith.constant 1 : i32
    %dma_wait3A_407 = arith.constant 0 : i32
    %dma_wait3A_408 = arith.constant 0 : i32
    %dma_wait3A_409 = tpu.memref_slice %arg7[%dma_wait3A_406, %dma_wait3A_407, %dma_wait3A_408] : memref<3x64x128xf32, #tpu.memory_space<vmem>> -> memref<1x64x128xf32, #tpu.memory_space<vmem>>
    %dma_wait3A_410 = tpu.memref_squeeze %dma_wait3A_409 : memref<1x64x128xf32, #tpu.memory_space<vmem>> -> memref<64x128xf32, #tpu.memory_space<vmem>>
    %dma_wait3A_411 = arith.constant 0 : i32
    %dma_wait3A_412 = tpu.memref_slice %arg5[%select_n3A, %add3A_267, %dma_wait3A_411] : memref<4x2048x128xf32, #tpu.memory_space<hbm>> -> memref<1x64x128xf32, #tpu.memory_space<hbm>>
    %dma_wait3A_413 = tpu.memref_squeeze %dma_wait3A_412 : memref<1x64x128xf32, #tpu.memory_space<hbm>> -> memref<64x128xf32, #tpu.memory_space<hbm>>
    %dma_wait3A_414 = arith.constant 0 : i32
    %dma_wait3A_415 = tpu.memref_slice %arg5[%select_n3A, %add3A_267, %dma_wait3A_414] : memref<4x2048x128xf32, #tpu.memory_space<hbm>> -> memref<1x64x128xf32, #tpu.memory_space<hbm>>
    %dma_wait3A_416 = tpu.memref_squeeze %dma_wait3A_415 : memref<1x64x128xf32, #tpu.memory_space<hbm>> -> memref<64x128xf32, #tpu.memory_space<hbm>>
    %dma_wait3A_417 = arith.constant 0 : i32
    %dma_wait3A_418 = arith.constant 0 : i32
    %dma_wait3A_419 = tpu.memref_slice %arg7[%dma_wait3A_406, %dma_wait3A_417, %dma_wait3A_418] : memref<3x64x128xf32, #tpu.memory_space<vmem>> -> memref<1x64x128xf32, #tpu.memory_space<vmem>>
    %dma_wait3A_420 = tpu.memref_squeeze %dma_wait3A_419 : memref<1x64x128xf32, #tpu.memory_space<vmem>> -> memref<64x128xf32, #tpu.memory_space<vmem>>
    tpu.wait_dma2 semaphore(%arg19 : memref<!tpu.dma_semaphore, #tpu.memory_space<semaphore_mem>>) src(%dma_wait3A_420 : memref<64x128xf32, #tpu.memory_space<vmem>>) dst(%dma_wait3A_416 : memref<64x128xf32, #tpu.memory_space<hbm>>)
    %dma_wait3A_421 = arith.constant 2 : i32
    %dma_wait3A_422 = arith.constant 0 : i32
    %dma_wait3A_423 = arith.constant 0 : i32
    %dma_wait3A_424 = tpu.memref_slice %arg7[%dma_wait3A_421, %dma_wait3A_422, %dma_wait3A_423] : memref<3x64x128xf32, #tpu.memory_space<vmem>> -> memref<1x64x128xf32, #tpu.memory_space<vmem>>
    %dma_wait3A_425 = tpu.memref_squeeze %dma_wait3A_424 : memref<1x64x128xf32, #tpu.memory_space<vmem>> -> memref<64x128xf32, #tpu.memory_space<vmem>>
    %dma_wait3A_426 = arith.constant 0 : i32
    %dma_wait3A_427 = tpu.memref_slice %arg5[%select_n3A, %add3A_315, %dma_wait3A_426] : memref<4x2048x128xf32, #tpu.memory_space<hbm>> -> memref<1x64x128xf32, #tpu.memory_space<hbm>>
    %dma_wait3A_428 = tpu.memref_squeeze %dma_wait3A_427 : memref<1x64x128xf32, #tpu.memory_space<hbm>> -> memref<64x128xf32, #tpu.memory_space<hbm>>
    %dma_wait3A_429 = arith.constant 0 : i32
    %dma_wait3A_430 = tpu.memref_slice %arg5[%select_n3A, %add3A_315, %dma_wait3A_429] : memref<4x2048x128xf32, #tpu.memory_space<hbm>> -> memref<1x64x128xf32, #tpu.memory_space<hbm>>
    %dma_wait3A_431 = tpu.memref_squeeze %dma_wait3A_430 : memref<1x64x128xf32, #tpu.memory_space<hbm>> -> memref<64x128xf32, #tpu.memory_space<hbm>>
    %dma_wait3A_432 = arith.constant 0 : i32
    %dma_wait3A_433 = arith.constant 0 : i32
    %dma_wait3A_434 = tpu.memref_slice %arg7[%dma_wait3A_421, %dma_wait3A_432, %dma_wait3A_433] : memref<3x64x128xf32, #tpu.memory_space<vmem>> -> memref<1x64x128xf32, #tpu.memory_space<vmem>>
    %dma_wait3A_435 = tpu.memref_squeeze %dma_wait3A_434 : memref<1x64x128xf32, #tpu.memory_space<vmem>> -> memref<64x128xf32, #tpu.memory_space<vmem>>
    tpu.wait_dma2 semaphore(%arg20 : memref<!tpu.dma_semaphore, #tpu.memory_space<semaphore_mem>>) src(%dma_wait3A_435 : memref<64x128xf32, #tpu.memory_space<vmem>>) dst(%dma_wait3A_431 : memref<64x128xf32, #tpu.memory_space<hbm>>)
    %dma_wait3A_436 = arith.constant 0 : i32
    %dma_wait3A_437 = arith.constant 0 : i32
    %dma_wait3A_438 = arith.constant 0 : i32
    %dma_wait3A_439 = tpu.memref_slice %arg7[%dma_wait3A_436, %dma_wait3A_437, %dma_wait3A_438] : memref<3x64x128xf32, #tpu.memory_space<vmem>> -> memref<1x32x128xf32, #tpu.memory_space<vmem>>
    %dma_wait3A_440 = tpu.memref_squeeze %dma_wait3A_439 : memref<1x32x128xf32, #tpu.memory_space<vmem>> -> memref<32x128xf32, #tpu.memory_space<vmem>>
    %dma_wait3A_441 = arith.constant 0 : i32
    %dma_wait3A_442 = tpu.memref_slice %arg5[%select_n3A, %add3A_363, %dma_wait3A_441] : memref<4x2048x128xf32, #tpu.memory_space<hbm>> -> memref<1x32x128xf32, #tpu.memory_space<hbm>>
    %dma_wait3A_443 = tpu.memref_squeeze %dma_wait3A_442 : memref<1x32x128xf32, #tpu.memory_space<hbm>> -> memref<32x128xf32, #tpu.memory_space<hbm>>
    %dma_wait3A_444 = arith.constant 0 : i32
    %dma_wait3A_445 = tpu.memref_slice %arg5[%select_n3A, %add3A_363, %dma_wait3A_444] : memref<4x2048x128xf32, #tpu.memory_space<hbm>> -> memref<1x32x128xf32, #tpu.memory_space<hbm>>
    %dma_wait3A_446 = tpu.memref_squeeze %dma_wait3A_445 : memref<1x32x128xf32, #tpu.memory_space<hbm>> -> memref<32x128xf32, #tpu.memory_space<hbm>>
    %dma_wait3A_447 = arith.constant 0 : i32
    %dma_wait3A_448 = arith.constant 0 : i32
    %dma_wait3A_449 = tpu.memref_slice %arg7[%dma_wait3A_436, %dma_wait3A_447, %dma_wait3A_448] : memref<3x64x128xf32, #tpu.memory_space<vmem>> -> memref<1x32x128xf32, #tpu.memory_space<vmem>>
    %dma_wait3A_450 = tpu.memref_squeeze %dma_wait3A_449 : memref<1x32x128xf32, #tpu.memory_space<vmem>> -> memref<32x128xf32, #tpu.memory_space<vmem>>
    tpu.wait_dma2 semaphore(%arg18 : memref<!tpu.dma_semaphore, #tpu.memory_space<semaphore_mem>>) src(%dma_wait3A_450 : memref<32x128xf32, #tpu.memory_space<vmem>>) dst(%dma_wait3A_446 : memref<32x128xf32, #tpu.memory_space<hbm>>)
    %dma_wait3A_451 = arith.constant 0 : i32
    %dma_wait3A_452 = arith.constant 32 : i32
    %dma_wait3A_453 = arith.constant 0 : i32
    %dma_wait3A_454 = tpu.memref_slice %arg7[%dma_wait3A_451, %dma_wait3A_452, %dma_wait3A_453] : memref<3x64x128xf32, #tpu.memory_space<vmem>> -> memref<1x32x128xf32, #tpu.memory_space<vmem>>
    %dma_wait3A_455 = tpu.memref_squeeze %dma_wait3A_454 : memref<1x32x128xf32, #tpu.memory_space<vmem>> -> memref<32x128xf32, #tpu.memory_space<vmem>>
    %dma_wait3A_456 = arith.constant 0 : i32
    %dma_wait3A_457 = tpu.memref_slice %arg5[%select_n3A, %add3A_390, %dma_wait3A_456] : memref<4x2048x128xf32, #tpu.memory_space<hbm>> -> memref<1x32x128xf32, #tpu.memory_space<hbm>>
    %dma_wait3A_458 = tpu.memref_squeeze %dma_wait3A_457 : memref<1x32x128xf32, #tpu.memory_space<hbm>> -> memref<32x128xf32, #tpu.memory_space<hbm>>
    %dma_wait3A_459 = arith.constant 0 : i32
    %dma_wait3A_460 = tpu.memref_slice %arg5[%select_n3A, %add3A_390, %dma_wait3A_459] : memref<4x2048x128xf32, #tpu.memory_space<hbm>> -> memref<1x32x128xf32, #tpu.memory_space<hbm>>
    %dma_wait3A_461 = tpu.memref_squeeze %dma_wait3A_460 : memref<1x32x128xf32, #tpu.memory_space<hbm>> -> memref<32x128xf32, #tpu.memory_space<hbm>>
    %dma_wait3A_462 = arith.constant 32 : i32
    %dma_wait3A_463 = arith.constant 0 : i32
    %dma_wait3A_464 = tpu.memref_slice %arg7[%dma_wait3A_451, %dma_wait3A_462, %dma_wait3A_463] : memref<3x64x128xf32, #tpu.memory_space<vmem>> -> memref<1x32x128xf32, #tpu.memory_space<vmem>>
    %dma_wait3A_465 = tpu.memref_squeeze %dma_wait3A_464 : memref<1x32x128xf32, #tpu.memory_space<vmem>> -> memref<32x128xf32, #tpu.memory_space<vmem>>
    tpu.wait_dma2 semaphore(%arg10 : memref<!tpu.dma_semaphore, #tpu.memory_space<semaphore_mem>>) src(%dma_wait3A_465 : memref<32x128xf32, #tpu.memory_space<vmem>>) dst(%dma_wait3A_461 : memref<32x128xf32, #tpu.memory_space<hbm>>)
    return
  }
}

</mosaic_0001>

<sc_bundles>
// kernel: kernel.3.cloned.1.call-start
scs
__scs_entry_jumppad:
0x0: {  	(pc) =	sbr.rel $0x88, $3  }
0x1: {  	(tag) =	ssettag $0x0;
	lr =	simm.s32 $0x1  }
0x2: {  	[smem:$0x3F9E] =	sst lr;
	_ =	strace $0xD0000000  }
0x3: {  	_ = 	snop  }
0x4: {  	_ = 	snop  }
0x5: {  	_ = 	snop  }
0x6: {  	_ = 	snop  }
0x7: {  	_ = 	snop  }
__scs_overlays_trampoline_lowered:
0x8: {  	[smem:$0x3FAD] =	sst s0  }
0x9: {  	[smem:$0x3FAE] =	sst s1  }
0xa: {  	[smem:$0x3FAF] =	sst s2  }
0xb: {  	[smem:$0x3FB0] =	sst s3  }
0xc: {  	[smem:$0x3FB1] =	sst s4  }
0xd: {  	[smem:$0x3FB2] =	sst s5  }
0xe: {  	[smem:$0x3FB3] =	sst s6  }
0xf: {  	[smem:$0x3FB4] =	sst s7  }
0x10: {  	[smem:$0x3FB5] =	sst s8  }
0x11: {  	[smem:$0x3FB6] =	sst s9;
	s0 =	simm.s32 @!p0 $0x0  }
0x12: {  	s1 =	sld [smem:$0x3F9C];
	s0 =	simm.s32 @p0 $0x1  }
0x13: {  	[smem:$0x3FB7] =	sst s0;
	s0 =	simm.s32 @!p1 $0x0  }
0x14: {  	s2 =	sld [smem:$0x3F9B];
	s0 =	simm.s32 @p1 $0x1  }
0x15: {  	[smem:$0x3FB8] =	sst s0;
	s0 =	simm.s32 @!p2 $0x0  }
0x16: {  	s3 =	sld [smem:$0x3FDB];
	s0 =	simm.s32 @p2 $0x1  }
0x17: {  	s4 =	simm.s32 $0x1BF5;
	[smem:$0x3FBA] =	sst s0  }
0x18: {  	s0 =	sld [smem:$0x3F9D];
	_ =	swait.ge [sflag:s4], $0x0  }
0x19: {  	s7 =	sld [smem:$0x3F9E]  }
0x1a: {  	s8 =	sadd.s32 $0xFFFFE003, lr  }
0x1b: {  	s9 =	sadd.s32 $0xFFFFFEF7, lr;
	s5 =	simm.s32 $0xFFFFFFFF;
	p2 =	slt.u32 s8, $0xFFFFF086  }
0x1c: {  	p1 =	slt.u32 s9, $0xF7A;
	s5 =	simm.s32 @!p2 $0x0  }
0x1d: {  	s5 =	simm.s32 @p1 $0x1;
	p0 =	seq.s32 s7, s2  }
0x1e: {  	s7 =	smul.u32 @!p0 $0xF7A, s2;
	p2 =	seq.s32 @!p0 s5, $0x0  }
0x1f: {  	s9 =	smul.u32 $0xF7A, s1;
	s8 =	simm.s32 @!p0 $0x1BF5;
	p2 =	por !p2, p0  }
0x20: {  	[sflag:s8] =	ssyncset.s32 @!p0 $0xFFFFF086;
	s6 =	sadd.s32 @!p0 s3, s7;
	s7 =	simm.s32 @!p0 $0x108  }
0x21: {  	s3 =	sadd.s32 s3, s9;
	s6 =	sadd.s32 @!p0 $0x88, s6;
	s7 =	simm.s32 @p2 $0x1082  }
0x22: {  	[simem:s7], [sflag:s8] =	dma.local @!p0 [hbm:s6], $0xF7A  }
0x23: {  	s9 =	sor.u32 $0xD0000000, s2;
	s6 =	simm.s32 $0x108;
	_ =	swait.ge @!p0 [sflag:s8], $0x0  }
0x24: {  	s3 =	sadd.s32 $0x88, s3;
	s6 =	simm.s32 @!p1 $0x1082;
	[sflag:s4] =	ssyncset.s32 $0xFFFFF086  }
0x25: {  	[simem:s6], [sflag:s4] =	dma.local [hbm:s3], $0xF7A  }
0x26: {  	[smem:$0x3F9E] =	sst s1;
	(tag) =	ssettag s2;
	_ =	strace s9  }
0x27: {  	s1 =	sld [smem:$0x3FAE]  }
0x28: {  	s2 =	sld [smem:$0x3FAF]  }
0x29: {  	s4 =	sld [smem:$0x3FB1]  }
0x2a: {  	p0 =	seq.s32 s5, $0x0;
	s5 =	sld [smem:$0x3FB2]  }
0x2b: {  	s6 =	sld [smem:$0x3FB3]  }
0x2c: {  	s7 =	sld [smem:$0x3FB4]  }
0x2d: {  	s3 =	simm.s32 $0x108;
	s8 =	sld [smem:$0x3FB5]  }
0x2e: {  	s3 =	simm.s32 @!p0 $0x1082;
	s9 =	sld [smem:$0x3FB6]  }
0x2f: {  	lr =	sadd.s32 s0, s3;
	s0 =	sld [smem:$0x3FAD]  }
0x30: {  	s3 =	sld [smem:$0x3FB0]  }
0x31: {  	[smem:$0x3FB9] =	sst s10  }
0x32: {  	s10 =	sld [smem:$0x3FB7];
	_ =	sdelay $0x3  }
0x33: {  	p0 =	seq.s32 s10, $0x1;
	s10 =	sld [smem:$0x3FB9];
	_ =	sdelay $0x3  }
0x34: {  	[smem:$0x3FB9] =	sst s10  }
0x35: {  	s10 =	sld [smem:$0x3FB8];
	_ =	sdelay $0x3  }
0x36: {  	p1 =	seq.s32 s10, $0x1;
	s10 =	sld [smem:$0x3FB9];
	_ =	sdelay $0x3  }
0x37: {  	[smem:$0x3FB9] =	sst s10  }
0x38: {  	s10 =	sld [smem:$0x3FBA]  }
0x39: {  	_ = 	snop;
	(pc) =	sbr.ind lr, $3  }
0x3a: {  	_ = 	snop  }
0x3b: {  	_ = 	snop  }
0x3c: {  	p2 =	seq.s32 s10, $0x1;
	s10 =	sld [smem:$0x3FB9]  }
0x3d: {  	_ =	shalt  }
0x3e: {  	_ =	shalt  }
0x3f: {  	_ =	shalt  }
0x40: {  	_ =	shalt  }
0x41: {  	_ =	shalt  }
0x42: {  	_ =	shalt  }
0x43: {  	_ =	shalt  }
0x44: {  	_ =	shalt  }
0x45: {  	_ =	shalt  }
0x46: {  	_ =	shalt  }
0x47: {  	_ =	shalt  }
0x48: {  	_ =	shalt  }
0x49: {  	_ =	shalt  }
0x4a: {  	_ =	shalt  }
0x4b: {  	_ =	shalt  }
0x4c: {  	_ =	shalt  }
0x4d: {  	_ =	shalt  }
0x4e: {  	_ =	shalt  }
0x4f: {  	_ =	shalt  }
0x50: {  	_ =	shalt  }
0x51: {  	_ =	shalt  }
0x52: {  	_ =	shalt  }
0x53: {  	_ =	shalt  }
0x54: {  	_ =	shalt  }
0x55: {  	_ =	shalt  }
0x56: {  	_ =	shalt  }
0x57: {  	_ =	shalt  }
0x58: {  	_ =	shalt  }
0x59: {  	_ =	shalt  }
0x5a: {  	_ =	shalt  }
0x5b: {  	_ =	shalt  }
0x5c: {  	_ =	shalt  }
0x5d: {  	_ =	shalt  }
0x5e: {  	_ =	shalt  }
0x5f: {  	_ =	shalt  }
0x60: {  	_ =	shalt  }
0x61: {  	_ =	shalt  }
0x62: {  	_ =	shalt  }
0x63: {  	_ =	shalt  }
0x64: {  	_ =	shalt  }
0x65: {  	_ =	shalt  }
0x66: {  	_ =	shalt  }
0x67: {  	_ =	shalt  }
0x68: {  	_ =	shalt  }
0x69: {  	_ =	shalt  }
0x6a: {  	_ =	shalt  }
0x6b: {  	_ =	shalt  }
0x6c: {  	_ =	shalt  }
0x6d: {  	_ =	shalt  }
0x6e: {  	_ =	shalt  }
0x6f: {  	_ =	shalt  }
0x70: {  	_ =	shalt  }
0x71: {  	_ =	shalt  }
0x72: {  	_ =	shalt  }
0x73: {  	_ =	shalt  }
0x74: {  	_ =	shalt  }
0x75: {  	_ =	shalt  }
0x76: {  	_ =	shalt  }
0x77: {  	_ =	shalt  }
0x78: {  	_ =	shalt  }
0x79: {  	_ =	shalt  }
0x7a: {  	_ =	shalt  }
0x7b: {  	_ =	shalt  }
0x7c: {  	_ =	shalt  }
0x7d: {  	_ =	shalt  }
0x7e: {  	_ =	shalt  }
0x7f: {  	_ =	shalt  }
0x80: {  	_ =	shalt  }
0x81: {  	_ =	shalt  }
0x82: {  	_ =	shalt  }
0x83: {  	_ =	shalt  }
0x84: {  	_ =	shalt  }
0x85: {  	_ =	shalt  }
0x86: {  	_ =	shalt  }
0x87: {  	_ =	shalt  }
.Lfunc_end0:
.L_simem_size_0:
called_computation_lowered:
.L_overlay_start_0:
0x88: {  	s2 =	sld [smem:$0x3FD9]  }
0x89: {  	s3 =	sld [smem:$0x3FFE];
	_ =	sdelay $0x1  }
0x8a: {  	s1 =	srdreg.scid  }
0x8b: {  	s0 =	sand.u32 $0x1, s1  }
0x8c: {  	s18 =	sshll.u32 s0, $0xA;
	s2 =	sadd.s32 s3, s2  }
0x8d: {  	s2 =	sadd.s32 s2, s18  }
0x8e: {  	[smem:$0x3FC5] =	sst s2  }
0x8f: {  	_ = 	snop  }
0x90: {  	s2 =	sld [smem:$0x3FC9]  }
0x91: {  	s19 =	sld [smem:$0x3FC8]  }
0x92: {  	s4 =	sld [smem:$0x3FC7]  }
0x93: {  	s5 =	sld [smem:$0x3FD0];
	(tm) =	ssettm $0x1  }
0x94: {  	s6 =	sld [smem:$0x3FFB];
	_ =	sdelay $0x3  }
0x95: {  	_ =	strace s6  }
0x96: {  	s6 =	sld [smem:$0x3FFC];
	_ =	sdelay $0x3  }
0x97: {  	_ =	strace s6  }
0x98: {  	s6 =	sld [smem:$0x3FFD];
	_ =	sdelay $0x3  }
0x99: {  	_ =	strace s6  }
0x9a: {  	_ =	strace $0x8FFFFFFF  }
0x9b: {  	s20 =	sld [smem:$0x3FDB];
	_ =	sdelay $0x1  }
0x9c: {  	s7 =	simm.s32 $_scs_section_size  }
0x9d: {  	s8 =	simm.s32 $_size__tile_overlayer_lowered;
	s9 =	simm.s32 $_tile_overlayer_lowered  }
0x9e: {  	s23 =	simm.s32 $0x1BFF;
	s22 =	sshll.u32 s9, $0x1;
	s6 =	sadd.s32 s7, s20  }
0x9f: {  	s10 =	simm.s32 $0x0;
	s21 =	sshll.u32 s8, $0x1;
	s8 =	sadd.s32 s22, s6  }
0xa0: {  	[timem:s10], [sflag:s23] =	dma.local [hbm:s8], s21  }
0xa1: {  	_ =	swait.ge [sflag:s23], s21  }
0xa2: {  	s7 =	ssub.s32 $0x0, s21;
	[sflag:s23] =	ssyncset.done $0x0  }
0xa3: {  	[sflag:s23] =	ssyncadd.s32 s7;
	_ =	sdelay $0x1  }
0xa4: {  	s24 =	simm.s32 $0x1B8B  }
0xa5: {  	_ =	swait.ge [sflag:s24], $0x1  }
0xa6: {  	[sflag:s24] =	ssyncset.done $0x0  }
0xa7: {  	s25 =	simm.s32 $0x1B8E;
	[sflag:s24] =	ssyncadd.s32 $0xFFFFFFFF  }
0xa8: {  	s26 =	simm.s32 $execute0_lowered;
	[smem:$0x3FD2] =	sst s25  }
0xa9: {  	s7 =	sshll.u32 s26, $0x1;
	_ =	strace $0x80000046;
	[dreg:$0x1] =	wrdreg $0xFFFFFFFF  }
0xaa: {  	s28 =	simm.s32 $_size_execute0_lowered;
	s6 =	sadd.s32 s6, s7;
	[dreg:$0x0] =	wrdreg $0x0  }
0xab: {  	s7 =	sshll.u32 s28, $0x1;
	[dreg:$0x2] =	wrdreg s6  }
0xac: {  	[dreg:$0x3] =	wrdreg s7  }
0xad: {  	[dreg:$0x4] =	wrdreg $0xC0  }
0xae: {  	_ =	task [dreg:s10], $0x5FFFF  }
0xaf: {  	[dreg:$0x1] =	wrdreg $0xFFFFFFFF  }
0xb0: {  	[dreg:$0x0] =	wrdreg $0x60  }
0xb1: {  	[dreg:$0x2] =	wrdreg s2  }
0xb2: {  	[dreg:$0x3] =	wrdreg s19  }
0xb3: {  	[dreg:$0x4] =	wrdreg s4  }
0xb4: {  	[dreg:$0x5] =	wrdreg s5  }
0xb5: {  	[dreg:$0x6] =	wrdreg $0xC1000  }
0xb6: {  	[dreg:$0x7] =	wrdreg $0x9  }
0xb7: {  	_ =	task.clear_ibuf [dreg:s10], $0x8FFFF;
	_ =	strace $0x90000046  }
0xb8: {  	s29 =	simm.s32 $0x9;
	_ =	strace $0x80000048  }
0xb9: {  	_ =	swait.ge [sflag:s29], $0x1  }
0xba: {  	[sflag:s29] =	ssyncadd.s32 $0xFFFFFFFF  }
0xbb: {  	_ =	strace $0x90000048  }
0xbc: {  	_ =	sfence  }
0xbd: {  	s30 =	sld [smem:$0x0];
	_ =	sdelay $0x2  }
0xbe: {  	s31 =	sshll.u32 s1, $0xD;
	s1 =	sshrl.u32 s1, $0x2  }
0xbf: {  	s3 =	sand.u32 $0x4000, s31;
	s1 =	sadd.s32 s1, s30  }
0xc0: {  	s0 =	sor.u32 s3, s0;
	s1 =	sshll.u32 s1, $0x11  }
0xc1: {  	s0 =	sor.u32 s1, s0  }
0xc2: {  	s0 =	sadd.s32 $0x8F2B, s0  }
0xc3: {  	[sflag:s0] =	ssyncadd.remote.s32 $0x1  }
0xc4: {  	_ =	sfence.sel $0xFFFF  }
0xc5: {  	[dreg:$0x0] =	wrdreg $0xFFFFFFFF;
	(pc) =	sbr.abs _section_cstart, $3  }
0xc6: {  	[dreg:$0x1] =	wrdreg $0xFFFFFFFF  }
0xc7: {  	_ =	task.clear_ibuf [dreg:s10], $0x2FFFF;
	_ =	strace $0x9FFFFFFF  }
0xc8: {  	(tm) =	ssettm $0x7FFFFFFF  }
0xc9: {  	_ =	shalt  }
tec
execute0_lowered:
.L_overlay_start_1:
0x0: {  	(tag) =	ssettag $0x1  }
0x1: {  	s0 =	rddreg [dreg:$0x0]  }
0x2: {  	s1 =	rddreg [dreg:$0x1]  }
0x3: {  	s2 =	rddreg [dreg:$0x2]  }
0x4: {  	s4 =	rddreg [dreg:$0x3]  }
0x5: {  	s5 =	rddreg [dreg:$0x4];
	s3 =	simm.s32 $0x0;
	s6 =	srdreg.scid  }
0x6: {  	s12 =	stileid.u32;
	s28 =	simm.s32 $0x3;
	s29 =	simm.s32 $0x6  }
0x7: {  	s30 =	simm.s32 $0x4100;
	s31 =	simm.s32 $0x5;
	[smem:$0x7FF] =	sst s3  }
0x8: {  	s6 =	sand.u32 $0x1, s6;
	s7 =	sshll.u32 s12, $0x1;
	s9 =	sshrl.u32 s12, $0x2  }
0x9: {  	s17 =	sshll.u32 s12, $0xB;
	s18 =	sand.u32 $0x3, s12;
	s19 =	sshll.u32 s12, $0xD  }
0xa: {  	s22 =	sshll.u32 s12, $0x6;
	_ =	strace $0x80000047;
	s8 =	ssub.s32 $0x2, s6  }
0xb: {  	s7 =	sand.u32 $0x6, s7;
	s11 =	sshll.u32 s9, $0x4;
	s20 =	sshll.u32 s18, $0xA  }
0xc: {  	s21 =	sadd.s32 s19, s5;
	s23 =	sshll.u32 s18, $0xF;
	s24 =	sshll.u32 s9, $0xF  }
0xd: {  	s18 =	simm.s32 $0x9;
	s10 =	sshrl.u32 s8, $0x1;
	s7 =	sor.u32 s6, s7  }
0xe: {  	s0 =	sadd.s32 s0, s11;
	s6 =	sshll.u32 s6, $0xC;
	s19 =	sshrl.u32 s21, $0x3  }
0xf: {  	s21 =	simm.s32 $0x40;
	s16 =	ssub.s32 s8, s10;
	s15 =	sshll.u32 s7, $0x7  }
0x10: {  	s2 =	sadd.s32 s2, s6;
	s25 =	sshll.u32 s7, $0xC;
	s7 =	sadd.s32 s23, s5  }
0x11: {  	s5 =	simm.s32 $0x0;
	s0 =	sadd.s32 s15, s0;
	s26 =	sor.u32 s24, s25  }
0x12: {  	s8 =	sadd.s32 $0x2000, s7;
	s9 =	sadd.s32 $0x4000, s7;
	s11 =	sadd.s32 $0x6000, s7  }
0x13: {  	s16 =	smax.u32 s16, $0x1;
	s24 =	simm.s32 $0x2;
	[dreg:$0x6] =	wrdreg s0  }
0x14: {  	s0 =	sand.u32 $0x6000, s17;
	s10 =	sadd.s32 s4, s26;
	s26 =	simm.s32 $0x8  }
0x15: {  	s4 =	simm.s32 $0xA;
	s17 =	simm.s32 $0xB;
	s0 =	sadd.s32 s0, s2  }
0x16: {  	s12 =	sadd.s32 $0x400, s10;
	s13 =	sadd.s32 $0x800, s10;
	s14 =	sadd.s32 $0xC00, s10  }
0x17: {  	s15 =	sadd.s32 $0xE00, s10;
	s2 =	simm.s32 $0x7;
	s0 =	sadd.s32 s20, s0  }
0x18: {  	s20 =	simm.s32 $0x1;
	[dreg:$0x7] =	wrdreg s0;
	s0 =	sor.u32 $0x1C02, s22  }
0x19: {  	s22 =	simm.s32 $0x100;
	[dreg:$0x8] =	wrdreg s0;
	s0 =	simm.s32 $0x4  }
.LBB2_1:
0x1a: {  	s6 =	rddreg [dreg:$0x6];
	s25 =	simm.s32 $0x80;
	s23 =	simm.s32 $0x200  }
0x1b: {  	[tilespmem:s3], [sflag:$0x1] =	stream.strided.gather [hbm4b:s6+s25], $0x100, s23, s25, $0x38;
	[tilespmem:$0xE100] =	vst v63  }
0x1c: {  	s6 =	rddreg [dreg:$0x7]  }
0x1d: {  	s23 =	rddreg [dreg:$0x8]  }
0x1e: {  	[spmem:s19], [sflag:s23] =	dma.local [hbm:s6], $0x400  }
0x1f: {  	_ =	swait.ge [sflag:s20], $0x100  }
0x20: {  	[sflag:s20] =	ssyncset.done $0x0  }
0x21: {  	[sflag:s20] =	ssyncadd.s32 $0xFFFFFF00  }
0x22: {  	[tilespmem:s22], [sflag:$0x3] =	stream.indirect.gather [hbm4b:s1+s21], $0x80, s3, s21, $0xb8;
	[tilespmem:$0xE100] =	vst v63  }
0x23: {  	s23 =	simm.s32 $0x2100  }
0x24: {  	[tilespmem:s23], [sflag:$0x4] =	stream.indirect.gather [hbm4b:s1+s21], $0x80, s21, s21, $0xb8;
	[tilespmem:$0xE100] =	vst v63  }
0x25: {  	_ =	swait.ge [sflag:s24], $0x400  }
0x26: {  	[sflag:s24] =	ssyncset.done $0x0  }
0x27: {  	[sflag:s24] =	ssyncadd.s32 $0xFFFFFC00  }
0x28: {  	s23 =	simm.s32 $0x6100;
	[bflag:$0x0] =	sbarrier.arrive $0xFFFF  }
0x29: {  	[tilespmem:s23], [sflag:$0x6] =	stream.linear.gather [spmem:s7], $0x2000, $0x38;
	[tilespmem:$0xE100] =	vst v63  }
0x2a: {  	s23 =	simm.s32 $0x8100  }
0x2b: {  	[tilespmem:s23], [sflag:$0x7] =	stream.linear.gather [spmem:s8], $0x2000, $0x38;
	[tilespmem:$0xE100] =	vst v63  }
0x2c: {  	_ =	swait.ge [sflag:s28], $0x2000  }
0x2d: {  	[sflag:s28] =	ssyncset.done $0x0  }
0x2e: {  	[sflag:s28] =	ssyncadd.s32 $0xFFFFE000  }
0x2f: {  	_ =	swait.ge [sflag:s29], $0x2000  }
0x30: {  	[sflag:s29] =	ssyncset.done $0x0  }
0x31: {  	[sflag:s29] =	ssyncadd.s32 $0xFFFFE000  }
0x32: {  	[tilespmem:s30], [sflag:$0x5] =	stream.indirect.gather [hbm4b:s1+s21], $0x80, s25, s21, $0xb8;
	[tilespmem:$0xE100] =	vst v63  }
0x33: {  	s6 =	simm.s32 $0x0;
	s25 =	simm.s32 $0xA100  }
0x34: {  	[tilespmem:s25], [sflag:$0x8] =	stream.linear.gather [spmem:s9], $0x2000, $0x38;
	[tilespmem:$0xE100] =	vst v63  }
0x35: {  	v6 =	vld [tilespmem:s6+$0x6100]  }
0x36: {  	v7 =	vld [tilespmem:s6+$0x6110]  }
0x37: {  	v8 =	vld [tilespmem:s6+$0x6120]  }
0x38: {  	v9 =	vld [tilespmem:s6+$0x6130]  }
0x39: {  	v10 =	vld [tilespmem:s6+$0x6140]  }
0x3a: {  	v11 =	vld [tilespmem:s6+$0x6150]  }
0x3b: {  	v12 =	vld [tilespmem:s6+$0x6160]  }
0x3c: {  	v14 =	vld [tilespmem:s6+$0x6170]  }
0x3d: {  	v5 =	vld [tilespmem:s6+$0x6180]  }
0x3e: {  	v4 =	vld [tilespmem:s6+$0x6190]  }
0x3f: {  	v3 =	vld [tilespmem:s6+$0x61A0]  }
0x40: {  	v2 =	vld [tilespmem:s6+$0x61B0]  }
0x41: {  	v1 =	vld [tilespmem:s6+$0x61C0]  }
0x42: {  	v15 =	vld [tilespmem:s6+$0x110]  }
0x43: {  	v13 =	vld [tilespmem:s6+$0x100]  }
0x44: {  	v16 =	vld [tilespmem:s6+$0x120]  }
0x45: {  	v0 =	vld [tilespmem:s6+$0x61D0]  }
0x46: {  	v18 =	vld [tilespmem:s6+$0x140]  }
0x47: {  	v17 =	vld [tilespmem:s6+$0x130];
	v15 =	vmul.f32 $1.131370830e+01, v15  }
0x48: {  	v19 =	vld [tilespmem:s6+$0x150];
	v13 =	vmul.f32 $1.131370830e+01, v13  }
0x49: {  	v20 =	vld [tilespmem:s6+$0x160];
	v7 =	vadd.f32 v7, v15;
	v15 =	vmul.f32 $1.131370830e+01, v16  }
0x4a: {  	v6 =	vadd.f32 v6, v13;
	v13 =	vld [tilespmem:s6+$0x170]  }
0x4b: {  	v21 =	vld [tilespmem:s6+$0x180];
	v8 =	vadd.f32 v8, v15;
	v15 =	vmul.f32 $1.131370830e+01, v18  }
0x4c: {  	v62 =	vld [tilespmem:s6+$0x190];
	v17 =	vmul.f32 $1.131370830e+01, v17;
	[tilespmem:s6+$0x100] =	vst v6  }
0x4d: {  	v63 =	vmul.f32 $1.131370830e+01, v19;
	[tilespmem:s6+$0x110] =	vst v7;
	v6 =	vld [tilespmem:s6+$0x1A0];
	v10 =	vadd.f32 v10, v15  }
0x4e: {  	v9 =	vadd.f32 v9, v17;
	v7 =	vld [tilespmem:s6+$0x1B0];
	[tilespmem:s6+$0x120] =	vst v8;
	v15 =	vmul.f32 $1.131370830e+01, v20  }
0x4f: {  	v11 =	vadd.f32 v11, v63;
	v8 =	vld [tilespmem:s6+$0x1C0];
	[tilespmem:s6+$0x140] =	vst v10;
	v10 =	vmul.f32 $1.131370830e+01, v13  }
0x50: {  	[tilespmem:s6+$0x130] =	vst v9;
	v9 =	vld [tilespmem:s6+$0x1D0];
	v12 =	vadd.f32 v12, v15;
	v13 =	vmul.f32 $1.131370830e+01, v21  }
0x51: {  	s23 =	simm.s32 $0x400;
	[tilespmem:s6+$0x150] =	vst v11;
	v11 =	vmul.f32 $1.131370830e+01, v62;
	v14 =	vadd.f32 v14, v10;
	v10 =	vld [tilespmem:s6+$0x1E0]  }
.LBB2_2:
0x52: {  	p0 =	sne.s32 s23, $0x7C00;
	[tilespmem:s6+$0x160] =	vst v12;
	v5 =	vadd.f32 v5, v13;
	v6 =	vmul.f32 $1.131370830e+01, v6;
	v12 =	vld [tilespmem:s6+$0x1F0]  }
0x53: {  	[tilespmem:s6+$0x170] =	vst v14;
	v4 =	vadd.f32 v4, v11;
	v7 =	vmul.f32 $1.131370830e+01, v7;
	v11 =	vld [tilespmem:s6+$0x61E0]  }
0x54: {  	s25 =	sshra.s32 s23, $0x2;
	[tilespmem:s6+$0x180] =	vst v5;
	v3 =	vadd.f32 v3, v6;
	v5 =	vmul.f32 $1.131370830e+01, v8;
	v6 =	vld [tilespmem:s6+$0x61F0]  }
0x55: {  	v8 =	vld [tilespmem:s25+$0x6100];
	[tilespmem:s6+$0x190] =	vst v4;
	v2 =	vadd.f32 v2, v7;
	v4 =	vmul.f32 $1.131370830e+01, v9  }
0x56: {  	v7 =	vld [tilespmem:s25+$0x6110];
	[tilespmem:s6+$0x1A0] =	vst v3;
	v1 =	vadd.f32 v1, v5;
	v3 =	vmul.f32 $1.131370830e+01, v10  }
0x57: {  	v9 =	vld [tilespmem:s25+$0x6120];
	[tilespmem:s6+$0x1B0] =	vst v2;
	v0 =	vadd.f32 v0, v4;
	v2 =	vmul.f32 $1.131370830e+01, v12  }
0x58: {  	v10 =	vld [tilespmem:s25+$0x6130];
	[tilespmem:s6+$0x1C0] =	vst v1;
	v1 =	vadd.f32 v11, v3  }
0x59: {  	v11 =	vld [tilespmem:s25+$0x6140];
	[tilespmem:s6+$0x1D0] =	vst v0;
	v0 =	vadd.f32 v6, v2  }
0x5a: {  	v12 =	vld [tilespmem:s25+$0x6150];
	[tilespmem:s6+$0x1E0] =	vst v1  }
0x5b: {  	v13 =	vld [tilespmem:s25+$0x6160];
	[tilespmem:s6+$0x1F0] =	vst v0;
	s6 =	smov.u32 s25  }
0x5c: {  	v14 =	vld [tilespmem:s6+$0x6170]  }
0x5d: {  	v5 =	vld [tilespmem:s6+$0x6180]  }
0x5e: {  	v4 =	vld [tilespmem:s6+$0x6190]  }
0x5f: {  	v3 =	vld [tilespmem:s6+$0x61A0]  }
0x60: {  	v2 =	vld [tilespmem:s6+$0x61B0]  }
0x61: {  	v1 =	vld [tilespmem:s6+$0x61C0]  }
0x62: {  	v0 =	vld [tilespmem:s6+$0x61D0]  }
0x63: {  	v6 =	vld [tilespmem:s6+$0x100]  }
0x64: {  	v15 =	vld [tilespmem:s6+$0x110]  }
0x65: {  	v16 =	vld [tilespmem:s6+$0x120]  }
0x66: {  	v17 =	vld [tilespmem:s6+$0x130]  }
0x67: {  	v18 =	vld [tilespmem:s6+$0x140]  }
0x68: {  	v6 =	vmul.f32 $1.131370830e+01, v6;
	v19 =	vld [tilespmem:s6+$0x150]  }
0x69: {  	v15 =	vmul.f32 $1.131370830e+01, v15;
	v20 =	vld [tilespmem:s6+$0x160]  }
0x6a: {  	v6 =	vadd.f32 v8, v6;
	v8 =	vmul.f32 $1.131370830e+01, v16;
	v16 =	vld [tilespmem:s6+$0x170]  }
0x6b: {  	v7 =	vadd.f32 v7, v15;
	v15 =	vmul.f32 $1.131370830e+01, v17;
	v17 =	vld [tilespmem:s6+$0x180]  }
0x6c: {  	[tilespmem:s6+$0x100] =	vst v6;
	v8 =	vadd.f32 v9, v8;
	v9 =	vmul.f32 $1.131370830e+01, v18;
	v18 =	vld [tilespmem:s6+$0x190]  }
.Ltmp0:
0x6d: {  	[tilespmem:s6+$0x110] =	vst v7;
	v10 =	vadd.f32 v10, v15;
	v15 =	vmul.f32 $1.131370830e+01, v19;
	v6 =	vld [tilespmem:s6+$0x1A0];
	(pc) =	sbr.rel @p0 .LBB2_2-.Ltmp0, $4  }
0x6e: {  	[tilespmem:s6+$0x120] =	vst v8;
	v9 =	vadd.f32 v11, v9;
	v11 =	vmul.f32 $1.131370830e+01, v20;
	v7 =	vld [tilespmem:s6+$0x1B0]  }
0x6f: {  	[tilespmem:s6+$0x130] =	vst v10;
	v10 =	vadd.f32 v12, v15;
	v15 =	vmul.f32 $1.131370830e+01, v16;
	v8 =	vld [tilespmem:s6+$0x1C0]  }
0x70: {  	[tilespmem:s6+$0x140] =	vst v9;
	v12 =	vadd.f32 v13, v11;
	v13 =	vmul.f32 $1.131370830e+01, v17;
	v9 =	vld [tilespmem:s6+$0x1D0]  }
0x71: {  	s23 =	sadd.s32 $0x400, s23;
	[tilespmem:s6+$0x150] =	vst v10;
	v14 =	vadd.f32 v14, v15;
	v11 =	vmul.f32 $1.131370830e+01, v18;
	v10 =	vld [tilespmem:s6+$0x1E0]  }
0x72: {  	[tilespmem:s6+$0x160] =	vst v12;
	v12 =	vld [tilespmem:s6+$0x1F0];
	v5 =	vadd.f32 v5, v13;
	v6 =	vmul.f32 $1.131370830e+01, v6  }
0x73: {  	v13 =	vld [tilespmem:s6+$0x61E0];
	[tilespmem:s6+$0x170] =	vst v14;
	v4 =	vadd.f32 v4, v11;
	v7 =	vmul.f32 $1.131370830e+01, v7  }
0x74: {  	[tilespmem:s6+$0x180] =	vst v5;
	v3 =	vadd.f32 v3, v6;
	v5 =	vmul.f32 $1.131370830e+01, v8;
	v6 =	vld [tilespmem:s6+$0x61F0]  }
0x75: {  	[tilespmem:s6+$0x190] =	vst v4;
	v2 =	vadd.f32 v2, v7;
	v4 =	vmul.f32 $1.131370830e+01, v9  }
0x76: {  	[tilespmem:s6+$0x1A0] =	vst v3;
	v1 =	vadd.f32 v1, v5;
	v3 =	vmul.f32 $1.131370830e+01, v10  }
0x77: {  	[tilespmem:s6+$0x1B0] =	vst v2;
	v0 =	vadd.f32 v0, v4;
	v2 =	vmul.f32 $1.131370830e+01, v12  }
0x78: {  	[tilespmem:s6+$0x1C0] =	vst v1;
	v1 =	vadd.f32 v13, v3  }
0x79: {  	[tilespmem:s6+$0x1D0] =	vst v0;
	v0 =	vadd.f32 v6, v2  }
0x7a: {  	[tilespmem:s6+$0x1E0] =	vst v1  }
0x7b: {  	s25 =	simm.s32 $0x0;
	[tilespmem:s6+$0x1F0] =	vst v0  }
0x7c: {  	[hbm4b:s10+s25] =	stream.linear.scatter [tilespmem:s22], [sflag:$0x9], $0x2000, $0x38;
	[tilespmem:$0xE100] =	vst v63  }
0x7d: {  	_ =	swait.ge [sflag:s0], $0x2000  }
0x7e: {  	[sflag:s0] =	ssyncset.done $0x0  }
0x7f: {  	[sflag:s0] =	ssyncadd.s32 $0xFFFFE000  }
0x80: {  	_ =	swait.ge [sflag:s2], $0x2000  }
0x81: {  	[sflag:s2] =	ssyncset.done $0x0  }
0x82: {  	[sflag:s2] =	ssyncadd.s32 $0xFFFFE000  }
0x83: {  	_ =	swait.ge [sflag:s18], $0x2000  }
0x84: {  	[sflag:s18] =	ssyncset.done $0x0  }
0x85: {  	s23 =	simm.s32 $0xC0;
	[sflag:s18] =	ssyncadd.s32 $0xFFFFE000  }
0x86: {  	[tilespmem:s22], [sflag:$0x3] =	stream.indirect.gather [hbm4b:s1+s21], $0x80, s23, s21, $0xb8;
	[tilespmem:$0xE100] =	vst v63  }
0x87: {  	s6 =	simm.s32 $0x0;
	s25 =	simm.s32 $0x6100  }
0x88: {  	[tilespmem:s25], [sflag:$0x6] =	stream.linear.gather [spmem:s11], $0x2000, $0x38;
	[tilespmem:$0xE100] =	vst v63  }
0x89: {  	v6 =	vld [tilespmem:s6+$0x8100]  }
0x8a: {  	v7 =	vld [tilespmem:s6+$0x8110]  }
0x8b: {  	v8 =	vld [tilespmem:s6+$0x8120]  }
0x8c: {  	v9 =	vld [tilespmem:s6+$0x8130]  }
0x8d: {  	v10 =	vld [tilespmem:s6+$0x8140]  }
0x8e: {  	v11 =	vld [tilespmem:s6+$0x8150]  }
0x8f: {  	v12 =	vld [tilespmem:s6+$0x8160]  }
0x90: {  	v14 =	vld [tilespmem:s6+$0x8170]  }
0x91: {  	v5 =	vld [tilespmem:s6+$0x8180]  }
0x92: {  	v4 =	vld [tilespmem:s6+$0x8190]  }
0x93: {  	v3 =	vld [tilespmem:s6+$0x81A0]  }
0x94: {  	v2 =	vld [tilespmem:s6+$0x81B0]  }
0x95: {  	v1 =	vld [tilespmem:s6+$0x81C0]  }
0x96: {  	v15 =	vld [tilespmem:s6+$0x2110]  }
0x97: {  	v13 =	vld [tilespmem:s6+$0x2100]  }
0x98: {  	v16 =	vld [tilespmem:s6+$0x2120]  }
0x99: {  	v0 =	vld [tilespmem:s6+$0x81D0]  }
0x9a: {  	v18 =	vld [tilespmem:s6+$0x2140]  }
0x9b: {  	v17 =	vld [tilespmem:s6+$0x2130];
	v15 =	vmul.f32 $1.131370830e+01, v15  }
0x9c: {  	v19 =	vld [tilespmem:s6+$0x2150];
	v13 =	vmul.f32 $1.131370830e+01, v13  }
0x9d: {  	v20 =	vld [tilespmem:s6+$0x2160];
	v7 =	vadd.f32 v7, v15;
	v15 =	vmul.f32 $1.131370830e+01, v16  }
0x9e: {  	v6 =	vadd.f32 v6, v13;
	v13 =	vld [tilespmem:s6+$0x2170]  }
0x9f: {  	v21 =	vld [tilespmem:s6+$0x2180];
	v8 =	vadd.f32 v8, v15;
	v15 =	vmul.f32 $1.131370830e+01, v18  }
0xa0: {  	v62 =	vld [tilespmem:s6+$0x2190];
	v17 =	vmul.f32 $1.131370830e+01, v17;
	[tilespmem:s6+$0x2100] =	vst v6  }
0xa1: {  	v63 =	vmul.f32 $1.131370830e+01, v19;
	[tilespmem:s6+$0x2110] =	vst v7;
	v6 =	vld [tilespmem:s6+$0x21A0];
	v10 =	vadd.f32 v10, v15  }
0xa2: {  	v9 =	vadd.f32 v9, v17;
	v7 =	vld [tilespmem:s6+$0x21B0];
	[tilespmem:s6+$0x2120] =	vst v8;
	v15 =	vmul.f32 $1.131370830e+01, v20  }
0xa3: {  	v11 =	vadd.f32 v11, v63;
	v8 =	vld [tilespmem:s6+$0x21C0];
	[tilespmem:s6+$0x2140] =	vst v10;
	v10 =	vmul.f32 $1.131370830e+01, v13  }
0xa4: {  	[tilespmem:s6+$0x2130] =	vst v9;
	v9 =	vld [tilespmem:s6+$0x21D0];
	v12 =	vadd.f32 v12, v15;
	v13 =	vmul.f32 $1.131370830e+01, v21  }
0xa5: {  	s23 =	simm.s32 $0x400;
	[tilespmem:s6+$0x2150] =	vst v11;
	v11 =	vmul.f32 $1.131370830e+01, v62;
	v14 =	vadd.f32 v14, v10;
	v10 =	vld [tilespmem:s6+$0x21E0]  }
.LBB2_4:
0xa6: {  	p0 =	sne.s32 s23, $0x7C00;
	[tilespmem:s6+$0x2160] =	vst v12;
	v5 =	vadd.f32 v5, v13;
	v6 =	vmul.f32 $1.131370830e+01, v6;
	v12 =	vld [tilespmem:s6+$0x21F0]  }
0xa7: {  	[tilespmem:s6+$0x2170] =	vst v14;
	v4 =	vadd.f32 v4, v11;
	v7 =	vmul.f32 $1.131370830e+01, v7;
	v11 =	vld [tilespmem:s6+$0x81E0]  }
0xa8: {  	s25 =	sshra.s32 s23, $0x2;
	[tilespmem:s6+$0x2180] =	vst v5;
	v3 =	vadd.f32 v3, v6;
	v5 =	vmul.f32 $1.131370830e+01, v8;
	v6 =	vld [tilespmem:s6+$0x81F0]  }
0xa9: {  	v8 =	vld [tilespmem:s25+$0x8100];
	[tilespmem:s6+$0x2190] =	vst v4;
	v2 =	vadd.f32 v2, v7;
	v4 =	vmul.f32 $1.131370830e+01, v9  }
0xaa: {  	v7 =	vld [tilespmem:s25+$0x8110];
	[tilespmem:s6+$0x21A0] =	vst v3;
	v1 =	vadd.f32 v1, v5;
	v3 =	vmul.f32 $1.131370830e+01, v10  }
0xab: {  	v9 =	vld [tilespmem:s25+$0x8120];
	[tilespmem:s6+$0x21B0] =	vst v2;
	v0 =	vadd.f32 v0, v4;
	v2 =	vmul.f32 $1.131370830e+01, v12  }
0xac: {  	v10 =	vld [tilespmem:s25+$0x8130];
	[tilespmem:s6+$0x21C0] =	vst v1;
	v1 =	vadd.f32 v11, v3  }
0xad: {  	v11 =	vld [tilespmem:s25+$0x8140];
	[tilespmem:s6+$0x21D0] =	vst v0;
	v0 =	vadd.f32 v6, v2  }
0xae: {  	v12 =	vld [tilespmem:s25+$0x8150];
	[tilespmem:s6+$0x21E0] =	vst v1  }
0xaf: {  	v13 =	vld [tilespmem:s25+$0x8160];
	[tilespmem:s6+$0x21F0] =	vst v0;
	s6 =	smov.u32 s25  }
0xb0: {  	v14 =	vld [tilespmem:s6+$0x8170]  }
0xb1: {  	v5 =	vld [tilespmem:s6+$0x8180]  }
0xb2: {  	v4 =	vld [tilespmem:s6+$0x8190]  }
0xb3: {  	v3 =	vld [tilespmem:s6+$0x81A0]  }
0xb4: {  	v2 =	vld [tilespmem:s6+$0x81B0]  }
0xb5: {  	v1 =	vld [tilespmem:s6+$0x81C0]  }
0xb6: {  	v0 =	vld [tilespmem:s6+$0x81D0]  }
0xb7: {  	v6 =	vld [tilespmem:s6+$0x2100]  }
0xb8: {  	v15 =	vld [tilespmem:s6+$0x2110]  }
0xb9: {  	v16 =	vld [tilespmem:s6+$0x2120]  }
0xba: {  	v17 =	vld [tilespmem:s6+$0x2130]  }
0xbb: {  	v18 =	vld [tilespmem:s6+$0x2140]  }
0xbc: {  	v6 =	vmul.f32 $1.131370830e+01, v6;
	v19 =	vld [tilespmem:s6+$0x2150]  }
0xbd: {  	v15 =	vmul.f32 $1.131370830e+01, v15;
	v20 =	vld [tilespmem:s6+$0x2160]  }
0xbe: {  	v6 =	vadd.f32 v8, v6;
	v8 =	vmul.f32 $1.131370830e+01, v16;
	v16 =	vld [tilespmem:s6+$0x2170]  }
0xbf: {  	v7 =	vadd.f32 v7, v15;
	v15 =	vmul.f32 $1.131370830e+01, v17;
	v17 =	vld [tilespmem:s6+$0x2180]  }
0xc0: {  	[tilespmem:s6+$0x2100] =	vst v6;
	v8 =	vadd.f32 v9, v8;
	v9 =	vmul.f32 $1.131370830e+01, v18;
	v18 =	vld [tilespmem:s6+$0x2190]  }
.Ltmp1:
0xc1: {  	[tilespmem:s6+$0x2110] =	vst v7;
	v10 =	vadd.f32 v10, v15;
	v15 =	vmul.f32 $1.131370830e+01, v19;
	v6 =	vld [tilespmem:s6+$0x21A0];
	(pc) =	sbr.rel @p0 .LBB2_4-.Ltmp1, $4  }
0xc2: {  	[tilespmem:s6+$0x2120] =	vst v8;
	v9 =	vadd.f32 v11, v9;
	v11 =	vmul.f32 $1.131370830e+01, v20;
	v7 =	vld [tilespmem:s6+$0x21B0]  }
0xc3: {  	[tilespmem:s6+$0x2130] =	vst v10;
	v10 =	vadd.f32 v12, v15;
	v15 =	vmul.f32 $1.131370830e+01, v16;
	v8 =	vld [tilespmem:s6+$0x21C0]  }
0xc4: {  	[tilespmem:s6+$0x2140] =	vst v9;
	v12 =	vadd.f32 v13, v11;
	v13 =	vmul.f32 $1.131370830e+01, v17;
	v9 =	vld [tilespmem:s6+$0x21D0]  }
0xc5: {  	s23 =	sadd.s32 $0x400, s23;
	[tilespmem:s6+$0x2150] =	vst v10;
	v14 =	vadd.f32 v14, v15;
	v11 =	vmul.f32 $1.131370830e+01, v18;
	v10 =	vld [tilespmem:s6+$0x21E0]  }
0xc6: {  	[tilespmem:s6+$0x2160] =	vst v12;
	v12 =	vld [tilespmem:s6+$0x21F0];
	v5 =	vadd.f32 v5, v13;
	v6 =	vmul.f32 $1.131370830e+01, v6  }
0xc7: {  	v13 =	vld [tilespmem:s6+$0x81E0];
	[tilespmem:s6+$0x2170] =	vst v14;
	v4 =	vadd.f32 v4, v11;
	v7 =	vmul.f32 $1.131370830e+01, v7  }
0xc8: {  	[tilespmem:s6+$0x2180] =	vst v5;
	v3 =	vadd.f32 v3, v6;
	v5 =	vmul.f32 $1.131370830e+01, v8;
	v6 =	vld [tilespmem:s6+$0x81F0]  }
0xc9: {  	[tilespmem:s6+$0x2190] =	vst v4;
	v2 =	vadd.f32 v2, v7;
	v4 =	vmul.f32 $1.131370830e+01, v9  }
0xca: {  	[tilespmem:s6+$0x21A0] =	vst v3;
	v1 =	vadd.f32 v1, v5;
	v3 =	vmul.f32 $1.131370830e+01, v10  }
0xcb: {  	[tilespmem:s6+$0x21B0] =	vst v2;
	v0 =	vadd.f32 v0, v4;
	v2 =	vmul.f32 $1.131370830e+01, v12  }
0xcc: {  	[tilespmem:s6+$0x21C0] =	vst v1;
	v1 =	vadd.f32 v13, v3  }
0xcd: {  	[tilespmem:s6+$0x21D0] =	vst v0;
	v0 =	vadd.f32 v6, v2  }
0xce: {  	[tilespmem:s6+$0x21E0] =	vst v1  }
0xcf: {  	s25 =	simm.s32 $0x0;
	s23 =	simm.s32 $0x2100;
	[tilespmem:s6+$0x21F0] =	vst v0  }
0xd0: {  	[hbm4b:s12+s25] =	stream.linear.scatter [tilespmem:s23], [sflag:$0xA], $0x2000, $0x38;
	[tilespmem:$0xE100] =	vst v63  }
0xd1: {  	_ =	swait.ge [sflag:s31], $0x2000  }
0xd2: {  	[sflag:s31] =	ssyncset.done $0x0  }
0xd3: {  	[sflag:s31] =	ssyncadd.s32 $0xFFFFE000  }
0xd4: {  	_ =	swait.ge [sflag:s26], $0x2000  }
0xd5: {  	[sflag:s26] =	ssyncset.done $0x0  }
0xd6: {  	s6 =	simm.s32 $0x0;
	[sflag:s26] =	ssyncadd.s32 $0xFFFFE000  }
0xd7: {  	v6 =	vld [tilespmem:s6+$0xA100]  }
0xd8: {  	v7 =	vld [tilespmem:s6+$0xA110]  }
0xd9: {  	v8 =	vld [tilespmem:s6+$0xA120]  }
0xda: {  	v9 =	vld [tilespmem:s6+$0xA130]  }
0xdb: {  	v10 =	vld [tilespmem:s6+$0xA140]  }
0xdc: {  	v11 =	vld [tilespmem:s6+$0xA150]  }
0xdd: {  	v12 =	vld [tilespmem:s6+$0xA160]  }
0xde: {  	v14 =	vld [tilespmem:s6+$0xA170]  }
0xdf: {  	v5 =	vld [tilespmem:s6+$0xA180]  }
0xe0: {  	v4 =	vld [tilespmem:s6+$0xA190]  }
0xe1: {  	v3 =	vld [tilespmem:s6+$0xA1A0]  }
0xe2: {  	v2 =	vld [tilespmem:s6+$0xA1B0]  }
0xe3: {  	v1 =	vld [tilespmem:s6+$0xA1C0]  }
0xe4: {  	v15 =	vld [tilespmem:s6+$0x4110]  }
0xe5: {  	v13 =	vld [tilespmem:s6+$0x4100]  }
0xe6: {  	v16 =	vld [tilespmem:s6+$0x4120]  }
0xe7: {  	v0 =	vld [tilespmem:s6+$0xA1D0]  }
0xe8: {  	v18 =	vld [tilespmem:s6+$0x4140]  }
0xe9: {  	v17 =	vld [tilespmem:s6+$0x4130];
	v15 =	vmul.f32 $1.131370830e+01, v15  }
0xea: {  	v19 =	vld [tilespmem:s6+$0x4150];
	v13 =	vmul.f32 $1.131370830e+01, v13  }
0xeb: {  	v20 =	vld [tilespmem:s6+$0x4160];
	v7 =	vadd.f32 v7, v15;
	v15 =	vmul.f32 $1.131370830e+01, v16  }
0xec: {  	v6 =	vadd.f32 v6, v13;
	v13 =	vld [tilespmem:s6+$0x4170]  }
0xed: {  	v21 =	vld [tilespmem:s6+$0x4180];
	v8 =	vadd.f32 v8, v15;
	v15 =	vmul.f32 $1.131370830e+01, v18  }
0xee: {  	v62 =	vld [tilespmem:s6+$0x4190];
	v17 =	vmul.f32 $1.131370830e+01, v17;
	[tilespmem:s6+$0x4100] =	vst v6  }
0xef: {  	v63 =	vmul.f32 $1.131370830e+01, v19;
	[tilespmem:s6+$0x4110] =	vst v7;
	v6 =	vld [tilespmem:s6+$0x41A0];
	v10 =	vadd.f32 v10, v15  }
0xf0: {  	v9 =	vadd.f32 v9, v17;
	v7 =	vld [tilespmem:s6+$0x41B0];
	[tilespmem:s6+$0x4120] =	vst v8;
	v15 =	vmul.f32 $1.131370830e+01, v20  }
0xf1: {  	v11 =	vadd.f32 v11, v63;
	v8 =	vld [tilespmem:s6+$0x41C0];
	[tilespmem:s6+$0x4140] =	vst v10;
	v10 =	vmul.f32 $1.131370830e+01, v13  }
0xf2: {  	[tilespmem:s6+$0x4130] =	vst v9;
	v9 =	vld [tilespmem:s6+$0x41D0];
	v12 =	vadd.f32 v12, v15;
	v13 =	vmul.f32 $1.131370830e+01, v21  }
0xf3: {  	s23 =	simm.s32 $0x400;
	[tilespmem:s6+$0x4150] =	vst v11;
	v11 =	vmul.f32 $1.131370830e+01, v62;
	v14 =	vadd.f32 v14, v10;
	v10 =	vld [tilespmem:s6+$0x41E0]  }
.LBB2_6:
0xf4: {  	p0 =	sne.s32 s23, $0x7C00;
	[tilespmem:s6+$0x4160] =	vst v12;
	v5 =	vadd.f32 v5, v13;
	v6 =	vmul.f32 $1.131370830e+01, v6;
	v12 =	vld [tilespmem:s6+$0x41F0]  }
0xf5: {  	[tilespmem:s6+$0x4170] =	vst v14;
	v4 =	vadd.f32 v4, v11;
	v7 =	vmul.f32 $1.131370830e+01, v7;
	v11 =	vld [tilespmem:s6+$0xA1E0]  }
0xf6: {  	s25 =	sshra.s32 s23, $0x2;
	[tilespmem:s6+$0x4180] =	vst v5;
	v3 =	vadd.f32 v3, v6;
	v5 =	vmul.f32 $1.131370830e+01, v8;
	v6 =	vld [tilespmem:s6+$0xA1F0]  }
0xf7: {  	v8 =	vld [tilespmem:s25+$0xA100];
	[tilespmem:s6+$0x4190] =	vst v4;
	v2 =	vadd.f32 v2, v7;
	v4 =	vmul.f32 $1.131370830e+01, v9  }
0xf8: {  	v7 =	vld [tilespmem:s25+$0xA110];
	[tilespmem:s6+$0x41A0] =	vst v3;
	v1 =	vadd.f32 v1, v5;
	v3 =	vmul.f32 $1.131370830e+01, v10  }
0xf9: {  	v9 =	vld [tilespmem:s25+$0xA120];
	[tilespmem:s6+$0x41B0] =	vst v2;
	v0 =	vadd.f32 v0, v4;
	v2 =	vmul.f32 $1.131370830e+01, v12  }
0xfa: {  	v10 =	vld [tilespmem:s25+$0xA130];
	[tilespmem:s6+$0x41C0] =	vst v1;
	v1 =	vadd.f32 v11, v3  }
0xfb: {  	v11 =	vld [tilespmem:s25+$0xA140];
	[tilespmem:s6+$0x41D0] =	vst v0;
	v0 =	vadd.f32 v6, v2  }
0xfc: {  	v12 =	vld [tilespmem:s25+$0xA150];
	[tilespmem:s6+$0x41E0] =	vst v1  }
0xfd: {  	v13 =	vld [tilespmem:s25+$0xA160];
	[tilespmem:s6+$0x41F0] =	vst v0;
	s6 =	smov.u32 s25  }
0xfe: {  	v14 =	vld [tilespmem:s6+$0xA170]  }
0xff: {  	v5 =	vld [tilespmem:s6+$0xA180]  }
0x100: {  	v4 =	vld [tilespmem:s6+$0xA190]  }
0x101: {  	v3 =	vld [tilespmem:s6+$0xA1A0]  }
0x102: {  	v2 =	vld [tilespmem:s6+$0xA1B0]  }
0x103: {  	v1 =	vld [tilespmem:s6+$0xA1C0]  }
0x104: {  	v0 =	vld [tilespmem:s6+$0xA1D0]  }
0x105: {  	v6 =	vld [tilespmem:s6+$0x4100]  }
0x106: {  	v15 =	vld [tilespmem:s6+$0x4110]  }
0x107: {  	v16 =	vld [tilespmem:s6+$0x4120]  }
0x108: {  	v17 =	vld [tilespmem:s6+$0x4130]  }
0x109: {  	v18 =	vld [tilespmem:s6+$0x4140]  }
0x10a: {  	v6 =	vmul.f32 $1.131370830e+01, v6;
	v19 =	vld [tilespmem:s6+$0x4150]  }
0x10b: {  	v15 =	vmul.f32 $1.131370830e+01, v15;
	v20 =	vld [tilespmem:s6+$0x4160]  }
0x10c: {  	v6 =	vadd.f32 v8, v6;
	v8 =	vmul.f32 $1.131370830e+01, v16;
	v16 =	vld [tilespmem:s6+$0x4170]  }
0x10d: {  	v7 =	vadd.f32 v7, v15;
	v15 =	vmul.f32 $1.131370830e+01, v17;
	v17 =	vld [tilespmem:s6+$0x4180]  }
0x10e: {  	[tilespmem:s6+$0x4100] =	vst v6;
	v8 =	vadd.f32 v9, v8;
	v9 =	vmul.f32 $1.131370830e+01, v18;
	v18 =	vld [tilespmem:s6+$0x4190]  }
.Ltmp2:
0x10f: {  	[tilespmem:s6+$0x4110] =	vst v7;
	v10 =	vadd.f32 v10, v15;
	v15 =	vmul.f32 $1.131370830e+01, v19;
	v6 =	vld [tilespmem:s6+$0x41A0];
	(pc) =	sbr.rel @p0 .LBB2_6-.Ltmp2, $4  }
0x110: {  	[tilespmem:s6+$0x4120] =	vst v8;
	v9 =	vadd.f32 v11, v9;
	v11 =	vmul.f32 $1.131370830e+01, v20;
	v7 =	vld [tilespmem:s6+$0x41B0]  }
0x111: {  	[tilespmem:s6+$0x4130] =	vst v10;
	v10 =	vadd.f32 v12, v15;
	v15 =	vmul.f32 $1.131370830e+01, v16;
	v8 =	vld [tilespmem:s6+$0x41C0]  }
0x112: {  	[tilespmem:s6+$0x4140] =	vst v9;
	v12 =	vadd.f32 v13, v11;
	v13 =	vmul.f32 $1.131370830e+01, v17;
	v9 =	vld [tilespmem:s6+$0x41D0]  }
0x113: {  	s23 =	sadd.s32 $0x400, s23;
	[tilespmem:s6+$0x4150] =	vst v10;
	v14 =	vadd.f32 v14, v15;
	v11 =	vmul.f32 $1.131370830e+01, v18;
	v10 =	vld [tilespmem:s6+$0x41E0]  }
0x114: {  	[tilespmem:s6+$0x4160] =	vst v12;
	v12 =	vld [tilespmem:s6+$0x41F0];
	v5 =	vadd.f32 v5, v13;
	v6 =	vmul.f32 $1.131370830e+01, v6  }
0x115: {  	v13 =	vld [tilespmem:s6+$0xA1E0];
	[tilespmem:s6+$0x4170] =	vst v14;
	v4 =	vadd.f32 v4, v11;
	v7 =	vmul.f32 $1.131370830e+01, v7  }
0x116: {  	[tilespmem:s6+$0x4180] =	vst v5;
	v3 =	vadd.f32 v3, v6;
	v5 =	vmul.f32 $1.131370830e+01, v8;
	v6 =	vld [tilespmem:s6+$0xA1F0]  }
0x117: {  	[tilespmem:s6+$0x4190] =	vst v4;
	v2 =	vadd.f32 v2, v7;
	v4 =	vmul.f32 $1.131370830e+01, v9  }
0x118: {  	[tilespmem:s6+$0x41A0] =	vst v3;
	v1 =	vadd.f32 v1, v5;
	v3 =	vmul.f32 $1.131370830e+01, v10  }
0x119: {  	[tilespmem:s6+$0x41B0] =	vst v2;
	v0 =	vadd.f32 v0, v4;
	v2 =	vmul.f32 $1.131370830e+01, v12  }
0x11a: {  	[tilespmem:s6+$0x41C0] =	vst v1;
	v1 =	vadd.f32 v13, v3  }
0x11b: {  	[tilespmem:s6+$0x41D0] =	vst v0;
	v0 =	vadd.f32 v6, v2  }
0x11c: {  	[tilespmem:s6+$0x41E0] =	vst v1  }
0x11d: {  	s25 =	simm.s32 $0x0;
	[tilespmem:s6+$0x41F0] =	vst v0  }
0x11e: {  	[hbm4b:s13+s25] =	stream.linear.scatter [tilespmem:s30], [sflag:$0xB], $0x2000, $0x38;
	[tilespmem:$0xE100] =	vst v63  }
0x11f: {  	_ =	swait.ge [sflag:s28], $0x2000  }
0x120: {  	[sflag:s28] =	ssyncset.done $0x0  }
0x121: {  	[sflag:s28] =	ssyncadd.s32 $0xFFFFE000  }
0x122: {  	_ =	swait.ge [sflag:s29], $0x2000  }
0x123: {  	[sflag:s29] =	ssyncset.done $0x0  }
0x124: {  	s6 =	simm.s32 $0x0;
	[sflag:s29] =	ssyncadd.s32 $0xFFFFE000  }
0x125: {  	v6 =	vld [tilespmem:s6+$0x6100]  }
0x126: {  	v7 =	vld [tilespmem:s6+$0x6110]  }
0x127: {  	v8 =	vld [tilespmem:s6+$0x6120]  }
0x128: {  	v9 =	vld [tilespmem:s6+$0x6130]  }
0x129: {  	v10 =	vld [tilespmem:s6+$0x6140]  }
0x12a: {  	v11 =	vld [tilespmem:s6+$0x6150]  }
0x12b: {  	v12 =	vld [tilespmem:s6+$0x6160]  }
0x12c: {  	v14 =	vld [tilespmem:s6+$0x6170]  }
0x12d: {  	v5 =	vld [tilespmem:s6+$0x6180]  }
0x12e: {  	v4 =	vld [tilespmem:s6+$0x6190]  }
0x12f: {  	v3 =	vld [tilespmem:s6+$0x61A0]  }
0x130: {  	v2 =	vld [tilespmem:s6+$0x61B0]  }
0x131: {  	v1 =	vld [tilespmem:s6+$0x61C0]  }
0x132: {  	v15 =	vld [tilespmem:s6+$0x110]  }
0x133: {  	v13 =	vld [tilespmem:s6+$0x100]  }
0x134: {  	v16 =	vld [tilespmem:s6+$0x120]  }
0x135: {  	v0 =	vld [tilespmem:s6+$0x61D0]  }
0x136: {  	v18 =	vld [tilespmem:s6+$0x140]  }
0x137: {  	v17 =	vld [tilespmem:s6+$0x130];
	v15 =	vmul.f32 $1.131370830e+01, v15  }
0x138: {  	v19 =	vld [tilespmem:s6+$0x150];
	v13 =	vmul.f32 $1.131370830e+01, v13  }
0x139: {  	v20 =	vld [tilespmem:s6+$0x160];
	v7 =	vadd.f32 v7, v15;
	v15 =	vmul.f32 $1.131370830e+01, v16  }
0x13a: {  	v6 =	vadd.f32 v6, v13;
	v13 =	vld [tilespmem:s6+$0x170]  }
0x13b: {  	v21 =	vld [tilespmem:s6+$0x180];
	v8 =	vadd.f32 v8, v15;
	v15 =	vmul.f32 $1.131370830e+01, v18  }
0x13c: {  	v62 =	vld [tilespmem:s6+$0x190];
	v17 =	vmul.f32 $1.131370830e+01, v17;
	[tilespmem:s6+$0x100] =	vst v6  }
0x13d: {  	v63 =	vmul.f32 $1.131370830e+01, v19;
	[tilespmem:s6+$0x110] =	vst v7;
	v6 =	vld [tilespmem:s6+$0x1A0];
	v10 =	vadd.f32 v10, v15  }
0x13e: {  	v9 =	vadd.f32 v9, v17;
	v7 =	vld [tilespmem:s6+$0x1B0];
	[tilespmem:s6+$0x120] =	vst v8;
	v15 =	vmul.f32 $1.131370830e+01, v20  }
0x13f: {  	v11 =	vadd.f32 v11, v63;
	v8 =	vld [tilespmem:s6+$0x1C0];
	[tilespmem:s6+$0x140] =	vst v10;
	v10 =	vmul.f32 $1.131370830e+01, v13  }
0x140: {  	[tilespmem:s6+$0x130] =	vst v9;
	v9 =	vld [tilespmem:s6+$0x1D0];
	v12 =	vadd.f32 v12, v15;
	v13 =	vmul.f32 $1.131370830e+01, v21  }
0x141: {  	s23 =	simm.s32 $0x400;
	[tilespmem:s6+$0x150] =	vst v11;
	v11 =	vmul.f32 $1.131370830e+01, v62;
	v14 =	vadd.f32 v14, v10;
	v10 =	vld [tilespmem:s6+$0x1E0]  }
.LBB2_8:
0x142: {  	p0 =	sne.s32 s23, $0x3C00;
	[tilespmem:s6+$0x160] =	vst v12;
	v5 =	vadd.f32 v5, v13;
	v6 =	vmul.f32 $1.131370830e+01, v6;
	v12 =	vld [tilespmem:s6+$0x1F0]  }
0x143: {  	[tilespmem:s6+$0x170] =	vst v14;
	v4 =	vadd.f32 v4, v11;
	v7 =	vmul.f32 $1.131370830e+01, v7;
	v11 =	vld [tilespmem:s6+$0x61E0]  }
0x144: {  	s25 =	sshra.s32 s23, $0x2;
	[tilespmem:s6+$0x180] =	vst v5;
	v3 =	vadd.f32 v3, v6;
	v5 =	vmul.f32 $1.131370830e+01, v8;
	v6 =	vld [tilespmem:s6+$0x61F0]  }
0x145: {  	v8 =	vld [tilespmem:s25+$0x6100];
	[tilespmem:s6+$0x190] =	vst v4;
	v2 =	vadd.f32 v2, v7;
	v4 =	vmul.f32 $1.131370830e+01, v9  }
0x146: {  	v7 =	vld [tilespmem:s25+$0x6110];
	[tilespmem:s6+$0x1A0] =	vst v3;
	v1 =	vadd.f32 v1, v5;
	v3 =	vmul.f32 $1.131370830e+01, v10  }
0x147: {  	v9 =	vld [tilespmem:s25+$0x6120];
	[tilespmem:s6+$0x1B0] =	vst v2;
	v0 =	vadd.f32 v0, v4;
	v2 =	vmul.f32 $1.131370830e+01, v12  }
0x148: {  	v10 =	vld [tilespmem:s25+$0x6130];
	[tilespmem:s6+$0x1C0] =	vst v1;
	v1 =	vadd.f32 v11, v3  }
0x149: {  	v11 =	vld [tilespmem:s25+$0x6140];
	[tilespmem:s6+$0x1D0] =	vst v0;
	v0 =	vadd.f32 v6, v2  }
0x14a: {  	v12 =	vld [tilespmem:s25+$0x6150];
	[tilespmem:s6+$0x1E0] =	vst v1  }
0x14b: {  	v13 =	vld [tilespmem:s25+$0x6160];
	[tilespmem:s6+$0x1F0] =	vst v0;
	s6 =	smov.u32 s25  }
0x14c: {  	v14 =	vld [tilespmem:s6+$0x6170]  }
0x14d: {  	v5 =	vld [tilespmem:s6+$0x6180]  }
0x14e: {  	v4 =	vld [tilespmem:s6+$0x6190]  }
0x14f: {  	v3 =	vld [tilespmem:s6+$0x61A0]  }
0x150: {  	v2 =	vld [tilespmem:s6+$0x61B0]  }
0x151: {  	v1 =	vld [tilespmem:s6+$0x61C0]  }
0x152: {  	v0 =	vld [tilespmem:s6+$0x61D0]  }
0x153: {  	v6 =	vld [tilespmem:s6+$0x100]  }
0x154: {  	v15 =	vld [tilespmem:s6+$0x110]  }
0x155: {  	v16 =	vld [tilespmem:s6+$0x120]  }
0x156: {  	v17 =	vld [tilespmem:s6+$0x130]  }
0x157: {  	v18 =	vld [tilespmem:s6+$0x140]  }
0x158: {  	v6 =	vmul.f32 $1.131370830e+01, v6;
	v19 =	vld [tilespmem:s6+$0x150]  }
0x159: {  	v15 =	vmul.f32 $1.131370830e+01, v15;
	v20 =	vld [tilespmem:s6+$0x160]  }
0x15a: {  	v6 =	vadd.f32 v8, v6;
	v8 =	vmul.f32 $1.131370830e+01, v16;
	v16 =	vld [tilespmem:s6+$0x170]  }
0x15b: {  	v7 =	vadd.f32 v7, v15;
	v15 =	vmul.f32 $1.131370830e+01, v17;
	v17 =	vld [tilespmem:s6+$0x180]  }
0x15c: {  	[tilespmem:s6+$0x100] =	vst v6;
	v8 =	vadd.f32 v9, v8;
	v9 =	vmul.f32 $1.131370830e+01, v18;
	v18 =	vld [tilespmem:s6+$0x190]  }
.Ltmp3:
0x15d: {  	[tilespmem:s6+$0x110] =	vst v7;
	v10 =	vadd.f32 v10, v15;
	v15 =	vmul.f32 $1.131370830e+01, v19;
	v6 =	vld [tilespmem:s6+$0x1A0];
	(pc) =	sbr.rel @p0 .LBB2_8-.Ltmp3, $4  }
0x15e: {  	[tilespmem:s6+$0x120] =	vst v8;
	v9 =	vadd.f32 v11, v9;
	v11 =	vmul.f32 $1.131370830e+01, v20;
	v7 =	vld [tilespmem:s6+$0x1B0]  }
0x15f: {  	[tilespmem:s6+$0x130] =	vst v10;
	v10 =	vadd.f32 v12, v15;
	v15 =	vmul.f32 $1.131370830e+01, v16;
	v8 =	vld [tilespmem:s6+$0x1C0]  }
0x160: {  	[tilespmem:s6+$0x140] =	vst v9;
	v12 =	vadd.f32 v13, v11;
	v13 =	vmul.f32 $1.131370830e+01, v17;
	v9 =	vld [tilespmem:s6+$0x1D0]  }
0x161: {  	s23 =	sadd.s32 $0x400, s23;
	[tilespmem:s6+$0x150] =	vst v10;
	v14 =	vadd.f32 v14, v15;
	v11 =	vmul.f32 $1.131370830e+01, v18;
	v10 =	vld [tilespmem:s6+$0x1E0]  }
0x162: {  	[tilespmem:s6+$0x160] =	vst v12;
	v12 =	vld [tilespmem:s6+$0x1F0];
	v5 =	vadd.f32 v5, v13;
	v6 =	vmul.f32 $1.131370830e+01, v6  }
0x163: {  	v13 =	vld [tilespmem:s6+$0x61E0];
	[tilespmem:s6+$0x170] =	vst v14;
	v4 =	vadd.f32 v4, v11;
	v7 =	vmul.f32 $1.131370830e+01, v7  }
0x164: {  	[tilespmem:s6+$0x180] =	vst v5;
	v3 =	vadd.f32 v3, v6;
	v5 =	vmul.f32 $1.131370830e+01, v8;
	v6 =	vld [tilespmem:s6+$0x61F0]  }
0x165: {  	[tilespmem:s6+$0x190] =	vst v4;
	v2 =	vadd.f32 v2, v7;
	v4 =	vmul.f32 $1.131370830e+01, v9  }
0x166: {  	[tilespmem:s6+$0x1A0] =	vst v3;
	v1 =	vadd.f32 v1, v5;
	v3 =	vmul.f32 $1.131370830e+01, v10  }
0x167: {  	[tilespmem:s6+$0x1B0] =	vst v2;
	v0 =	vadd.f32 v0, v4;
	v2 =	vmul.f32 $1.131370830e+01, v12  }
0x168: {  	[tilespmem:s6+$0x1C0] =	vst v1;
	v1 =	vadd.f32 v13, v3  }
0x169: {  	[tilespmem:s6+$0x1D0] =	vst v0;
	v0 =	vadd.f32 v6, v2  }
0x16a: {  	[tilespmem:s6+$0x1E0] =	vst v1  }
0x16b: {  	s25 =	simm.s32 $0x0;
	[tilespmem:s6+$0x1F0] =	vst v0;
	s6 =	simm.s32 $0x0  }
0x16c: {  	[hbm4b:s14+s25] =	stream.linear.scatter [tilespmem:s22], [sflag:$0x9], $0x1000, $0x38;
	[tilespmem:$0xE100] =	vst v63  }
0x16d: {  	v6 =	vld [tilespmem:s6+$0x7100]  }
0x16e: {  	v7 =	vld [tilespmem:s6+$0x7110]  }
0x16f: {  	v8 =	vld [tilespmem:s6+$0x7120]  }
0x170: {  	v9 =	vld [tilespmem:s6+$0x7130]  }
0x171: {  	v10 =	vld [tilespmem:s6+$0x7140]  }
0x172: {  	v11 =	vld [tilespmem:s6+$0x7150]  }
0x173: {  	v12 =	vld [tilespmem:s6+$0x7160]  }
0x174: {  	v14 =	vld [tilespmem:s6+$0x7170]  }
0x175: {  	v5 =	vld [tilespmem:s6+$0x7180]  }
0x176: {  	v4 =	vld [tilespmem:s6+$0x7190]  }
0x177: {  	v3 =	vld [tilespmem:s6+$0x71A0]  }
0x178: {  	v2 =	vld [tilespmem:s6+$0x71B0]  }
0x179: {  	v1 =	vld [tilespmem:s6+$0x71C0]  }
0x17a: {  	v15 =	vld [tilespmem:s6+$0x1110]  }
0x17b: {  	v13 =	vld [tilespmem:s6+$0x1100]  }
0x17c: {  	v16 =	vld [tilespmem:s6+$0x1120]  }
0x17d: {  	v0 =	vld [tilespmem:s6+$0x71D0]  }
0x17e: {  	v18 =	vld [tilespmem:s6+$0x1140]  }
0x17f: {  	v17 =	vld [tilespmem:s6+$0x1130];
	v15 =	vmul.f32 $1.131370830e+01, v15  }
0x180: {  	v19 =	vld [tilespmem:s6+$0x1150];
	v13 =	vmul.f32 $1.131370830e+01, v13  }
0x181: {  	v20 =	vld [tilespmem:s6+$0x1160];
	v7 =	vadd.f32 v7, v15;
	v15 =	vmul.f32 $1.131370830e+01, v16  }
0x182: {  	v6 =	vadd.f32 v6, v13;
	v13 =	vld [tilespmem:s6+$0x1170]  }
0x183: {  	v21 =	vld [tilespmem:s6+$0x1180];
	v8 =	vadd.f32 v8, v15;
	v15 =	vmul.f32 $1.131370830e+01, v18  }
0x184: {  	v62 =	vld [tilespmem:s6+$0x1190];
	v17 =	vmul.f32 $1.131370830e+01, v17;
	[tilespmem:s6+$0x1100] =	vst v6  }
0x185: {  	v63 =	vmul.f32 $1.131370830e+01, v19;
	[tilespmem:s6+$0x1110] =	vst v7;
	v6 =	vld [tilespmem:s6+$0x11A0];
	v10 =	vadd.f32 v10, v15  }
0x186: {  	v9 =	vadd.f32 v9, v17;
	v7 =	vld [tilespmem:s6+$0x11B0];
	[tilespmem:s6+$0x1120] =	vst v8;
	v15 =	vmul.f32 $1.131370830e+01, v20  }
0x187: {  	v11 =	vadd.f32 v11, v63;
	v8 =	vld [tilespmem:s6+$0x11C0];
	[tilespmem:s6+$0x1140] =	vst v10;
	v10 =	vmul.f32 $1.131370830e+01, v13  }
0x188: {  	[tilespmem:s6+$0x1130] =	vst v9;
	v9 =	vld [tilespmem:s6+$0x11D0];
	v12 =	vadd.f32 v12, v15;
	v13 =	vmul.f32 $1.131370830e+01, v21  }
0x189: {  	s23 =	simm.s32 $0x400;
	[tilespmem:s6+$0x1150] =	vst v11;
	v11 =	vmul.f32 $1.131370830e+01, v62;
	v14 =	vadd.f32 v14, v10;
	v10 =	vld [tilespmem:s6+$0x11E0]  }
.LBB2_10:
0x18a: {  	p0 =	sne.s32 s23, $0x3C00;
	[tilespmem:s6+$0x1160] =	vst v12;
	v5 =	vadd.f32 v5, v13;
	v6 =	vmul.f32 $1.131370830e+01, v6;
	v12 =	vld [tilespmem:s6+$0x11F0]  }
0x18b: {  	[tilespmem:s6+$0x1170] =	vst v14;
	v4 =	vadd.f32 v4, v11;
	v7 =	vmul.f32 $1.131370830e+01, v7;
	v11 =	vld [tilespmem:s6+$0x71E0]  }
0x18c: {  	s25 =	sshra.s32 s23, $0x2;
	[tilespmem:s6+$0x1180] =	vst v5;
	v3 =	vadd.f32 v3, v6;
	v5 =	vmul.f32 $1.131370830e+01, v8;
	v6 =	vld [tilespmem:s6+$0x71F0]  }
0x18d: {  	v8 =	vld [tilespmem:s25+$0x7100];
	[tilespmem:s6+$0x1190] =	vst v4;
	v2 =	vadd.f32 v2, v7;
	v4 =	vmul.f32 $1.131370830e+01, v9  }
0x18e: {  	v7 =	vld [tilespmem:s25+$0x7110];
	[tilespmem:s6+$0x11A0] =	vst v3;
	v1 =	vadd.f32 v1, v5;
	v3 =	vmul.f32 $1.131370830e+01, v10  }
0x18f: {  	v9 =	vld [tilespmem:s25+$0x7120];
	[tilespmem:s6+$0x11B0] =	vst v2;
	v0 =	vadd.f32 v0, v4;
	v2 =	vmul.f32 $1.131370830e+01, v12  }
0x190: {  	v10 =	vld [tilespmem:s25+$0x7130];
	[tilespmem:s6+$0x11C0] =	vst v1;
	v1 =	vadd.f32 v11, v3  }
0x191: {  	v11 =	vld [tilespmem:s25+$0x7140];
	[tilespmem:s6+$0x11D0] =	vst v0;
	v0 =	vadd.f32 v6, v2  }
0x192: {  	v12 =	vld [tilespmem:s25+$0x7150];
	[tilespmem:s6+$0x11E0] =	vst v1  }
0x193: {  	v13 =	vld [tilespmem:s25+$0x7160];
	[tilespmem:s6+$0x11F0] =	vst v0;
	s6 =	smov.u32 s25  }
0x194: {  	v14 =	vld [tilespmem:s6+$0x7170]  }
0x195: {  	v5 =	vld [tilespmem:s6+$0x7180]  }
0x196: {  	v4 =	vld [tilespmem:s6+$0x7190]  }
0x197: {  	v3 =	vld [tilespmem:s6+$0x71A0]  }
0x198: {  	v2 =	vld [tilespmem:s6+$0x71B0]  }
0x199: {  	v1 =	vld [tilespmem:s6+$0x71C0]  }
0x19a: {  	v0 =	vld [tilespmem:s6+$0x71D0]  }
0x19b: {  	v6 =	vld [tilespmem:s6+$0x1100]  }
0x19c: {  	v15 =	vld [tilespmem:s6+$0x1110]  }
0x19d: {  	v16 =	vld [tilespmem:s6+$0x1120]  }
0x19e: {  	v17 =	vld [tilespmem:s6+$0x1130]  }
0x19f: {  	v18 =	vld [tilespmem:s6+$0x1140]  }
0x1a0: {  	v6 =	vmul.f32 $1.131370830e+01, v6;
	v19 =	vld [tilespmem:s6+$0x1150]  }
0x1a1: {  	v15 =	vmul.f32 $1.131370830e+01, v15;
	v20 =	vld [tilespmem:s6+$0x1160]  }
0x1a2: {  	v6 =	vadd.f32 v8, v6;
	v8 =	vmul.f32 $1.131370830e+01, v16;
	v16 =	vld [tilespmem:s6+$0x1170]  }
0x1a3: {  	v7 =	vadd.f32 v7, v15;
	v15 =	vmul.f32 $1.131370830e+01, v17;
	v17 =	vld [tilespmem:s6+$0x1180]  }
0x1a4: {  	[tilespmem:s6+$0x1100] =	vst v6;
	v8 =	vadd.f32 v9, v8;
	v9 =	vmul.f32 $1.131370830e+01, v18;
	v18 =	vld [tilespmem:s6+$0x1190]  }
.Ltmp4:
0x1a5: {  	[tilespmem:s6+$0x1110] =	vst v7;
	v10 =	vadd.f32 v10, v15;
	v15 =	vmul.f32 $1.131370830e+01, v19;
	v6 =	vld [tilespmem:s6+$0x11A0];
	(pc) =	sbr.rel @p0 .LBB2_10-.Ltmp4, $4  }
0x1a6: {  	[tilespmem:s6+$0x1120] =	vst v8;
	v9 =	vadd.f32 v11, v9;
	v11 =	vmul.f32 $1.131370830e+01, v20;
	v7 =	vld [tilespmem:s6+$0x11B0]  }
0x1a7: {  	[tilespmem:s6+$0x1130] =	vst v10;
	v10 =	vadd.f32 v12, v15;
	v15 =	vmul.f32 $1.131370830e+01, v16;
	v8 =	vld [tilespmem:s6+$0x11C0]  }
0x1a8: {  	[tilespmem:s6+$0x1140] =	vst v9;
	v12 =	vadd.f32 v13, v11;
	v13 =	vmul.f32 $1.131370830e+01, v17;
	v9 =	vld [tilespmem:s6+$0x11D0]  }
0x1a9: {  	s23 =	sadd.s32 $0x400, s23;
	[tilespmem:s6+$0x1150] =	vst v10;
	v14 =	vadd.f32 v14, v15;
	v11 =	vmul.f32 $1.131370830e+01, v18;
	v10 =	vld [tilespmem:s6+$0x11E0]  }
0x1aa: {  	[tilespmem:s6+$0x1160] =	vst v12;
	v55 =	vld [tilespmem:s6+$0x11F0];
	v5 =	vadd.f32 v5, v13;
	v6 =	vmul.f32 $1.131370830e+01, v6  }
0x1ab: {  	v56 =	vld [tilespmem:s6+$0x71E0];
	[tilespmem:s6+$0x1170] =	vst v14;
	v4 =	vadd.f32 v4, v11;
	v7 =	vmul.f32 $1.131370830e+01, v7  }
0x1ac: {  	v58 =	vld [tilespmem:s6+$0x71F0];
	[tilespmem:s6+$0x1180] =	vst v5;
	v3 =	vadd.f32 v3, v6;
	v57 =	vmul.f32 $1.131370830e+01, v8  }
0x1ad: {  	[tilespmem:s6+$0x1190] =	vst v4;
	v2 =	vadd.f32 v2, v7;
	v59 =	vmul.f32 $1.131370830e+01, v9  }
0x1ae: {  	[tilespmem:s6+$0x11A0] =	vst v3;
	v1 =	vadd.f32 v1, v57;
	v60 =	vmul.f32 $1.131370830e+01, v10  }
0x1af: {  	[tilespmem:s6+$0x11B0] =	vst v2;
	v0 =	vadd.f32 v0, v59;
	v61 =	vmul.f32 $1.131370830e+01, v55  }
0x1b0: {  	[tilespmem:s6+$0x11C0] =	vst v1;
	v62 =	vadd.f32 v56, v60  }
0x1b1: {  	[tilespmem:s6+$0x11D0] =	vst v0;
	v63 =	vadd.f32 v58, v61  }
0x1b2: {  	[tilespmem:s6+$0x11E0] =	vst v62  }
0x1b3: {  	s25 =	simm.s32 $0x1100;
	[tilespmem:s6+$0x11F0] =	vst v63  }
0x1b4: {  	[hbm4b:s15+s3] =	stream.linear.scatter [tilespmem:s25], [sflag:$0x1], $0x1000, $0x38;
	[tilespmem:$0xE100] =	vst v63  }
0x1b5: {  	_ =	swait.ge [sflag:s4], $0x2000  }
0x1b6: {  	[sflag:s4] =	ssyncset.done $0x0  }
0x1b7: {  	[sflag:s4] =	ssyncadd.s32 $0xFFFFE000  }
0x1b8: {  	_ =	swait.ge [sflag:s17], $0x2000  }
0x1b9: {  	[sflag:s17] =	ssyncset.done $0x0  }
0x1ba: {  	s5 =	sadd.s32 $0x1, s5;
	[sflag:s17] =	ssyncadd.s32 $0xFFFFE000  }
0x1bb: {  	p0 =	sne.s32 s5, s16;
	_ =	swait.ge [sflag:s18], $0x1000  }
.Ltmp5:
0x1bc: {  	[sflag:s18] =	ssyncset.done $0x0;
	(pc) =	sbr.rel @p0 .LBB2_1-.Ltmp5, $4  }
0x1bd: {  	[sflag:s18] =	ssyncadd.s32 $0xFFFFF000  }
0x1be: {  	_ =	swait.ge [sflag:s20], $0x1000  }
0x1bf: {  	[sflag:s20] =	ssyncset.done $0x0  }
0x1c0: {  	[sflag:s20] =	ssyncadd.s32 $0xFFFFF000  }
0x1c1: {  	_ =	sfence.sel $0x180000  }
0x1c2: {  	[bflag:$0x0] =	sbarrier.arrive $0xFFFF  }
0x1c3: {  	_ =	strace $0x90000047  }
0x1c4: {  	s0 =	stileid.u32;
	[bflag:$0x2] =	sbarrier.arrive $0xFFFF  }
0x1c5: {  	p0 =	sne.s32 s0, $0x0;
	s0 =	rddreg [dreg:$0x5]  }
0x1c6: {  	s0 =	sadd.s32 @!p0 $0x100000, s0  }
0x1c7: {  	[sflag:s0] =	ssyncadd.tile.s32 @!p0 $0x1;
	_ =	shalt  }
.Lfunc_end2:
_tile_overlayer_lowered:
.L_overlay_start_2:
0x1c8: {  	(tag) =	ssettag $0x2  }
0x1c9: {  	s0 =	rddreg [dreg:$0x0];
	s2 =	stileid.u32  }
0x1ca: {  	s1 =	rddreg [dreg:$0x1];
	p0 =	sne.s32 s2, $0x0  }
0x1cb: {  	s3 =	rddreg [dreg:$0x2];
	[bflag:$0x3] =	sbarrier.arrive $0xFFFF;
	s2 =	simm.s32 @!p0 $0x1C0C  }
0x1cc: {  	[timem:s3], [sflag:s2] =	dma.local @!p0 [hbm:s0], s1  }
0x1cd: {  	s0 =	simm.s32 @!p0 $0xC  }
0x1ce: {  	_ =	swait.ge @!p0 [sflag:s0], s1  }
0x1cf: {  	s1 =	ssub.s32 @!p0 $0x0, s1;
	[sflag:s0] =	ssyncset.done @!p0 $0x0  }
0x1d0: {  	[sflag:s0] =	ssyncadd.s32 @!p0 s1  }
0x1d1: {  	[bflag:$0x3] =	sbarrier.arrive $0xFFFF  }
0x1d2: {  	_ =	shalt  }

</sc_bundles>
